<compile_context>
chip_gen: v7x
topology: tpu7x:2x2x1
jax: 0.10.2.dev20260603
libtpu: 0.0.44.dev20260713+nightly
codegen_flags: <defaults>
</compile_context>

<pallas_src>
import jax
import jax.numpy as jnp
from jax import lax
from jax.experimental import pallas as pl
from jax.experimental.pallas import tpu as pltpu
from jax.experimental.pallas import tpu_sc as plsc

N = 10000
D = 128
H = 8
C = 16
NC = 2
NS = 16
NW = NC * NS
BA = 112
B = 112

NPAD = 10240
RPW = NPAD // NW
RPS = NPAD // NS


def _bcast_lane(row16, lane):
    idx = jnp.full((16, 1), lane, jnp.int32)
    dnums = lax.GatherDimensionNumbers(
        offset_dims=(), collapsed_slice_dims=(0,), start_index_map=(0,))
    return lax.gather(row16, idx, dnums, (1,),
                      mode=lax.GatherScatterMode.PROMISE_IN_BOUNDS)


def _tc_proj_body(x_ref, wt_ref, ss_ref, sd_ref,
                  h_ref, as_ref, ad_ref, mxs_ref, mxd_ref):
    i = pl.program_id(0)
    h = jnp.dot(x_ref[...], wt_ref[...], preferred_element_type=jnp.float32)
    h_ref[...] = h
    a_s = jnp.dot(h, ss_ref[...], preferred_element_type=jnp.float32)
    a_d = jnp.dot(h, sd_ref[...], preferred_element_type=jnp.float32)
    as_ref[...] = a_s
    ad_ref[...] = a_d
    ms = jnp.broadcast_to(jnp.max(a_s, axis=0, keepdims=True), (8, 2 * H))
    md = jnp.broadcast_to(jnp.max(a_d, axis=0, keepdims=True), (8, 2 * H))

    @pl.when(i == 0)
    def _():
        mxs_ref[...] = ms
        mxd_ref[...] = md

    @pl.when(i > 0)
    def _():
        mxs_ref[...] = jnp.maximum(mxs_ref[...], ms)
        mxd_ref[...] = jnp.maximum(mxd_ref[...], md)


def _tc_proj(xp, wt, s_src, s_dst):
    rb = 256
    assert NPAD % rb == 0
    grid = (NPAD // rb,)
    return pl.pallas_call(
        _tc_proj_body,
        grid=grid,
        in_specs=[
            pl.BlockSpec((rb, D), lambda i: (i, 0)),
            pl.BlockSpec((D, D), lambda i: (0, 0)),
            pl.BlockSpec((D, 2 * H), lambda i: (0, 0)),
            pl.BlockSpec((D, 2 * H), lambda i: (0, 0)),
        ],
        out_specs=[
            pl.BlockSpec((rb, D), lambda i: (i, 0)),
            pl.BlockSpec((rb, 2 * H), lambda i: (i, 0)),
            pl.BlockSpec((rb, 2 * H), lambda i: (i, 0)),
            pl.BlockSpec((8, 2 * H), lambda i: (0, 0)),
            pl.BlockSpec((8, 2 * H), lambda i: (0, 0)),
        ],
        out_shape=[
            jax.ShapeDtypeStruct((NPAD, D), jnp.float32),
            jax.ShapeDtypeStruct((NPAD, 2 * H), jnp.float32),
            jax.ShapeDtypeStruct((NPAD, 2 * H), jnp.float32),
            jax.ShapeDtypeStruct((8, 2 * H), jnp.float32),
            jax.ShapeDtypeStruct((8, 2 * H), jnp.float32),
        ],
    )(xp, wt, s_src, s_dst)


def _edge_accum(src, dst, atab_s, atab_d, htab, g16, z128, z16, epad):
    epw = epad // NW
    nblk = epw // BA
    assert nblk % 2 == 0
    mesh = plsc.VectorSubcoreMesh(core_axis_name="c", subcore_axis_name="s",
                                  num_cores=NC, num_subcores=NS)

    def body(src_h, dst_h, as_h, ad_h, h_h, g_h, z128_h, z16_h,
             exp_h, macc_h, sacc_h,
             msg_s, sum_s,
             srcn0, srcn1, dstn0, dstn1,
             asv1, adv1, hv0, hv1, ev1, ep1, gv,
             semA1, semD1, semH0, semH1, semE):
        srcn = (srcn0, srcn1)
        dstn = (dstn0, dstn1)
        asv = (asv1, asv1)
        adv = (adv1, adv1)
        hv = (hv0, hv1)
        ev = (ev1, ev1)
        ep = (ep1, ep1)
        semA = (semA1, semA1)
        semD = (semD1, semD1)
        semH = (semH0, semH1)

        cid = lax.axis_index("c")
        sid = lax.axis_index("s")
        wid = cid * NS + sid
        rows0 = sid * RPS
        pltpu.sync_copy(z128_h.at[pl.ds(rows0, RPS)], msg_s.at[pl.ds(rows0, RPS)])
        pltpu.sync_copy(z16_h.at[pl.ds(rows0, RPS)], sum_s.at[pl.ds(rows0, RPS)])
        pltpu.sync_copy(g_h, gv)
        plsc.subcore_barrier()
        g = gv[...]
        mask8 = lax.iota(jnp.int32, 16) < 8

        def compute(p, b, cp_a, cp_d, cp_h, prefetch):
            base = wid * epw + b * BA
            if cp_a is None:
                pltpu.make_async_copy(as_h.at[srcn[p]], asv[p], semA[p]).wait()
                pltpu.make_async_copy(ad_h.at[dstn[p]], adv[p], semD[p]).wait()
            else:
                cp_a.wait()
                cp_d.wait()

            @plsc.parallel_loop(0, BA, unroll=4)
            def exp_i(j):
                t = asv[p][j, :] + adv[p][j, :]
                t = jnp.maximum(t, t * jnp.float32(0.2))
                ev[p][j, :] = jnp.exp(t - g)

            @plsc.parallel_loop(0, BA // 2, unroll=4)
            def pack_i(j):
                e0 = ev[p][2 * j, :]
                e1 = ev[p][2 * j + 1, :]
                ep[p][j, :] = jnp.where(mask8, e0, e1)
            if cp_h is None:
                pltpu.make_async_copy(h_h.at[srcn[p]], hv[p], semH[p]).wait()
            else:
                cp_h.wait()

            cps = prefetch()

            @plsc.parallel_loop(0, BA, unroll=2)
            def msg_i(e):
                erow = ev[p][e, :]
                for hh in range(H):
                    coef = _bcast_lane(erow, hh)
                    hv[p][e, pl.ds(hh * C, C)] = (
                        hv[p][e, pl.ds(hh * C, C)] * coef)
            w_ep = pltpu.async_copy(
                ep[p], exp_h.at[pl.ds(base // 2, BA // 2)], semE)
            pltpu.sync_copy(ev[p], sum_s.at[dstn[p]], add=True)
            pltpu.sync_copy(hv[p], msg_s.at[dstn[p]], add=True)
            w_ep.wait()
            return cps

        def issue(p, b):
            base = wid * epw + b * BA
            pltpu.sync_copy(src_h.at[pl.ds(base, BA)], srcn[p])
            pltpu.sync_copy(dst_h.at[pl.ds(base, BA)], dstn[p])
            return (pltpu.async_copy(as_h.at[srcn[p]], asv[p], semA[p]),
                    pltpu.async_copy(ad_h.at[dstn[p]], adv[p], semD[p]),
                    pltpu.async_copy(h_h.at[srcn[p]], hv[p], semH[p]))

        issue(0, 0)

        def pair(g2, _):
            b0 = g2 * 2
            cps1 = compute(0, b0, None, None, None,
                           lambda: issue(1, b0 + 1))

            def pf2():
                @pl.when(b0 + 2 < nblk)
                def _():
                    issue(0, b0 + 2)
                return None

            compute(1, b0 + 1, cps1[0], cps1[1], cps1[2], pf2)
            return 0

        lax.fori_loop(0, nblk // 2, pair, 0)
        plsc.subcore_barrier()
        pltpu.sync_copy(msg_s.at[pl.ds(rows0, RPS)], macc_h.at[cid, pl.ds(rows0, RPS)])
        pltpu.sync_copy(sum_s.at[pl.ds(rows0, RPS)], sacc_h.at[cid, pl.ds(rows0, RPS)])

    f = pl.kernel(
        body,
        out_type=(
            jax.ShapeDtypeStruct((epad // 2, 2 * H), jnp.float32),
            jax.ShapeDtypeStruct((NC, NPAD, D), jnp.float32),
            jax.ShapeDtypeStruct((NC, NPAD, 2 * H), jnp.float32),
        ),
        mesh=mesh,
        compiler_params=pltpu.CompilerParams(use_tc_tiling_on_sc=False),
        scratch_types=(
            [pltpu.VMEM_SHARED((NPAD, D), jnp.float32),
             pltpu.VMEM_SHARED((NPAD, 2 * H), jnp.float32)]
            + [pltpu.VMEM((BA,), jnp.int32)] * 4
            + [pltpu.VMEM((BA, 2 * H), jnp.float32)] * 2
            + [pltpu.VMEM((BA, D), jnp.float32)] * 2
            + [pltpu.VMEM((BA, 2 * H), jnp.float32)] * 1
            + [pltpu.VMEM((BA // 2, 2 * H), jnp.float32)] * 1
            + [pltpu.VMEM((16,), jnp.float32)]
            + [pltpu.SemaphoreType.DMA] * 5
        ),
    )
    return f(src, dst, atab_s, atab_d, htab, g16, z128, z16)


def _finalize(macc, sacc, bias, dst, exp16, epad):
    epw = epad // NW
    nblk = epw // B
    assert nblk % 2 == 0
    mesh = plsc.VectorSubcoreMesh(core_axis_name="c", subcore_axis_name="s",
                                  num_cores=NC, num_subcores=NS)
    RHALF = NPAD // NC
    RQ = RPW // 2

    def body(macc_h, sacc_h, bias_h, dst_h, exp_h,
             out_h, alpha_h,
             inv_s, s0, s1, invv, inv157, m0, m1, biasv,
             dstn0, dstn1, ivv0, ivv1, epk0, epk1, av0, av1,
             semM0, semM1, semI0, semI1, semE0, semE1, semW0, semW1):
        dstn = (dstn0, dstn1)
        ivv = (ivv0, ivv1)
        epk = (epk0, epk1)
        av = (av0, av1)
        semI = (semI0, semI1)
        semE = (semE0, semE1)
        semW = (semW0, semW1)

        cid = lax.axis_index("c")
        sid = lax.axis_index("s")
        wid = cid * NS + sid
        mask8 = lax.iota(jnp.int32, 16) < 8

        r6 = sid * RPS
        cp0 = pltpu.async_copy(sacc_h.at[0, pl.ds(r6, RPS)], s0, semM0)
        cp1 = pltpu.async_copy(sacc_h.at[1, pl.ds(r6, RPS)], s1, semM1)
        pltpu.sync_copy(bias_h, biasv)
        cp0.wait()
        cp1.wait()

        @plsc.parallel_loop(0, RPS, unroll=4)
        def inv_i(j):
            s = s0[j, :] + s1[j, :]
            invv[j, :] = jnp.float32(1.0) / (s + jnp.float32(1e-16))
        pltpu.sync_copy(invv, inv_s.at[pl.ds(r6, RPS)])
        plsc.subcore_barrier()

        for k in range(2):
            r0 = cid * RHALF + sid * RPW + k * RQ
            cpm0 = pltpu.async_copy(macc_h.at[0, pl.ds(r0, RQ)], m0, semM0)
            cpm1 = pltpu.async_copy(macc_h.at[1, pl.ds(r0, RQ)], m1, semM1)
            pltpu.sync_copy(inv_s.at[pl.ds(r0, RQ)], inv157)
            cpm0.wait()
            cpm1.wait()

            @plsc.parallel_loop(0, RQ, unroll=2)
            def out_i(e):
                irow = inv157[e, :]
                for hh in range(H):
                    iv = _bcast_lane(irow, hh)
                    m = m0[e, pl.ds(hh * C, C)] + m1[e, pl.ds(hh * C, C)]
                    m0[e, pl.ds(hh * C, C)] = m * iv + biasv[pl.ds(hh * C, C)]
            pltpu.sync_copy(m0, out_h.at[pl.ds(r0, RQ)])

        def issue(p, b):
            base = wid * epw + b * B
            pltpu.sync_copy(dst_h.at[pl.ds(base, B)], dstn[p])
            return (pltpu.async_copy(inv_s.at[dstn[p]], ivv[p], semI[p]),
                    pltpu.async_copy(
                        exp_h.at[pl.ds(base // 2, B // 2)], epk[p], semE[p]))

        def compute(p, b, cps, prefetch):
            base = wid * epw + b * B
            if cps is None:
                pltpu.make_async_copy(inv_s.at[dstn[p]], ivv[p], semI[p]).wait()
                pltpu.make_async_copy(
                    exp_h.at[pl.ds(base // 2, B // 2)], epk[p], semE[p]).wait()
            else:
                cps[0].wait()
                cps[1].wait()

            out = prefetch()

            @plsc.parallel_loop(0, B // 2, unroll=4)
            def mul_i(j):
                iv = jnp.where(mask8, ivv[p][2 * j, :], ivv[p][2 * j + 1, :])
                av[p][j, :] = epk[p][j, :] * iv
            w = pltpu.async_copy(
                av[p], alpha_h.at[pl.ds(base // 2, B // 2)], semW[p])
            return (out, w)

        issue(0, 0)

        def pair(g2, _):
            b0 = g2 * 2
            cps1, w0 = compute(0, b0, None, lambda: issue(1, b0 + 1))

            def pf2():
                @pl.when(b0 + 2 < nblk)
                def _():
                    issue(0, b0 + 2)
                return None

            _, w1 = compute(1, b0 + 1, cps1, pf2)
            w0.wait()
            w1.wait()
            return 0

        lax.fori_loop(0, nblk // 2, pair, 0)

    f = pl.kernel(
        body,
        out_type=(
            jax.ShapeDtypeStruct((NPAD, D), jnp.float32),
            jax.ShapeDtypeStruct((epad // 2, 2 * H), jnp.float32),
        ),
        mesh=mesh,
        compiler_params=pltpu.CompilerParams(use_tc_tiling_on_sc=False),
        scratch_types=(
            [pltpu.VMEM_SHARED((NPAD, 2 * H), jnp.float32)]
            + [pltpu.VMEM((RPS, 2 * H), jnp.float32)] * 3
            + [pltpu.VMEM((RPW // 2, 2 * H), jnp.float32)]
            + [pltpu.VMEM((RPW // 2, D), jnp.float32)] * 2
            + [pltpu.VMEM((D,), jnp.float32)]
            + [pltpu.VMEM((B,), jnp.int32)] * 2
            + [pltpu.VMEM((B, 2 * H), jnp.float32)] * 2
            + [pltpu.VMEM((B // 2, 2 * H), jnp.float32)] * 2
            + [pltpu.VMEM((B // 2, 2 * H), jnp.float32)] * 2
            + [pltpu.SemaphoreType.DMA] * 8
        ),
    )
    return f(macc, sacc, bias, dst, exp16)


def kernel(x, edge_index, W, att_src, att_dst, bias):
    n = x.shape[0]
    e = edge_index.shape[1]
    ne = e + n
    assert B == BA
    epad = ((ne + 2 * NW * B - 1) // (2 * NW * B)) * (2 * NW * B)

    loop = jnp.arange(n, dtype=edge_index.dtype)
    ei = jnp.concatenate([edge_index, jnp.stack([loop, loop], axis=0)], axis=1)
    padi = jnp.full((epad - ne,), n, jnp.int32)
    src = jnp.concatenate([ei[0], padi])
    dst = jnp.concatenate([ei[1], padi])

    xp = jnp.pad(x, ((0, NPAD - n), (0, 0)))
    hsel = jnp.repeat(jnp.arange(H), C)
    eye = jax.nn.one_hot(hsel, H, dtype=jnp.float32)
    s_src1 = eye * att_src.reshape(-1)[:, None]
    s_dst1 = eye * att_dst.reshape(-1)[:, None]
    s_src = jnp.concatenate([s_src1, s_src1], axis=1)
    s_dst = jnp.concatenate([s_dst1, s_dst1], axis=1)

    htab, atab_s, atab_d, mxs, mxd = _tc_proj(xp, W.T, s_src, s_dst)

    t = mxs[0] + mxd[0]
    g16 = jnp.where(t > 0, t, 0.2 * t)

    z128 = jnp.zeros((NPAD, D), jnp.float32)
    z16 = jnp.zeros((NPAD, 2 * H), jnp.float32)

    exp16, macc, sacc = _edge_accum(src, dst, atab_s, atab_d, htab,
                                    g16, z128, z16, epad)
    out_full, alpha_packed = _finalize(macc, sacc, bias, dst, exp16, epad)

    out = out_full[:n]
    alpha = alpha_packed.reshape(epad, H)[:ne]
    return out, ei, alpha

# --- scband reference (transcript-rebuilt; emitter-appended) ---
"""Pipeline reference for scband-graph-attention-layer-44023414784635 (READ-ONLY COPY).

The authoritative reference and input builder live on the scoring server;
editing this copy changes nothing except your own understanding.
"""

import jax, jax.numpy as jnp
import numpy as np

N = 10000
E = 320000
D = 128
H = 8
C = D // H


def setup_inputs(seed: int = 0) -> dict:
    key = jax.random.key(seed)
    k_x, k_ei, k_w, k_as, k_ad, k_b = jax.random.split(key, 6)
    x = jax.random.normal(k_x, (N, D), dtype=jnp.float32)
    edge_index = jax.random.randint(k_ei, (2, E), 0, N, dtype=jnp.int32)
    # GATConv parameters: lin weight, attention vectors, bias (concat=True -> out dim H*C)
    W = jax.random.normal(k_w, (H * C, D), dtype=jnp.float32) * 0.05
    att_src = jax.random.normal(k_as, (1, H, C), dtype=jnp.float32) * 0.05
    att_dst = jax.random.normal(k_ad, (1, H, C), dtype=jnp.float32) * 0.05
    bias = jnp.zeros((H * C,), dtype=jnp.float32)
    return {"x": x, "edge_index": edge_index, "W": W, "att_src": att_src, "att_dst": att_dst, "bias": bias}


def reference(x, edge_index, W, att_src, att_dst, bias):
    n = x.shape[0]
    # PyG GATConv adds self-loops by default
    loop = jnp.arange(n, dtype=edge_index.dtype)
    ei = jnp.concatenate([edge_index, jnp.stack([loop, loop], axis=0)], axis=1)
    src, dst = ei[0], ei[1]
    # linear projection per head
    h = (x @ W.T).reshape(n, H, C)
    # attention logits
    a_src = (h * att_src).sum(-1)  # [N, H]
    a_dst = (h * att_dst).sum(-1)  # [N, H]
    alpha = a_src[src] + a_dst[dst]  # [E+N, H]
    alpha = jax.nn.leaky_relu(alpha, negative_slope=0.2)
    # softmax over incoming edges of each dst node (numerically stable)
    amax = jax.ops.segment_max(alpha, dst, num_segments=n)
    alpha = jnp.exp(alpha - amax[dst])
    asum = jax.ops.segment_sum(alpha, dst, num_segments=n)
    alpha = alpha / (asum[dst] + 1e-16)
    # message passing: gather source features, weight by attention, scatter-add to dst
    msg = h[src] * alpha[:, :, None]  # [E+N, H, C]
    out = jax.ops.segment_sum(msg, dst, num_segments=n).reshape(n, H * C) + bias
    # return_attention_weights=True -> (out, (edge_index_with_self_loops, alpha))
    return out, ei, alpha

if __name__ == "__main__":
    import jax
    _d = setup_inputs()
    print(jax.jit(kernel)(*tuple(_d.values())))

</pallas_src>

<mosaic_0001>
#map = affine_map<(d0, d1) -> (0, 0, 0)>
#map1 = affine_map<(d0, d1) -> (0)>
#map2 = affine_map<(d0, d1) -> (0, 0)>
module attributes {stable_mosaic.version = 14 : i64} {
  func.func @body(%arg0: i32, %arg1: i32, %arg2: memref<2x10240x128xf32, #tpu.memory_space<hbm>>, %arg3: memref<2x10240x16xf32, #tpu.memory_space<hbm>>, %arg4: memref<128xf32, #tpu.memory_space<hbm>>, %arg5: memref<336896xi32, #tpu.memory_space<hbm>>, %arg6: memref<168448x16xf32, #tpu.memory_space<hbm>>, %arg7: memref<10240x128xf32, #tpu.memory_space<hbm>>, %arg8: memref<168448x16xf32, #tpu.memory_space<hbm>>, %arg9: memref<10240x16xf32, #tpu.memory_space<vmem_shared>>, %arg10: memref<640x16xf32, #tpu.memory_space<vmem>>, %arg11: memref<640x16xf32, #tpu.memory_space<vmem>>, %arg12: memref<640x16xf32, #tpu.memory_space<vmem>>, %arg13: memref<160x16xf32, #tpu.memory_space<vmem>>, %arg14: memref<160x128xf32, #tpu.memory_space<vmem>>, %arg15: memref<160x128xf32, #tpu.memory_space<vmem>>, %arg16: memref<128xf32, #tpu.memory_space<vmem>>, %arg17: memref<112xi32, #tpu.memory_space<vmem>>, %arg18: memref<112xi32, #tpu.memory_space<vmem>>, %arg19: memref<112x16xf32, #tpu.memory_space<vmem>>, %arg20: memref<112x16xf32, #tpu.memory_space<vmem>>, %arg21: memref<56x16xf32, #tpu.memory_space<vmem>>, %arg22: memref<56x16xf32, #tpu.memory_space<vmem>>, %arg23: memref<56x16xf32, #tpu.memory_space<vmem>>, %arg24: memref<56x16xf32, #tpu.memory_space<vmem>>, %arg25: memref<!tpu.dma_semaphore, #tpu.memory_space<semaphore_mem>>, %arg26: memref<!tpu.dma_semaphore, #tpu.memory_space<semaphore_mem>>, %arg27: memref<!tpu.dma_semaphore, #tpu.memory_space<semaphore_mem>>, %arg28: memref<!tpu.dma_semaphore, #tpu.memory_space<semaphore_mem>>, %arg29: memref<!tpu.dma_semaphore, #tpu.memory_space<semaphore_mem>>, %arg30: memref<!tpu.dma_semaphore, #tpu.memory_space<semaphore_mem>>, %arg31: memref<!tpu.dma_semaphore, #tpu.memory_space<semaphore_mem>>, %arg32: memref<!tpu.dma_semaphore, #tpu.memory_space<semaphore_mem>>) attributes {dimension_semantics = [#tpu.dimension_semantics<core_parallel>, #tpu.dimension_semantics<subcore_parallel>], iteration_bounds = array<i64: 2, 16>, scalar_prefetch = 0 : i64, scratch_operands = 24 : i64, tpu.core_type = #tpu.core_type<sc_vector_subcore>, window_params = [{transform_indices = #map}, {transform_indices = #map}, {transform_indices = #map1}, {transform_indices = #map1}, {transform_indices = #map2}, {transform_indices = #map2}, {transform_indices = #map2}]} {
    %mul3A = arith.constant 16 : i32
    %mul3A_0 = arith.muli %arg0, %mul3A : i32
    %add3A = arith.addi %mul3A_0, %arg1 : i32
    %iota3A = tpu.iota {dimensions = array<i32: 0>} : vector<16xi32>
    %lt3A = arith.constant 8 : i32
    %lt3A_1 = vector.broadcast %lt3A : i32 to vector<16xi32>
    %lt3A_2 = arith.cmpi slt, %iota3A, %lt3A_1 : vector<16xi32>
    %mul3A_3 = arith.constant 640 : i32
    %mul3A_4 = arith.muli %arg1, %mul3A_3 : i32
    %dma_start3A = arith.constant 0 : i32
    %dma_start3A_5 = arith.constant 0 : i32
    %dma_start3A_6 = tpu.memref_slice %arg3[%dma_start3A, %mul3A_4, %dma_start3A_5] : memref<2x10240x16xf32, #tpu.memory_space<hbm>> -> memref<1x640x16xf32, #tpu.memory_space<hbm>>
    %dma_start3A_7 = tpu.memref_squeeze %dma_start3A_6 : memref<1x640x16xf32, #tpu.memory_space<hbm>> -> memref<640x16xf32, #tpu.memory_space<hbm>>
    %dma_start3A_8 = arith.constant 0 : i32
    %dma_start3A_9 = tpu.memref_slice %arg3[%dma_start3A, %mul3A_4, %dma_start3A_8] : memref<2x10240x16xf32, #tpu.memory_space<hbm>> -> memref<1x640x16xf32, #tpu.memory_space<hbm>>
    %dma_start3A_10 = tpu.memref_squeeze %dma_start3A_9 : memref<1x640x16xf32, #tpu.memory_space<hbm>> -> memref<640x16xf32, #tpu.memory_space<hbm>>
    tpu.enqueue_dma source(%dma_start3A_10 : memref<640x16xf32, #tpu.memory_space<hbm>>) target(%arg10 : memref<640x16xf32, #tpu.memory_space<vmem>>) target_semaphore(%arg25 : memref<!tpu.dma_semaphore, #tpu.memory_space<semaphore_mem>>)
    %dma_start3A_11 = arith.constant 1 : i32
    %dma_start3A_12 = arith.constant 0 : i32
    %dma_start3A_13 = tpu.memref_slice %arg3[%dma_start3A_11, %mul3A_4, %dma_start3A_12] : memref<2x10240x16xf32, #tpu.memory_space<hbm>> -> memref<1x640x16xf32, #tpu.memory_space<hbm>>
    %dma_start3A_14 = tpu.memref_squeeze %dma_start3A_13 : memref<1x640x16xf32, #tpu.memory_space<hbm>> -> memref<640x16xf32, #tpu.memory_space<hbm>>
    %dma_start3A_15 = arith.constant 0 : i32
    %dma_start3A_16 = tpu.memref_slice %arg3[%dma_start3A_11, %mul3A_4, %dma_start3A_15] : memref<2x10240x16xf32, #tpu.memory_space<hbm>> -> memref<1x640x16xf32, #tpu.memory_space<hbm>>
    %dma_start3A_17 = tpu.memref_squeeze %dma_start3A_16 : memref<1x640x16xf32, #tpu.memory_space<hbm>> -> memref<640x16xf32, #tpu.memory_space<hbm>>
    tpu.enqueue_dma source(%dma_start3A_17 : memref<640x16xf32, #tpu.memory_space<hbm>>) target(%arg11 : memref<640x16xf32, #tpu.memory_space<vmem>>) target_semaphore(%arg26 : memref<!tpu.dma_semaphore, #tpu.memory_space<semaphore_mem>>)
    "tpu.region"() ({
      %run_scoped3A = tpu.sem_alloc : memref<!tpu.dma_semaphore, #tpu.memory_space<semaphore_mem>>
      tpu.enqueue_dma source(%arg4 : memref<128xf32, #tpu.memory_space<hbm>>) target(%arg16 : memref<128xf32, #tpu.memory_space<vmem>>) target_semaphore(%run_scoped3A : memref<!tpu.dma_semaphore, #tpu.memory_space<semaphore_mem>>)
      tpu.wait_dma2 semaphore(%run_scoped3A : memref<!tpu.dma_semaphore, #tpu.memory_space<semaphore_mem>>) src(%arg4 : memref<128xf32, #tpu.memory_space<hbm>>) dst(%arg16 : memref<128xf32, #tpu.memory_space<vmem>>)
      tpu.yield
    }) : () -> ()
    %dma_wait3A = arith.constant 0 : i32
    %dma_wait3A_18 = arith.constant 0 : i32
    %dma_wait3A_19 = tpu.memref_slice %arg3[%dma_wait3A, %mul3A_4, %dma_wait3A_18] : memref<2x10240x16xf32, #tpu.memory_space<hbm>> -> memref<1x640x16xf32, #tpu.memory_space<hbm>>
    %dma_wait3A_20 = tpu.memref_squeeze %dma_wait3A_19 : memref<1x640x16xf32, #tpu.memory_space<hbm>> -> memref<640x16xf32, #tpu.memory_space<hbm>>
    %dma_wait3A_21 = arith.constant 0 : i32
    %dma_wait3A_22 = tpu.memref_slice %arg3[%dma_wait3A, %mul3A_4, %dma_wait3A_21] : memref<2x10240x16xf32, #tpu.memory_space<hbm>> -> memref<1x640x16xf32, #tpu.memory_space<hbm>>
    %dma_wait3A_23 = tpu.memref_squeeze %dma_wait3A_22 : memref<1x640x16xf32, #tpu.memory_space<hbm>> -> memref<640x16xf32, #tpu.memory_space<hbm>>
    tpu.wait_dma2 semaphore(%arg25 : memref<!tpu.dma_semaphore, #tpu.memory_space<semaphore_mem>>) src(%dma_wait3A_23 : memref<640x16xf32, #tpu.memory_space<hbm>>) dst(%arg10 : memref<640x16xf32, #tpu.memory_space<vmem>>)
    %dma_wait3A_24 = arith.constant 1 : i32
    %dma_wait3A_25 = arith.constant 0 : i32
    %dma_wait3A_26 = tpu.memref_slice %arg3[%dma_wait3A_24, %mul3A_4, %dma_wait3A_25] : memref<2x10240x16xf32, #tpu.memory_space<hbm>> -> memref<1x640x16xf32, #tpu.memory_space<hbm>>
    %dma_wait3A_27 = tpu.memref_squeeze %dma_wait3A_26 : memref<1x640x16xf32, #tpu.memory_space<hbm>> -> memref<640x16xf32, #tpu.memory_space<hbm>>
    %dma_wait3A_28 = arith.constant 0 : i32
    %dma_wait3A_29 = tpu.memref_slice %arg3[%dma_wait3A_24, %mul3A_4, %dma_wait3A_28] : memref<2x10240x16xf32, #tpu.memory_space<hbm>> -> memref<1x640x16xf32, #tpu.memory_space<hbm>>
    %dma_wait3A_30 = tpu.memref_squeeze %dma_wait3A_29 : memref<1x640x16xf32, #tpu.memory_space<hbm>> -> memref<640x16xf32, #tpu.memory_space<hbm>>
    tpu.wait_dma2 semaphore(%arg26 : memref<!tpu.dma_semaphore, #tpu.memory_space<semaphore_mem>>) src(%dma_wait3A_30 : memref<640x16xf32, #tpu.memory_space<hbm>>) dst(%arg11 : memref<640x16xf32, #tpu.memory_space<vmem>>)
    %parallel_loop3A = arith.constant 0 : i32
    %parallel_loop3A_31 = arith.constant 640 : i32
    %parallel_loop3A_32 = arith.constant 1 : i32
    scf.for %parallel_loop3A_142 = %parallel_loop3A to %parallel_loop3A_31 step %parallel_loop3A_32  : i32 {
      %parallel_loop3A_143 = arith.index_cast %parallel_loop3A_142 : i32 to index
      %parallel_loop3A_144 = arith.constant 0 : index
      %parallel_loop3A_145 = tpu.vector_load %arg10[%parallel_loop3A_143, %parallel_loop3A_144] {strides = array<i32>} : memref<640x16xf32, #tpu.memory_space<vmem>>, vector<1x16xf32>,
      %parallel_loop3A_146 = vector.shape_cast %parallel_loop3A_145 : vector<1x16xf32> to vector<16xf32>
      %parallel_loop3A_147 = arith.index_cast %parallel_loop3A_142 : i32 to index
      %parallel_loop3A_148 = arith.constant 0 : index
      %parallel_loop3A_149 = tpu.vector_load %arg11[%parallel_loop3A_147, %parallel_loop3A_148] {strides = array<i32>} : memref<640x16xf32, #tpu.memory_space<vmem>>, vector<1x16xf32>,
      %parallel_loop3A_150 = vector.shape_cast %parallel_loop3A_149 : vector<1x16xf32> to vector<16xf32>
      %parallel_loop3A_151 = arith.addf %parallel_loop3A_146, %parallel_loop3A_150 : vector<16xf32>
      %parallel_loop3A_152 = arith.constant 1.000000e-16 : f32
      %parallel_loop3A_153 = vector.broadcast %parallel_loop3A_152 : f32 to vector<16xf32>
      %parallel_loop3A_154 = arith.addf %parallel_loop3A_151, %parallel_loop3A_153 : vector<16xf32>
      %parallel_loop3A_155 = arith.constant 1.000000e+00 : f32
      %parallel_loop3A_156 = vector.broadcast %parallel_loop3A_155 : f32 to vector<16xf32>
      %parallel_loop3A_157 = arith.divf %parallel_loop3A_156, %parallel_loop3A_154 : vector<16xf32>
      %parallel_loop3A_158 = arith.index_cast %parallel_loop3A_142 : i32 to index
      %parallel_loop3A_159 = arith.constant 0 : index
      %parallel_loop3A_160 = tpu.vector_load %arg12[%parallel_loop3A_158, %parallel_loop3A_159] {strides = array<i32>} : memref<640x16xf32, #tpu.memory_space<vmem>>, vector<1x16xf32>,
      %parallel_loop3A_161 = vector.shape_cast %parallel_loop3A_160 : vector<1x16xf32> to vector<16xf32>
      %parallel_loop3A_162 = vector.shape_cast %parallel_loop3A_157 : vector<16xf32> to vector<1x16xf32>
      tpu.vector_store %arg12[%parallel_loop3A_158, %parallel_loop3A_159], %parallel_loop3A_162 {strides = array<i32>} : memref<640x16xf32, #tpu.memory_space<vmem>>, vector<1x16xf32>,
    } {sc.loop_unroll_factor = 4 : i64, sc.parallel_access}
    "tpu.region"() ({
      %run_scoped3A = tpu.sem_alloc : memref<!tpu.dma_semaphore, #tpu.memory_space<semaphore_mem>>
      %dma_start3A_142 = arith.constant 0 : i32
      %dma_start3A_143 = tpu.memref_slice %arg9[%mul3A_4, %dma_start3A_142] : memref<10240x16xf32, #tpu.memory_space<vmem_shared>> -> memref<640x16xf32, #tpu.memory_space<vmem_shared>>
      %dma_start3A_144 = arith.constant 0 : i32
      %dma_start3A_145 = tpu.memref_slice %arg9[%mul3A_4, %dma_start3A_144] : memref<10240x16xf32, #tpu.memory_space<vmem_shared>> -> memref<640x16xf32, #tpu.memory_space<vmem_shared>>
      tpu.enqueue_dma source(%arg12 : memref<640x16xf32, #tpu.memory_space<vmem>>) target(%dma_start3A_145 : memref<640x16xf32, #tpu.memory_space<vmem_shared>>) target_semaphore(%run_scoped3A : memref<!tpu.dma_semaphore, #tpu.memory_space<semaphore_mem>>)
      %dma_wait3A_146 = arith.constant 0 : i32
      %dma_wait3A_147 = tpu.memref_slice %arg9[%mul3A_4, %dma_wait3A_146] : memref<10240x16xf32, #tpu.memory_space<vmem_shared>> -> memref<640x16xf32, #tpu.memory_space<vmem_shared>>
      %dma_wait3A_148 = arith.constant 0 : i32
      %dma_wait3A_149 = tpu.memref_slice %arg9[%mul3A_4, %dma_wait3A_148] : memref<10240x16xf32, #tpu.memory_space<vmem_shared>> -> memref<640x16xf32, #tpu.memory_space<vmem_shared>>
      tpu.wait_dma2 semaphore(%run_scoped3A : memref<!tpu.dma_semaphore, #tpu.memory_space<semaphore_mem>>) src(%arg12 : memref<640x16xf32, #tpu.memory_space<vmem>>) dst(%dma_wait3A_149 : memref<640x16xf32, #tpu.memory_space<vmem_shared>>)
      tpu.yield
    }) : () -> ()
    %barrier3A = arith.constant 0 : index
    tpu.barrier barrier_id(%barrier3A)
    %mul3A_33 = arith.constant 5120 : i32
    %mul3A_34 = arith.muli %arg0, %mul3A_33 : i32
    %mul3A_35 = arith.constant 320 : i32
    %mul3A_36 = arith.muli %arg1, %mul3A_35 : i32
    %add3A_37 = arith.addi %mul3A_34, %mul3A_36 : i32
    %add3A_38 = arith.constant 0 : i32
    %add3A_39 = arith.addi %add3A_37, %add3A_38 : i32
    %dma_start3A_40 = arith.constant 0 : i32
    %dma_start3A_41 = arith.constant 0 : i32
    %dma_start3A_42 = tpu.memref_slice %arg2[%dma_start3A_40, %add3A_39, %dma_start3A_41] : memref<2x10240x128xf32, #tpu.memory_space<hbm>> -> memref<1x160x128xf32, #tpu.memory_space<hbm>>
    %dma_start3A_43 = tpu.memref_squeeze %dma_start3A_42 : memref<1x160x128xf32, #tpu.memory_space<hbm>> -> memref<160x128xf32, #tpu.memory_space<hbm>>
    %dma_start3A_44 = arith.constant 0 : i32
    %dma_start3A_45 = tpu.memref_slice %arg2[%dma_start3A_40, %add3A_39, %dma_start3A_44] : memref<2x10240x128xf32, #tpu.memory_space<hbm>> -> memref<1x160x128xf32, #tpu.memory_space<hbm>>
    %dma_start3A_46 = tpu.memref_squeeze %dma_start3A_45 : memref<1x160x128xf32, #tpu.memory_space<hbm>> -> memref<160x128xf32, #tpu.memory_space<hbm>>
    tpu.enqueue_dma source(%dma_start3A_46 : memref<160x128xf32, #tpu.memory_space<hbm>>) target(%arg14 : memref<160x128xf32, #tpu.memory_space<vmem>>) target_semaphore(%arg25 : memref<!tpu.dma_semaphore, #tpu.memory_space<semaphore_mem>>)
    %dma_start3A_47 = arith.constant 1 : i32
    %dma_start3A_48 = arith.constant 0 : i32
    %dma_start3A_49 = tpu.memref_slice %arg2[%dma_start3A_47, %add3A_39, %dma_start3A_48] : memref<2x10240x128xf32, #tpu.memory_space<hbm>> -> memref<1x160x128xf32, #tpu.memory_space<hbm>>
    %dma_start3A_50 = tpu.memref_squeeze %dma_start3A_49 : memref<1x160x128xf32, #tpu.memory_space<hbm>> -> memref<160x128xf32, #tpu.memory_space<hbm>>
    %dma_start3A_51 = arith.constant 0 : i32
    %dma_start3A_52 = tpu.memref_slice %arg2[%dma_start3A_47, %add3A_39, %dma_start3A_51] : memref<2x10240x128xf32, #tpu.memory_space<hbm>> -> memref<1x160x128xf32, #tpu.memory_space<hbm>>
    %dma_start3A_53 = tpu.memref_squeeze %dma_start3A_52 : memref<1x160x128xf32, #tpu.memory_space<hbm>> -> memref<160x128xf32, #tpu.memory_space<hbm>>
    tpu.enqueue_dma source(%dma_start3A_53 : memref<160x128xf32, #tpu.memory_space<hbm>>) target(%arg15 : memref<160x128xf32, #tpu.memory_space<vmem>>) target_semaphore(%arg26 : memref<!tpu.dma_semaphore, #tpu.memory_space<semaphore_mem>>)
    "tpu.region"() ({
      %run_scoped3A = tpu.sem_alloc : memref<!tpu.dma_semaphore, #tpu.memory_space<semaphore_mem>>
      %dma_start3A_142 = arith.constant 0 : i32
      %dma_start3A_143 = tpu.memref_slice %arg9[%add3A_39, %dma_start3A_142] : memref<10240x16xf32, #tpu.memory_space<vmem_shared>> -> memref<160x16xf32, #tpu.memory_space<vmem_shared>>
      %dma_start3A_144 = arith.constant 0 : i32
      %dma_start3A_145 = tpu.memref_slice %arg9[%add3A_39, %dma_start3A_144] : memref<10240x16xf32, #tpu.memory_space<vmem_shared>> -> memref<160x16xf32, #tpu.memory_space<vmem_shared>>
      tpu.enqueue_dma source(%dma_start3A_145 : memref<160x16xf32, #tpu.memory_space<vmem_shared>>) target(%arg13 : memref<160x16xf32, #tpu.memory_space<vmem>>) target_semaphore(%run_scoped3A : memref<!tpu.dma_semaphore, #tpu.memory_space<semaphore_mem>>)
      %dma_wait3A_146 = arith.constant 0 : i32
      %dma_wait3A_147 = tpu.memref_slice %arg9[%add3A_39, %dma_wait3A_146] : memref<10240x16xf32, #tpu.memory_space<vmem_shared>> -> memref<160x16xf32, #tpu.memory_space<vmem_shared>>
      %dma_wait3A_148 = arith.constant 0 : i32
      %dma_wait3A_149 = tpu.memref_slice %arg9[%add3A_39, %dma_wait3A_148] : memref<10240x16xf32, #tpu.memory_space<vmem_shared>> -> memref<160x16xf32, #tpu.memory_space<vmem_shared>>
      tpu.wait_dma2 semaphore(%run_scoped3A : memref<!tpu.dma_semaphore, #tpu.memory_space<semaphore_mem>>) src(%dma_wait3A_149 : memref<160x16xf32, #tpu.memory_space<vmem_shared>>) dst(%arg13 : memref<160x16xf32, #tpu.memory_space<vmem>>)
      tpu.yield
    }) : () -> ()
    %dma_wait3A_54 = arith.constant 0 : i32
    %dma_wait3A_55 = arith.constant 0 : i32
    %dma_wait3A_56 = tpu.memref_slice %arg2[%dma_wait3A_54, %add3A_39, %dma_wait3A_55] : memref<2x10240x128xf32, #tpu.memory_space<hbm>> -> memref<1x160x128xf32, #tpu.memory_space<hbm>>
    %dma_wait3A_57 = tpu.memref_squeeze %dma_wait3A_56 : memref<1x160x128xf32, #tpu.memory_space<hbm>> -> memref<160x128xf32, #tpu.memory_space<hbm>>
    %dma_wait3A_58 = arith.constant 0 : i32
    %dma_wait3A_59 = tpu.memref_slice %arg2[%dma_wait3A_54, %add3A_39, %dma_wait3A_58] : memref<2x10240x128xf32, #tpu.memory_space<hbm>> -> memref<1x160x128xf32, #tpu.memory_space<hbm>>
    %dma_wait3A_60 = tpu.memref_squeeze %dma_wait3A_59 : memref<1x160x128xf32, #tpu.memory_space<hbm>> -> memref<160x128xf32, #tpu.memory_space<hbm>>
    tpu.wait_dma2 semaphore(%arg25 : memref<!tpu.dma_semaphore, #tpu.memory_space<semaphore_mem>>) src(%dma_wait3A_60 : memref<160x128xf32, #tpu.memory_space<hbm>>) dst(%arg14 : memref<160x128xf32, #tpu.memory_space<vmem>>)
    %dma_wait3A_61 = arith.constant 1 : i32
    %dma_wait3A_62 = arith.constant 0 : i32
    %dma_wait3A_63 = tpu.memref_slice %arg2[%dma_wait3A_61, %add3A_39, %dma_wait3A_62] : memref<2x10240x128xf32, #tpu.memory_space<hbm>> -> memref<1x160x128xf32, #tpu.memory_space<hbm>>
    %dma_wait3A_64 = tpu.memref_squeeze %dma_wait3A_63 : memref<1x160x128xf32, #tpu.memory_space<hbm>> -> memref<160x128xf32, #tpu.memory_space<hbm>>
    %dma_wait3A_65 = arith.constant 0 : i32
    %dma_wait3A_66 = tpu.memref_slice %arg2[%dma_wait3A_61, %add3A_39, %dma_wait3A_65] : memref<2x10240x128xf32, #tpu.memory_space<hbm>> -> memref<1x160x128xf32, #tpu.memory_space<hbm>>
    %dma_wait3A_67 = tpu.memref_squeeze %dma_wait3A_66 : memref<1x160x128xf32, #tpu.memory_space<hbm>> -> memref<160x128xf32, #tpu.memory_space<hbm>>
    tpu.wait_dma2 semaphore(%arg26 : memref<!tpu.dma_semaphore, #tpu.memory_space<semaphore_mem>>) src(%dma_wait3A_67 : memref<160x128xf32, #tpu.memory_space<hbm>>) dst(%arg15 : memref<160x128xf32, #tpu.memory_space<vmem>>)
    %parallel_loop3A_68 = arith.constant 0 : i32
    %parallel_loop3A_69 = arith.constant 160 : i32
    %parallel_loop3A_70 = arith.constant 1 : i32
    scf.for %parallel_loop3A_142 = %parallel_loop3A_68 to %parallel_loop3A_69 step %parallel_loop3A_70  : i32 {
      %parallel_loop3A_143 = arith.index_cast %parallel_loop3A_142 : i32 to index
      %parallel_loop3A_144 = arith.constant 0 : index
      %parallel_loop3A_145 = tpu.vector_load %arg13[%parallel_loop3A_143, %parallel_loop3A_144] {strides = array<i32>} : memref<160x16xf32, #tpu.memory_space<vmem>>, vector<1x16xf32>,
      %parallel_loop3A_146 = vector.shape_cast %parallel_loop3A_145 : vector<1x16xf32> to vector<16xf32>
      %parallel_loop3A_147 = arith.constant 0 : i32
      %parallel_loop3A_148 = vector.broadcast %parallel_loop3A_147 : i32 to vector<16x1xi32>
      %parallel_loop3A_149 = vector.shape_cast %parallel_loop3A_148 : vector<16x1xi32> to vector<16xi32>
      %parallel_loop3A_150 = tpu.dynamic_gather %parallel_loop3A_146[%parallel_loop3A_149] in [0] : vector<16xf32>, vector<16xi32> -> vector<16xf32>
      %parallel_loop3A_151 = arith.index_cast %parallel_loop3A_142 : i32 to index
      %parallel_loop3A_152 = arith.constant 0 : index
      %parallel_loop3A_153 = tpu.vector_load %arg14[%parallel_loop3A_151, %parallel_loop3A_152] {strides = array<i32>} : memref<160x128xf32, #tpu.memory_space<vmem>>, vector<1x16xf32>,
      %parallel_loop3A_154 = vector.shape_cast %parallel_loop3A_153 : vector<1x16xf32> to vector<16xf32>
      %parallel_loop3A_155 = arith.index_cast %parallel_loop3A_142 : i32 to index
      %parallel_loop3A_156 = arith.constant 0 : index
      %parallel_loop3A_157 = tpu.vector_load %arg15[%parallel_loop3A_155, %parallel_loop3A_156] {strides = array<i32>} : memref<160x128xf32, #tpu.memory_space<vmem>>, vector<1x16xf32>,
      %parallel_loop3A_158 = vector.shape_cast %parallel_loop3A_157 : vector<1x16xf32> to vector<16xf32>
      %parallel_loop3A_159 = arith.addf %parallel_loop3A_154, %parallel_loop3A_158 : vector<16xf32>
      %parallel_loop3A_160 = arith.mulf %parallel_loop3A_159, %parallel_loop3A_150 : vector<16xf32>
      %parallel_loop3A_161 = arith.constant 0 : index
      %parallel_loop3A_162 = tpu.vector_load %arg16[%parallel_loop3A_161] {strides = array<i32>} : memref<128xf32, #tpu.memory_space<vmem>>, vector<16xf32>,
      %parallel_loop3A_163 = vector.shape_cast %parallel_loop3A_162 : vector<16xf32> to vector<16xf32>
      %parallel_loop3A_164 = arith.addf %parallel_loop3A_160, %parallel_loop3A_163 : vector<16xf32>
      %parallel_loop3A_165 = arith.index_cast %parallel_loop3A_142 : i32 to index
      %parallel_loop3A_166 = arith.constant 0 : index
      %parallel_loop3A_167 = tpu.vector_load %arg14[%parallel_loop3A_165, %parallel_loop3A_166] {strides = array<i32>} : memref<160x128xf32, #tpu.memory_space<vmem>>, vector<1x16xf32>,
      %parallel_loop3A_168 = vector.shape_cast %parallel_loop3A_167 : vector<1x16xf32> to vector<16xf32>
      %parallel_loop3A_169 = vector.shape_cast %parallel_loop3A_164 : vector<16xf32> to vector<1x16xf32>
      tpu.vector_store %arg14[%parallel_loop3A_165, %parallel_loop3A_166], %parallel_loop3A_169 {strides = array<i32>} : memref<160x128xf32, #tpu.memory_space<vmem>>, vector<1x16xf32>,
      %parallel_loop3A_170 = arith.constant 1 : i32
      %parallel_loop3A_171 = vector.broadcast %parallel_loop3A_170 : i32 to vector<16x1xi32>
      %parallel_loop3A_172 = vector.shape_cast %parallel_loop3A_171 : vector<16x1xi32> to vector<16xi32>
      %parallel_loop3A_173 = tpu.dynamic_gather %parallel_loop3A_146[%parallel_loop3A_172] in [0] : vector<16xf32>, vector<16xi32> -> vector<16xf32>
      %parallel_loop3A_174 = arith.index_cast %parallel_loop3A_142 : i32 to index
      %parallel_loop3A_175 = arith.constant 16 : index
      %parallel_loop3A_176 = tpu.vector_load %arg14[%parallel_loop3A_174, %parallel_loop3A_175] {strides = array<i32>} : memref<160x128xf32, #tpu.memory_space<vmem>>, vector<1x16xf32>,
      %parallel_loop3A_177 = vector.shape_cast %parallel_loop3A_176 : vector<1x16xf32> to vector<16xf32>
      %parallel_loop3A_178 = arith.index_cast %parallel_loop3A_142 : i32 to index
      %parallel_loop3A_179 = arith.constant 16 : index
      %parallel_loop3A_180 = tpu.vector_load %arg15[%parallel_loop3A_178, %parallel_loop3A_179] {strides = array<i32>} : memref<160x128xf32, #tpu.memory_space<vmem>>, vector<1x16xf32>,
      %parallel_loop3A_181 = vector.shape_cast %parallel_loop3A_180 : vector<1x16xf32> to vector<16xf32>
      %parallel_loop3A_182 = arith.addf %parallel_loop3A_177, %parallel_loop3A_181 : vector<16xf32>
      %parallel_loop3A_183 = arith.mulf %parallel_loop3A_182, %parallel_loop3A_173 : vector<16xf32>
      %parallel_loop3A_184 = arith.constant 16 : index
      %parallel_loop3A_185 = tpu.vector_load %arg16[%parallel_loop3A_184] {strides = array<i32>} : memref<128xf32, #tpu.memory_space<vmem>>, vector<16xf32>,
      %parallel_loop3A_186 = vector.shape_cast %parallel_loop3A_185 : vector<16xf32> to vector<16xf32>
      %parallel_loop3A_187 = arith.addf %parallel_loop3A_183, %parallel_loop3A_186 : vector<16xf32>
      %parallel_loop3A_188 = arith.index_cast %parallel_loop3A_142 : i32 to index
      %parallel_loop3A_189 = arith.constant 16 : index
      %parallel_loop3A_190 = tpu.vector_load %arg14[%parallel_loop3A_188, %parallel_loop3A_189] {strides = array<i32>} : memref<160x128xf32, #tpu.memory_space<vmem>>, vector<1x16xf32>,
      %parallel_loop3A_191 = vector.shape_cast %parallel_loop3A_190 : vector<1x16xf32> to vector<16xf32>
      %parallel_loop3A_192 = vector.shape_cast %parallel_loop3A_187 : vector<16xf32> to vector<1x16xf32>
      tpu.vector_store %arg14[%parallel_loop3A_188, %parallel_loop3A_189], %parallel_loop3A_192 {strides = array<i32>} : memref<160x128xf32, #tpu.memory_space<vmem>>, vector<1x16xf32>,
      %parallel_loop3A_193 = arith.constant 2 : i32
      %parallel_loop3A_194 = vector.broadcast %parallel_loop3A_193 : i32 to vector<16x1xi32>
      %parallel_loop3A_195 = vector.shape_cast %parallel_loop3A_194 : vector<16x1xi32> to vector<16xi32>
      %parallel_loop3A_196 = tpu.dynamic_gather %parallel_loop3A_146[%parallel_loop3A_195] in [0] : vector<16xf32>, vector<16xi32> -> vector<16xf32>
      %parallel_loop3A_197 = arith.index_cast %parallel_loop3A_142 : i32 to index
      %parallel_loop3A_198 = arith.constant 32 : index
      %parallel_loop3A_199 = tpu.vector_load %arg14[%parallel_loop3A_197, %parallel_loop3A_198] {strides = array<i32>} : memref<160x128xf32, #tpu.memory_space<vmem>>, vector<1x16xf32>,
      %parallel_loop3A_200 = vector.shape_cast %parallel_loop3A_199 : vector<1x16xf32> to vector<16xf32>
      %parallel_loop3A_201 = arith.index_cast %parallel_loop3A_142 : i32 to index
      %parallel_loop3A_202 = arith.constant 32 : index
      %parallel_loop3A_203 = tpu.vector_load %arg15[%parallel_loop3A_201, %parallel_loop3A_202] {strides = array<i32>} : memref<160x128xf32, #tpu.memory_space<vmem>>, vector<1x16xf32>,
      %parallel_loop3A_204 = vector.shape_cast %parallel_loop3A_203 : vector<1x16xf32> to vector<16xf32>
      %parallel_loop3A_205 = arith.addf %parallel_loop3A_200, %parallel_loop3A_204 : vector<16xf32>
      %parallel_loop3A_206 = arith.mulf %parallel_loop3A_205, %parallel_loop3A_196 : vector<16xf32>
      %parallel_loop3A_207 = arith.constant 32 : index
      %parallel_loop3A_208 = tpu.vector_load %arg16[%parallel_loop3A_207] {strides = array<i32>} : memref<128xf32, #tpu.memory_space<vmem>>, vector<16xf32>,
      %parallel_loop3A_209 = vector.shape_cast %parallel_loop3A_208 : vector<16xf32> to vector<16xf32>
      %parallel_loop3A_210 = arith.addf %parallel_loop3A_206, %parallel_loop3A_209 : vector<16xf32>
      %parallel_loop3A_211 = arith.index_cast %parallel_loop3A_142 : i32 to index
      %parallel_loop3A_212 = arith.constant 32 : index
      %parallel_loop3A_213 = tpu.vector_load %arg14[%parallel_loop3A_211, %parallel_loop3A_212] {strides = array<i32>} : memref<160x128xf32, #tpu.memory_space<vmem>>, vector<1x16xf32>,
      %parallel_loop3A_214 = vector.shape_cast %parallel_loop3A_213 : vector<1x16xf32> to vector<16xf32>
      %parallel_loop3A_215 = vector.shape_cast %parallel_loop3A_210 : vector<16xf32> to vector<1x16xf32>
      tpu.vector_store %arg14[%parallel_loop3A_211, %parallel_loop3A_212], %parallel_loop3A_215 {strides = array<i32>} : memref<160x128xf32, #tpu.memory_space<vmem>>, vector<1x16xf32>,
      %parallel_loop3A_216 = arith.constant 3 : i32
      %parallel_loop3A_217 = vector.broadcast %parallel_loop3A_216 : i32 to vector<16x1xi32>
      %parallel_loop3A_218 = vector.shape_cast %parallel_loop3A_217 : vector<16x1xi32> to vector<16xi32>
      %parallel_loop3A_219 = tpu.dynamic_gather %parallel_loop3A_146[%parallel_loop3A_218] in [0] : vector<16xf32>, vector<16xi32> -> vector<16xf32>
      %parallel_loop3A_220 = arith.index_cast %parallel_loop3A_142 : i32 to index
      %parallel_loop3A_221 = arith.constant 48 : index
      %parallel_loop3A_222 = tpu.vector_load %arg14[%parallel_loop3A_220, %parallel_loop3A_221] {strides = array<i32>} : memref<160x128xf32, #tpu.memory_space<vmem>>, vector<1x16xf32>,
      %parallel_loop3A_223 = vector.shape_cast %parallel_loop3A_222 : vector<1x16xf32> to vector<16xf32>
      %parallel_loop3A_224 = arith.index_cast %parallel_loop3A_142 : i32 to index
      %parallel_loop3A_225 = arith.constant 48 : index
      %parallel_loop3A_226 = tpu.vector_load %arg15[%parallel_loop3A_224, %parallel_loop3A_225] {strides = array<i32>} : memref<160x128xf32, #tpu.memory_space<vmem>>, vector<1x16xf32>,
      %parallel_loop3A_227 = vector.shape_cast %parallel_loop3A_226 : vector<1x16xf32> to vector<16xf32>
      %parallel_loop3A_228 = arith.addf %parallel_loop3A_223, %parallel_loop3A_227 : vector<16xf32>
      %parallel_loop3A_229 = arith.mulf %parallel_loop3A_228, %parallel_loop3A_219 : vector<16xf32>
      %parallel_loop3A_230 = arith.constant 48 : index
      %parallel_loop3A_231 = tpu.vector_load %arg16[%parallel_loop3A_230] {strides = array<i32>} : memref<128xf32, #tpu.memory_space<vmem>>, vector<16xf32>,
      %parallel_loop3A_232 = vector.shape_cast %parallel_loop3A_231 : vector<16xf32> to vector<16xf32>
      %parallel_loop3A_233 = arith.addf %parallel_loop3A_229, %parallel_loop3A_232 : vector<16xf32>
      %parallel_loop3A_234 = arith.index_cast %parallel_loop3A_142 : i32 to index
      %parallel_loop3A_235 = arith.constant 48 : index
      %parallel_loop3A_236 = tpu.vector_load %arg14[%parallel_loop3A_234, %parallel_loop3A_235] {strides = array<i32>} : memref<160x128xf32, #tpu.memory_space<vmem>>, vector<1x16xf32>,
      %parallel_loop3A_237 = vector.shape_cast %parallel_loop3A_236 : vector<1x16xf32> to vector<16xf32>
      %parallel_loop3A_238 = vector.shape_cast %parallel_loop3A_233 : vector<16xf32> to vector<1x16xf32>
      tpu.vector_store %arg14[%parallel_loop3A_234, %parallel_loop3A_235], %parallel_loop3A_238 {strides = array<i32>} : memref<160x128xf32, #tpu.memory_space<vmem>>, vector<1x16xf32>,
      %parallel_loop3A_239 = arith.constant 4 : i32
      %parallel_loop3A_240 = vector.broadcast %parallel_loop3A_239 : i32 to vector<16x1xi32>
      %parallel_loop3A_241 = vector.shape_cast %parallel_loop3A_240 : vector<16x1xi32> to vector<16xi32>
      %parallel_loop3A_242 = tpu.dynamic_gather %parallel_loop3A_146[%parallel_loop3A_241] in [0] : vector<16xf32>, vector<16xi32> -> vector<16xf32>
      %parallel_loop3A_243 = arith.index_cast %parallel_loop3A_142 : i32 to index
      %parallel_loop3A_244 = arith.constant 64 : index
      %parallel_loop3A_245 = tpu.vector_load %arg14[%parallel_loop3A_243, %parallel_loop3A_244] {strides = array<i32>} : memref<160x128xf32, #tpu.memory_space<vmem>>, vector<1x16xf32>,
      %parallel_loop3A_246 = vector.shape_cast %parallel_loop3A_245 : vector<1x16xf32> to vector<16xf32>
      %parallel_loop3A_247 = arith.index_cast %parallel_loop3A_142 : i32 to index
      %parallel_loop3A_248 = arith.constant 64 : index
      %parallel_loop3A_249 = tpu.vector_load %arg15[%parallel_loop3A_247, %parallel_loop3A_248] {strides = array<i32>} : memref<160x128xf32, #tpu.memory_space<vmem>>, vector<1x16xf32>,
      %parallel_loop3A_250 = vector.shape_cast %parallel_loop3A_249 : vector<1x16xf32> to vector<16xf32>
      %parallel_loop3A_251 = arith.addf %parallel_loop3A_246, %parallel_loop3A_250 : vector<16xf32>
      %parallel_loop3A_252 = arith.mulf %parallel_loop3A_251, %parallel_loop3A_242 : vector<16xf32>
      %parallel_loop3A_253 = arith.constant 64 : index
      %parallel_loop3A_254 = tpu.vector_load %arg16[%parallel_loop3A_253] {strides = array<i32>} : memref<128xf32, #tpu.memory_space<vmem>>, vector<16xf32>,
      %parallel_loop3A_255 = vector.shape_cast %parallel_loop3A_254 : vector<16xf32> to vector<16xf32>
      %parallel_loop3A_256 = arith.addf %parallel_loop3A_252, %parallel_loop3A_255 : vector<16xf32>
      %parallel_loop3A_257 = arith.index_cast %parallel_loop3A_142 : i32 to index
      %parallel_loop3A_258 = arith.constant 64 : index
      %parallel_loop3A_259 = tpu.vector_load %arg14[%parallel_loop3A_257, %parallel_loop3A_258] {strides = array<i32>} : memref<160x128xf32, #tpu.memory_space<vmem>>, vector<1x16xf32>,
      %parallel_loop3A_260 = vector.shape_cast %parallel_loop3A_259 : vector<1x16xf32> to vector<16xf32>
      %parallel_loop3A_261 = vector.shape_cast %parallel_loop3A_256 : vector<16xf32> to vector<1x16xf32>
      tpu.vector_store %arg14[%parallel_loop3A_257, %parallel_loop3A_258], %parallel_loop3A_261 {strides = array<i32>} : memref<160x128xf32, #tpu.memory_space<vmem>>, vector<1x16xf32>,
      %parallel_loop3A_262 = arith.constant 5 : i32
      %parallel_loop3A_263 = vector.broadcast %parallel_loop3A_262 : i32 to vector<16x1xi32>
      %parallel_loop3A_264 = vector.shape_cast %parallel_loop3A_263 : vector<16x1xi32> to vector<16xi32>
      %parallel_loop3A_265 = tpu.dynamic_gather %parallel_loop3A_146[%parallel_loop3A_264] in [0] : vector<16xf32>, vector<16xi32> -> vector<16xf32>
      %parallel_loop3A_266 = arith.index_cast %parallel_loop3A_142 : i32 to index
      %parallel_loop3A_267 = arith.constant 80 : index
      %parallel_loop3A_268 = tpu.vector_load %arg14[%parallel_loop3A_266, %parallel_loop3A_267] {strides = array<i32>} : memref<160x128xf32, #tpu.memory_space<vmem>>, vector<1x16xf32>,
      %parallel_loop3A_269 = vector.shape_cast %parallel_loop3A_268 : vector<1x16xf32> to vector<16xf32>
      %parallel_loop3A_270 = arith.index_cast %parallel_loop3A_142 : i32 to index
      %parallel_loop3A_271 = arith.constant 80 : index
      %parallel_loop3A_272 = tpu.vector_load %arg15[%parallel_loop3A_270, %parallel_loop3A_271] {strides = array<i32>} : memref<160x128xf32, #tpu.memory_space<vmem>>, vector<1x16xf32>,
      %parallel_loop3A_273 = vector.shape_cast %parallel_loop3A_272 : vector<1x16xf32> to vector<16xf32>
      %parallel_loop3A_274 = arith.addf %parallel_loop3A_269, %parallel_loop3A_273 : vector<16xf32>
      %parallel_loop3A_275 = arith.mulf %parallel_loop3A_274, %parallel_loop3A_265 : vector<16xf32>
      %parallel_loop3A_276 = arith.constant 80 : index
      %parallel_loop3A_277 = tpu.vector_load %arg16[%parallel_loop3A_276] {strides = array<i32>} : memref<128xf32, #tpu.memory_space<vmem>>, vector<16xf32>,
      %parallel_loop3A_278 = vector.shape_cast %parallel_loop3A_277 : vector<16xf32> to vector<16xf32>
      %parallel_loop3A_279 = arith.addf %parallel_loop3A_275, %parallel_loop3A_278 : vector<16xf32>
      %parallel_loop3A_280 = arith.index_cast %parallel_loop3A_142 : i32 to index
      %parallel_loop3A_281 = arith.constant 80 : index
      %parallel_loop3A_282 = tpu.vector_load %arg14[%parallel_loop3A_280, %parallel_loop3A_281] {strides = array<i32>} : memref<160x128xf32, #tpu.memory_space<vmem>>, vector<1x16xf32>,
      %parallel_loop3A_283 = vector.shape_cast %parallel_loop3A_282 : vector<1x16xf32> to vector<16xf32>
      %parallel_loop3A_284 = vector.shape_cast %parallel_loop3A_279 : vector<16xf32> to vector<1x16xf32>
      tpu.vector_store %arg14[%parallel_loop3A_280, %parallel_loop3A_281], %parallel_loop3A_284 {strides = array<i32>} : memref<160x128xf32, #tpu.memory_space<vmem>>, vector<1x16xf32>,
      %parallel_loop3A_285 = arith.constant 6 : i32
      %parallel_loop3A_286 = vector.broadcast %parallel_loop3A_285 : i32 to vector<16x1xi32>
      %parallel_loop3A_287 = vector.shape_cast %parallel_loop3A_286 : vector<16x1xi32> to vector<16xi32>
      %parallel_loop3A_288 = tpu.dynamic_gather %parallel_loop3A_146[%parallel_loop3A_287] in [0] : vector<16xf32>, vector<16xi32> -> vector<16xf32>
      %parallel_loop3A_289 = arith.index_cast %parallel_loop3A_142 : i32 to index
      %parallel_loop3A_290 = arith.constant 96 : index
      %parallel_loop3A_291 = tpu.vector_load %arg14[%parallel_loop3A_289, %parallel_loop3A_290] {strides = array<i32>} : memref<160x128xf32, #tpu.memory_space<vmem>>, vector<1x16xf32>,
      %parallel_loop3A_292 = vector.shape_cast %parallel_loop3A_291 : vector<1x16xf32> to vector<16xf32>
      %parallel_loop3A_293 = arith.index_cast %parallel_loop3A_142 : i32 to index
      %parallel_loop3A_294 = arith.constant 96 : index
      %parallel_loop3A_295 = tpu.vector_load %arg15[%parallel_loop3A_293, %parallel_loop3A_294] {strides = array<i32>} : memref<160x128xf32, #tpu.memory_space<vmem>>, vector<1x16xf32>,
      %parallel_loop3A_296 = vector.shape_cast %parallel_loop3A_295 : vector<1x16xf32> to vector<16xf32>
      %parallel_loop3A_297 = arith.addf %parallel_loop3A_292, %parallel_loop3A_296 : vector<16xf32>
      %parallel_loop3A_298 = arith.mulf %parallel_loop3A_297, %parallel_loop3A_288 : vector<16xf32>
      %parallel_loop3A_299 = arith.constant 96 : index
      %parallel_loop3A_300 = tpu.vector_load %arg16[%parallel_loop3A_299] {strides = array<i32>} : memref<128xf32, #tpu.memory_space<vmem>>, vector<16xf32>,
      %parallel_loop3A_301 = vector.shape_cast %parallel_loop3A_300 : vector<16xf32> to vector<16xf32>
      %parallel_loop3A_302 = arith.addf %parallel_loop3A_298, %parallel_loop3A_301 : vector<16xf32>
      %parallel_loop3A_303 = arith.index_cast %parallel_loop3A_142 : i32 to index
      %parallel_loop3A_304 = arith.constant 96 : index
      %parallel_loop3A_305 = tpu.vector_load %arg14[%parallel_loop3A_303, %parallel_loop3A_304] {strides = array<i32>} : memref<160x128xf32, #tpu.memory_space<vmem>>, vector<1x16xf32>,
      %parallel_loop3A_306 = vector.shape_cast %parallel_loop3A_305 : vector<1x16xf32> to vector<16xf32>
      %parallel_loop3A_307 = vector.shape_cast %parallel_loop3A_302 : vector<16xf32> to vector<1x16xf32>
      tpu.vector_store %arg14[%parallel_loop3A_303, %parallel_loop3A_304], %parallel_loop3A_307 {strides = array<i32>} : memref<160x128xf32, #tpu.memory_space<vmem>>, vector<1x16xf32>,
      %parallel_loop3A_308 = arith.constant 7 : i32
      %parallel_loop3A_309 = vector.broadcast %parallel_loop3A_308 : i32 to vector<16x1xi32>
      %parallel_loop3A_310 = vector.shape_cast %parallel_loop3A_309 : vector<16x1xi32> to vector<16xi32>
      %parallel_loop3A_311 = tpu.dynamic_gather %parallel_loop3A_146[%parallel_loop3A_310] in [0] : vector<16xf32>, vector<16xi32> -> vector<16xf32>
      %parallel_loop3A_312 = arith.index_cast %parallel_loop3A_142 : i32 to index
      %parallel_loop3A_313 = arith.constant 112 : index
      %parallel_loop3A_314 = tpu.vector_load %arg14[%parallel_loop3A_312, %parallel_loop3A_313] {strides = array<i32>} : memref<160x128xf32, #tpu.memory_space<vmem>>, vector<1x16xf32>,
      %parallel_loop3A_315 = vector.shape_cast %parallel_loop3A_314 : vector<1x16xf32> to vector<16xf32>
      %parallel_loop3A_316 = arith.index_cast %parallel_loop3A_142 : i32 to index
      %parallel_loop3A_317 = arith.constant 112 : index
      %parallel_loop3A_318 = tpu.vector_load %arg15[%parallel_loop3A_316, %parallel_loop3A_317] {strides = array<i32>} : memref<160x128xf32, #tpu.memory_space<vmem>>, vector<1x16xf32>,
      %parallel_loop3A_319 = vector.shape_cast %parallel_loop3A_318 : vector<1x16xf32> to vector<16xf32>
      %parallel_loop3A_320 = arith.addf %parallel_loop3A_315, %parallel_loop3A_319 : vector<16xf32>
      %parallel_loop3A_321 = arith.mulf %parallel_loop3A_320, %parallel_loop3A_311 : vector<16xf32>
      %parallel_loop3A_322 = arith.constant 112 : index
      %parallel_loop3A_323 = tpu.vector_load %arg16[%parallel_loop3A_322] {strides = array<i32>} : memref<128xf32, #tpu.memory_space<vmem>>, vector<16xf32>,
      %parallel_loop3A_324 = vector.shape_cast %parallel_loop3A_323 : vector<16xf32> to vector<16xf32>
      %parallel_loop3A_325 = arith.addf %parallel_loop3A_321, %parallel_loop3A_324 : vector<16xf32>
      %parallel_loop3A_326 = arith.index_cast %parallel_loop3A_142 : i32 to index
      %parallel_loop3A_327 = arith.constant 112 : index
      %parallel_loop3A_328 = tpu.vector_load %arg14[%parallel_loop3A_326, %parallel_loop3A_327] {strides = array<i32>} : memref<160x128xf32, #tpu.memory_space<vmem>>, vector<1x16xf32>,
      %parallel_loop3A_329 = vector.shape_cast %parallel_loop3A_328 : vector<1x16xf32> to vector<16xf32>
      %parallel_loop3A_330 = vector.shape_cast %parallel_loop3A_325 : vector<16xf32> to vector<1x16xf32>
      tpu.vector_store %arg14[%parallel_loop3A_326, %parallel_loop3A_327], %parallel_loop3A_330 {strides = array<i32>} : memref<160x128xf32, #tpu.memory_space<vmem>>, vector<1x16xf32>,
    } {sc.loop_unroll_factor = 2 : i64, sc.parallel_access}
    "tpu.region"() ({
      %run_scoped3A = tpu.sem_alloc : memref<!tpu.dma_semaphore, #tpu.memory_space<semaphore_mem>>
      %dma_start3A_142 = arith.constant 0 : i32
      %dma_start3A_143 = tpu.memref_slice %arg7[%add3A_39, %dma_start3A_142] : memref<10240x128xf32, #tpu.memory_space<hbm>> -> memref<160x128xf32, #tpu.memory_space<hbm>>
      %dma_start3A_144 = arith.constant 0 : i32
      %dma_start3A_145 = tpu.memref_slice %arg7[%add3A_39, %dma_start3A_144] : memref<10240x128xf32, #tpu.memory_space<hbm>> -> memref<160x128xf32, #tpu.memory_space<hbm>>
      tpu.enqueue_dma source(%arg14 : memref<160x128xf32, #tpu.memory_space<vmem>>) target(%dma_start3A_145 : memref<160x128xf32, #tpu.memory_space<hbm>>) target_semaphore(%run_scoped3A : memref<!tpu.dma_semaphore, #tpu.memory_space<semaphore_mem>>)
      %dma_wait3A_146 = arith.constant 0 : i32
      %dma_wait3A_147 = tpu.memref_slice %arg7[%add3A_39, %dma_wait3A_146] : memref<10240x128xf32, #tpu.memory_space<hbm>> -> memref<160x128xf32, #tpu.memory_space<hbm>>
      %dma_wait3A_148 = arith.constant 0 : i32
      %dma_wait3A_149 = tpu.memref_slice %arg7[%add3A_39, %dma_wait3A_148] : memref<10240x128xf32, #tpu.memory_space<hbm>> -> memref<160x128xf32, #tpu.memory_space<hbm>>
      tpu.wait_dma2 semaphore(%run_scoped3A : memref<!tpu.dma_semaphore, #tpu.memory_space<semaphore_mem>>) src(%arg14 : memref<160x128xf32, #tpu.memory_space<vmem>>) dst(%dma_wait3A_149 : memref<160x128xf32, #tpu.memory_space<hbm>>)
      tpu.yield
    }) : () -> ()
    %mul3A_71 = arith.constant 5120 : i32
    %mul3A_72 = arith.muli %arg0, %mul3A_71 : i32
    %mul3A_73 = arith.constant 320 : i32
    %mul3A_74 = arith.muli %arg1, %mul3A_73 : i32
    %add3A_75 = arith.addi %mul3A_72, %mul3A_74 : i32
    %add3A_76 = arith.constant 160 : i32
    %add3A_77 = arith.addi %add3A_75, %add3A_76 : i32
    %dma_start3A_78 = arith.constant 0 : i32
    %dma_start3A_79 = arith.constant 0 : i32
    %dma_start3A_80 = tpu.memref_slice %arg2[%dma_start3A_78, %add3A_77, %dma_start3A_79] : memref<2x10240x128xf32, #tpu.memory_space<hbm>> -> memref<1x160x128xf32, #tpu.memory_space<hbm>>
    %dma_start3A_81 = tpu.memref_squeeze %dma_start3A_80 : memref<1x160x128xf32, #tpu.memory_space<hbm>> -> memref<160x128xf32, #tpu.memory_space<hbm>>
    %dma_start3A_82 = arith.constant 0 : i32
    %dma_start3A_83 = tpu.memref_slice %arg2[%dma_start3A_78, %add3A_77, %dma_start3A_82] : memref<2x10240x128xf32, #tpu.memory_space<hbm>> -> memref<1x160x128xf32, #tpu.memory_space<hbm>>
    %dma_start3A_84 = tpu.memref_squeeze %dma_start3A_83 : memref<1x160x128xf32, #tpu.memory_space<hbm>> -> memref<160x128xf32, #tpu.memory_space<hbm>>
    tpu.enqueue_dma source(%dma_start3A_84 : memref<160x128xf32, #tpu.memory_space<hbm>>) target(%arg14 : memref<160x128xf32, #tpu.memory_space<vmem>>) target_semaphore(%arg25 : memref<!tpu.dma_semaphore, #tpu.memory_space<semaphore_mem>>)
    %dma_start3A_85 = arith.constant 1 : i32
    %dma_start3A_86 = arith.constant 0 : i32
    %dma_start3A_87 = tpu.memref_slice %arg2[%dma_start3A_85, %add3A_77, %dma_start3A_86] : memref<2x10240x128xf32, #tpu.memory_space<hbm>> -> memref<1x160x128xf32, #tpu.memory_space<hbm>>
    %dma_start3A_88 = tpu.memref_squeeze %dma_start3A_87 : memref<1x160x128xf32, #tpu.memory_space<hbm>> -> memref<160x128xf32, #tpu.memory_space<hbm>>
    %dma_start3A_89 = arith.constant 0 : i32
    %dma_start3A_90 = tpu.memref_slice %arg2[%dma_start3A_85, %add3A_77, %dma_start3A_89] : memref<2x10240x128xf32, #tpu.memory_space<hbm>> -> memref<1x160x128xf32, #tpu.memory_space<hbm>>
    %dma_start3A_91 = tpu.memref_squeeze %dma_start3A_90 : memref<1x160x128xf32, #tpu.memory_space<hbm>> -> memref<160x128xf32, #tpu.memory_space<hbm>>
    tpu.enqueue_dma source(%dma_start3A_91 : memref<160x128xf32, #tpu.memory_space<hbm>>) target(%arg15 : memref<160x128xf32, #tpu.memory_space<vmem>>) target_semaphore(%arg26 : memref<!tpu.dma_semaphore, #tpu.memory_space<semaphore_mem>>)
    "tpu.region"() ({
      %run_scoped3A = tpu.sem_alloc : memref<!tpu.dma_semaphore, #tpu.memory_space<semaphore_mem>>
      %dma_start3A_142 = arith.constant 0 : i32
      %dma_start3A_143 = tpu.memref_slice %arg9[%add3A_77, %dma_start3A_142] : memref<10240x16xf32, #tpu.memory_space<vmem_shared>> -> memref<160x16xf32, #tpu.memory_space<vmem_shared>>
      %dma_start3A_144 = arith.constant 0 : i32
      %dma_start3A_145 = tpu.memref_slice %arg9[%add3A_77, %dma_start3A_144] : memref<10240x16xf32, #tpu.memory_space<vmem_shared>> -> memref<160x16xf32, #tpu.memory_space<vmem_shared>>
      tpu.enqueue_dma source(%dma_start3A_145 : memref<160x16xf32, #tpu.memory_space<vmem_shared>>) target(%arg13 : memref<160x16xf32, #tpu.memory_space<vmem>>) target_semaphore(%run_scoped3A : memref<!tpu.dma_semaphore, #tpu.memory_space<semaphore_mem>>)
      %dma_wait3A_146 = arith.constant 0 : i32
      %dma_wait3A_147 = tpu.memref_slice %arg9[%add3A_77, %dma_wait3A_146] : memref<10240x16xf32, #tpu.memory_space<vmem_shared>> -> memref<160x16xf32, #tpu.memory_space<vmem_shared>>
      %dma_wait3A_148 = arith.constant 0 : i32
      %dma_wait3A_149 = tpu.memref_slice %arg9[%add3A_77, %dma_wait3A_148] : memref<10240x16xf32, #tpu.memory_space<vmem_shared>> -> memref<160x16xf32, #tpu.memory_space<vmem_shared>>
      tpu.wait_dma2 semaphore(%run_scoped3A : memref<!tpu.dma_semaphore, #tpu.memory_space<semaphore_mem>>) src(%dma_wait3A_149 : memref<160x16xf32, #tpu.memory_space<vmem_shared>>) dst(%arg13 : memref<160x16xf32, #tpu.memory_space<vmem>>)
      tpu.yield
    }) : () -> ()
    %dma_wait3A_92 = arith.constant 0 : i32
    %dma_wait3A_93 = arith.constant 0 : i32
    %dma_wait3A_94 = tpu.memref_slice %arg2[%dma_wait3A_92, %add3A_77, %dma_wait3A_93] : memref<2x10240x128xf32, #tpu.memory_space<hbm>> -> memref<1x160x128xf32, #tpu.memory_space<hbm>>
    %dma_wait3A_95 = tpu.memref_squeeze %dma_wait3A_94 : memref<1x160x128xf32, #tpu.memory_space<hbm>> -> memref<160x128xf32, #tpu.memory_space<hbm>>
    %dma_wait3A_96 = arith.constant 0 : i32
    %dma_wait3A_97 = tpu.memref_slice %arg2[%dma_wait3A_92, %add3A_77, %dma_wait3A_96] : memref<2x10240x128xf32, #tpu.memory_space<hbm>> -> memref<1x160x128xf32, #tpu.memory_space<hbm>>
    %dma_wait3A_98 = tpu.memref_squeeze %dma_wait3A_97 : memref<1x160x128xf32, #tpu.memory_space<hbm>> -> memref<160x128xf32, #tpu.memory_space<hbm>>
    tpu.wait_dma2 semaphore(%arg25 : memref<!tpu.dma_semaphore, #tpu.memory_space<semaphore_mem>>) src(%dma_wait3A_98 : memref<160x128xf32, #tpu.memory_space<hbm>>) dst(%arg14 : memref<160x128xf32, #tpu.memory_space<vmem>>)
    %dma_wait3A_99 = arith.constant 1 : i32
    %dma_wait3A_100 = arith.constant 0 : i32
    %dma_wait3A_101 = tpu.memref_slice %arg2[%dma_wait3A_99, %add3A_77, %dma_wait3A_100] : memref<2x10240x128xf32, #tpu.memory_space<hbm>> -> memref<1x160x128xf32, #tpu.memory_space<hbm>>
    %dma_wait3A_102 = tpu.memref_squeeze %dma_wait3A_101 : memref<1x160x128xf32, #tpu.memory_space<hbm>> -> memref<160x128xf32, #tpu.memory_space<hbm>>
    %dma_wait3A_103 = arith.constant 0 : i32
    %dma_wait3A_104 = tpu.memref_slice %arg2[%dma_wait3A_99, %add3A_77, %dma_wait3A_103] : memref<2x10240x128xf32, #tpu.memory_space<hbm>> -> memref<1x160x128xf32, #tpu.memory_space<hbm>>
    %dma_wait3A_105 = tpu.memref_squeeze %dma_wait3A_104 : memref<1x160x128xf32, #tpu.memory_space<hbm>> -> memref<160x128xf32, #tpu.memory_space<hbm>>
    tpu.wait_dma2 semaphore(%arg26 : memref<!tpu.dma_semaphore, #tpu.memory_space<semaphore_mem>>) src(%dma_wait3A_105 : memref<160x128xf32, #tpu.memory_space<hbm>>) dst(%arg15 : memref<160x128xf32, #tpu.memory_space<vmem>>)
    %parallel_loop3A_106 = arith.constant 0 : i32
    %parallel_loop3A_107 = arith.constant 160 : i32
    %parallel_loop3A_108 = arith.constant 1 : i32
    scf.for %parallel_loop3A_142 = %parallel_loop3A_106 to %parallel_loop3A_107 step %parallel_loop3A_108  : i32 {
      %parallel_loop3A_143 = arith.index_cast %parallel_loop3A_142 : i32 to index
      %parallel_loop3A_144 = arith.constant 0 : index
      %parallel_loop3A_145 = tpu.vector_load %arg13[%parallel_loop3A_143, %parallel_loop3A_144] {strides = array<i32>} : memref<160x16xf32, #tpu.memory_space<vmem>>, vector<1x16xf32>,
      %parallel_loop3A_146 = vector.shape_cast %parallel_loop3A_145 : vector<1x16xf32> to vector<16xf32>
      %parallel_loop3A_147 = arith.constant 0 : i32
      %parallel_loop3A_148 = vector.broadcast %parallel_loop3A_147 : i32 to vector<16x1xi32>
      %parallel_loop3A_149 = vector.shape_cast %parallel_loop3A_148 : vector<16x1xi32> to vector<16xi32>
      %parallel_loop3A_150 = tpu.dynamic_gather %parallel_loop3A_146[%parallel_loop3A_149] in [0] : vector<16xf32>, vector<16xi32> -> vector<16xf32>
      %parallel_loop3A_151 = arith.index_cast %parallel_loop3A_142 : i32 to index
      %parallel_loop3A_152 = arith.constant 0 : index
      %parallel_loop3A_153 = tpu.vector_load %arg14[%parallel_loop3A_151, %parallel_loop3A_152] {strides = array<i32>} : memref<160x128xf32, #tpu.memory_space<vmem>>, vector<1x16xf32>,
      %parallel_loop3A_154 = vector.shape_cast %parallel_loop3A_153 : vector<1x16xf32> to vector<16xf32>
      %parallel_loop3A_155 = arith.index_cast %parallel_loop3A_142 : i32 to index
      %parallel_loop3A_156 = arith.constant 0 : index
      %parallel_loop3A_157 = tpu.vector_load %arg15[%parallel_loop3A_155, %parallel_loop3A_156] {strides = array<i32>} : memref<160x128xf32, #tpu.memory_space<vmem>>, vector<1x16xf32>,
      %parallel_loop3A_158 = vector.shape_cast %parallel_loop3A_157 : vector<1x16xf32> to vector<16xf32>
      %parallel_loop3A_159 = arith.addf %parallel_loop3A_154, %parallel_loop3A_158 : vector<16xf32>
      %parallel_loop3A_160 = arith.mulf %parallel_loop3A_159, %parallel_loop3A_150 : vector<16xf32>
      %parallel_loop3A_161 = arith.constant 0 : index
      %parallel_loop3A_162 = tpu.vector_load %arg16[%parallel_loop3A_161] {strides = array<i32>} : memref<128xf32, #tpu.memory_space<vmem>>, vector<16xf32>,
      %parallel_loop3A_163 = vector.shape_cast %parallel_loop3A_162 : vector<16xf32> to vector<16xf32>
      %parallel_loop3A_164 = arith.addf %parallel_loop3A_160, %parallel_loop3A_163 : vector<16xf32>
      %parallel_loop3A_165 = arith.index_cast %parallel_loop3A_142 : i32 to index
      %parallel_loop3A_166 = arith.constant 0 : index
      %parallel_loop3A_167 = tpu.vector_load %arg14[%parallel_loop3A_165, %parallel_loop3A_166] {strides = array<i32>} : memref<160x128xf32, #tpu.memory_space<vmem>>, vector<1x16xf32>,
      %parallel_loop3A_168 = vector.shape_cast %parallel_loop3A_167 : vector<1x16xf32> to vector<16xf32>
      %parallel_loop3A_169 = vector.shape_cast %parallel_loop3A_164 : vector<16xf32> to vector<1x16xf32>
      tpu.vector_store %arg14[%parallel_loop3A_165, %parallel_loop3A_166], %parallel_loop3A_169 {strides = array<i32>} : memref<160x128xf32, #tpu.memory_space<vmem>>, vector<1x16xf32>,
      %parallel_loop3A_170 = arith.constant 1 : i32
      %parallel_loop3A_171 = vector.broadcast %parallel_loop3A_170 : i32 to vector<16x1xi32>
      %parallel_loop3A_172 = vector.shape_cast %parallel_loop3A_171 : vector<16x1xi32> to vector<16xi32>
      %parallel_loop3A_173 = tpu.dynamic_gather %parallel_loop3A_146[%parallel_loop3A_172] in [0] : vector<16xf32>, vector<16xi32> -> vector<16xf32>
      %parallel_loop3A_174 = arith.index_cast %parallel_loop3A_142 : i32 to index
      %parallel_loop3A_175 = arith.constant 16 : index
      %parallel_loop3A_176 = tpu.vector_load %arg14[%parallel_loop3A_174, %parallel_loop3A_175] {strides = array<i32>} : memref<160x128xf32, #tpu.memory_space<vmem>>, vector<1x16xf32>,
      %parallel_loop3A_177 = vector.shape_cast %parallel_loop3A_176 : vector<1x16xf32> to vector<16xf32>
      %parallel_loop3A_178 = arith.index_cast %parallel_loop3A_142 : i32 to index
      %parallel_loop3A_179 = arith.constant 16 : index
      %parallel_loop3A_180 = tpu.vector_load %arg15[%parallel_loop3A_178, %parallel_loop3A_179] {strides = array<i32>} : memref<160x128xf32, #tpu.memory_space<vmem>>, vector<1x16xf32>,
      %parallel_loop3A_181 = vector.shape_cast %parallel_loop3A_180 : vector<1x16xf32> to vector<16xf32>
      %parallel_loop3A_182 = arith.addf %parallel_loop3A_177, %parallel_loop3A_181 : vector<16xf32>
      %parallel_loop3A_183 = arith.mulf %parallel_loop3A_182, %parallel_loop3A_173 : vector<16xf32>
      %parallel_loop3A_184 = arith.constant 16 : index
      %parallel_loop3A_185 = tpu.vector_load %arg16[%parallel_loop3A_184] {strides = array<i32>} : memref<128xf32, #tpu.memory_space<vmem>>, vector<16xf32>,
      %parallel_loop3A_186 = vector.shape_cast %parallel_loop3A_185 : vector<16xf32> to vector<16xf32>
      %parallel_loop3A_187 = arith.addf %parallel_loop3A_183, %parallel_loop3A_186 : vector<16xf32>
      %parallel_loop3A_188 = arith.index_cast %parallel_loop3A_142 : i32 to index
      %parallel_loop3A_189 = arith.constant 16 : index
      %parallel_loop3A_190 = tpu.vector_load %arg14[%parallel_loop3A_188, %parallel_loop3A_189] {strides = array<i32>} : memref<160x128xf32, #tpu.memory_space<vmem>>, vector<1x16xf32>,
      %parallel_loop3A_191 = vector.shape_cast %parallel_loop3A_190 : vector<1x16xf32> to vector<16xf32>
      %parallel_loop3A_192 = vector.shape_cast %parallel_loop3A_187 : vector<16xf32> to vector<1x16xf32>
      tpu.vector_store %arg14[%parallel_loop3A_188, %parallel_loop3A_189], %parallel_loop3A_192 {strides = array<i32>} : memref<160x128xf32, #tpu.memory_space<vmem>>, vector<1x16xf32>,
      %parallel_loop3A_193 = arith.constant 2 : i32
      %parallel_loop3A_194 = vector.broadcast %parallel_loop3A_193 : i32 to vector<16x1xi32>
      %parallel_loop3A_195 = vector.shape_cast %parallel_loop3A_194 : vector<16x1xi32> to vector<16xi32>
      %parallel_loop3A_196 = tpu.dynamic_gather %parallel_loop3A_146[%parallel_loop3A_195] in [0] : vector<16xf32>, vector<16xi32> -> vector<16xf32>
      %parallel_loop3A_197 = arith.index_cast %parallel_loop3A_142 : i32 to index
      %parallel_loop3A_198 = arith.constant 32 : index
      %parallel_loop3A_199 = tpu.vector_load %arg14[%parallel_loop3A_197, %parallel_loop3A_198] {strides = array<i32>} : memref<160x128xf32, #tpu.memory_space<vmem>>, vector<1x16xf32>,
      %parallel_loop3A_200 = vector.shape_cast %parallel_loop3A_199 : vector<1x16xf32> to vector<16xf32>
      %parallel_loop3A_201 = arith.index_cast %parallel_loop3A_142 : i32 to index
      %parallel_loop3A_202 = arith.constant 32 : index
      %parallel_loop3A_203 = tpu.vector_load %arg15[%parallel_loop3A_201, %parallel_loop3A_202] {strides = array<i32>} : memref<160x128xf32, #tpu.memory_space<vmem>>, vector<1x16xf32>,
      %parallel_loop3A_204 = vector.shape_cast %parallel_loop3A_203 : vector<1x16xf32> to vector<16xf32>
      %parallel_loop3A_205 = arith.addf %parallel_loop3A_200, %parallel_loop3A_204 : vector<16xf32>
      %parallel_loop3A_206 = arith.mulf %parallel_loop3A_205, %parallel_loop3A_196 : vector<16xf32>
      %parallel_loop3A_207 = arith.constant 32 : index
      %parallel_loop3A_208 = tpu.vector_load %arg16[%parallel_loop3A_207] {strides = array<i32>} : memref<128xf32, #tpu.memory_space<vmem>>, vector<16xf32>,
      %parallel_loop3A_209 = vector.shape_cast %parallel_loop3A_208 : vector<16xf32> to vector<16xf32>
      %parallel_loop3A_210 = arith.addf %parallel_loop3A_206, %parallel_loop3A_209 : vector<16xf32>
      %parallel_loop3A_211 = arith.index_cast %parallel_loop3A_142 : i32 to index
      %parallel_loop3A_212 = arith.constant 32 : index
      %parallel_loop3A_213 = tpu.vector_load %arg14[%parallel_loop3A_211, %parallel_loop3A_212] {strides = array<i32>} : memref<160x128xf32, #tpu.memory_space<vmem>>, vector<1x16xf32>,
      %parallel_loop3A_214 = vector.shape_cast %parallel_loop3A_213 : vector<1x16xf32> to vector<16xf32>
      %parallel_loop3A_215 = vector.shape_cast %parallel_loop3A_210 : vector<16xf32> to vector<1x16xf32>
      tpu.vector_store %arg14[%parallel_loop3A_211, %parallel_loop3A_212], %parallel_loop3A_215 {strides = array<i32>} : memref<160x128xf32, #tpu.memory_space<vmem>>, vector<1x16xf32>,
      %parallel_loop3A_216 = arith.constant 3 : i32
      %parallel_loop3A_217 = vector.broadcast %parallel_loop3A_216 : i32 to vector<16x1xi32>
      %parallel_loop3A_218 = vector.shape_cast %parallel_loop3A_217 : vector<16x1xi32> to vector<16xi32>
      %parallel_loop3A_219 = tpu.dynamic_gather %parallel_loop3A_146[%parallel_loop3A_218] in [0] : vector<16xf32>, vector<16xi32> -> vector<16xf32>
      %parallel_loop3A_220 = arith.index_cast %parallel_loop3A_142 : i32 to index
      %parallel_loop3A_221 = arith.constant 48 : index
      %parallel_loop3A_222 = tpu.vector_load %arg14[%parallel_loop3A_220, %parallel_loop3A_221] {strides = array<i32>} : memref<160x128xf32, #tpu.memory_space<vmem>>, vector<1x16xf32>,
      %parallel_loop3A_223 = vector.shape_cast %parallel_loop3A_222 : vector<1x16xf32> to vector<16xf32>
      %parallel_loop3A_224 = arith.index_cast %parallel_loop3A_142 : i32 to index
      %parallel_loop3A_225 = arith.constant 48 : index
      %parallel_loop3A_226 = tpu.vector_load %arg15[%parallel_loop3A_224, %parallel_loop3A_225] {strides = array<i32>} : memref<160x128xf32, #tpu.memory_space<vmem>>, vector<1x16xf32>,
      %parallel_loop3A_227 = vector.shape_cast %parallel_loop3A_226 : vector<1x16xf32> to vector<16xf32>
      %parallel_loop3A_228 = arith.addf %parallel_loop3A_223, %parallel_loop3A_227 : vector<16xf32>
      %parallel_loop3A_229 = arith.mulf %parallel_loop3A_228, %parallel_loop3A_219 : vector<16xf32>
      %parallel_loop3A_230 = arith.constant 48 : index
      %parallel_loop3A_231 = tpu.vector_load %arg16[%parallel_loop3A_230] {strides = array<i32>} : memref<128xf32, #tpu.memory_space<vmem>>, vector<16xf32>,
      %parallel_loop3A_232 = vector.shape_cast %parallel_loop3A_231 : vector<16xf32> to vector<16xf32>
      %parallel_loop3A_233 = arith.addf %parallel_loop3A_229, %parallel_loop3A_232 : vector<16xf32>
      %parallel_loop3A_234 = arith.index_cast %parallel_loop3A_142 : i32 to index
      %parallel_loop3A_235 = arith.constant 48 : index
      %parallel_loop3A_236 = tpu.vector_load %arg14[%parallel_loop3A_234, %parallel_loop3A_235] {strides = array<i32>} : memref<160x128xf32, #tpu.memory_space<vmem>>, vector<1x16xf32>,
      %parallel_loop3A_237 = vector.shape_cast %parallel_loop3A_236 : vector<1x16xf32> to vector<16xf32>
      %parallel_loop3A_238 = vector.shape_cast %parallel_loop3A_233 : vector<16xf32> to vector<1x16xf32>
      tpu.vector_store %arg14[%parallel_loop3A_234, %parallel_loop3A_235], %parallel_loop3A_238 {strides = array<i32>} : memref<160x128xf32, #tpu.memory_space<vmem>>, vector<1x16xf32>,
      %parallel_loop3A_239 = arith.constant 4 : i32
      %parallel_loop3A_240 = vector.broadcast %parallel_loop3A_239 : i32 to vector<16x1xi32>
      %parallel_loop3A_241 = vector.shape_cast %parallel_loop3A_240 : vector<16x1xi32> to vector<16xi32>
      %parallel_loop3A_242 = tpu.dynamic_gather %parallel_loop3A_146[%parallel_loop3A_241] in [0] : vector<16xf32>, vector<16xi32> -> vector<16xf32>
      %parallel_loop3A_243 = arith.index_cast %parallel_loop3A_142 : i32 to index
      %parallel_loop3A_244 = arith.constant 64 : index
      %parallel_loop3A_245 = tpu.vector_load %arg14[%parallel_loop3A_243, %parallel_loop3A_244] {strides = array<i32>} : memref<160x128xf32, #tpu.memory_space<vmem>>, vector<1x16xf32>,
      %parallel_loop3A_246 = vector.shape_cast %parallel_loop3A_245 : vector<1x16xf32> to vector<16xf32>
      %parallel_loop3A_247 = arith.index_cast %parallel_loop3A_142 : i32 to index
      %parallel_loop3A_248 = arith.constant 64 : index
      %parallel_loop3A_249 = tpu.vector_load %arg15[%parallel_loop3A_247, %parallel_loop3A_248] {strides = array<i32>} : memref<160x128xf32, #tpu.memory_space<vmem>>, vector<1x16xf32>,
      %parallel_loop3A_250 = vector.shape_cast %parallel_loop3A_249 : vector<1x16xf32> to vector<16xf32>
      %parallel_loop3A_251 = arith.addf %parallel_loop3A_246, %parallel_loop3A_250 : vector<16xf32>
      %parallel_loop3A_252 = arith.mulf %parallel_loop3A_251, %parallel_loop3A_242 : vector<16xf32>
      %parallel_loop3A_253 = arith.constant 64 : index
      %parallel_loop3A_254 = tpu.vector_load %arg16[%parallel_loop3A_253] {strides = array<i32>} : memref<128xf32, #tpu.memory_space<vmem>>, vector<16xf32>,
      %parallel_loop3A_255 = vector.shape_cast %parallel_loop3A_254 : vector<16xf32> to vector<16xf32>
      %parallel_loop3A_256 = arith.addf %parallel_loop3A_252, %parallel_loop3A_255 : vector<16xf32>
      %parallel_loop3A_257 = arith.index_cast %parallel_loop3A_142 : i32 to index
      %parallel_loop3A_258 = arith.constant 64 : index
      %parallel_loop3A_259 = tpu.vector_load %arg14[%parallel_loop3A_257, %parallel_loop3A_258] {strides = array<i32>} : memref<160x128xf32, #tpu.memory_space<vmem>>, vector<1x16xf32>,
      %parallel_loop3A_260 = vector.shape_cast %parallel_loop3A_259 : vector<1x16xf32> to vector<16xf32>
      %parallel_loop3A_261 = vector.shape_cast %parallel_loop3A_256 : vector<16xf32> to vector<1x16xf32>
      tpu.vector_store %arg14[%parallel_loop3A_257, %parallel_loop3A_258], %parallel_loop3A_261 {strides = array<i32>} : memref<160x128xf32, #tpu.memory_space<vmem>>, vector<1x16xf32>,
      %parallel_loop3A_262 = arith.constant 5 : i32
      %parallel_loop3A_263 = vector.broadcast %parallel_loop3A_262 : i32 to vector<16x1xi32>
      %parallel_loop3A_264 = vector.shape_cast %parallel_loop3A_263 : vector<16x1xi32> to vector<16xi32>
      %parallel_loop3A_265 = tpu.dynamic_gather %parallel_loop3A_146[%parallel_loop3A_264] in [0] : vector<16xf32>, vector<16xi32> -> vector<16xf32>
      %parallel_loop3A_266 = arith.index_cast %parallel_loop3A_142 : i32 to index
      %parallel_loop3A_267 = arith.constant 80 : index
      %parallel_loop3A_268 = tpu.vector_load %arg14[%parallel_loop3A_266, %parallel_loop3A_267] {strides = array<i32>} : memref<160x128xf32, #tpu.memory_space<vmem>>, vector<1x16xf32>,
      %parallel_loop3A_269 = vector.shape_cast %parallel_loop3A_268 : vector<1x16xf32> to vector<16xf32>
      %parallel_loop3A_270 = arith.index_cast %parallel_loop3A_142 : i32 to index
      %parallel_loop3A_271 = arith.constant 80 : index
      %parallel_loop3A_272 = tpu.vector_load %arg15[%parallel_loop3A_270, %parallel_loop3A_271] {strides = array<i32>} : memref<160x128xf32, #tpu.memory_space<vmem>>, vector<1x16xf32>,
      %parallel_loop3A_273 = vector.shape_cast %parallel_loop3A_272 : vector<1x16xf32> to vector<16xf32>
      %parallel_loop3A_274 = arith.addf %parallel_loop3A_269, %parallel_loop3A_273 : vector<16xf32>
      %parallel_loop3A_275 = arith.mulf %parallel_loop3A_274, %parallel_loop3A_265 : vector<16xf32>
      %parallel_loop3A_276 = arith.constant 80 : index
      %parallel_loop3A_277 = tpu.vector_load %arg16[%parallel_loop3A_276] {strides = array<i32>} : memref<128xf32, #tpu.memory_space<vmem>>, vector<16xf32>,
      %parallel_loop3A_278 = vector.shape_cast %parallel_loop3A_277 : vector<16xf32> to vector<16xf32>
      %parallel_loop3A_279 = arith.addf %parallel_loop3A_275, %parallel_loop3A_278 : vector<16xf32>
      %parallel_loop3A_280 = arith.index_cast %parallel_loop3A_142 : i32 to index
      %parallel_loop3A_281 = arith.constant 80 : index
      %parallel_loop3A_282 = tpu.vector_load %arg14[%parallel_loop3A_280, %parallel_loop3A_281] {strides = array<i32>} : memref<160x128xf32, #tpu.memory_space<vmem>>, vector<1x16xf32>,
      %parallel_loop3A_283 = vector.shape_cast %parallel_loop3A_282 : vector<1x16xf32> to vector<16xf32>
      %parallel_loop3A_284 = vector.shape_cast %parallel_loop3A_279 : vector<16xf32> to vector<1x16xf32>
      tpu.vector_store %arg14[%parallel_loop3A_280, %parallel_loop3A_281], %parallel_loop3A_284 {strides = array<i32>} : memref<160x128xf32, #tpu.memory_space<vmem>>, vector<1x16xf32>,
      %parallel_loop3A_285 = arith.constant 6 : i32
      %parallel_loop3A_286 = vector.broadcast %parallel_loop3A_285 : i32 to vector<16x1xi32>
      %parallel_loop3A_287 = vector.shape_cast %parallel_loop3A_286 : vector<16x1xi32> to vector<16xi32>
      %parallel_loop3A_288 = tpu.dynamic_gather %parallel_loop3A_146[%parallel_loop3A_287] in [0] : vector<16xf32>, vector<16xi32> -> vector<16xf32>
      %parallel_loop3A_289 = arith.index_cast %parallel_loop3A_142 : i32 to index
      %parallel_loop3A_290 = arith.constant 96 : index
      %parallel_loop3A_291 = tpu.vector_load %arg14[%parallel_loop3A_289, %parallel_loop3A_290] {strides = array<i32>} : memref<160x128xf32, #tpu.memory_space<vmem>>, vector<1x16xf32>,
      %parallel_loop3A_292 = vector.shape_cast %parallel_loop3A_291 : vector<1x16xf32> to vector<16xf32>
      %parallel_loop3A_293 = arith.index_cast %parallel_loop3A_142 : i32 to index
      %parallel_loop3A_294 = arith.constant 96 : index
      %parallel_loop3A_295 = tpu.vector_load %arg15[%parallel_loop3A_293, %parallel_loop3A_294] {strides = array<i32>} : memref<160x128xf32, #tpu.memory_space<vmem>>, vector<1x16xf32>,
      %parallel_loop3A_296 = vector.shape_cast %parallel_loop3A_295 : vector<1x16xf32> to vector<16xf32>
      %parallel_loop3A_297 = arith.addf %parallel_loop3A_292, %parallel_loop3A_296 : vector<16xf32>
      %parallel_loop3A_298 = arith.mulf %parallel_loop3A_297, %parallel_loop3A_288 : vector<16xf32>
      %parallel_loop3A_299 = arith.constant 96 : index
      %parallel_loop3A_300 = tpu.vector_load %arg16[%parallel_loop3A_299] {strides = array<i32>} : memref<128xf32, #tpu.memory_space<vmem>>, vector<16xf32>,
      %parallel_loop3A_301 = vector.shape_cast %parallel_loop3A_300 : vector<16xf32> to vector<16xf32>
      %parallel_loop3A_302 = arith.addf %parallel_loop3A_298, %parallel_loop3A_301 : vector<16xf32>
      %parallel_loop3A_303 = arith.index_cast %parallel_loop3A_142 : i32 to index
      %parallel_loop3A_304 = arith.constant 96 : index
      %parallel_loop3A_305 = tpu.vector_load %arg14[%parallel_loop3A_303, %parallel_loop3A_304] {strides = array<i32>} : memref<160x128xf32, #tpu.memory_space<vmem>>, vector<1x16xf32>,
      %parallel_loop3A_306 = vector.shape_cast %parallel_loop3A_305 : vector<1x16xf32> to vector<16xf32>
      %parallel_loop3A_307 = vector.shape_cast %parallel_loop3A_302 : vector<16xf32> to vector<1x16xf32>
      tpu.vector_store %arg14[%parallel_loop3A_303, %parallel_loop3A_304], %parallel_loop3A_307 {strides = array<i32>} : memref<160x128xf32, #tpu.memory_space<vmem>>, vector<1x16xf32>,
      %parallel_loop3A_308 = arith.constant 7 : i32
      %parallel_loop3A_309 = vector.broadcast %parallel_loop3A_308 : i32 to vector<16x1xi32>
      %parallel_loop3A_310 = vector.shape_cast %parallel_loop3A_309 : vector<16x1xi32> to vector<16xi32>
      %parallel_loop3A_311 = tpu.dynamic_gather %parallel_loop3A_146[%parallel_loop3A_310] in [0] : vector<16xf32>, vector<16xi32> -> vector<16xf32>
      %parallel_loop3A_312 = arith.index_cast %parallel_loop3A_142 : i32 to index
      %parallel_loop3A_313 = arith.constant 112 : index
      %parallel_loop3A_314 = tpu.vector_load %arg14[%parallel_loop3A_312, %parallel_loop3A_313] {strides = array<i32>} : memref<160x128xf32, #tpu.memory_space<vmem>>, vector<1x16xf32>,
      %parallel_loop3A_315 = vector.shape_cast %parallel_loop3A_314 : vector<1x16xf32> to vector<16xf32>
      %parallel_loop3A_316 = arith.index_cast %parallel_loop3A_142 : i32 to index
      %parallel_loop3A_317 = arith.constant 112 : index
      %parallel_loop3A_318 = tpu.vector_load %arg15[%parallel_loop3A_316, %parallel_loop3A_317] {strides = array<i32>} : memref<160x128xf32, #tpu.memory_space<vmem>>, vector<1x16xf32>,
      %parallel_loop3A_319 = vector.shape_cast %parallel_loop3A_318 : vector<1x16xf32> to vector<16xf32>
      %parallel_loop3A_320 = arith.addf %parallel_loop3A_315, %parallel_loop3A_319 : vector<16xf32>
      %parallel_loop3A_321 = arith.mulf %parallel_loop3A_320, %parallel_loop3A_311 : vector<16xf32>
      %parallel_loop3A_322 = arith.constant 112 : index
      %parallel_loop3A_323 = tpu.vector_load %arg16[%parallel_loop3A_322] {strides = array<i32>} : memref<128xf32, #tpu.memory_space<vmem>>, vector<16xf32>,
      %parallel_loop3A_324 = vector.shape_cast %parallel_loop3A_323 : vector<16xf32> to vector<16xf32>
      %parallel_loop3A_325 = arith.addf %parallel_loop3A_321, %parallel_loop3A_324 : vector<16xf32>
      %parallel_loop3A_326 = arith.index_cast %parallel_loop3A_142 : i32 to index
      %parallel_loop3A_327 = arith.constant 112 : index
      %parallel_loop3A_328 = tpu.vector_load %arg14[%parallel_loop3A_326, %parallel_loop3A_327] {strides = array<i32>} : memref<160x128xf32, #tpu.memory_space<vmem>>, vector<1x16xf32>,
      %parallel_loop3A_329 = vector.shape_cast %parallel_loop3A_328 : vector<1x16xf32> to vector<16xf32>
      %parallel_loop3A_330 = vector.shape_cast %parallel_loop3A_325 : vector<16xf32> to vector<1x16xf32>
      tpu.vector_store %arg14[%parallel_loop3A_326, %parallel_loop3A_327], %parallel_loop3A_330 {strides = array<i32>} : memref<160x128xf32, #tpu.memory_space<vmem>>, vector<1x16xf32>,
    } {sc.loop_unroll_factor = 2 : i64, sc.parallel_access}
    "tpu.region"() ({
      %run_scoped3A = tpu.sem_alloc : memref<!tpu.dma_semaphore, #tpu.memory_space<semaphore_mem>>
      %dma_start3A_142 = arith.constant 0 : i32
      %dma_start3A_143 = tpu.memref_slice %arg7[%add3A_77, %dma_start3A_142] : memref<10240x128xf32, #tpu.memory_space<hbm>> -> memref<160x128xf32, #tpu.memory_space<hbm>>
      %dma_start3A_144 = arith.constant 0 : i32
      %dma_start3A_145 = tpu.memref_slice %arg7[%add3A_77, %dma_start3A_144] : memref<10240x128xf32, #tpu.memory_space<hbm>> -> memref<160x128xf32, #tpu.memory_space<hbm>>
      tpu.enqueue_dma source(%arg14 : memref<160x128xf32, #tpu.memory_space<vmem>>) target(%dma_start3A_145 : memref<160x128xf32, #tpu.memory_space<hbm>>) target_semaphore(%run_scoped3A : memref<!tpu.dma_semaphore, #tpu.memory_space<semaphore_mem>>)
      %dma_wait3A_146 = arith.constant 0 : i32
      %dma_wait3A_147 = tpu.memref_slice %arg7[%add3A_77, %dma_wait3A_146] : memref<10240x128xf32, #tpu.memory_space<hbm>> -> memref<160x128xf32, #tpu.memory_space<hbm>>
      %dma_wait3A_148 = arith.constant 0 : i32
      %dma_wait3A_149 = tpu.memref_slice %arg7[%add3A_77, %dma_wait3A_148] : memref<10240x128xf32, #tpu.memory_space<hbm>> -> memref<160x128xf32, #tpu.memory_space<hbm>>
      tpu.wait_dma2 semaphore(%run_scoped3A : memref<!tpu.dma_semaphore, #tpu.memory_space<semaphore_mem>>) src(%arg14 : memref<160x128xf32, #tpu.memory_space<vmem>>) dst(%dma_wait3A_149 : memref<160x128xf32, #tpu.memory_space<hbm>>)
      tpu.yield
    }) : () -> ()
    %mul3A_109 = arith.constant 10528 : i32
    %mul3A_110 = arith.muli %add3A, %mul3A_109 : i32
    %add3A_111 = arith.constant 0 : i32
    %add3A_112 = arith.addi %mul3A_110, %add3A_111 : i32
    "tpu.region"() ({
      %run_scoped3A = tpu.sem_alloc : memref<!tpu.dma_semaphore, #tpu.memory_space<semaphore_mem>>
      %dma_start3A_142 = tpu.memref_slice %arg5[%add3A_112] : memref<336896xi32, #tpu.memory_space<hbm>> -> memref<112xi32, #tpu.memory_space<hbm>>
      %dma_start3A_143 = tpu.memref_slice %arg5[%add3A_112] : memref<336896xi32, #tpu.memory_space<hbm>> -> memref<112xi32, #tpu.memory_space<hbm>>
      tpu.enqueue_dma source(%dma_start3A_143 : memref<112xi32, #tpu.memory_space<hbm>>) target(%arg17 : memref<112xi32, #tpu.memory_space<vmem>>) target_semaphore(%run_scoped3A : memref<!tpu.dma_semaphore, #tpu.memory_space<semaphore_mem>>)
      %dma_wait3A_144 = tpu.memref_slice %arg5[%add3A_112] : memref<336896xi32, #tpu.memory_space<hbm>> -> memref<112xi32, #tpu.memory_space<hbm>>
      %dma_wait3A_145 = tpu.memref_slice %arg5[%add3A_112] : memref<336896xi32, #tpu.memory_space<hbm>> -> memref<112xi32, #tpu.memory_space<hbm>>
      tpu.wait_dma2 semaphore(%run_scoped3A : memref<!tpu.dma_semaphore, #tpu.memory_space<semaphore_mem>>) src(%dma_wait3A_145 : memref<112xi32, #tpu.memory_space<hbm>>) dst(%arg17 : memref<112xi32, #tpu.memory_space<vmem>>)
      tpu.yield
    }) : () -> ()
    %dma_start3A_113 = arith.constant 0 : i32
    %dma_start3A_114 = arith.constant 0 : i32
    %dma_start3A_115 = tpu.memref_slice %arg9[%dma_start3A_113, %dma_start3A_114] : memref<10240x16xf32, #tpu.memory_space<vmem_shared>> -> memref<10240x16xf32, #tpu.memory_space<vmem_shared>>
    tpu.enqueue_indirect_dma source(%dma_start3A_115 : memref<10240x16xf32, #tpu.memory_space<vmem_shared>>) target(%arg19 : memref<112x16xf32, #tpu.memory_space<vmem>>) offsets(%arg17 : memref<112xi32, #tpu.memory_space<vmem>>) semaphore(%arg27 : memref<!tpu.dma_semaphore, #tpu.memory_space<semaphore_mem>>)
    %jit3A = arith.constant 2 : i32
    %div3A = arith.divsi %add3A_112, %jit3A : i32
    %sign3A = arith.constant 0 : i32
    %sign3A_116 = arith.cmpi sgt, %add3A_112, %sign3A : i32
    %sign3A_117 = arith.extui %sign3A_116 : i1 to i32
    %sign3A_118 = arith.constant 0 : i32
    %sign3A_119 = arith.cmpi slt, %add3A_112, %sign3A_118 : i32
    %sign3A_120 = arith.extui %sign3A_119 : i1 to i32
    %sign3A_121 = arith.subi %sign3A_117, %sign3A_120 : i32
    %sign3A_122 = arith.constant 0 : i32
    %sign3A_123 = arith.cmpi sgt, %jit3A, %sign3A_122 : i32
    %sign3A_124 = arith.extui %sign3A_123 : i1 to i32
    %sign3A_125 = arith.constant 0 : i32
    %sign3A_126 = arith.cmpi slt, %jit3A, %sign3A_125 : i32
    %sign3A_127 = arith.extui %sign3A_126 : i1 to i32
    %sign3A_128 = arith.subi %sign3A_124, %sign3A_127 : i32
    %ne3A = arith.cmpi ne, %sign3A_121, %sign3A_128 : i32
    %rem3A = arith.remsi %add3A_112, %jit3A : i32
    %ne3A_129 = arith.constant 0 : i32
    %ne3A_130 = arith.cmpi ne, %rem3A, %ne3A_129 : i32
    %and3A = arith.andi %ne3A, %ne3A_130 : i1
    %sub3A = arith.constant 1 : i32
    %sub3A_131 = arith.subi %div3A, %sub3A : i32
    %select_n3A = arith.select %and3A, %sub3A_131, %div3A : i32
    %dma_start3A_132 = arith.constant 0 : i32
    %dma_start3A_133 = tpu.memref_slice %arg6[%select_n3A, %dma_start3A_132] : memref<168448x16xf32, #tpu.memory_space<hbm>> -> memref<56x16xf32, #tpu.memory_space<hbm>>
    %dma_start3A_134 = arith.constant 0 : i32
    %dma_start3A_135 = tpu.memref_slice %arg6[%select_n3A, %dma_start3A_134] : memref<168448x16xf32, #tpu.memory_space<hbm>> -> memref<56x16xf32, #tpu.memory_space<hbm>>
    tpu.enqueue_dma source(%dma_start3A_135 : memref<56x16xf32, #tpu.memory_space<hbm>>) target(%arg21 : memref<56x16xf32, #tpu.memory_space<vmem>>) target_semaphore(%arg29 : memref<!tpu.dma_semaphore, #tpu.memory_space<semaphore_mem>>)
    %scan3A = arith.constant 0 : i32
    %scan3A_136 = arith.constant 0 : i32
    %scan3A_137 = arith.constant 47 : i32
    %scan3A_138 = arith.addi %scan3A_136, %scan3A_137 : i32
    %scan3A_139 = arith.constant 1 : i32
    %scan3A_140 = scf.for %scan3A_142 = %scan3A_136 to %scan3A_138 step %scan3A_139 iter_args(%scan3A_143 = %scan3A) -> (i32)  : i32 {
      %mul3A_144 = arith.constant 2 : i32
      %mul3A_145 = arith.muli %scan3A_142, %mul3A_144 : i32
      %mul3A_146 = arith.constant 10528 : i32
      %mul3A_147 = arith.muli %add3A, %mul3A_146 : i32
      %mul3A_148 = arith.constant 112 : i32
      %mul3A_149 = arith.muli %mul3A_145, %mul3A_148 : i32
      %add3A_150 = arith.addi %mul3A_147, %mul3A_149 : i32
      %dma_wait3A_151 = arith.constant 0 : i32
      %dma_wait3A_152 = arith.constant 0 : i32
      %dma_wait3A_153 = tpu.memref_slice %arg9[%dma_wait3A_151, %dma_wait3A_152] : memref<10240x16xf32, #tpu.memory_space<vmem_shared>> -> memref<10240x16xf32, #tpu.memory_space<vmem_shared>>
      tpu.wait_indirect_dma semaphore(%arg27 : memref<!tpu.dma_semaphore, #tpu.memory_space<semaphore_mem>>) src(%dma_wait3A_153 : memref<10240x16xf32, #tpu.memory_space<vmem_shared>>) dst(%arg19 : memref<112x16xf32, #tpu.memory_space<vmem>>)
      %jit3A_154 = arith.constant 2 : i32
      %div3A_155 = arith.divsi %add3A_150, %jit3A_154 : i32
      %sign3A_156 = arith.constant 0 : i32
      %sign3A_157 = arith.cmpi sgt, %add3A_150, %sign3A_156 : i32
      %sign3A_158 = arith.extui %sign3A_157 : i1 to i32
      %sign3A_159 = arith.constant 0 : i32
      %sign3A_160 = arith.cmpi slt, %add3A_150, %sign3A_159 : i32
      %sign3A_161 = arith.extui %sign3A_160 : i1 to i32
      %sign3A_162 = arith.subi %sign3A_158, %sign3A_161 : i32
      %sign3A_163 = arith.constant 0 : i32
      %sign3A_164 = arith.cmpi sgt, %jit3A_154, %sign3A_163 : i32
      %sign3A_165 = arith.extui %sign3A_164 : i1 to i32
      %sign3A_166 = arith.constant 0 : i32
      %sign3A_167 = arith.cmpi slt, %jit3A_154, %sign3A_166 : i32
      %sign3A_168 = arith.extui %sign3A_167 : i1 to i32
      %sign3A_169 = arith.subi %sign3A_165, %sign3A_168 : i32
      %ne3A_170 = arith.cmpi ne, %sign3A_162, %sign3A_169 : i32
      %rem3A_171 = arith.remsi %add3A_150, %jit3A_154 : i32
      %ne3A_172 = arith.constant 0 : i32
      %ne3A_173 = arith.cmpi ne, %rem3A_171, %ne3A_172 : i32
      %and3A_174 = arith.andi %ne3A_170, %ne3A_173 : i1
      %sub3A_175 = arith.constant 1 : i32
      %sub3A_176 = arith.subi %div3A_155, %sub3A_175 : i32
      %select_n3A_177 = arith.select %and3A_174, %sub3A_176, %div3A_155 : i32
      %dma_wait3A_178 = arith.constant 0 : i32
      %dma_wait3A_179 = tpu.memref_slice %arg6[%select_n3A_177, %dma_wait3A_178] : memref<168448x16xf32, #tpu.memory_space<hbm>> -> memref<56x16xf32, #tpu.memory_space<hbm>>
      %dma_wait3A_180 = arith.constant 0 : i32
      %dma_wait3A_181 = tpu.memref_slice %arg6[%select_n3A_177, %dma_wait3A_180] : memref<168448x16xf32, #tpu.memory_space<hbm>> -> memref<56x16xf32, #tpu.memory_space<hbm>>
      tpu.wait_dma2 semaphore(%arg29 : memref<!tpu.dma_semaphore, #tpu.memory_space<semaphore_mem>>) src(%dma_wait3A_181 : memref<56x16xf32, #tpu.memory_space<hbm>>) dst(%arg21 : memref<56x16xf32, #tpu.memory_space<vmem>>)
      %add3A_182 = arith.constant 1 : i32
      %add3A_183 = arith.addi %mul3A_145, %add3A_182 : i32
      %mul3A_184 = arith.constant 10528 : i32
      %mul3A_185 = arith.muli %add3A, %mul3A_184 : i32
      %mul3A_186 = arith.constant 112 : i32
      %mul3A_187 = arith.muli %add3A_183, %mul3A_186 : i32
      %add3A_188 = arith.addi %mul3A_185, %mul3A_187 : i32
      "tpu.region"() ({
        %run_scoped3A = tpu.sem_alloc : memref<!tpu.dma_semaphore, #tpu.memory_space<semaphore_mem>>
        %dma_start3A_310 = tpu.memref_slice %arg5[%add3A_188] : memref<336896xi32, #tpu.memory_space<hbm>> -> memref<112xi32, #tpu.memory_space<hbm>>
        %dma_start3A_311 = tpu.memref_slice %arg5[%add3A_188] : memref<336896xi32, #tpu.memory_space<hbm>> -> memref<112xi32, #tpu.memory_space<hbm>>
        tpu.enqueue_dma source(%dma_start3A_311 : memref<112xi32, #tpu.memory_space<hbm>>) target(%arg18 : memref<112xi32, #tpu.memory_space<vmem>>) target_semaphore(%run_scoped3A : memref<!tpu.dma_semaphore, #tpu.memory_space<semaphore_mem>>)
        %dma_wait3A_312 = tpu.memref_slice %arg5[%add3A_188] : memref<336896xi32, #tpu.memory_space<hbm>> -> memref<112xi32, #tpu.memory_space<hbm>>
        %dma_wait3A_313 = tpu.memref_slice %arg5[%add3A_188] : memref<336896xi32, #tpu.memory_space<hbm>> -> memref<112xi32, #tpu.memory_space<hbm>>
        tpu.wait_dma2 semaphore(%run_scoped3A : memref<!tpu.dma_semaphore, #tpu.memory_space<semaphore_mem>>) src(%dma_wait3A_313 : memref<112xi32, #tpu.memory_space<hbm>>) dst(%arg18 : memref<112xi32, #tpu.memory_space<vmem>>)
        tpu.yield
      }) : () -> ()
      %dma_start3A_189 = arith.constant 0 : i32
      %dma_start3A_190 = arith.constant 0 : i32
      %dma_start3A_191 = tpu.memref_slice %arg9[%dma_start3A_189, %dma_start3A_190] : memref<10240x16xf32, #tpu.memory_space<vmem_shared>> -> memref<10240x16xf32, #tpu.memory_space<vmem_shared>>
      tpu.enqueue_indirect_dma source(%dma_start3A_191 : memref<10240x16xf32, #tpu.memory_space<vmem_shared>>) target(%arg20 : memref<112x16xf32, #tpu.memory_space<vmem>>) offsets(%arg18 : memref<112xi32, #tpu.memory_space<vmem>>) semaphore(%arg28 : memref<!tpu.dma_semaphore, #tpu.memory_space<semaphore_mem>>)
      %jit3A_192 = arith.constant 2 : i32
      %div3A_193 = arith.divsi %add3A_188, %jit3A_192 : i32
      %sign3A_194 = arith.constant 0 : i32
      %sign3A_195 = arith.cmpi sgt, %add3A_188, %sign3A_194 : i32
      %sign3A_196 = arith.extui %sign3A_195 : i1 to i32
      %sign3A_197 = arith.constant 0 : i32
      %sign3A_198 = arith.cmpi slt, %add3A_188, %sign3A_197 : i32
      %sign3A_199 = arith.extui %sign3A_198 : i1 to i32
      %sign3A_200 = arith.subi %sign3A_196, %sign3A_199 : i32
      %sign3A_201 = arith.constant 0 : i32
      %sign3A_202 = arith.cmpi sgt, %jit3A_192, %sign3A_201 : i32
      %sign3A_203 = arith.extui %sign3A_202 : i1 to i32
      %sign3A_204 = arith.constant 0 : i32
      %sign3A_205 = arith.cmpi slt, %jit3A_192, %sign3A_204 : i32
      %sign3A_206 = arith.extui %sign3A_205 : i1 to i32
      %sign3A_207 = arith.subi %sign3A_203, %sign3A_206 : i32
      %ne3A_208 = arith.cmpi ne, %sign3A_200, %sign3A_207 : i32
      %rem3A_209 = arith.remsi %add3A_188, %jit3A_192 : i32
      %ne3A_210 = arith.constant 0 : i32
      %ne3A_211 = arith.cmpi ne, %rem3A_209, %ne3A_210 : i32
      %and3A_212 = arith.andi %ne3A_208, %ne3A_211 : i1
      %sub3A_213 = arith.constant 1 : i32
      %sub3A_214 = arith.subi %div3A_193, %sub3A_213 : i32
      %select_n3A_215 = arith.select %and3A_212, %sub3A_214, %div3A_193 : i32
      %dma_start3A_216 = arith.constant 0 : i32
      %dma_start3A_217 = tpu.memref_slice %arg6[%select_n3A_215, %dma_start3A_216] : memref<168448x16xf32, #tpu.memory_space<hbm>> -> memref<56x16xf32, #tpu.memory_space<hbm>>
      %dma_start3A_218 = arith.constant 0 : i32
      %dma_start3A_219 = tpu.memref_slice %arg6[%select_n3A_215, %dma_start3A_218] : memref<168448x16xf32, #tpu.memory_space<hbm>> -> memref<56x16xf32, #tpu.memory_space<hbm>>
      tpu.enqueue_dma source(%dma_start3A_219 : memref<56x16xf32, #tpu.memory_space<hbm>>) target(%arg22 : memref<56x16xf32, #tpu.memory_space<vmem>>) target_semaphore(%arg30 : memref<!tpu.dma_semaphore, #tpu.memory_space<semaphore_mem>>)
      %parallel_loop3A_220 = arith.constant 0 : i32
      %parallel_loop3A_221 = arith.constant 56 : i32
      %parallel_loop3A_222 = arith.constant 1 : i32
      scf.for %parallel_loop3A_310 = %parallel_loop3A_220 to %parallel_loop3A_221 step %parallel_loop3A_222  : i32 {
        %parallel_loop3A_311 = arith.constant 2 : i32
        %parallel_loop3A_312 = arith.muli %parallel_loop3A_311, %parallel_loop3A_310 : i32
        %parallel_loop3A_313 = arith.index_cast %parallel_loop3A_312 : i32 to index
        %parallel_loop3A_314 = arith.constant 0 : index
        %parallel_loop3A_315 = tpu.vector_load %arg19[%parallel_loop3A_313, %parallel_loop3A_314] {strides = array<i32>} : memref<112x16xf32, #tpu.memory_space<vmem>>, vector<1x16xf32>,
        %parallel_loop3A_316 = vector.shape_cast %parallel_loop3A_315 : vector<1x16xf32> to vector<16xf32>
        %parallel_loop3A_317 = arith.constant 2 : i32
        %parallel_loop3A_318 = arith.muli %parallel_loop3A_317, %parallel_loop3A_310 : i32
        %parallel_loop3A_319 = arith.constant 1 : i32
        %parallel_loop3A_320 = arith.addi %parallel_loop3A_318, %parallel_loop3A_319 : i32
        %parallel_loop3A_321 = arith.index_cast %parallel_loop3A_320 : i32 to index
        %parallel_loop3A_322 = arith.constant 0 : index
        %parallel_loop3A_323 = tpu.vector_load %arg19[%parallel_loop3A_321, %parallel_loop3A_322] {strides = array<i32>} : memref<112x16xf32, #tpu.memory_space<vmem>>, vector<1x16xf32>,
        %parallel_loop3A_324 = vector.shape_cast %parallel_loop3A_323 : vector<1x16xf32> to vector<16xf32>
        %parallel_loop3A_325 = arith.select %lt3A_2, %parallel_loop3A_316, %parallel_loop3A_324 : vector<16xi1>, vector<16xf32>
        %parallel_loop3A_326 = arith.index_cast %parallel_loop3A_310 : i32 to index
        %parallel_loop3A_327 = arith.constant 0 : index
        %parallel_loop3A_328 = tpu.vector_load %arg21[%parallel_loop3A_326, %parallel_loop3A_327] {strides = array<i32>} : memref<56x16xf32, #tpu.memory_space<vmem>>, vector<1x16xf32>,
        %parallel_loop3A_329 = vector.shape_cast %parallel_loop3A_328 : vector<1x16xf32> to vector<16xf32>
        %parallel_loop3A_330 = arith.mulf %parallel_loop3A_329, %parallel_loop3A_325 : vector<16xf32>
        %parallel_loop3A_331 = arith.index_cast %parallel_loop3A_310 : i32 to index
        %parallel_loop3A_332 = arith.constant 0 : index
        %parallel_loop3A_333 = tpu.vector_load %arg23[%parallel_loop3A_331, %parallel_loop3A_332] {strides = array<i32>} : memref<56x16xf32, #tpu.memory_space<vmem>>, vector<1x16xf32>,
        %parallel_loop3A_334 = vector.shape_cast %parallel_loop3A_333 : vector<1x16xf32> to vector<16xf32>
        %parallel_loop3A_335 = vector.shape_cast %parallel_loop3A_330 : vector<16xf32> to vector<1x16xf32>
        tpu.vector_store %arg23[%parallel_loop3A_331, %parallel_loop3A_332], %parallel_loop3A_335 {strides = array<i32>} : memref<56x16xf32, #tpu.memory_space<vmem>>, vector<1x16xf32>,
      } {sc.loop_unroll_factor = 4 : i64, sc.parallel_access}
      %jit3A_223 = arith.constant 2 : i32
      %div3A_224 = arith.divsi %add3A_150, %jit3A_223 : i32
      %sign3A_225 = arith.constant 0 : i32
      %sign3A_226 = arith.cmpi sgt, %add3A_150, %sign3A_225 : i32
      %sign3A_227 = arith.extui %sign3A_226 : i1 to i32
      %sign3A_228 = arith.constant 0 : i32
      %sign3A_229 = arith.cmpi slt, %add3A_150, %sign3A_228 : i32
      %sign3A_230 = arith.extui %sign3A_229 : i1 to i32
      %sign3A_231 = arith.subi %sign3A_227, %sign3A_230 : i32
      %sign3A_232 = arith.constant 0 : i32
      %sign3A_233 = arith.cmpi sgt, %jit3A_223, %sign3A_232 : i32
      %sign3A_234 = arith.extui %sign3A_233 : i1 to i32
      %sign3A_235 = arith.constant 0 : i32
      %sign3A_236 = arith.cmpi slt, %jit3A_223, %sign3A_235 : i32
      %sign3A_237 = arith.extui %sign3A_236 : i1 to i32
      %sign3A_238 = arith.subi %sign3A_234, %sign3A_237 : i32
      %ne3A_239 = arith.cmpi ne, %sign3A_231, %sign3A_238 : i32
      %rem3A_240 = arith.remsi %add3A_150, %jit3A_223 : i32
      %ne3A_241 = arith.constant 0 : i32
      %ne3A_242 = arith.cmpi ne, %rem3A_240, %ne3A_241 : i32
      %and3A_243 = arith.andi %ne3A_239, %ne3A_242 : i1
      %sub3A_244 = arith.constant 1 : i32
      %sub3A_245 = arith.subi %div3A_224, %sub3A_244 : i32
      %select_n3A_246 = arith.select %and3A_243, %sub3A_245, %div3A_224 : i32
      %dma_start3A_247 = arith.constant 0 : i32
      %dma_start3A_248 = tpu.memref_slice %arg8[%select_n3A_246, %dma_start3A_247] : memref<168448x16xf32, #tpu.memory_space<hbm>> -> memref<56x16xf32, #tpu.memory_space<hbm>>
      %dma_start3A_249 = arith.constant 0 : i32
      %dma_start3A_250 = tpu.memref_slice %arg8[%select_n3A_246, %dma_start3A_249] : memref<168448x16xf32, #tpu.memory_space<hbm>> -> memref<56x16xf32, #tpu.memory_space<hbm>>
      tpu.enqueue_dma source(%arg23 : memref<56x16xf32, #tpu.memory_space<vmem>>) target(%dma_start3A_250 : memref<56x16xf32, #tpu.memory_space<hbm>>) target_semaphore(%arg31 : memref<!tpu.dma_semaphore, #tpu.memory_space<semaphore_mem>>)
      %add3A_251 = arith.constant 1 : i32
      %add3A_252 = arith.addi %mul3A_145, %add3A_251 : i32
      %mul3A_253 = arith.constant 10528 : i32
      %mul3A_254 = arith.muli %add3A, %mul3A_253 : i32
      %mul3A_255 = arith.constant 112 : i32
      %mul3A_256 = arith.muli %add3A_252, %mul3A_255 : i32
      %add3A_257 = arith.addi %mul3A_254, %mul3A_256 : i32
      %dma_wait3A_258 = arith.constant 0 : i32
      %dma_wait3A_259 = arith.constant 0 : i32
      %dma_wait3A_260 = tpu.memref_slice %arg9[%dma_wait3A_258, %dma_wait3A_259] : memref<10240x16xf32, #tpu.memory_space<vmem_shared>> -> memref<10240x16xf32, #tpu.memory_space<vmem_shared>>
      tpu.wait_indirect_dma semaphore(%arg28 : memref<!tpu.dma_semaphore, #tpu.memory_space<semaphore_mem>>) src(%dma_wait3A_260 : memref<10240x16xf32, #tpu.memory_space<vmem_shared>>) dst(%arg20 : memref<112x16xf32, #tpu.memory_space<vmem>>)
      %dma_wait3A_261 = arith.constant 0 : i32
      %dma_wait3A_262 = tpu.memref_slice %arg6[%select_n3A_215, %dma_wait3A_261] : memref<168448x16xf32, #tpu.memory_space<hbm>> -> memref<56x16xf32, #tpu.memory_space<hbm>>
      %dma_wait3A_263 = arith.constant 0 : i32
      %dma_wait3A_264 = tpu.memref_slice %arg6[%select_n3A_215, %dma_wait3A_263] : memref<168448x16xf32, #tpu.memory_space<hbm>> -> memref<56x16xf32, #tpu.memory_space<hbm>>
      tpu.wait_dma2 semaphore(%arg30 : memref<!tpu.dma_semaphore, #tpu.memory_space<semaphore_mem>>) src(%dma_wait3A_264 : memref<56x16xf32, #tpu.memory_space<hbm>>) dst(%arg22 : memref<56x16xf32, #tpu.memory_space<vmem>>)
      %add3A_265 = arith.constant 2 : i32
      %add3A_266 = arith.addi %mul3A_145, %add3A_265 : i32
      %lt3A_267 = arith.constant 94 : i32
      %lt3A_268 = arith.cmpi slt, %add3A_266, %lt3A_267 : i32
      %convert_element_type3A = arith.extui %lt3A_268 : i1 to i32
      %cond3A = arith.constant 0 : i32
      %cond3A_269 = arith.cmpi ne, %convert_element_type3A, %cond3A : i32
      scf.if %cond3A_269 {
        %add3A_310 = arith.constant 2 : i32
        %add3A_311 = arith.addi %mul3A_145, %add3A_310 : i32
        %mul3A_312 = arith.constant 10528 : i32
        %mul3A_313 = arith.muli %add3A, %mul3A_312 : i32
        %mul3A_314 = arith.constant 112 : i32
        %mul3A_315 = arith.muli %add3A_311, %mul3A_314 : i32
        %add3A_316 = arith.addi %mul3A_313, %mul3A_315 : i32
        "tpu.region"() ({
          %run_scoped3A = tpu.sem_alloc : memref<!tpu.dma_semaphore, #tpu.memory_space<semaphore_mem>>
          %dma_start3A_348 = tpu.memref_slice %arg5[%add3A_316] : memref<336896xi32, #tpu.memory_space<hbm>> -> memref<112xi32, #tpu.memory_space<hbm>>
          %dma_start3A_349 = tpu.memref_slice %arg5[%add3A_316] : memref<336896xi32, #tpu.memory_space<hbm>> -> memref<112xi32, #tpu.memory_space<hbm>>
          tpu.enqueue_dma source(%dma_start3A_349 : memref<112xi32, #tpu.memory_space<hbm>>) target(%arg17 : memref<112xi32, #tpu.memory_space<vmem>>) target_semaphore(%run_scoped3A : memref<!tpu.dma_semaphore, #tpu.memory_space<semaphore_mem>>)
          %dma_wait3A_350 = tpu.memref_slice %arg5[%add3A_316] : memref<336896xi32, #tpu.memory_space<hbm>> -> memref<112xi32, #tpu.memory_space<hbm>>
          %dma_wait3A_351 = tpu.memref_slice %arg5[%add3A_316] : memref<336896xi32, #tpu.memory_space<hbm>> -> memref<112xi32, #tpu.memory_space<hbm>>
          tpu.wait_dma2 semaphore(%run_scoped3A : memref<!tpu.dma_semaphore, #tpu.memory_space<semaphore_mem>>) src(%dma_wait3A_351 : memref<112xi32, #tpu.memory_space<hbm>>) dst(%arg17 : memref<112xi32, #tpu.memory_space<vmem>>)
          tpu.yield
        }) : () -> ()
        %dma_start3A_317 = arith.constant 0 : i32
        %dma_start3A_318 = arith.constant 0 : i32
        %dma_start3A_319 = tpu.memref_slice %arg9[%dma_start3A_317, %dma_start3A_318] : memref<10240x16xf32, #tpu.memory_space<vmem_shared>> -> memref<10240x16xf32, #tpu.memory_space<vmem_shared>>
        tpu.enqueue_indirect_dma source(%dma_start3A_319 : memref<10240x16xf32, #tpu.memory_space<vmem_shared>>) target(%arg19 : memref<112x16xf32, #tpu.memory_space<vmem>>) offsets(%arg17 : memref<112xi32, #tpu.memory_space<vmem>>) semaphore(%arg27 : memref<!tpu.dma_semaphore, #tpu.memory_space<semaphore_mem>>)
        %jit3A_320 = arith.constant 2 : i32
        %div3A_321 = arith.divsi %add3A_316, %jit3A_320 : i32
        %sign3A_322 = arith.constant 0 : i32
        %sign3A_323 = arith.cmpi sgt, %add3A_316, %sign3A_322 : i32
        %sign3A_324 = arith.extui %sign3A_323 : i1 to i32
        %sign3A_325 = arith.constant 0 : i32
        %sign3A_326 = arith.cmpi slt, %add3A_316, %sign3A_325 : i32
        %sign3A_327 = arith.extui %sign3A_326 : i1 to i32
        %sign3A_328 = arith.subi %sign3A_324, %sign3A_327 : i32
        %sign3A_329 = arith.constant 0 : i32
        %sign3A_330 = arith.cmpi sgt, %jit3A_320, %sign3A_329 : i32
        %sign3A_331 = arith.extui %sign3A_330 : i1 to i32
        %sign3A_332 = arith.constant 0 : i32
        %sign3A_333 = arith.cmpi slt, %jit3A_320, %sign3A_332 : i32
        %sign3A_334 = arith.extui %sign3A_333 : i1 to i32
        %sign3A_335 = arith.subi %sign3A_331, %sign3A_334 : i32
        %ne3A_336 = arith.cmpi ne, %sign3A_328, %sign3A_335 : i32
        %rem3A_337 = arith.remsi %add3A_316, %jit3A_320 : i32
        %ne3A_338 = arith.constant 0 : i32
        %ne3A_339 = arith.cmpi ne, %rem3A_337, %ne3A_338 : i32
        %and3A_340 = arith.andi %ne3A_336, %ne3A_339 : i1
        %sub3A_341 = arith.constant 1 : i32
        %sub3A_342 = arith.subi %div3A_321, %sub3A_341 : i32
        %select_n3A_343 = arith.select %and3A_340, %sub3A_342, %div3A_321 : i32
        %dma_start3A_344 = arith.constant 0 : i32
        %dma_start3A_345 = tpu.memref_slice %arg6[%select_n3A_343, %dma_start3A_344] : memref<168448x16xf32, #tpu.memory_space<hbm>> -> memref<56x16xf32, #tpu.memory_space<hbm>>
        %dma_start3A_346 = arith.constant 0 : i32
        %dma_start3A_347 = tpu.memref_slice %arg6[%select_n3A_343, %dma_start3A_346] : memref<168448x16xf32, #tpu.memory_space<hbm>> -> memref<56x16xf32, #tpu.memory_space<hbm>>
        tpu.enqueue_dma source(%dma_start3A_347 : memref<56x16xf32, #tpu.memory_space<hbm>>) target(%arg21 : memref<56x16xf32, #tpu.memory_space<vmem>>) target_semaphore(%arg29 : memref<!tpu.dma_semaphore, #tpu.memory_space<semaphore_mem>>)
      } else {
      }
      %parallel_loop3A_270 = arith.constant 0 : i32
      %parallel_loop3A_271 = arith.constant 56 : i32
      %parallel_loop3A_272 = arith.constant 1 : i32
      scf.for %parallel_loop3A_310 = %parallel_loop3A_270 to %parallel_loop3A_271 step %parallel_loop3A_272  : i32 {
        %parallel_loop3A_311 = arith.constant 2 : i32
        %parallel_loop3A_312 = arith.muli %parallel_loop3A_311, %parallel_loop3A_310 : i32
        %parallel_loop3A_313 = arith.index_cast %parallel_loop3A_312 : i32 to index
        %parallel_loop3A_314 = arith.constant 0 : index
        %parallel_loop3A_315 = tpu.vector_load %arg20[%parallel_loop3A_313, %parallel_loop3A_314] {strides = array<i32>} : memref<112x16xf32, #tpu.memory_space<vmem>>, vector<1x16xf32>,
        %parallel_loop3A_316 = vector.shape_cast %parallel_loop3A_315 : vector<1x16xf32> to vector<16xf32>
        %parallel_loop3A_317 = arith.constant 2 : i32
        %parallel_loop3A_318 = arith.muli %parallel_loop3A_317, %parallel_loop3A_310 : i32
        %parallel_loop3A_319 = arith.constant 1 : i32
        %parallel_loop3A_320 = arith.addi %parallel_loop3A_318, %parallel_loop3A_319 : i32
        %parallel_loop3A_321 = arith.index_cast %parallel_loop3A_320 : i32 to index
        %parallel_loop3A_322 = arith.constant 0 : index
        %parallel_loop3A_323 = tpu.vector_load %arg20[%parallel_loop3A_321, %parallel_loop3A_322] {strides = array<i32>} : memref<112x16xf32, #tpu.memory_space<vmem>>, vector<1x16xf32>,
        %parallel_loop3A_324 = vector.shape_cast %parallel_loop3A_323 : vector<1x16xf32> to vector<16xf32>
        %parallel_loop3A_325 = arith.select %lt3A_2, %parallel_loop3A_316, %parallel_loop3A_324 : vector<16xi1>, vector<16xf32>
        %parallel_loop3A_326 = arith.index_cast %parallel_loop3A_310 : i32 to index
        %parallel_loop3A_327 = arith.constant 0 : index
        %parallel_loop3A_328 = tpu.vector_load %arg22[%parallel_loop3A_326, %parallel_loop3A_327] {strides = array<i32>} : memref<56x16xf32, #tpu.memory_space<vmem>>, vector<1x16xf32>,
        %parallel_loop3A_329 = vector.shape_cast %parallel_loop3A_328 : vector<1x16xf32> to vector<16xf32>
        %parallel_loop3A_330 = arith.mulf %parallel_loop3A_329, %parallel_loop3A_325 : vector<16xf32>
        %parallel_loop3A_331 = arith.index_cast %parallel_loop3A_310 : i32 to index
        %parallel_loop3A_332 = arith.constant 0 : index
        %parallel_loop3A_333 = tpu.vector_load %arg24[%parallel_loop3A_331, %parallel_loop3A_332] {strides = array<i32>} : memref<56x16xf32, #tpu.memory_space<vmem>>, vector<1x16xf32>,
        %parallel_loop3A_334 = vector.shape_cast %parallel_loop3A_333 : vector<1x16xf32> to vector<16xf32>
        %parallel_loop3A_335 = vector.shape_cast %parallel_loop3A_330 : vector<16xf32> to vector<1x16xf32>
        tpu.vector_store %arg24[%parallel_loop3A_331, %parallel_loop3A_332], %parallel_loop3A_335 {strides = array<i32>} : memref<56x16xf32, #tpu.memory_space<vmem>>, vector<1x16xf32>,
      } {sc.loop_unroll_factor = 4 : i64, sc.parallel_access}
      %jit3A_273 = arith.constant 2 : i32
      %div3A_274 = arith.divsi %add3A_257, %jit3A_273 : i32
      %sign3A_275 = arith.constant 0 : i32
      %sign3A_276 = arith.cmpi sgt, %add3A_257, %sign3A_275 : i32
      %sign3A_277 = arith.extui %sign3A_276 : i1 to i32
      %sign3A_278 = arith.constant 0 : i32
      %sign3A_279 = arith.cmpi slt, %add3A_257, %sign3A_278 : i32
      %sign3A_280 = arith.extui %sign3A_279 : i1 to i32
      %sign3A_281 = arith.subi %sign3A_277, %sign3A_280 : i32
      %sign3A_282 = arith.constant 0 : i32
      %sign3A_283 = arith.cmpi sgt, %jit3A_273, %sign3A_282 : i32
      %sign3A_284 = arith.extui %sign3A_283 : i1 to i32
      %sign3A_285 = arith.constant 0 : i32
      %sign3A_286 = arith.cmpi slt, %jit3A_273, %sign3A_285 : i32
      %sign3A_287 = arith.extui %sign3A_286 : i1 to i32
      %sign3A_288 = arith.subi %sign3A_284, %sign3A_287 : i32
      %ne3A_289 = arith.cmpi ne, %sign3A_281, %sign3A_288 : i32
      %rem3A_290 = arith.remsi %add3A_257, %jit3A_273 : i32
      %ne3A_291 = arith.constant 0 : i32
      %ne3A_292 = arith.cmpi ne, %rem3A_290, %ne3A_291 : i32
      %and3A_293 = arith.andi %ne3A_289, %ne3A_292 : i1
      %sub3A_294 = arith.constant 1 : i32
      %sub3A_295 = arith.subi %div3A_274, %sub3A_294 : i32
      %select_n3A_296 = arith.select %and3A_293, %sub3A_295, %div3A_274 : i32
      %dma_start3A_297 = arith.constant 0 : i32
      %dma_start3A_298 = tpu.memref_slice %arg8[%select_n3A_296, %dma_start3A_297] : memref<168448x16xf32, #tpu.memory_space<hbm>> -> memref<56x16xf32, #tpu.memory_space<hbm>>
      %dma_start3A_299 = arith.constant 0 : i32
      %dma_start3A_300 = tpu.memref_slice %arg8[%select_n3A_296, %dma_start3A_299] : memref<168448x16xf32, #tpu.memory_space<hbm>> -> memref<56x16xf32, #tpu.memory_space<hbm>>
      tpu.enqueue_dma source(%arg24 : memref<56x16xf32, #tpu.memory_space<vmem>>) target(%dma_start3A_300 : memref<56x16xf32, #tpu.memory_space<hbm>>) target_semaphore(%arg32 : memref<!tpu.dma_semaphore, #tpu.memory_space<semaphore_mem>>)
      %dma_wait3A_301 = arith.constant 0 : i32
      %dma_wait3A_302 = tpu.memref_slice %arg8[%select_n3A_246, %dma_wait3A_301] : memref<168448x16xf32, #tpu.memory_space<hbm>> -> memref<56x16xf32, #tpu.memory_space<hbm>>
      %dma_wait3A_303 = arith.constant 0 : i32
      %dma_wait3A_304 = tpu.memref_slice %arg8[%select_n3A_246, %dma_wait3A_303] : memref<168448x16xf32, #tpu.memory_space<hbm>> -> memref<56x16xf32, #tpu.memory_space<hbm>>
      tpu.wait_dma2 semaphore(%arg31 : memref<!tpu.dma_semaphore, #tpu.memory_space<semaphore_mem>>) src(%arg23 : memref<56x16xf32, #tpu.memory_space<vmem>>) dst(%dma_wait3A_304 : memref<56x16xf32, #tpu.memory_space<hbm>>)
      %dma_wait3A_305 = arith.constant 0 : i32
      %dma_wait3A_306 = tpu.memref_slice %arg8[%select_n3A_296, %dma_wait3A_305] : memref<168448x16xf32, #tpu.memory_space<hbm>> -> memref<56x16xf32, #tpu.memory_space<hbm>>
      %dma_wait3A_307 = arith.constant 0 : i32
      %dma_wait3A_308 = tpu.memref_slice %arg8[%select_n3A_296, %dma_wait3A_307] : memref<168448x16xf32, #tpu.memory_space<hbm>> -> memref<56x16xf32, #tpu.memory_space<hbm>>
      tpu.wait_dma2 semaphore(%arg32 : memref<!tpu.dma_semaphore, #tpu.memory_space<semaphore_mem>>) src(%arg24 : memref<56x16xf32, #tpu.memory_space<vmem>>) dst(%dma_wait3A_308 : memref<56x16xf32, #tpu.memory_space<hbm>>)
      %scan3A_309 = arith.constant 0 : i32
      scf.yield %scan3A_309 : i32
    }
    %scan3A_141 = arith.constant 47 : i32
    return
  }
}

#map = affine_map<(d0, d1) -> (0)>
#map1 = affine_map<(d0, d1) -> (0, 0)>
#map2 = affine_map<(d0, d1) -> (0, 0, 0)>
module attributes {stable_mosaic.version = 14 : i64} {
  func.func @body(%arg0: i32, %arg1: i32, %arg2: memref<336896xi32, #tpu.memory_space<hbm>>, %arg3: memref<336896xi32, #tpu.memory_space<hbm>>, %arg4: memref<10240x16xf32, #tpu.memory_space<hbm>>, %arg5: memref<10240x16xf32, #tpu.memory_space<hbm>>, %arg6: memref<10240x128xf32, #tpu.memory_space<hbm>>, %arg7: memref<16xf32, #tpu.memory_space<hbm>>, %arg8: memref<10240x128xf32, #tpu.memory_space<hbm>>, %arg9: memref<10240x16xf32, #tpu.memory_space<hbm>>, %arg10: memref<168448x16xf32, #tpu.memory_space<hbm>>, %arg11: memref<2x10240x128xf32, #tpu.memory_space<hbm>>, %arg12: memref<2x10240x16xf32, #tpu.memory_space<hbm>>, %arg13: memref<10240x128xf32, #tpu.memory_space<vmem_shared>>, %arg14: memref<10240x16xf32, #tpu.memory_space<vmem_shared>>, %arg15: memref<112xi32, #tpu.memory_space<vmem>>, %arg16: memref<112xi32, #tpu.memory_space<vmem>>, %arg17: memref<112xi32, #tpu.memory_space<vmem>>, %arg18: memref<112xi32, #tpu.memory_space<vmem>>, %arg19: memref<112x16xf32, #tpu.memory_space<vmem>>, %arg20: memref<112x16xf32, #tpu.memory_space<vmem>>, %arg21: memref<112x128xf32, #tpu.memory_space<vmem>>, %arg22: memref<112x128xf32, #tpu.memory_space<vmem>>, %arg23: memref<112x16xf32, #tpu.memory_space<vmem>>, %arg24: memref<56x16xf32, #tpu.memory_space<vmem>>, %arg25: memref<16xf32, #tpu.memory_space<vmem>>, %arg26: memref<!tpu.dma_semaphore, #tpu.memory_space<semaphore_mem>>, %arg27: memref<!tpu.dma_semaphore, #tpu.memory_space<semaphore_mem>>, %arg28: memref<!tpu.dma_semaphore, #tpu.memory_space<semaphore_mem>>, %arg29: memref<!tpu.dma_semaphore, #tpu.memory_space<semaphore_mem>>, %arg30: memref<!tpu.dma_semaphore, #tpu.memory_space<semaphore_mem>>) attributes {dimension_semantics = [#tpu.dimension_semantics<core_parallel>, #tpu.dimension_semantics<subcore_parallel>], iteration_bounds = array<i64: 2, 16>, scalar_prefetch = 0 : i64, scratch_operands = 18 : i64, tpu.core_type = #tpu.core_type<sc_vector_subcore>, window_params = [{transform_indices = #map}, {transform_indices = #map}, {transform_indices = #map1}, {transform_indices = #map1}, {transform_indices = #map1}, {transform_indices = #map}, {transform_indices = #map1}, {transform_indices = #map1}, {transform_indices = #map1}, {transform_indices = #map2}, {transform_indices = #map2}]} {
    %mul3A = arith.constant 16 : i32
    %mul3A_0 = arith.muli %arg0, %mul3A : i32
    %add3A = arith.addi %mul3A_0, %arg1 : i32
    %mul3A_1 = arith.constant 640 : i32
    %mul3A_2 = arith.muli %arg1, %mul3A_1 : i32
    "tpu.region"() ({
      %run_scoped3A = tpu.sem_alloc : memref<!tpu.dma_semaphore, #tpu.memory_space<semaphore_mem>>
      %dma_start3A_26 = arith.constant 0 : i32
      %dma_start3A_27 = tpu.memref_slice %arg13[%mul3A_2, %dma_start3A_26] : memref<10240x128xf32, #tpu.memory_space<vmem_shared>> -> memref<640x128xf32, #tpu.memory_space<vmem_shared>>
      %dma_start3A_28 = arith.constant 0 : i32
      %dma_start3A_29 = tpu.memref_slice %arg8[%mul3A_2, %dma_start3A_28] : memref<10240x128xf32, #tpu.memory_space<hbm>> -> memref<640x128xf32, #tpu.memory_space<hbm>>
      tpu.enqueue_dma source(%dma_start3A_29 : memref<640x128xf32, #tpu.memory_space<hbm>>) target(%dma_start3A_27 : memref<640x128xf32, #tpu.memory_space<vmem_shared>>) target_semaphore(%run_scoped3A : memref<!tpu.dma_semaphore, #tpu.memory_space<semaphore_mem>>)
      %dma_wait3A = arith.constant 0 : i32
      %dma_wait3A_30 = tpu.memref_slice %arg13[%mul3A_2, %dma_wait3A] : memref<10240x128xf32, #tpu.memory_space<vmem_shared>> -> memref<640x128xf32, #tpu.memory_space<vmem_shared>>
      %dma_wait3A_31 = arith.constant 0 : i32
      %dma_wait3A_32 = tpu.memref_slice %arg8[%mul3A_2, %dma_wait3A_31] : memref<10240x128xf32, #tpu.memory_space<hbm>> -> memref<640x128xf32, #tpu.memory_space<hbm>>
      tpu.wait_dma2 semaphore(%run_scoped3A : memref<!tpu.dma_semaphore, #tpu.memory_space<semaphore_mem>>) src(%dma_wait3A_32 : memref<640x128xf32, #tpu.memory_space<hbm>>) dst(%dma_wait3A_30 : memref<640x128xf32, #tpu.memory_space<vmem_shared>>)
      tpu.yield
    }) : () -> ()
    "tpu.region"() ({
      %run_scoped3A = tpu.sem_alloc : memref<!tpu.dma_semaphore, #tpu.memory_space<semaphore_mem>>
      %dma_start3A_26 = arith.constant 0 : i32
      %dma_start3A_27 = tpu.memref_slice %arg14[%mul3A_2, %dma_start3A_26] : memref<10240x16xf32, #tpu.memory_space<vmem_shared>> -> memref<640x16xf32, #tpu.memory_space<vmem_shared>>
      %dma_start3A_28 = arith.constant 0 : i32
      %dma_start3A_29 = tpu.memref_slice %arg9[%mul3A_2, %dma_start3A_28] : memref<10240x16xf32, #tpu.memory_space<hbm>> -> memref<640x16xf32, #tpu.memory_space<hbm>>
      tpu.enqueue_dma source(%dma_start3A_29 : memref<640x16xf32, #tpu.memory_space<hbm>>) target(%dma_start3A_27 : memref<640x16xf32, #tpu.memory_space<vmem_shared>>) target_semaphore(%run_scoped3A : memref<!tpu.dma_semaphore, #tpu.memory_space<semaphore_mem>>)
      %dma_wait3A = arith.constant 0 : i32
      %dma_wait3A_30 = tpu.memref_slice %arg14[%mul3A_2, %dma_wait3A] : memref<10240x16xf32, #tpu.memory_space<vmem_shared>> -> memref<640x16xf32, #tpu.memory_space<vmem_shared>>
      %dma_wait3A_31 = arith.constant 0 : i32
      %dma_wait3A_32 = tpu.memref_slice %arg9[%mul3A_2, %dma_wait3A_31] : memref<10240x16xf32, #tpu.memory_space<hbm>> -> memref<640x16xf32, #tpu.memory_space<hbm>>
      tpu.wait_dma2 semaphore(%run_scoped3A : memref<!tpu.dma_semaphore, #tpu.memory_space<semaphore_mem>>) src(%dma_wait3A_32 : memref<640x16xf32, #tpu.memory_space<hbm>>) dst(%dma_wait3A_30 : memref<640x16xf32, #tpu.memory_space<vmem_shared>>)
      tpu.yield
    }) : () -> ()
    "tpu.region"() ({
      %run_scoped3A = tpu.sem_alloc : memref<!tpu.dma_semaphore, #tpu.memory_space<semaphore_mem>>
      tpu.enqueue_dma source(%arg7 : memref<16xf32, #tpu.memory_space<hbm>>) target(%arg25 : memref<16xf32, #tpu.memory_space<vmem>>) target_semaphore(%run_scoped3A : memref<!tpu.dma_semaphore, #tpu.memory_space<semaphore_mem>>)
      tpu.wait_dma2 semaphore(%run_scoped3A : memref<!tpu.dma_semaphore, #tpu.memory_space<semaphore_mem>>) src(%arg7 : memref<16xf32, #tpu.memory_space<hbm>>) dst(%arg25 : memref<16xf32, #tpu.memory_space<vmem>>)
      tpu.yield
    }) : () -> ()
    %barrier3A = arith.constant 0 : index
    tpu.barrier barrier_id(%barrier3A)
    %get3A = arith.constant 0 : index
    %get3A_3 = tpu.vector_load %arg25[%get3A] {strides = array<i32>} : memref<16xf32, #tpu.memory_space<vmem>>, vector<16xf32>,
    %get3A_4 = vector.shape_cast %get3A_3 : vector<16xf32> to vector<16xf32>
    %iota3A = tpu.iota {dimensions = array<i32: 0>} : vector<16xi32>
    %lt3A = arith.constant 8 : i32
    %lt3A_5 = vector.broadcast %lt3A : i32 to vector<16xi32>
    %lt3A_6 = arith.cmpi slt, %iota3A, %lt3A_5 : vector<16xi32>
    %mul3A_7 = arith.constant 10528 : i32
    %mul3A_8 = arith.muli %add3A, %mul3A_7 : i32
    %add3A_9 = arith.constant 0 : i32
    %add3A_10 = arith.addi %mul3A_8, %add3A_9 : i32
    "tpu.region"() ({
      %run_scoped3A = tpu.sem_alloc : memref<!tpu.dma_semaphore, #tpu.memory_space<semaphore_mem>>
      %dma_start3A_26 = tpu.memref_slice %arg2[%add3A_10] : memref<336896xi32, #tpu.memory_space<hbm>> -> memref<112xi32, #tpu.memory_space<hbm>>
      %dma_start3A_27 = tpu.memref_slice %arg2[%add3A_10] : memref<336896xi32, #tpu.memory_space<hbm>> -> memref<112xi32, #tpu.memory_space<hbm>>
      tpu.enqueue_dma source(%dma_start3A_27 : memref<112xi32, #tpu.memory_space<hbm>>) target(%arg15 : memref<112xi32, #tpu.memory_space<vmem>>) target_semaphore(%run_scoped3A : memref<!tpu.dma_semaphore, #tpu.memory_space<semaphore_mem>>)
      %dma_wait3A = tpu.memref_slice %arg2[%add3A_10] : memref<336896xi32, #tpu.memory_space<hbm>> -> memref<112xi32, #tpu.memory_space<hbm>>
      %dma_wait3A_28 = tpu.memref_slice %arg2[%add3A_10] : memref<336896xi32, #tpu.memory_space<hbm>> -> memref<112xi32, #tpu.memory_space<hbm>>
      tpu.wait_dma2 semaphore(%run_scoped3A : memref<!tpu.dma_semaphore, #tpu.memory_space<semaphore_mem>>) src(%dma_wait3A_28 : memref<112xi32, #tpu.memory_space<hbm>>) dst(%arg15 : memref<112xi32, #tpu.memory_space<vmem>>)
      tpu.yield
    }) : () -> ()
    "tpu.region"() ({
      %run_scoped3A = tpu.sem_alloc : memref<!tpu.dma_semaphore, #tpu.memory_space<semaphore_mem>>
      %dma_start3A_26 = tpu.memref_slice %arg3[%add3A_10] : memref<336896xi32, #tpu.memory_space<hbm>> -> memref<112xi32, #tpu.memory_space<hbm>>
      %dma_start3A_27 = tpu.memref_slice %arg3[%add3A_10] : memref<336896xi32, #tpu.memory_space<hbm>> -> memref<112xi32, #tpu.memory_space<hbm>>
      tpu.enqueue_dma source(%dma_start3A_27 : memref<112xi32, #tpu.memory_space<hbm>>) target(%arg17 : memref<112xi32, #tpu.memory_space<vmem>>) target_semaphore(%run_scoped3A : memref<!tpu.dma_semaphore, #tpu.memory_space<semaphore_mem>>)
      %dma_wait3A = tpu.memref_slice %arg3[%add3A_10] : memref<336896xi32, #tpu.memory_space<hbm>> -> memref<112xi32, #tpu.memory_space<hbm>>
      %dma_wait3A_28 = tpu.memref_slice %arg3[%add3A_10] : memref<336896xi32, #tpu.memory_space<hbm>> -> memref<112xi32, #tpu.memory_space<hbm>>
      tpu.wait_dma2 semaphore(%run_scoped3A : memref<!tpu.dma_semaphore, #tpu.memory_space<semaphore_mem>>) src(%dma_wait3A_28 : memref<112xi32, #tpu.memory_space<hbm>>) dst(%arg17 : memref<112xi32, #tpu.memory_space<vmem>>)
      tpu.yield
    }) : () -> ()
    %dma_start3A = arith.constant 0 : i32
    %dma_start3A_11 = arith.constant 0 : i32
    %dma_start3A_12 = tpu.memref_slice %arg4[%dma_start3A, %dma_start3A_11] : memref<10240x16xf32, #tpu.memory_space<hbm>> -> memref<10240x16xf32, #tpu.memory_space<hbm>>
    tpu.enqueue_indirect_dma source(%dma_start3A_12 : memref<10240x16xf32, #tpu.memory_space<hbm>>) target(%arg19 : memref<112x16xf32, #tpu.memory_space<vmem>>) offsets(%arg15 : memref<112xi32, #tpu.memory_space<vmem>>) semaphore(%arg26 : memref<!tpu.dma_semaphore, #tpu.memory_space<semaphore_mem>>)
    %dma_start3A_13 = arith.constant 0 : i32
    %dma_start3A_14 = arith.constant 0 : i32
    %dma_start3A_15 = tpu.memref_slice %arg5[%dma_start3A_13, %dma_start3A_14] : memref<10240x16xf32, #tpu.memory_space<hbm>> -> memref<10240x16xf32, #tpu.memory_space<hbm>>
    tpu.enqueue_indirect_dma source(%dma_start3A_15 : memref<10240x16xf32, #tpu.memory_space<hbm>>) target(%arg20 : memref<112x16xf32, #tpu.memory_space<vmem>>) offsets(%arg17 : memref<112xi32, #tpu.memory_space<vmem>>) semaphore(%arg27 : memref<!tpu.dma_semaphore, #tpu.memory_space<semaphore_mem>>)
    %dma_start3A_16 = arith.constant 0 : i32
    %dma_start3A_17 = arith.constant 0 : i32
    %dma_start3A_18 = tpu.memref_slice %arg6[%dma_start3A_16, %dma_start3A_17] : memref<10240x128xf32, #tpu.memory_space<hbm>> -> memref<10240x128xf32, #tpu.memory_space<hbm>>
    tpu.enqueue_indirect_dma source(%dma_start3A_18 : memref<10240x128xf32, #tpu.memory_space<hbm>>) target(%arg21 : memref<112x128xf32, #tpu.memory_space<vmem>>) offsets(%arg15 : memref<112xi32, #tpu.memory_space<vmem>>) semaphore(%arg28 : memref<!tpu.dma_semaphore, #tpu.memory_space<semaphore_mem>>)
    %scan3A = arith.constant 0 : i32
    %scan3A_19 = arith.constant 0 : i32
    %scan3A_20 = arith.constant 47 : i32
    %scan3A_21 = arith.addi %scan3A_19, %scan3A_20 : i32
    %scan3A_22 = arith.constant 1 : i32
    %scan3A_23 = scf.for %scan3A_26 = %scan3A_19 to %scan3A_21 step %scan3A_22 iter_args(%scan3A_27 = %scan3A) -> (i32)  : i32 {
      %mul3A_28 = arith.constant 2 : i32
      %mul3A_29 = arith.muli %scan3A_26, %mul3A_28 : i32
      %mul3A_30 = arith.constant 10528 : i32
      %mul3A_31 = arith.muli %add3A, %mul3A_30 : i32
      %mul3A_32 = arith.constant 112 : i32
      %mul3A_33 = arith.muli %mul3A_29, %mul3A_32 : i32
      %add3A_34 = arith.addi %mul3A_31, %mul3A_33 : i32
      %dma_wait3A = arith.constant 0 : i32
      %dma_wait3A_35 = arith.constant 0 : i32
      %dma_wait3A_36 = tpu.memref_slice %arg4[%dma_wait3A, %dma_wait3A_35] : memref<10240x16xf32, #tpu.memory_space<hbm>> -> memref<10240x16xf32, #tpu.memory_space<hbm>>
      tpu.wait_indirect_dma semaphore(%arg26 : memref<!tpu.dma_semaphore, #tpu.memory_space<semaphore_mem>>) src(%dma_wait3A_36 : memref<10240x16xf32, #tpu.memory_space<hbm>>) dst(%arg19 : memref<112x16xf32, #tpu.memory_space<vmem>>)
      %dma_wait3A_37 = arith.constant 0 : i32
      %dma_wait3A_38 = arith.constant 0 : i32
      %dma_wait3A_39 = tpu.memref_slice %arg5[%dma_wait3A_37, %dma_wait3A_38] : memref<10240x16xf32, #tpu.memory_space<hbm>> -> memref<10240x16xf32, #tpu.memory_space<hbm>>
      tpu.wait_indirect_dma semaphore(%arg27 : memref<!tpu.dma_semaphore, #tpu.memory_space<semaphore_mem>>) src(%dma_wait3A_39 : memref<10240x16xf32, #tpu.memory_space<hbm>>) dst(%arg20 : memref<112x16xf32, #tpu.memory_space<vmem>>)
      %parallel_loop3A = arith.constant 0 : i32
      %parallel_loop3A_40 = arith.constant 112 : i32
      %parallel_loop3A_41 = arith.constant 1 : i32
      scf.for %parallel_loop3A_154 = %parallel_loop3A to %parallel_loop3A_40 step %parallel_loop3A_41  : i32 {
        %parallel_loop3A_155 = arith.index_cast %parallel_loop3A_154 : i32 to index
        %parallel_loop3A_156 = arith.constant 0 : index
        %parallel_loop3A_157 = tpu.vector_load %arg19[%parallel_loop3A_155, %parallel_loop3A_156] {strides = array<i32>} : memref<112x16xf32, #tpu.memory_space<vmem>>, vector<1x16xf32>,
        %parallel_loop3A_158 = vector.shape_cast %parallel_loop3A_157 : vector<1x16xf32> to vector<16xf32>
        %parallel_loop3A_159 = arith.index_cast %parallel_loop3A_154 : i32 to index
        %parallel_loop3A_160 = arith.constant 0 : index
        %parallel_loop3A_161 = tpu.vector_load %arg20[%parallel_loop3A_159, %parallel_loop3A_160] {strides = array<i32>} : memref<112x16xf32, #tpu.memory_space<vmem>>, vector<1x16xf32>,
        %parallel_loop3A_162 = vector.shape_cast %parallel_loop3A_161 : vector<1x16xf32> to vector<16xf32>
        %parallel_loop3A_163 = arith.addf %parallel_loop3A_158, %parallel_loop3A_162 : vector<16xf32>
        %parallel_loop3A_164 = arith.constant 2.000000e-01 : f32
        %parallel_loop3A_165 = vector.broadcast %parallel_loop3A_164 : f32 to vector<16xf32>
        %parallel_loop3A_166 = arith.mulf %parallel_loop3A_163, %parallel_loop3A_165 : vector<16xf32>
        %parallel_loop3A_167 = arith.maximumf %parallel_loop3A_163, %parallel_loop3A_166 : vector<16xf32>
        %parallel_loop3A_168 = arith.subf %parallel_loop3A_167, %get3A_4 : vector<16xf32>
        %parallel_loop3A_169 = math.exp %parallel_loop3A_168 : vector<16xf32>
        %parallel_loop3A_170 = arith.index_cast %parallel_loop3A_154 : i32 to index
        %parallel_loop3A_171 = arith.constant 0 : index
        %parallel_loop3A_172 = tpu.vector_load %arg23[%parallel_loop3A_170, %parallel_loop3A_171] {strides = array<i32>} : memref<112x16xf32, #tpu.memory_space<vmem>>, vector<1x16xf32>,
        %parallel_loop3A_173 = vector.shape_cast %parallel_loop3A_172 : vector<1x16xf32> to vector<16xf32>
        %parallel_loop3A_174 = vector.shape_cast %parallel_loop3A_169 : vector<16xf32> to vector<1x16xf32>
        tpu.vector_store %arg23[%parallel_loop3A_170, %parallel_loop3A_171], %parallel_loop3A_174 {strides = array<i32>} : memref<112x16xf32, #tpu.memory_space<vmem>>, vector<1x16xf32>,
      } {sc.loop_unroll_factor = 4 : i64, sc.parallel_access}
      %parallel_loop3A_42 = arith.constant 0 : i32
      %parallel_loop3A_43 = arith.constant 56 : i32
      %parallel_loop3A_44 = arith.constant 1 : i32
      scf.for %parallel_loop3A_154 = %parallel_loop3A_42 to %parallel_loop3A_43 step %parallel_loop3A_44  : i32 {
        %parallel_loop3A_155 = arith.constant 2 : i32
        %parallel_loop3A_156 = arith.muli %parallel_loop3A_155, %parallel_loop3A_154 : i32
        %parallel_loop3A_157 = arith.index_cast %parallel_loop3A_156 : i32 to index
        %parallel_loop3A_158 = arith.constant 0 : index
        %parallel_loop3A_159 = tpu.vector_load %arg23[%parallel_loop3A_157, %parallel_loop3A_158] {strides = array<i32>} : memref<112x16xf32, #tpu.memory_space<vmem>>, vector<1x16xf32>,
        %parallel_loop3A_160 = vector.shape_cast %parallel_loop3A_159 : vector<1x16xf32> to vector<16xf32>
        %parallel_loop3A_161 = arith.constant 2 : i32
        %parallel_loop3A_162 = arith.muli %parallel_loop3A_161, %parallel_loop3A_154 : i32
        %parallel_loop3A_163 = arith.constant 1 : i32
        %parallel_loop3A_164 = arith.addi %parallel_loop3A_162, %parallel_loop3A_163 : i32
        %parallel_loop3A_165 = arith.index_cast %parallel_loop3A_164 : i32 to index
        %parallel_loop3A_166 = arith.constant 0 : index
        %parallel_loop3A_167 = tpu.vector_load %arg23[%parallel_loop3A_165, %parallel_loop3A_166] {strides = array<i32>} : memref<112x16xf32, #tpu.memory_space<vmem>>, vector<1x16xf32>,
        %parallel_loop3A_168 = vector.shape_cast %parallel_loop3A_167 : vector<1x16xf32> to vector<16xf32>
        %parallel_loop3A_169 = arith.select %lt3A_6, %parallel_loop3A_160, %parallel_loop3A_168 : vector<16xi1>, vector<16xf32>
        %parallel_loop3A_170 = arith.index_cast %parallel_loop3A_154 : i32 to index
        %parallel_loop3A_171 = arith.constant 0 : index
        %parallel_loop3A_172 = tpu.vector_load %arg24[%parallel_loop3A_170, %parallel_loop3A_171] {strides = array<i32>} : memref<56x16xf32, #tpu.memory_space<vmem>>, vector<1x16xf32>,
        %parallel_loop3A_173 = vector.shape_cast %parallel_loop3A_172 : vector<1x16xf32> to vector<16xf32>
        %parallel_loop3A_174 = vector.shape_cast %parallel_loop3A_169 : vector<16xf32> to vector<1x16xf32>
        tpu.vector_store %arg24[%parallel_loop3A_170, %parallel_loop3A_171], %parallel_loop3A_174 {strides = array<i32>} : memref<56x16xf32, #tpu.memory_space<vmem>>, vector<1x16xf32>,
      } {sc.loop_unroll_factor = 4 : i64, sc.parallel_access}
      %dma_wait3A_45 = arith.constant 0 : i32
      %dma_wait3A_46 = arith.constant 0 : i32
      %dma_wait3A_47 = tpu.memref_slice %arg6[%dma_wait3A_45, %dma_wait3A_46] : memref<10240x128xf32, #tpu.memory_space<hbm>> -> memref<10240x128xf32, #tpu.memory_space<hbm>>
      tpu.wait_indirect_dma semaphore(%arg28 : memref<!tpu.dma_semaphore, #tpu.memory_space<semaphore_mem>>) src(%dma_wait3A_47 : memref<10240x128xf32, #tpu.memory_space<hbm>>) dst(%arg21 : memref<112x128xf32, #tpu.memory_space<vmem>>)
      %add3A_48 = arith.constant 1 : i32
      %add3A_49 = arith.addi %mul3A_29, %add3A_48 : i32
      %mul3A_50 = arith.constant 10528 : i32
      %mul3A_51 = arith.muli %add3A, %mul3A_50 : i32
      %mul3A_52 = arith.constant 112 : i32
      %mul3A_53 = arith.muli %add3A_49, %mul3A_52 : i32
      %add3A_54 = arith.addi %mul3A_51, %mul3A_53 : i32
      "tpu.region"() ({
        %run_scoped3A = tpu.sem_alloc : memref<!tpu.dma_semaphore, #tpu.memory_space<semaphore_mem>>
        %dma_start3A_154 = tpu.memref_slice %arg2[%add3A_54] : memref<336896xi32, #tpu.memory_space<hbm>> -> memref<112xi32, #tpu.memory_space<hbm>>
        %dma_start3A_155 = tpu.memref_slice %arg2[%add3A_54] : memref<336896xi32, #tpu.memory_space<hbm>> -> memref<112xi32, #tpu.memory_space<hbm>>
        tpu.enqueue_dma source(%dma_start3A_155 : memref<112xi32, #tpu.memory_space<hbm>>) target(%arg16 : memref<112xi32, #tpu.memory_space<vmem>>) target_semaphore(%run_scoped3A : memref<!tpu.dma_semaphore, #tpu.memory_space<semaphore_mem>>)
        %dma_wait3A_156 = tpu.memref_slice %arg2[%add3A_54] : memref<336896xi32, #tpu.memory_space<hbm>> -> memref<112xi32, #tpu.memory_space<hbm>>
        %dma_wait3A_157 = tpu.memref_slice %arg2[%add3A_54] : memref<336896xi32, #tpu.memory_space<hbm>> -> memref<112xi32, #tpu.memory_space<hbm>>
        tpu.wait_dma2 semaphore(%run_scoped3A : memref<!tpu.dma_semaphore, #tpu.memory_space<semaphore_mem>>) src(%dma_wait3A_157 : memref<112xi32, #tpu.memory_space<hbm>>) dst(%arg16 : memref<112xi32, #tpu.memory_space<vmem>>)
        tpu.yield
      }) : () -> ()
      "tpu.region"() ({
        %run_scoped3A = tpu.sem_alloc : memref<!tpu.dma_semaphore, #tpu.memory_space<semaphore_mem>>
        %dma_start3A_154 = tpu.memref_slice %arg3[%add3A_54] : memref<336896xi32, #tpu.memory_space<hbm>> -> memref<112xi32, #tpu.memory_space<hbm>>
        %dma_start3A_155 = tpu.memref_slice %arg3[%add3A_54] : memref<336896xi32, #tpu.memory_space<hbm>> -> memref<112xi32, #tpu.memory_space<hbm>>
        tpu.enqueue_dma source(%dma_start3A_155 : memref<112xi32, #tpu.memory_space<hbm>>) target(%arg18 : memref<112xi32, #tpu.memory_space<vmem>>) target_semaphore(%run_scoped3A : memref<!tpu.dma_semaphore, #tpu.memory_space<semaphore_mem>>)
        %dma_wait3A_156 = tpu.memref_slice %arg3[%add3A_54] : memref<336896xi32, #tpu.memory_space<hbm>> -> memref<112xi32, #tpu.memory_space<hbm>>
        %dma_wait3A_157 = tpu.memref_slice %arg3[%add3A_54] : memref<336896xi32, #tpu.memory_space<hbm>> -> memref<112xi32, #tpu.memory_space<hbm>>
        tpu.wait_dma2 semaphore(%run_scoped3A : memref<!tpu.dma_semaphore, #tpu.memory_space<semaphore_mem>>) src(%dma_wait3A_157 : memref<112xi32, #tpu.memory_space<hbm>>) dst(%arg18 : memref<112xi32, #tpu.memory_space<vmem>>)
        tpu.yield
      }) : () -> ()
      %dma_start3A_55 = arith.constant 0 : i32
      %dma_start3A_56 = arith.constant 0 : i32
      %dma_start3A_57 = tpu.memref_slice %arg4[%dma_start3A_55, %dma_start3A_56] : memref<10240x16xf32, #tpu.memory_space<hbm>> -> memref<10240x16xf32, #tpu.memory_space<hbm>>
      tpu.enqueue_indirect_dma source(%dma_start3A_57 : memref<10240x16xf32, #tpu.memory_space<hbm>>) target(%arg19 : memref<112x16xf32, #tpu.memory_space<vmem>>) offsets(%arg16 : memref<112xi32, #tpu.memory_space<vmem>>) semaphore(%arg26 : memref<!tpu.dma_semaphore, #tpu.memory_space<semaphore_mem>>)
      %dma_start3A_58 = arith.constant 0 : i32
      %dma_start3A_59 = arith.constant 0 : i32
      %dma_start3A_60 = tpu.memref_slice %arg5[%dma_start3A_58, %dma_start3A_59] : memref<10240x16xf32, #tpu.memory_space<hbm>> -> memref<10240x16xf32, #tpu.memory_space<hbm>>
      tpu.enqueue_indirect_dma source(%dma_start3A_60 : memref<10240x16xf32, #tpu.memory_space<hbm>>) target(%arg20 : memref<112x16xf32, #tpu.memory_space<vmem>>) offsets(%arg18 : memref<112xi32, #tpu.memory_space<vmem>>) semaphore(%arg27 : memref<!tpu.dma_semaphore, #tpu.memory_space<semaphore_mem>>)
      %dma_start3A_61 = arith.constant 0 : i32
      %dma_start3A_62 = arith.constant 0 : i32
      %dma_start3A_63 = tpu.memref_slice %arg6[%dma_start3A_61, %dma_start3A_62] : memref<10240x128xf32, #tpu.memory_space<hbm>> -> memref<10240x128xf32, #tpu.memory_space<hbm>>
      tpu.enqueue_indirect_dma source(%dma_start3A_63 : memref<10240x128xf32, #tpu.memory_space<hbm>>) target(%arg22 : memref<112x128xf32, #tpu.memory_space<vmem>>) offsets(%arg16 : memref<112xi32, #tpu.memory_space<vmem>>) semaphore(%arg29 : memref<!tpu.dma_semaphore, #tpu.memory_space<semaphore_mem>>)
      %parallel_loop3A_64 = arith.constant 0 : i32
      %parallel_loop3A_65 = arith.constant 112 : i32
      %parallel_loop3A_66 = arith.constant 1 : i32
      scf.for %parallel_loop3A_154 = %parallel_loop3A_64 to %parallel_loop3A_65 step %parallel_loop3A_66  : i32 {
        %parallel_loop3A_155 = arith.index_cast %parallel_loop3A_154 : i32 to index
        %parallel_loop3A_156 = arith.constant 0 : index
        %parallel_loop3A_157 = tpu.vector_load %arg23[%parallel_loop3A_155, %parallel_loop3A_156] {strides = array<i32>} : memref<112x16xf32, #tpu.memory_space<vmem>>, vector<1x16xf32>,
        %parallel_loop3A_158 = vector.shape_cast %parallel_loop3A_157 : vector<1x16xf32> to vector<16xf32>
        %parallel_loop3A_159 = arith.constant 0 : i32
        %parallel_loop3A_160 = vector.broadcast %parallel_loop3A_159 : i32 to vector<16x1xi32>
        %parallel_loop3A_161 = vector.shape_cast %parallel_loop3A_160 : vector<16x1xi32> to vector<16xi32>
        %parallel_loop3A_162 = tpu.dynamic_gather %parallel_loop3A_158[%parallel_loop3A_161] in [0] : vector<16xf32>, vector<16xi32> -> vector<16xf32>
        %parallel_loop3A_163 = arith.index_cast %parallel_loop3A_154 : i32 to index
        %parallel_loop3A_164 = arith.constant 0 : index
        %parallel_loop3A_165 = tpu.vector_load %arg21[%parallel_loop3A_163, %parallel_loop3A_164] {strides = array<i32>} : memref<112x128xf32, #tpu.memory_space<vmem>>, vector<1x16xf32>,
        %parallel_loop3A_166 = vector.shape_cast %parallel_loop3A_165 : vector<1x16xf32> to vector<16xf32>
        %parallel_loop3A_167 = arith.mulf %parallel_loop3A_166, %parallel_loop3A_162 : vector<16xf32>
        %parallel_loop3A_168 = arith.index_cast %parallel_loop3A_154 : i32 to index
        %parallel_loop3A_169 = arith.constant 0 : index
        %parallel_loop3A_170 = tpu.vector_load %arg21[%parallel_loop3A_168, %parallel_loop3A_169] {strides = array<i32>} : memref<112x128xf32, #tpu.memory_space<vmem>>, vector<1x16xf32>,
        %parallel_loop3A_171 = vector.shape_cast %parallel_loop3A_170 : vector<1x16xf32> to vector<16xf32>
        %parallel_loop3A_172 = vector.shape_cast %parallel_loop3A_167 : vector<16xf32> to vector<1x16xf32>
        tpu.vector_store %arg21[%parallel_loop3A_168, %parallel_loop3A_169], %parallel_loop3A_172 {strides = array<i32>} : memref<112x128xf32, #tpu.memory_space<vmem>>, vector<1x16xf32>,
        %parallel_loop3A_173 = arith.constant 1 : i32
        %parallel_loop3A_174 = vector.broadcast %parallel_loop3A_173 : i32 to vector<16x1xi32>
        %parallel_loop3A_175 = vector.shape_cast %parallel_loop3A_174 : vector<16x1xi32> to vector<16xi32>
        %parallel_loop3A_176 = tpu.dynamic_gather %parallel_loop3A_158[%parallel_loop3A_175] in [0] : vector<16xf32>, vector<16xi32> -> vector<16xf32>
        %parallel_loop3A_177 = arith.index_cast %parallel_loop3A_154 : i32 to index
        %parallel_loop3A_178 = arith.constant 16 : index
        %parallel_loop3A_179 = tpu.vector_load %arg21[%parallel_loop3A_177, %parallel_loop3A_178] {strides = array<i32>} : memref<112x128xf32, #tpu.memory_space<vmem>>, vector<1x16xf32>,
        %parallel_loop3A_180 = vector.shape_cast %parallel_loop3A_179 : vector<1x16xf32> to vector<16xf32>
        %parallel_loop3A_181 = arith.mulf %parallel_loop3A_180, %parallel_loop3A_176 : vector<16xf32>
        %parallel_loop3A_182 = arith.index_cast %parallel_loop3A_154 : i32 to index
        %parallel_loop3A_183 = arith.constant 16 : index
        %parallel_loop3A_184 = tpu.vector_load %arg21[%parallel_loop3A_182, %parallel_loop3A_183] {strides = array<i32>} : memref<112x128xf32, #tpu.memory_space<vmem>>, vector<1x16xf32>,
        %parallel_loop3A_185 = vector.shape_cast %parallel_loop3A_184 : vector<1x16xf32> to vector<16xf32>
        %parallel_loop3A_186 = vector.shape_cast %parallel_loop3A_181 : vector<16xf32> to vector<1x16xf32>
        tpu.vector_store %arg21[%parallel_loop3A_182, %parallel_loop3A_183], %parallel_loop3A_186 {strides = array<i32>} : memref<112x128xf32, #tpu.memory_space<vmem>>, vector<1x16xf32>,
        %parallel_loop3A_187 = arith.constant 2 : i32
        %parallel_loop3A_188 = vector.broadcast %parallel_loop3A_187 : i32 to vector<16x1xi32>
        %parallel_loop3A_189 = vector.shape_cast %parallel_loop3A_188 : vector<16x1xi32> to vector<16xi32>
        %parallel_loop3A_190 = tpu.dynamic_gather %parallel_loop3A_158[%parallel_loop3A_189] in [0] : vector<16xf32>, vector<16xi32> -> vector<16xf32>
        %parallel_loop3A_191 = arith.index_cast %parallel_loop3A_154 : i32 to index
        %parallel_loop3A_192 = arith.constant 32 : index
        %parallel_loop3A_193 = tpu.vector_load %arg21[%parallel_loop3A_191, %parallel_loop3A_192] {strides = array<i32>} : memref<112x128xf32, #tpu.memory_space<vmem>>, vector<1x16xf32>,
        %parallel_loop3A_194 = vector.shape_cast %parallel_loop3A_193 : vector<1x16xf32> to vector<16xf32>
        %parallel_loop3A_195 = arith.mulf %parallel_loop3A_194, %parallel_loop3A_190 : vector<16xf32>
        %parallel_loop3A_196 = arith.index_cast %parallel_loop3A_154 : i32 to index
        %parallel_loop3A_197 = arith.constant 32 : index
        %parallel_loop3A_198 = tpu.vector_load %arg21[%parallel_loop3A_196, %parallel_loop3A_197] {strides = array<i32>} : memref<112x128xf32, #tpu.memory_space<vmem>>, vector<1x16xf32>,
        %parallel_loop3A_199 = vector.shape_cast %parallel_loop3A_198 : vector<1x16xf32> to vector<16xf32>
        %parallel_loop3A_200 = vector.shape_cast %parallel_loop3A_195 : vector<16xf32> to vector<1x16xf32>
        tpu.vector_store %arg21[%parallel_loop3A_196, %parallel_loop3A_197], %parallel_loop3A_200 {strides = array<i32>} : memref<112x128xf32, #tpu.memory_space<vmem>>, vector<1x16xf32>,
        %parallel_loop3A_201 = arith.constant 3 : i32
        %parallel_loop3A_202 = vector.broadcast %parallel_loop3A_201 : i32 to vector<16x1xi32>
        %parallel_loop3A_203 = vector.shape_cast %parallel_loop3A_202 : vector<16x1xi32> to vector<16xi32>
        %parallel_loop3A_204 = tpu.dynamic_gather %parallel_loop3A_158[%parallel_loop3A_203] in [0] : vector<16xf32>, vector<16xi32> -> vector<16xf32>
        %parallel_loop3A_205 = arith.index_cast %parallel_loop3A_154 : i32 to index
        %parallel_loop3A_206 = arith.constant 48 : index
        %parallel_loop3A_207 = tpu.vector_load %arg21[%parallel_loop3A_205, %parallel_loop3A_206] {strides = array<i32>} : memref<112x128xf32, #tpu.memory_space<vmem>>, vector<1x16xf32>,
        %parallel_loop3A_208 = vector.shape_cast %parallel_loop3A_207 : vector<1x16xf32> to vector<16xf32>
        %parallel_loop3A_209 = arith.mulf %parallel_loop3A_208, %parallel_loop3A_204 : vector<16xf32>
        %parallel_loop3A_210 = arith.index_cast %parallel_loop3A_154 : i32 to index
        %parallel_loop3A_211 = arith.constant 48 : index
        %parallel_loop3A_212 = tpu.vector_load %arg21[%parallel_loop3A_210, %parallel_loop3A_211] {strides = array<i32>} : memref<112x128xf32, #tpu.memory_space<vmem>>, vector<1x16xf32>,
        %parallel_loop3A_213 = vector.shape_cast %parallel_loop3A_212 : vector<1x16xf32> to vector<16xf32>
        %parallel_loop3A_214 = vector.shape_cast %parallel_loop3A_209 : vector<16xf32> to vector<1x16xf32>
        tpu.vector_store %arg21[%parallel_loop3A_210, %parallel_loop3A_211], %parallel_loop3A_214 {strides = array<i32>} : memref<112x128xf32, #tpu.memory_space<vmem>>, vector<1x16xf32>,
        %parallel_loop3A_215 = arith.constant 4 : i32
        %parallel_loop3A_216 = vector.broadcast %parallel_loop3A_215 : i32 to vector<16x1xi32>
        %parallel_loop3A_217 = vector.shape_cast %parallel_loop3A_216 : vector<16x1xi32> to vector<16xi32>
        %parallel_loop3A_218 = tpu.dynamic_gather %parallel_loop3A_158[%parallel_loop3A_217] in [0] : vector<16xf32>, vector<16xi32> -> vector<16xf32>
        %parallel_loop3A_219 = arith.index_cast %parallel_loop3A_154 : i32 to index
        %parallel_loop3A_220 = arith.constant 64 : index
        %parallel_loop3A_221 = tpu.vector_load %arg21[%parallel_loop3A_219, %parallel_loop3A_220] {strides = array<i32>} : memref<112x128xf32, #tpu.memory_space<vmem>>, vector<1x16xf32>,
        %parallel_loop3A_222 = vector.shape_cast %parallel_loop3A_221 : vector<1x16xf32> to vector<16xf32>
        %parallel_loop3A_223 = arith.mulf %parallel_loop3A_222, %parallel_loop3A_218 : vector<16xf32>
        %parallel_loop3A_224 = arith.index_cast %parallel_loop3A_154 : i32 to index
        %parallel_loop3A_225 = arith.constant 64 : index
        %parallel_loop3A_226 = tpu.vector_load %arg21[%parallel_loop3A_224, %parallel_loop3A_225] {strides = array<i32>} : memref<112x128xf32, #tpu.memory_space<vmem>>, vector<1x16xf32>,
        %parallel_loop3A_227 = vector.shape_cast %parallel_loop3A_226 : vector<1x16xf32> to vector<16xf32>
        %parallel_loop3A_228 = vector.shape_cast %parallel_loop3A_223 : vector<16xf32> to vector<1x16xf32>
        tpu.vector_store %arg21[%parallel_loop3A_224, %parallel_loop3A_225], %parallel_loop3A_228 {strides = array<i32>} : memref<112x128xf32, #tpu.memory_space<vmem>>, vector<1x16xf32>,
        %parallel_loop3A_229 = arith.constant 5 : i32
        %parallel_loop3A_230 = vector.broadcast %parallel_loop3A_229 : i32 to vector<16x1xi32>
        %parallel_loop3A_231 = vector.shape_cast %parallel_loop3A_230 : vector<16x1xi32> to vector<16xi32>
        %parallel_loop3A_232 = tpu.dynamic_gather %parallel_loop3A_158[%parallel_loop3A_231] in [0] : vector<16xf32>, vector<16xi32> -> vector<16xf32>
        %parallel_loop3A_233 = arith.index_cast %parallel_loop3A_154 : i32 to index
        %parallel_loop3A_234 = arith.constant 80 : index
        %parallel_loop3A_235 = tpu.vector_load %arg21[%parallel_loop3A_233, %parallel_loop3A_234] {strides = array<i32>} : memref<112x128xf32, #tpu.memory_space<vmem>>, vector<1x16xf32>,
        %parallel_loop3A_236 = vector.shape_cast %parallel_loop3A_235 : vector<1x16xf32> to vector<16xf32>
        %parallel_loop3A_237 = arith.mulf %parallel_loop3A_236, %parallel_loop3A_232 : vector<16xf32>
        %parallel_loop3A_238 = arith.index_cast %parallel_loop3A_154 : i32 to index
        %parallel_loop3A_239 = arith.constant 80 : index
        %parallel_loop3A_240 = tpu.vector_load %arg21[%parallel_loop3A_238, %parallel_loop3A_239] {strides = array<i32>} : memref<112x128xf32, #tpu.memory_space<vmem>>, vector<1x16xf32>,
        %parallel_loop3A_241 = vector.shape_cast %parallel_loop3A_240 : vector<1x16xf32> to vector<16xf32>
        %parallel_loop3A_242 = vector.shape_cast %parallel_loop3A_237 : vector<16xf32> to vector<1x16xf32>
        tpu.vector_store %arg21[%parallel_loop3A_238, %parallel_loop3A_239], %parallel_loop3A_242 {strides = array<i32>} : memref<112x128xf32, #tpu.memory_space<vmem>>, vector<1x16xf32>,
        %parallel_loop3A_243 = arith.constant 6 : i32
        %parallel_loop3A_244 = vector.broadcast %parallel_loop3A_243 : i32 to vector<16x1xi32>
        %parallel_loop3A_245 = vector.shape_cast %parallel_loop3A_244 : vector<16x1xi32> to vector<16xi32>
        %parallel_loop3A_246 = tpu.dynamic_gather %parallel_loop3A_158[%parallel_loop3A_245] in [0] : vector<16xf32>, vector<16xi32> -> vector<16xf32>
        %parallel_loop3A_247 = arith.index_cast %parallel_loop3A_154 : i32 to index
        %parallel_loop3A_248 = arith.constant 96 : index
        %parallel_loop3A_249 = tpu.vector_load %arg21[%parallel_loop3A_247, %parallel_loop3A_248] {strides = array<i32>} : memref<112x128xf32, #tpu.memory_space<vmem>>, vector<1x16xf32>,
        %parallel_loop3A_250 = vector.shape_cast %parallel_loop3A_249 : vector<1x16xf32> to vector<16xf32>
        %parallel_loop3A_251 = arith.mulf %parallel_loop3A_250, %parallel_loop3A_246 : vector<16xf32>
        %parallel_loop3A_252 = arith.index_cast %parallel_loop3A_154 : i32 to index
        %parallel_loop3A_253 = arith.constant 96 : index
        %parallel_loop3A_254 = tpu.vector_load %arg21[%parallel_loop3A_252, %parallel_loop3A_253] {strides = array<i32>} : memref<112x128xf32, #tpu.memory_space<vmem>>, vector<1x16xf32>,
        %parallel_loop3A_255 = vector.shape_cast %parallel_loop3A_254 : vector<1x16xf32> to vector<16xf32>
        %parallel_loop3A_256 = vector.shape_cast %parallel_loop3A_251 : vector<16xf32> to vector<1x16xf32>
        tpu.vector_store %arg21[%parallel_loop3A_252, %parallel_loop3A_253], %parallel_loop3A_256 {strides = array<i32>} : memref<112x128xf32, #tpu.memory_space<vmem>>, vector<1x16xf32>,
        %parallel_loop3A_257 = arith.constant 7 : i32
        %parallel_loop3A_258 = vector.broadcast %parallel_loop3A_257 : i32 to vector<16x1xi32>
        %parallel_loop3A_259 = vector.shape_cast %parallel_loop3A_258 : vector<16x1xi32> to vector<16xi32>
        %parallel_loop3A_260 = tpu.dynamic_gather %parallel_loop3A_158[%parallel_loop3A_259] in [0] : vector<16xf32>, vector<16xi32> -> vector<16xf32>
        %parallel_loop3A_261 = arith.index_cast %parallel_loop3A_154 : i32 to index
        %parallel_loop3A_262 = arith.constant 112 : index
        %parallel_loop3A_263 = tpu.vector_load %arg21[%parallel_loop3A_261, %parallel_loop3A_262] {strides = array<i32>} : memref<112x128xf32, #tpu.memory_space<vmem>>, vector<1x16xf32>,
        %parallel_loop3A_264 = vector.shape_cast %parallel_loop3A_263 : vector<1x16xf32> to vector<16xf32>
        %parallel_loop3A_265 = arith.mulf %parallel_loop3A_264, %parallel_loop3A_260 : vector<16xf32>
        %parallel_loop3A_266 = arith.index_cast %parallel_loop3A_154 : i32 to index
        %parallel_loop3A_267 = arith.constant 112 : index
        %parallel_loop3A_268 = tpu.vector_load %arg21[%parallel_loop3A_266, %parallel_loop3A_267] {strides = array<i32>} : memref<112x128xf32, #tpu.memory_space<vmem>>, vector<1x16xf32>,
        %parallel_loop3A_269 = vector.shape_cast %parallel_loop3A_268 : vector<1x16xf32> to vector<16xf32>
        %parallel_loop3A_270 = vector.shape_cast %parallel_loop3A_265 : vector<16xf32> to vector<1x16xf32>
        tpu.vector_store %arg21[%parallel_loop3A_266, %parallel_loop3A_267], %parallel_loop3A_270 {strides = array<i32>} : memref<112x128xf32, #tpu.memory_space<vmem>>, vector<1x16xf32>,
      } {sc.loop_unroll_factor = 2 : i64, sc.parallel_access}
      %jit3A = arith.constant 2 : i32
      %div3A = arith.divsi %add3A_34, %jit3A : i32
      %sign3A = arith.constant 0 : i32
      %sign3A_67 = arith.cmpi sgt, %add3A_34, %sign3A : i32
      %sign3A_68 = arith.extui %sign3A_67 : i1 to i32
      %sign3A_69 = arith.constant 0 : i32
      %sign3A_70 = arith.cmpi slt, %add3A_34, %sign3A_69 : i32
      %sign3A_71 = arith.extui %sign3A_70 : i1 to i32
      %sign3A_72 = arith.subi %sign3A_68, %sign3A_71 : i32
      %sign3A_73 = arith.constant 0 : i32
      %sign3A_74 = arith.cmpi sgt, %jit3A, %sign3A_73 : i32
      %sign3A_75 = arith.extui %sign3A_74 : i1 to i32
      %sign3A_76 = arith.constant 0 : i32
      %sign3A_77 = arith.cmpi slt, %jit3A, %sign3A_76 : i32
      %sign3A_78 = arith.extui %sign3A_77 : i1 to i32
      %sign3A_79 = arith.subi %sign3A_75, %sign3A_78 : i32
      %ne3A = arith.cmpi ne, %sign3A_72, %sign3A_79 : i32
      %rem3A = arith.remsi %add3A_34, %jit3A : i32
      %ne3A_80 = arith.constant 0 : i32
      %ne3A_81 = arith.cmpi ne, %rem3A, %ne3A_80 : i32
      %and3A = arith.andi %ne3A, %ne3A_81 : i1
      %sub3A = arith.constant 1 : i32
      %sub3A_82 = arith.subi %div3A, %sub3A : i32
      %select_n3A = arith.select %and3A, %sub3A_82, %div3A : i32
      %dma_start3A_83 = arith.constant 0 : i32
      %dma_start3A_84 = tpu.memref_slice %arg10[%select_n3A, %dma_start3A_83] : memref<168448x16xf32, #tpu.memory_space<hbm>> -> memref<56x16xf32, #tpu.memory_space<hbm>>
      %dma_start3A_85 = arith.constant 0 : i32
      %dma_start3A_86 = tpu.memref_slice %arg10[%select_n3A, %dma_start3A_85] : memref<168448x16xf32, #tpu.memory_space<hbm>> -> memref<56x16xf32, #tpu.memory_space<hbm>>
      tpu.enqueue_dma source(%arg24 : memref<56x16xf32, #tpu.memory_space<vmem>>) target(%dma_start3A_86 : memref<56x16xf32, #tpu.memory_space<hbm>>) target_semaphore(%arg30 : memref<!tpu.dma_semaphore, #tpu.memory_space<semaphore_mem>>)
      "tpu.region"() ({
        %run_scoped3A = tpu.sem_alloc : memref<!tpu.dma_semaphore, #tpu.memory_space<semaphore_mem>>
        %dma_start3A_154 = arith.constant 0 : i32
        %dma_start3A_155 = arith.constant 0 : i32
        %dma_start3A_156 = tpu.memref_slice %arg14[%dma_start3A_154, %dma_start3A_155] : memref<10240x16xf32, #tpu.memory_space<vmem_shared>> -> memref<10240x16xf32, #tpu.memory_space<vmem_shared>>
        tpu.enqueue_indirect_dma source(%arg23 : memref<112x16xf32, #tpu.memory_space<vmem>>) target(%dma_start3A_156 : memref<10240x16xf32, #tpu.memory_space<vmem_shared>>) offsets(%arg17 : memref<112xi32, #tpu.memory_space<vmem>>) semaphore(%run_scoped3A : memref<!tpu.dma_semaphore, #tpu.memory_space<semaphore_mem>>) {add = true}
        %dma_wait3A_157 = arith.constant 0 : i32
        %dma_wait3A_158 = arith.constant 0 : i32
        %dma_wait3A_159 = tpu.memref_slice %arg14[%dma_wait3A_157, %dma_wait3A_158] : memref<10240x16xf32, #tpu.memory_space<vmem_shared>> -> memref<10240x16xf32, #tpu.memory_space<vmem_shared>>
        tpu.wait_indirect_dma semaphore(%run_scoped3A : memref<!tpu.dma_semaphore, #tpu.memory_space<semaphore_mem>>) src(%arg23 : memref<112x16xf32, #tpu.memory_space<vmem>>) dst(%dma_wait3A_159 : memref<10240x16xf32, #tpu.memory_space<vmem_shared>>)
        tpu.yield
      }) : () -> ()
      "tpu.region"() ({
        %run_scoped3A = tpu.sem_alloc : memref<!tpu.dma_semaphore, #tpu.memory_space<semaphore_mem>>
        %dma_start3A_154 = arith.constant 0 : i32
        %dma_start3A_155 = arith.constant 0 : i32
        %dma_start3A_156 = tpu.memref_slice %arg13[%dma_start3A_154, %dma_start3A_155] : memref<10240x128xf32, #tpu.memory_space<vmem_shared>> -> memref<10240x128xf32, #tpu.memory_space<vmem_shared>>
        tpu.enqueue_indirect_dma source(%arg21 : memref<112x128xf32, #tpu.memory_space<vmem>>) target(%dma_start3A_156 : memref<10240x128xf32, #tpu.memory_space<vmem_shared>>) offsets(%arg17 : memref<112xi32, #tpu.memory_space<vmem>>) semaphore(%run_scoped3A : memref<!tpu.dma_semaphore, #tpu.memory_space<semaphore_mem>>) {add = true}
        %dma_wait3A_157 = arith.constant 0 : i32
        %dma_wait3A_158 = arith.constant 0 : i32
        %dma_wait3A_159 = tpu.memref_slice %arg13[%dma_wait3A_157, %dma_wait3A_158] : memref<10240x128xf32, #tpu.memory_space<vmem_shared>> -> memref<10240x128xf32, #tpu.memory_space<vmem_shared>>
        tpu.wait_indirect_dma semaphore(%run_scoped3A : memref<!tpu.dma_semaphore, #tpu.memory_space<semaphore_mem>>) src(%arg21 : memref<112x128xf32, #tpu.memory_space<vmem>>) dst(%dma_wait3A_159 : memref<10240x128xf32, #tpu.memory_space<vmem_shared>>)
        tpu.yield
      }) : () -> ()
      %dma_wait3A_87 = arith.constant 0 : i32
      %dma_wait3A_88 = tpu.memref_slice %arg10[%select_n3A, %dma_wait3A_87] : memref<168448x16xf32, #tpu.memory_space<hbm>> -> memref<56x16xf32, #tpu.memory_space<hbm>>
      %dma_wait3A_89 = arith.constant 0 : i32
      %dma_wait3A_90 = tpu.memref_slice %arg10[%select_n3A, %dma_wait3A_89] : memref<168448x16xf32, #tpu.memory_space<hbm>> -> memref<56x16xf32, #tpu.memory_space<hbm>>
      tpu.wait_dma2 semaphore(%arg30 : memref<!tpu.dma_semaphore, #tpu.memory_space<semaphore_mem>>) src(%arg24 : memref<56x16xf32, #tpu.memory_space<vmem>>) dst(%dma_wait3A_90 : memref<56x16xf32, #tpu.memory_space<hbm>>)
      %add3A_91 = arith.constant 1 : i32
      %add3A_92 = arith.addi %mul3A_29, %add3A_91 : i32
      %mul3A_93 = arith.constant 10528 : i32
      %mul3A_94 = arith.muli %add3A, %mul3A_93 : i32
      %mul3A_95 = arith.constant 112 : i32
      %mul3A_96 = arith.muli %add3A_92, %mul3A_95 : i32
      %add3A_97 = arith.addi %mul3A_94, %mul3A_96 : i32
      %dma_wait3A_98 = arith.constant 0 : i32
      %dma_wait3A_99 = arith.constant 0 : i32
      %dma_wait3A_100 = tpu.memref_slice %arg4[%dma_wait3A_98, %dma_wait3A_99] : memref<10240x16xf32, #tpu.memory_space<hbm>> -> memref<10240x16xf32, #tpu.memory_space<hbm>>
      tpu.wait_indirect_dma semaphore(%arg26 : memref<!tpu.dma_semaphore, #tpu.memory_space<semaphore_mem>>) src(%dma_wait3A_100 : memref<10240x16xf32, #tpu.memory_space<hbm>>) dst(%arg19 : memref<112x16xf32, #tpu.memory_space<vmem>>)
      %dma_wait3A_101 = arith.constant 0 : i32
      %dma_wait3A_102 = arith.constant 0 : i32
      %dma_wait3A_103 = tpu.memref_slice %arg5[%dma_wait3A_101, %dma_wait3A_102] : memref<10240x16xf32, #tpu.memory_space<hbm>> -> memref<10240x16xf32, #tpu.memory_space<hbm>>
      tpu.wait_indirect_dma semaphore(%arg27 : memref<!tpu.dma_semaphore, #tpu.memory_space<semaphore_mem>>) src(%dma_wait3A_103 : memref<10240x16xf32, #tpu.memory_space<hbm>>) dst(%arg20 : memref<112x16xf32, #tpu.memory_space<vmem>>)
      %parallel_loop3A_104 = arith.constant 0 : i32
      %parallel_loop3A_105 = arith.constant 112 : i32
      %parallel_loop3A_106 = arith.constant 1 : i32
      scf.for %parallel_loop3A_154 = %parallel_loop3A_104 to %parallel_loop3A_105 step %parallel_loop3A_106  : i32 {
        %parallel_loop3A_155 = arith.index_cast %parallel_loop3A_154 : i32 to index
        %parallel_loop3A_156 = arith.constant 0 : index
        %parallel_loop3A_157 = tpu.vector_load %arg19[%parallel_loop3A_155, %parallel_loop3A_156] {strides = array<i32>} : memref<112x16xf32, #tpu.memory_space<vmem>>, vector<1x16xf32>,
        %parallel_loop3A_158 = vector.shape_cast %parallel_loop3A_157 : vector<1x16xf32> to vector<16xf32>
        %parallel_loop3A_159 = arith.index_cast %parallel_loop3A_154 : i32 to index
        %parallel_loop3A_160 = arith.constant 0 : index
        %parallel_loop3A_161 = tpu.vector_load %arg20[%parallel_loop3A_159, %parallel_loop3A_160] {strides = array<i32>} : memref<112x16xf32, #tpu.memory_space<vmem>>, vector<1x16xf32>,
        %parallel_loop3A_162 = vector.shape_cast %parallel_loop3A_161 : vector<1x16xf32> to vector<16xf32>
        %parallel_loop3A_163 = arith.addf %parallel_loop3A_158, %parallel_loop3A_162 : vector<16xf32>
        %parallel_loop3A_164 = arith.constant 2.000000e-01 : f32
        %parallel_loop3A_165 = vector.broadcast %parallel_loop3A_164 : f32 to vector<16xf32>
        %parallel_loop3A_166 = arith.mulf %parallel_loop3A_163, %parallel_loop3A_165 : vector<16xf32>
        %parallel_loop3A_167 = arith.maximumf %parallel_loop3A_163, %parallel_loop3A_166 : vector<16xf32>
        %parallel_loop3A_168 = arith.subf %parallel_loop3A_167, %get3A_4 : vector<16xf32>
        %parallel_loop3A_169 = math.exp %parallel_loop3A_168 : vector<16xf32>
        %parallel_loop3A_170 = arith.index_cast %parallel_loop3A_154 : i32 to index
        %parallel_loop3A_171 = arith.constant 0 : index
        %parallel_loop3A_172 = tpu.vector_load %arg23[%parallel_loop3A_170, %parallel_loop3A_171] {strides = array<i32>} : memref<112x16xf32, #tpu.memory_space<vmem>>, vector<1x16xf32>,
        %parallel_loop3A_173 = vector.shape_cast %parallel_loop3A_172 : vector<1x16xf32> to vector<16xf32>
        %parallel_loop3A_174 = vector.shape_cast %parallel_loop3A_169 : vector<16xf32> to vector<1x16xf32>
        tpu.vector_store %arg23[%parallel_loop3A_170, %parallel_loop3A_171], %parallel_loop3A_174 {strides = array<i32>} : memref<112x16xf32, #tpu.memory_space<vmem>>, vector<1x16xf32>,
      } {sc.loop_unroll_factor = 4 : i64, sc.parallel_access}
      %parallel_loop3A_107 = arith.constant 0 : i32
      %parallel_loop3A_108 = arith.constant 56 : i32
      %parallel_loop3A_109 = arith.constant 1 : i32
      scf.for %parallel_loop3A_154 = %parallel_loop3A_107 to %parallel_loop3A_108 step %parallel_loop3A_109  : i32 {
        %parallel_loop3A_155 = arith.constant 2 : i32
        %parallel_loop3A_156 = arith.muli %parallel_loop3A_155, %parallel_loop3A_154 : i32
        %parallel_loop3A_157 = arith.index_cast %parallel_loop3A_156 : i32 to index
        %parallel_loop3A_158 = arith.constant 0 : index
        %parallel_loop3A_159 = tpu.vector_load %arg23[%parallel_loop3A_157, %parallel_loop3A_158] {strides = array<i32>} : memref<112x16xf32, #tpu.memory_space<vmem>>, vector<1x16xf32>,
        %parallel_loop3A_160 = vector.shape_cast %parallel_loop3A_159 : vector<1x16xf32> to vector<16xf32>
        %parallel_loop3A_161 = arith.constant 2 : i32
        %parallel_loop3A_162 = arith.muli %parallel_loop3A_161, %parallel_loop3A_154 : i32
        %parallel_loop3A_163 = arith.constant 1 : i32
        %parallel_loop3A_164 = arith.addi %parallel_loop3A_162, %parallel_loop3A_163 : i32
        %parallel_loop3A_165 = arith.index_cast %parallel_loop3A_164 : i32 to index
        %parallel_loop3A_166 = arith.constant 0 : index
        %parallel_loop3A_167 = tpu.vector_load %arg23[%parallel_loop3A_165, %parallel_loop3A_166] {strides = array<i32>} : memref<112x16xf32, #tpu.memory_space<vmem>>, vector<1x16xf32>,
        %parallel_loop3A_168 = vector.shape_cast %parallel_loop3A_167 : vector<1x16xf32> to vector<16xf32>
        %parallel_loop3A_169 = arith.select %lt3A_6, %parallel_loop3A_160, %parallel_loop3A_168 : vector<16xi1>, vector<16xf32>
        %parallel_loop3A_170 = arith.index_cast %parallel_loop3A_154 : i32 to index
        %parallel_loop3A_171 = arith.constant 0 : index
        %parallel_loop3A_172 = tpu.vector_load %arg24[%parallel_loop3A_170, %parallel_loop3A_171] {strides = array<i32>} : memref<56x16xf32, #tpu.memory_space<vmem>>, vector<1x16xf32>,
        %parallel_loop3A_173 = vector.shape_cast %parallel_loop3A_172 : vector<1x16xf32> to vector<16xf32>
        %parallel_loop3A_174 = vector.shape_cast %parallel_loop3A_169 : vector<16xf32> to vector<1x16xf32>
        tpu.vector_store %arg24[%parallel_loop3A_170, %parallel_loop3A_171], %parallel_loop3A_174 {strides = array<i32>} : memref<56x16xf32, #tpu.memory_space<vmem>>, vector<1x16xf32>,
      } {sc.loop_unroll_factor = 4 : i64, sc.parallel_access}
      %dma_wait3A_110 = arith.constant 0 : i32
      %dma_wait3A_111 = arith.constant 0 : i32
      %dma_wait3A_112 = tpu.memref_slice %arg6[%dma_wait3A_110, %dma_wait3A_111] : memref<10240x128xf32, #tpu.memory_space<hbm>> -> memref<10240x128xf32, #tpu.memory_space<hbm>>
      tpu.wait_indirect_dma semaphore(%arg29 : memref<!tpu.dma_semaphore, #tpu.memory_space<semaphore_mem>>) src(%dma_wait3A_112 : memref<10240x128xf32, #tpu.memory_space<hbm>>) dst(%arg22 : memref<112x128xf32, #tpu.memory_space<vmem>>)
      %add3A_113 = arith.constant 2 : i32
      %add3A_114 = arith.addi %mul3A_29, %add3A_113 : i32
      %lt3A_115 = arith.constant 94 : i32
      %lt3A_116 = arith.cmpi slt, %add3A_114, %lt3A_115 : i32
      %convert_element_type3A = arith.extui %lt3A_116 : i1 to i32
      %cond3A = arith.constant 0 : i32
      %cond3A_117 = arith.cmpi ne, %convert_element_type3A, %cond3A : i32
      scf.if %cond3A_117 {
        %add3A_154 = arith.constant 2 : i32
        %add3A_155 = arith.addi %mul3A_29, %add3A_154 : i32
        %mul3A_156 = arith.constant 10528 : i32
        %mul3A_157 = arith.muli %add3A, %mul3A_156 : i32
        %mul3A_158 = arith.constant 112 : i32
        %mul3A_159 = arith.muli %add3A_155, %mul3A_158 : i32
        %add3A_160 = arith.addi %mul3A_157, %mul3A_159 : i32
        "tpu.region"() ({
          %run_scoped3A = tpu.sem_alloc : memref<!tpu.dma_semaphore, #tpu.memory_space<semaphore_mem>>
          %dma_start3A_170 = tpu.memref_slice %arg2[%add3A_160] : memref<336896xi32, #tpu.memory_space<hbm>> -> memref<112xi32, #tpu.memory_space<hbm>>
          %dma_start3A_171 = tpu.memref_slice %arg2[%add3A_160] : memref<336896xi32, #tpu.memory_space<hbm>> -> memref<112xi32, #tpu.memory_space<hbm>>
          tpu.enqueue_dma source(%dma_start3A_171 : memref<112xi32, #tpu.memory_space<hbm>>) target(%arg15 : memref<112xi32, #tpu.memory_space<vmem>>) target_semaphore(%run_scoped3A : memref<!tpu.dma_semaphore, #tpu.memory_space<semaphore_mem>>)
          %dma_wait3A_172 = tpu.memref_slice %arg2[%add3A_160] : memref<336896xi32, #tpu.memory_space<hbm>> -> memref<112xi32, #tpu.memory_space<hbm>>
          %dma_wait3A_173 = tpu.memref_slice %arg2[%add3A_160] : memref<336896xi32, #tpu.memory_space<hbm>> -> memref<112xi32, #tpu.memory_space<hbm>>
          tpu.wait_dma2 semaphore(%run_scoped3A : memref<!tpu.dma_semaphore, #tpu.memory_space<semaphore_mem>>) src(%dma_wait3A_173 : memref<112xi32, #tpu.memory_space<hbm>>) dst(%arg15 : memref<112xi32, #tpu.memory_space<vmem>>)
          tpu.yield
        }) : () -> ()
        "tpu.region"() ({
          %run_scoped3A = tpu.sem_alloc : memref<!tpu.dma_semaphore, #tpu.memory_space<semaphore_mem>>
          %dma_start3A_170 = tpu.memref_slice %arg3[%add3A_160] : memref<336896xi32, #tpu.memory_space<hbm>> -> memref<112xi32, #tpu.memory_space<hbm>>
          %dma_start3A_171 = tpu.memref_slice %arg3[%add3A_160] : memref<336896xi32, #tpu.memory_space<hbm>> -> memref<112xi32, #tpu.memory_space<hbm>>
          tpu.enqueue_dma source(%dma_start3A_171 : memref<112xi32, #tpu.memory_space<hbm>>) target(%arg17 : memref<112xi32, #tpu.memory_space<vmem>>) target_semaphore(%run_scoped3A : memref<!tpu.dma_semaphore, #tpu.memory_space<semaphore_mem>>)
          %dma_wait3A_172 = tpu.memref_slice %arg3[%add3A_160] : memref<336896xi32, #tpu.memory_space<hbm>> -> memref<112xi32, #tpu.memory_space<hbm>>
          %dma_wait3A_173 = tpu.memref_slice %arg3[%add3A_160] : memref<336896xi32, #tpu.memory_space<hbm>> -> memref<112xi32, #tpu.memory_space<hbm>>
          tpu.wait_dma2 semaphore(%run_scoped3A : memref<!tpu.dma_semaphore, #tpu.memory_space<semaphore_mem>>) src(%dma_wait3A_173 : memref<112xi32, #tpu.memory_space<hbm>>) dst(%arg17 : memref<112xi32, #tpu.memory_space<vmem>>)
          tpu.yield
        }) : () -> ()
        %dma_start3A_161 = arith.constant 0 : i32
        %dma_start3A_162 = arith.constant 0 : i32
        %dma_start3A_163 = tpu.memref_slice %arg4[%dma_start3A_161, %dma_start3A_162] : memref<10240x16xf32, #tpu.memory_space<hbm>> -> memref<10240x16xf32, #tpu.memory_space<hbm>>
        tpu.enqueue_indirect_dma source(%dma_start3A_163 : memref<10240x16xf32, #tpu.memory_space<hbm>>) target(%arg19 : memref<112x16xf32, #tpu.memory_space<vmem>>) offsets(%arg15 : memref<112xi32, #tpu.memory_space<vmem>>) semaphore(%arg26 : memref<!tpu.dma_semaphore, #tpu.memory_space<semaphore_mem>>)
        %dma_start3A_164 = arith.constant 0 : i32
        %dma_start3A_165 = arith.constant 0 : i32
        %dma_start3A_166 = tpu.memref_slice %arg5[%dma_start3A_164, %dma_start3A_165] : memref<10240x16xf32, #tpu.memory_space<hbm>> -> memref<10240x16xf32, #tpu.memory_space<hbm>>
        tpu.enqueue_indirect_dma source(%dma_start3A_166 : memref<10240x16xf32, #tpu.memory_space<hbm>>) target(%arg20 : memref<112x16xf32, #tpu.memory_space<vmem>>) offsets(%arg17 : memref<112xi32, #tpu.memory_space<vmem>>) semaphore(%arg27 : memref<!tpu.dma_semaphore, #tpu.memory_space<semaphore_mem>>)
        %dma_start3A_167 = arith.constant 0 : i32
        %dma_start3A_168 = arith.constant 0 : i32
        %dma_start3A_169 = tpu.memref_slice %arg6[%dma_start3A_167, %dma_start3A_168] : memref<10240x128xf32, #tpu.memory_space<hbm>> -> memref<10240x128xf32, #tpu.memory_space<hbm>>
        tpu.enqueue_indirect_dma source(%dma_start3A_169 : memref<10240x128xf32, #tpu.memory_space<hbm>>) target(%arg21 : memref<112x128xf32, #tpu.memory_space<vmem>>) offsets(%arg15 : memref<112xi32, #tpu.memory_space<vmem>>) semaphore(%arg28 : memref<!tpu.dma_semaphore, #tpu.memory_space<semaphore_mem>>)
      } else {
      }
      %parallel_loop3A_118 = arith.constant 0 : i32
      %parallel_loop3A_119 = arith.constant 112 : i32
      %parallel_loop3A_120 = arith.constant 1 : i32
      scf.for %parallel_loop3A_154 = %parallel_loop3A_118 to %parallel_loop3A_119 step %parallel_loop3A_120  : i32 {
        %parallel_loop3A_155 = arith.index_cast %parallel_loop3A_154 : i32 to index
        %parallel_loop3A_156 = arith.constant 0 : index
        %parallel_loop3A_157 = tpu.vector_load %arg23[%parallel_loop3A_155, %parallel_loop3A_156] {strides = array<i32>} : memref<112x16xf32, #tpu.memory_space<vmem>>, vector<1x16xf32>,
        %parallel_loop3A_158 = vector.shape_cast %parallel_loop3A_157 : vector<1x16xf32> to vector<16xf32>
        %parallel_loop3A_159 = arith.constant 0 : i32
        %parallel_loop3A_160 = vector.broadcast %parallel_loop3A_159 : i32 to vector<16x1xi32>
        %parallel_loop3A_161 = vector.shape_cast %parallel_loop3A_160 : vector<16x1xi32> to vector<16xi32>
        %parallel_loop3A_162 = tpu.dynamic_gather %parallel_loop3A_158[%parallel_loop3A_161] in [0] : vector<16xf32>, vector<16xi32> -> vector<16xf32>
        %parallel_loop3A_163 = arith.index_cast %parallel_loop3A_154 : i32 to index
        %parallel_loop3A_164 = arith.constant 0 : index
        %parallel_loop3A_165 = tpu.vector_load %arg22[%parallel_loop3A_163, %parallel_loop3A_164] {strides = array<i32>} : memref<112x128xf32, #tpu.memory_space<vmem>>, vector<1x16xf32>,
        %parallel_loop3A_166 = vector.shape_cast %parallel_loop3A_165 : vector<1x16xf32> to vector<16xf32>
        %parallel_loop3A_167 = arith.mulf %parallel_loop3A_166, %parallel_loop3A_162 : vector<16xf32>
        %parallel_loop3A_168 = arith.index_cast %parallel_loop3A_154 : i32 to index
        %parallel_loop3A_169 = arith.constant 0 : index
        %parallel_loop3A_170 = tpu.vector_load %arg22[%parallel_loop3A_168, %parallel_loop3A_169] {strides = array<i32>} : memref<112x128xf32, #tpu.memory_space<vmem>>, vector<1x16xf32>,
        %parallel_loop3A_171 = vector.shape_cast %parallel_loop3A_170 : vector<1x16xf32> to vector<16xf32>
        %parallel_loop3A_172 = vector.shape_cast %parallel_loop3A_167 : vector<16xf32> to vector<1x16xf32>
        tpu.vector_store %arg22[%parallel_loop3A_168, %parallel_loop3A_169], %parallel_loop3A_172 {strides = array<i32>} : memref<112x128xf32, #tpu.memory_space<vmem>>, vector<1x16xf32>,
        %parallel_loop3A_173 = arith.constant 1 : i32
        %parallel_loop3A_174 = vector.broadcast %parallel_loop3A_173 : i32 to vector<16x1xi32>
        %parallel_loop3A_175 = vector.shape_cast %parallel_loop3A_174 : vector<16x1xi32> to vector<16xi32>
        %parallel_loop3A_176 = tpu.dynamic_gather %parallel_loop3A_158[%parallel_loop3A_175] in [0] : vector<16xf32>, vector<16xi32> -> vector<16xf32>
        %parallel_loop3A_177 = arith.index_cast %parallel_loop3A_154 : i32 to index
        %parallel_loop3A_178 = arith.constant 16 : index
        %parallel_loop3A_179 = tpu.vector_load %arg22[%parallel_loop3A_177, %parallel_loop3A_178] {strides = array<i32>} : memref<112x128xf32, #tpu.memory_space<vmem>>, vector<1x16xf32>,
        %parallel_loop3A_180 = vector.shape_cast %parallel_loop3A_179 : vector<1x16xf32> to vector<16xf32>
        %parallel_loop3A_181 = arith.mulf %parallel_loop3A_180, %parallel_loop3A_176 : vector<16xf32>
        %parallel_loop3A_182 = arith.index_cast %parallel_loop3A_154 : i32 to index
        %parallel_loop3A_183 = arith.constant 16 : index
        %parallel_loop3A_184 = tpu.vector_load %arg22[%parallel_loop3A_182, %parallel_loop3A_183] {strides = array<i32>} : memref<112x128xf32, #tpu.memory_space<vmem>>, vector<1x16xf32>,
        %parallel_loop3A_185 = vector.shape_cast %parallel_loop3A_184 : vector<1x16xf32> to vector<16xf32>
        %parallel_loop3A_186 = vector.shape_cast %parallel_loop3A_181 : vector<16xf32> to vector<1x16xf32>
        tpu.vector_store %arg22[%parallel_loop3A_182, %parallel_loop3A_183], %parallel_loop3A_186 {strides = array<i32>} : memref<112x128xf32, #tpu.memory_space<vmem>>, vector<1x16xf32>,
        %parallel_loop3A_187 = arith.constant 2 : i32
        %parallel_loop3A_188 = vector.broadcast %parallel_loop3A_187 : i32 to vector<16x1xi32>
        %parallel_loop3A_189 = vector.shape_cast %parallel_loop3A_188 : vector<16x1xi32> to vector<16xi32>
        %parallel_loop3A_190 = tpu.dynamic_gather %parallel_loop3A_158[%parallel_loop3A_189] in [0] : vector<16xf32>, vector<16xi32> -> vector<16xf32>
        %parallel_loop3A_191 = arith.index_cast %parallel_loop3A_154 : i32 to index
        %parallel_loop3A_192 = arith.constant 32 : index
        %parallel_loop3A_193 = tpu.vector_load %arg22[%parallel_loop3A_191, %parallel_loop3A_192] {strides = array<i32>} : memref<112x128xf32, #tpu.memory_space<vmem>>, vector<1x16xf32>,
        %parallel_loop3A_194 = vector.shape_cast %parallel_loop3A_193 : vector<1x16xf32> to vector<16xf32>
        %parallel_loop3A_195 = arith.mulf %parallel_loop3A_194, %parallel_loop3A_190 : vector<16xf32>
        %parallel_loop3A_196 = arith.index_cast %parallel_loop3A_154 : i32 to index
        %parallel_loop3A_197 = arith.constant 32 : index
        %parallel_loop3A_198 = tpu.vector_load %arg22[%parallel_loop3A_196, %parallel_loop3A_197] {strides = array<i32>} : memref<112x128xf32, #tpu.memory_space<vmem>>, vector<1x16xf32>,
        %parallel_loop3A_199 = vector.shape_cast %parallel_loop3A_198 : vector<1x16xf32> to vector<16xf32>
        %parallel_loop3A_200 = vector.shape_cast %parallel_loop3A_195 : vector<16xf32> to vector<1x16xf32>
        tpu.vector_store %arg22[%parallel_loop3A_196, %parallel_loop3A_197], %parallel_loop3A_200 {strides = array<i32>} : memref<112x128xf32, #tpu.memory_space<vmem>>, vector<1x16xf32>,
        %parallel_loop3A_201 = arith.constant 3 : i32
        %parallel_loop3A_202 = vector.broadcast %parallel_loop3A_201 : i32 to vector<16x1xi32>
        %parallel_loop3A_203 = vector.shape_cast %parallel_loop3A_202 : vector<16x1xi32> to vector<16xi32>
        %parallel_loop3A_204 = tpu.dynamic_gather %parallel_loop3A_158[%parallel_loop3A_203] in [0] : vector<16xf32>, vector<16xi32> -> vector<16xf32>
        %parallel_loop3A_205 = arith.index_cast %parallel_loop3A_154 : i32 to index
        %parallel_loop3A_206 = arith.constant 48 : index
        %parallel_loop3A_207 = tpu.vector_load %arg22[%parallel_loop3A_205, %parallel_loop3A_206] {strides = array<i32>} : memref<112x128xf32, #tpu.memory_space<vmem>>, vector<1x16xf32>,
        %parallel_loop3A_208 = vector.shape_cast %parallel_loop3A_207 : vector<1x16xf32> to vector<16xf32>
        %parallel_loop3A_209 = arith.mulf %parallel_loop3A_208, %parallel_loop3A_204 : vector<16xf32>
        %parallel_loop3A_210 = arith.index_cast %parallel_loop3A_154 : i32 to index
        %parallel_loop3A_211 = arith.constant 48 : index
        %parallel_loop3A_212 = tpu.vector_load %arg22[%parallel_loop3A_210, %parallel_loop3A_211] {strides = array<i32>} : memref<112x128xf32, #tpu.memory_space<vmem>>, vector<1x16xf32>,
        %parallel_loop3A_213 = vector.shape_cast %parallel_loop3A_212 : vector<1x16xf32> to vector<16xf32>
        %parallel_loop3A_214 = vector.shape_cast %parallel_loop3A_209 : vector<16xf32> to vector<1x16xf32>
        tpu.vector_store %arg22[%parallel_loop3A_210, %parallel_loop3A_211], %parallel_loop3A_214 {strides = array<i32>} : memref<112x128xf32, #tpu.memory_space<vmem>>, vector<1x16xf32>,
        %parallel_loop3A_215 = arith.constant 4 : i32
        %parallel_loop3A_216 = vector.broadcast %parallel_loop3A_215 : i32 to vector<16x1xi32>
        %parallel_loop3A_217 = vector.shape_cast %parallel_loop3A_216 : vector<16x1xi32> to vector<16xi32>
        %parallel_loop3A_218 = tpu.dynamic_gather %parallel_loop3A_158[%parallel_loop3A_217] in [0] : vector<16xf32>, vector<16xi32> -> vector<16xf32>
        %parallel_loop3A_219 = arith.index_cast %parallel_loop3A_154 : i32 to index
        %parallel_loop3A_220 = arith.constant 64 : index
        %parallel_loop3A_221 = tpu.vector_load %arg22[%parallel_loop3A_219, %parallel_loop3A_220] {strides = array<i32>} : memref<112x128xf32, #tpu.memory_space<vmem>>, vector<1x16xf32>,
        %parallel_loop3A_222 = vector.shape_cast %parallel_loop3A_221 : vector<1x16xf32> to vector<16xf32>
        %parallel_loop3A_223 = arith.mulf %parallel_loop3A_222, %parallel_loop3A_218 : vector<16xf32>
        %parallel_loop3A_224 = arith.index_cast %parallel_loop3A_154 : i32 to index
        %parallel_loop3A_225 = arith.constant 64 : index
        %parallel_loop3A_226 = tpu.vector_load %arg22[%parallel_loop3A_224, %parallel_loop3A_225] {strides = array<i32>} : memref<112x128xf32, #tpu.memory_space<vmem>>, vector<1x16xf32>,
        %parallel_loop3A_227 = vector.shape_cast %parallel_loop3A_226 : vector<1x16xf32> to vector<16xf32>
        %parallel_loop3A_228 = vector.shape_cast %parallel_loop3A_223 : vector<16xf32> to vector<1x16xf32>
        tpu.vector_store %arg22[%parallel_loop3A_224, %parallel_loop3A_225], %parallel_loop3A_228 {strides = array<i32>} : memref<112x128xf32, #tpu.memory_space<vmem>>, vector<1x16xf32>,
        %parallel_loop3A_229 = arith.constant 5 : i32
        %parallel_loop3A_230 = vector.broadcast %parallel_loop3A_229 : i32 to vector<16x1xi32>
        %parallel_loop3A_231 = vector.shape_cast %parallel_loop3A_230 : vector<16x1xi32> to vector<16xi32>
        %parallel_loop3A_232 = tpu.dynamic_gather %parallel_loop3A_158[%parallel_loop3A_231] in [0] : vector<16xf32>, vector<16xi32> -> vector<16xf32>
        %parallel_loop3A_233 = arith.index_cast %parallel_loop3A_154 : i32 to index
        %parallel_loop3A_234 = arith.constant 80 : index
        %parallel_loop3A_235 = tpu.vector_load %arg22[%parallel_loop3A_233, %parallel_loop3A_234] {strides = array<i32>} : memref<112x128xf32, #tpu.memory_space<vmem>>, vector<1x16xf32>,
        %parallel_loop3A_236 = vector.shape_cast %parallel_loop3A_235 : vector<1x16xf32> to vector<16xf32>
        %parallel_loop3A_237 = arith.mulf %parallel_loop3A_236, %parallel_loop3A_232 : vector<16xf32>
        %parallel_loop3A_238 = arith.index_cast %parallel_loop3A_154 : i32 to index
        %parallel_loop3A_239 = arith.constant 80 : index
        %parallel_loop3A_240 = tpu.vector_load %arg22[%parallel_loop3A_238, %parallel_loop3A_239] {strides = array<i32>} : memref<112x128xf32, #tpu.memory_space<vmem>>, vector<1x16xf32>,
        %parallel_loop3A_241 = vector.shape_cast %parallel_loop3A_240 : vector<1x16xf32> to vector<16xf32>
        %parallel_loop3A_242 = vector.shape_cast %parallel_loop3A_237 : vector<16xf32> to vector<1x16xf32>
        tpu.vector_store %arg22[%parallel_loop3A_238, %parallel_loop3A_239], %parallel_loop3A_242 {strides = array<i32>} : memref<112x128xf32, #tpu.memory_space<vmem>>, vector<1x16xf32>,
        %parallel_loop3A_243 = arith.constant 6 : i32
        %parallel_loop3A_244 = vector.broadcast %parallel_loop3A_243 : i32 to vector<16x1xi32>
        %parallel_loop3A_245 = vector.shape_cast %parallel_loop3A_244 : vector<16x1xi32> to vector<16xi32>
        %parallel_loop3A_246 = tpu.dynamic_gather %parallel_loop3A_158[%parallel_loop3A_245] in [0] : vector<16xf32>, vector<16xi32> -> vector<16xf32>
        %parallel_loop3A_247 = arith.index_cast %parallel_loop3A_154 : i32 to index
        %parallel_loop3A_248 = arith.constant 96 : index
        %parallel_loop3A_249 = tpu.vector_load %arg22[%parallel_loop3A_247, %parallel_loop3A_248] {strides = array<i32>} : memref<112x128xf32, #tpu.memory_space<vmem>>, vector<1x16xf32>,
        %parallel_loop3A_250 = vector.shape_cast %parallel_loop3A_249 : vector<1x16xf32> to vector<16xf32>
        %parallel_loop3A_251 = arith.mulf %parallel_loop3A_250, %parallel_loop3A_246 : vector<16xf32>
        %parallel_loop3A_252 = arith.index_cast %parallel_loop3A_154 : i32 to index
        %parallel_loop3A_253 = arith.constant 96 : index
        %parallel_loop3A_254 = tpu.vector_load %arg22[%parallel_loop3A_252, %parallel_loop3A_253] {strides = array<i32>} : memref<112x128xf32, #tpu.memory_space<vmem>>, vector<1x16xf32>,
        %parallel_loop3A_255 = vector.shape_cast %parallel_loop3A_254 : vector<1x16xf32> to vector<16xf32>
        %parallel_loop3A_256 = vector.shape_cast %parallel_loop3A_251 : vector<16xf32> to vector<1x16xf32>
        tpu.vector_store %arg22[%parallel_loop3A_252, %parallel_loop3A_253], %parallel_loop3A_256 {strides = array<i32>} : memref<112x128xf32, #tpu.memory_space<vmem>>, vector<1x16xf32>,
        %parallel_loop3A_257 = arith.constant 7 : i32
        %parallel_loop3A_258 = vector.broadcast %parallel_loop3A_257 : i32 to vector<16x1xi32>
        %parallel_loop3A_259 = vector.shape_cast %parallel_loop3A_258 : vector<16x1xi32> to vector<16xi32>
        %parallel_loop3A_260 = tpu.dynamic_gather %parallel_loop3A_158[%parallel_loop3A_259] in [0] : vector<16xf32>, vector<16xi32> -> vector<16xf32>
        %parallel_loop3A_261 = arith.index_cast %parallel_loop3A_154 : i32 to index
        %parallel_loop3A_262 = arith.constant 112 : index
        %parallel_loop3A_263 = tpu.vector_load %arg22[%parallel_loop3A_261, %parallel_loop3A_262] {strides = array<i32>} : memref<112x128xf32, #tpu.memory_space<vmem>>, vector<1x16xf32>,
        %parallel_loop3A_264 = vector.shape_cast %parallel_loop3A_263 : vector<1x16xf32> to vector<16xf32>
        %parallel_loop3A_265 = arith.mulf %parallel_loop3A_264, %parallel_loop3A_260 : vector<16xf32>
        %parallel_loop3A_266 = arith.index_cast %parallel_loop3A_154 : i32 to index
        %parallel_loop3A_267 = arith.constant 112 : index
        %parallel_loop3A_268 = tpu.vector_load %arg22[%parallel_loop3A_266, %parallel_loop3A_267] {strides = array<i32>} : memref<112x128xf32, #tpu.memory_space<vmem>>, vector<1x16xf32>,
        %parallel_loop3A_269 = vector.shape_cast %parallel_loop3A_268 : vector<1x16xf32> to vector<16xf32>
        %parallel_loop3A_270 = vector.shape_cast %parallel_loop3A_265 : vector<16xf32> to vector<1x16xf32>
        tpu.vector_store %arg22[%parallel_loop3A_266, %parallel_loop3A_267], %parallel_loop3A_270 {strides = array<i32>} : memref<112x128xf32, #tpu.memory_space<vmem>>, vector<1x16xf32>,
      } {sc.loop_unroll_factor = 2 : i64, sc.parallel_access}
      %jit3A_121 = arith.constant 2 : i32
      %div3A_122 = arith.divsi %add3A_97, %jit3A_121 : i32
      %sign3A_123 = arith.constant 0 : i32
      %sign3A_124 = arith.cmpi sgt, %add3A_97, %sign3A_123 : i32
      %sign3A_125 = arith.extui %sign3A_124 : i1 to i32
      %sign3A_126 = arith.constant 0 : i32
      %sign3A_127 = arith.cmpi slt, %add3A_97, %sign3A_126 : i32
      %sign3A_128 = arith.extui %sign3A_127 : i1 to i32
      %sign3A_129 = arith.subi %sign3A_125, %sign3A_128 : i32
      %sign3A_130 = arith.constant 0 : i32
      %sign3A_131 = arith.cmpi sgt, %jit3A_121, %sign3A_130 : i32
      %sign3A_132 = arith.extui %sign3A_131 : i1 to i32
      %sign3A_133 = arith.constant 0 : i32
      %sign3A_134 = arith.cmpi slt, %jit3A_121, %sign3A_133 : i32
      %sign3A_135 = arith.extui %sign3A_134 : i1 to i32
      %sign3A_136 = arith.subi %sign3A_132, %sign3A_135 : i32
      %ne3A_137 = arith.cmpi ne, %sign3A_129, %sign3A_136 : i32
      %rem3A_138 = arith.remsi %add3A_97, %jit3A_121 : i32
      %ne3A_139 = arith.constant 0 : i32
      %ne3A_140 = arith.cmpi ne, %rem3A_138, %ne3A_139 : i32
      %and3A_141 = arith.andi %ne3A_137, %ne3A_140 : i1
      %sub3A_142 = arith.constant 1 : i32
      %sub3A_143 = arith.subi %div3A_122, %sub3A_142 : i32
      %select_n3A_144 = arith.select %and3A_141, %sub3A_143, %div3A_122 : i32
      %dma_start3A_145 = arith.constant 0 : i32
      %dma_start3A_146 = tpu.memref_slice %arg10[%select_n3A_144, %dma_start3A_145] : memref<168448x16xf32, #tpu.memory_space<hbm>> -> memref<56x16xf32, #tpu.memory_space<hbm>>
      %dma_start3A_147 = arith.constant 0 : i32
      %dma_start3A_148 = tpu.memref_slice %arg10[%select_n3A_144, %dma_start3A_147] : memref<168448x16xf32, #tpu.memory_space<hbm>> -> memref<56x16xf32, #tpu.memory_space<hbm>>
      tpu.enqueue_dma source(%arg24 : memref<56x16xf32, #tpu.memory_space<vmem>>) target(%dma_start3A_148 : memref<56x16xf32, #tpu.memory_space<hbm>>) target_semaphore(%arg30 : memref<!tpu.dma_semaphore, #tpu.memory_space<semaphore_mem>>)
      "tpu.region"() ({
        %run_scoped3A = tpu.sem_alloc : memref<!tpu.dma_semaphore, #tpu.memory_space<semaphore_mem>>
        %dma_start3A_154 = arith.constant 0 : i32
        %dma_start3A_155 = arith.constant 0 : i32
        %dma_start3A_156 = tpu.memref_slice %arg14[%dma_start3A_154, %dma_start3A_155] : memref<10240x16xf32, #tpu.memory_space<vmem_shared>> -> memref<10240x16xf32, #tpu.memory_space<vmem_shared>>
        tpu.enqueue_indirect_dma source(%arg23 : memref<112x16xf32, #tpu.memory_space<vmem>>) target(%dma_start3A_156 : memref<10240x16xf32, #tpu.memory_space<vmem_shared>>) offsets(%arg18 : memref<112xi32, #tpu.memory_space<vmem>>) semaphore(%run_scoped3A : memref<!tpu.dma_semaphore, #tpu.memory_space<semaphore_mem>>) {add = true}
        %dma_wait3A_157 = arith.constant 0 : i32
        %dma_wait3A_158 = arith.constant 0 : i32
        %dma_wait3A_159 = tpu.memref_slice %arg14[%dma_wait3A_157, %dma_wait3A_158] : memref<10240x16xf32, #tpu.memory_space<vmem_shared>> -> memref<10240x16xf32, #tpu.memory_space<vmem_shared>>
        tpu.wait_indirect_dma semaphore(%run_scoped3A : memref<!tpu.dma_semaphore, #tpu.memory_space<semaphore_mem>>) src(%arg23 : memref<112x16xf32, #tpu.memory_space<vmem>>) dst(%dma_wait3A_159 : memref<10240x16xf32, #tpu.memory_space<vmem_shared>>)
        tpu.yield
      }) : () -> ()
      "tpu.region"() ({
        %run_scoped3A = tpu.sem_alloc : memref<!tpu.dma_semaphore, #tpu.memory_space<semaphore_mem>>
        %dma_start3A_154 = arith.constant 0 : i32
        %dma_start3A_155 = arith.constant 0 : i32
        %dma_start3A_156 = tpu.memref_slice %arg13[%dma_start3A_154, %dma_start3A_155] : memref<10240x128xf32, #tpu.memory_space<vmem_shared>> -> memref<10240x128xf32, #tpu.memory_space<vmem_shared>>
        tpu.enqueue_indirect_dma source(%arg22 : memref<112x128xf32, #tpu.memory_space<vmem>>) target(%dma_start3A_156 : memref<10240x128xf32, #tpu.memory_space<vmem_shared>>) offsets(%arg18 : memref<112xi32, #tpu.memory_space<vmem>>) semaphore(%run_scoped3A : memref<!tpu.dma_semaphore, #tpu.memory_space<semaphore_mem>>) {add = true}
        %dma_wait3A_157 = arith.constant 0 : i32
        %dma_wait3A_158 = arith.constant 0 : i32
        %dma_wait3A_159 = tpu.memref_slice %arg13[%dma_wait3A_157, %dma_wait3A_158] : memref<10240x128xf32, #tpu.memory_space<vmem_shared>> -> memref<10240x128xf32, #tpu.memory_space<vmem_shared>>
        tpu.wait_indirect_dma semaphore(%run_scoped3A : memref<!tpu.dma_semaphore, #tpu.memory_space<semaphore_mem>>) src(%arg22 : memref<112x128xf32, #tpu.memory_space<vmem>>) dst(%dma_wait3A_159 : memref<10240x128xf32, #tpu.memory_space<vmem_shared>>)
        tpu.yield
      }) : () -> ()
      %dma_wait3A_149 = arith.constant 0 : i32
      %dma_wait3A_150 = tpu.memref_slice %arg10[%select_n3A_144, %dma_wait3A_149] : memref<168448x16xf32, #tpu.memory_space<hbm>> -> memref<56x16xf32, #tpu.memory_space<hbm>>
      %dma_wait3A_151 = arith.constant 0 : i32
      %dma_wait3A_152 = tpu.memref_slice %arg10[%select_n3A_144, %dma_wait3A_151] : memref<168448x16xf32, #tpu.memory_space<hbm>> -> memref<56x16xf32, #tpu.memory_space<hbm>>
      tpu.wait_dma2 semaphore(%arg30 : memref<!tpu.dma_semaphore, #tpu.memory_space<semaphore_mem>>) src(%arg24 : memref<56x16xf32, #tpu.memory_space<vmem>>) dst(%dma_wait3A_152 : memref<56x16xf32, #tpu.memory_space<hbm>>)
      %scan3A_153 = arith.constant 0 : i32
      scf.yield %scan3A_153 : i32
    }
    %scan3A_24 = arith.constant 47 : i32
    %barrier3A_25 = arith.constant 0 : index
    tpu.barrier barrier_id(%barrier3A_25)
    "tpu.region"() ({
      %run_scoped3A = tpu.sem_alloc : memref<!tpu.dma_semaphore, #tpu.memory_space<semaphore_mem>>
      %dma_start3A_26 = arith.constant 0 : i32
      %dma_start3A_27 = tpu.memref_slice %arg11[%arg0, %mul3A_2, %dma_start3A_26] : memref<2x10240x128xf32, #tpu.memory_space<hbm>> -> memref<1x640x128xf32, #tpu.memory_space<hbm>>
      %dma_start3A_28 = tpu.memref_squeeze %dma_start3A_27 : memref<1x640x128xf32, #tpu.memory_space<hbm>> -> memref<640x128xf32, #tpu.memory_space<hbm>>
      %dma_start3A_29 = arith.constant 0 : i32
      %dma_start3A_30 = tpu.memref_slice %arg13[%mul3A_2, %dma_start3A_29] : memref<10240x128xf32, #tpu.memory_space<vmem_shared>> -> memref<640x128xf32, #tpu.memory_space<vmem_shared>>
      tpu.enqueue_dma source(%dma_start3A_30 : memref<640x128xf32, #tpu.memory_space<vmem_shared>>) target(%dma_start3A_28 : memref<640x128xf32, #tpu.memory_space<hbm>>) target_semaphore(%run_scoped3A : memref<!tpu.dma_semaphore, #tpu.memory_space<semaphore_mem>>)
      %dma_wait3A = arith.constant 0 : i32
      %dma_wait3A_31 = tpu.memref_slice %arg11[%arg0, %mul3A_2, %dma_wait3A] : memref<2x10240x128xf32, #tpu.memory_space<hbm>> -> memref<1x640x128xf32, #tpu.memory_space<hbm>>
      %dma_wait3A_32 = tpu.memref_squeeze %dma_wait3A_31 : memref<1x640x128xf32, #tpu.memory_space<hbm>> -> memref<640x128xf32, #tpu.memory_space<hbm>>
      %dma_wait3A_33 = arith.constant 0 : i32
      %dma_wait3A_34 = tpu.memref_slice %arg13[%mul3A_2, %dma_wait3A_33] : memref<10240x128xf32, #tpu.memory_space<vmem_shared>> -> memref<640x128xf32, #tpu.memory_space<vmem_shared>>
      tpu.wait_dma2 semaphore(%run_scoped3A : memref<!tpu.dma_semaphore, #tpu.memory_space<semaphore_mem>>) src(%dma_wait3A_34 : memref<640x128xf32, #tpu.memory_space<vmem_shared>>) dst(%dma_wait3A_32 : memref<640x128xf32, #tpu.memory_space<hbm>>)
      tpu.yield
    }) : () -> ()
    "tpu.region"() ({
      %run_scoped3A = tpu.sem_alloc : memref<!tpu.dma_semaphore, #tpu.memory_space<semaphore_mem>>
      %dma_start3A_26 = arith.constant 0 : i32
      %dma_start3A_27 = tpu.memref_slice %arg12[%arg0, %mul3A_2, %dma_start3A_26] : memref<2x10240x16xf32, #tpu.memory_space<hbm>> -> memref<1x640x16xf32, #tpu.memory_space<hbm>>
      %dma_start3A_28 = tpu.memref_squeeze %dma_start3A_27 : memref<1x640x16xf32, #tpu.memory_space<hbm>> -> memref<640x16xf32, #tpu.memory_space<hbm>>
      %dma_start3A_29 = arith.constant 0 : i32
      %dma_start3A_30 = tpu.memref_slice %arg14[%mul3A_2, %dma_start3A_29] : memref<10240x16xf32, #tpu.memory_space<vmem_shared>> -> memref<640x16xf32, #tpu.memory_space<vmem_shared>>
      tpu.enqueue_dma source(%dma_start3A_30 : memref<640x16xf32, #tpu.memory_space<vmem_shared>>) target(%dma_start3A_28 : memref<640x16xf32, #tpu.memory_space<hbm>>) target_semaphore(%run_scoped3A : memref<!tpu.dma_semaphore, #tpu.memory_space<semaphore_mem>>)
      %dma_wait3A = arith.constant 0 : i32
      %dma_wait3A_31 = tpu.memref_slice %arg12[%arg0, %mul3A_2, %dma_wait3A] : memref<2x10240x16xf32, #tpu.memory_space<hbm>> -> memref<1x640x16xf32, #tpu.memory_space<hbm>>
      %dma_wait3A_32 = tpu.memref_squeeze %dma_wait3A_31 : memref<1x640x16xf32, #tpu.memory_space<hbm>> -> memref<640x16xf32, #tpu.memory_space<hbm>>
      %dma_wait3A_33 = arith.constant 0 : i32
      %dma_wait3A_34 = tpu.memref_slice %arg14[%mul3A_2, %dma_wait3A_33] : memref<10240x16xf32, #tpu.memory_space<vmem_shared>> -> memref<640x16xf32, #tpu.memory_space<vmem_shared>>
      tpu.wait_dma2 semaphore(%run_scoped3A : memref<!tpu.dma_semaphore, #tpu.memory_space<semaphore_mem>>) src(%dma_wait3A_34 : memref<640x16xf32, #tpu.memory_space<vmem_shared>>) dst(%dma_wait3A_32 : memref<640x16xf32, #tpu.memory_space<hbm>>)
      tpu.yield
    }) : () -> ()
    return
  }
}

module attributes {stable_mosaic.version = 14 : i64} {
  func.func @_tc_proj_body(%arg0: i32, %arg1: memref<256x128xf32, #tpu.memory_space<vmem>>, %arg2: memref<128x128xf32, #tpu.memory_space<vmem>>, %arg3: memref<128x16xf32, #tpu.memory_space<vmem>>, %arg4: memref<128x16xf32, #tpu.memory_space<vmem>>, %arg5: memref<256x128xf32, #tpu.memory_space<vmem>>, %arg6: memref<256x16xf32, #tpu.memory_space<vmem>>, %arg7: memref<256x16xf32, #tpu.memory_space<vmem>>, %arg8: memref<8x16xf32, #tpu.memory_space<vmem>>, %arg9: memref<8x16xf32, #tpu.memory_space<vmem>>) attributes {dimension_semantics = [#tpu.dimension_semantics<arbitrary>], iteration_bounds = array<i64: 40>, scalar_prefetch = 0 : i64, scratch_operands = 0 : i64, tpu.core_type = #tpu.core_type<tc>, window_params = [{transform_indices = @transform_0, window_bounds = array<i64: 256, 128>}, {pipeline_mode = #tpu.pipeline_mode<synchronous>, transform_indices = @transform_1, window_bounds = array<i64: 128, 128>}, {pipeline_mode = #tpu.pipeline_mode<synchronous>, transform_indices = @transform_2, window_bounds = array<i64: 128, 16>}, {pipeline_mode = #tpu.pipeline_mode<synchronous>, transform_indices = @transform_3, window_bounds = array<i64: 128, 16>}, {transform_indices = @transform_4, window_bounds = array<i64: 256, 128>}, {transform_indices = @transform_5, window_bounds = array<i64: 256, 16>}, {transform_indices = @transform_6, window_bounds = array<i64: 256, 16>}, {pipeline_mode = #tpu.pipeline_mode<synchronous>, transform_indices = @transform_7, window_bounds = array<i64: 8, 16>}, {pipeline_mode = #tpu.pipeline_mode<synchronous>, transform_indices = @transform_8, window_bounds = array<i64: 8, 16>}]} {
    %get3A = arith.constant 0 : index
    %get3A_0 = arith.constant 0 : index
    %get3A_1 = vector.load %arg1[%get3A, %get3A_0] : memref<256x128xf32, #tpu.memory_space<vmem>>, vector<256x128xf32>
    %get3A_2 = arith.constant 0 : index
    %get3A_3 = arith.constant 0 : index
    %get3A_4 = vector.load %arg2[%get3A_2, %get3A_3] : memref<128x128xf32, #tpu.memory_space<vmem>>, vector<128x128xf32>
    %dot_general3A = arith.constant dense<0.000000e+00> : vector<256x128xf32>
    %dot_general3A_5 = tpu.matmul %get3A_1, %get3A_4, %dot_general3A {dimension_numbers = #tpu.dot_dimension_numbers<[1], [0], [0], [1], [0, 0, 1, 1], [], []>, transpose_lhs_hint = false} : vector<256x128xf32>, vector<128x128xf32>, vector<256x128xf32> -> vector<256x128xf32>
    %swap3A = arith.constant 0 : index
    %swap3A_6 = arith.constant 0 : index
    %swap3A_7 = vector.load %arg5[%swap3A, %swap3A_6] : memref<256x128xf32, #tpu.memory_space<vmem>>, vector<256x128xf32>
    tpu.vector_store %arg5[%swap3A, %swap3A_6], %dot_general3A_5 {strides = array<i32>} : memref<256x128xf32, #tpu.memory_space<vmem>>, vector<256x128xf32>,
    %get3A_8 = arith.constant 0 : index
    %get3A_9 = arith.constant 0 : index
    %get3A_10 = vector.load %arg3[%get3A_8, %get3A_9] : memref<128x16xf32, #tpu.memory_space<vmem>>, vector<128x16xf32>
    %dot_general3A_11 = arith.constant dense<0.000000e+00> : vector<256x16xf32>
    %dot_general3A_12 = tpu.matmul %dot_general3A_5, %get3A_10, %dot_general3A_11 {dimension_numbers = #tpu.dot_dimension_numbers<[1], [0], [0], [1], [0, 0, 1, 1], [], []>, transpose_lhs_hint = false} : vector<256x128xf32>, vector<128x16xf32>, vector<256x16xf32> -> vector<256x16xf32>
    %get3A_13 = arith.constant 0 : index
    %get3A_14 = arith.constant 0 : index
    %get3A_15 = vector.load %arg4[%get3A_13, %get3A_14] : memref<128x16xf32, #tpu.memory_space<vmem>>, vector<128x16xf32>
    %dot_general3A_16 = arith.constant dense<0.000000e+00> : vector<256x16xf32>
    %dot_general3A_17 = tpu.matmul %dot_general3A_5, %get3A_15, %dot_general3A_16 {dimension_numbers = #tpu.dot_dimension_numbers<[1], [0], [0], [1], [0, 0, 1, 1], [], []>, transpose_lhs_hint = false} : vector<256x128xf32>, vector<128x16xf32>, vector<256x16xf32> -> vector<256x16xf32>
    %swap3A_18 = arith.constant 0 : index
    %swap3A_19 = arith.constant 0 : index
    %swap3A_20 = vector.load %arg6[%swap3A_18, %swap3A_19] : memref<256x16xf32, #tpu.memory_space<vmem>>, vector<256x16xf32>
    tpu.vector_store %arg6[%swap3A_18, %swap3A_19], %dot_general3A_12 {strides = array<i32>} : memref<256x16xf32, #tpu.memory_space<vmem>>, vector<256x16xf32>,
    %swap3A_21 = arith.constant 0 : index
    %swap3A_22 = arith.constant 0 : index
    %swap3A_23 = vector.load %arg7[%swap3A_21, %swap3A_22] : memref<256x16xf32, #tpu.memory_space<vmem>>, vector<256x16xf32>
    tpu.vector_store %arg7[%swap3A_21, %swap3A_22], %dot_general3A_17 {strides = array<i32>} : memref<256x16xf32, #tpu.memory_space<vmem>>, vector<256x16xf32>,
    %reduce_max3A = arith.constant dense<0xFF800000> : vector<16xf32>
    %reduce_max3A_24 = vector.multi_reduction <maximumf>, %dot_general3A_12, %reduce_max3A [0] : vector<256x16xf32> to vector<16xf32>
    %broadcast_in_dim3A = vector.shape_cast %reduce_max3A_24 : vector<16xf32> to vector<1x16xf32>
    %broadcast_in_dim3A_25 = vector.shape_cast %broadcast_in_dim3A : vector<1x16xf32> to vector<1x16xf32>
    %broadcast_in_dim3A_26 = vector.broadcast %broadcast_in_dim3A_25 : vector<1x16xf32> to vector<8x16xf32>
    %reduce_max3A_27 = arith.constant dense<0xFF800000> : vector<16xf32>
    %reduce_max3A_28 = vector.multi_reduction <maximumf>, %dot_general3A_17, %reduce_max3A_27 [0] : vector<256x16xf32> to vector<16xf32>
    %broadcast_in_dim3A_29 = vector.shape_cast %reduce_max3A_28 : vector<16xf32> to vector<1x16xf32>
    %broadcast_in_dim3A_30 = vector.shape_cast %broadcast_in_dim3A_29 : vector<1x16xf32> to vector<1x16xf32>
    %broadcast_in_dim3A_31 = vector.broadcast %broadcast_in_dim3A_30 : vector<1x16xf32> to vector<8x16xf32>
    %eq3A = arith.constant 0 : i32
    %eq3A_32 = arith.cmpi eq, %arg0, %eq3A : i32
    %convert_element_type3A = arith.extui %eq3A_32 : i1 to i32
    %cond3A = arith.constant 0 : i32
    %cond3A_33 = arith.cmpi ne, %convert_element_type3A, %cond3A : i32
    scf.if %cond3A_33 {
      %swap3A_38 = arith.constant 0 : index
      %swap3A_39 = arith.constant 0 : index
      %swap3A_40 = vector.load %arg8[%swap3A_38, %swap3A_39] : memref<8x16xf32, #tpu.memory_space<vmem>>, vector<8x16xf32>
      tpu.vector_store %arg8[%swap3A_38, %swap3A_39], %broadcast_in_dim3A_26 {strides = array<i32>} : memref<8x16xf32, #tpu.memory_space<vmem>>, vector<8x16xf32>,
      %swap3A_41 = arith.constant 0 : index
      %swap3A_42 = arith.constant 0 : index
      %swap3A_43 = vector.load %arg9[%swap3A_41, %swap3A_42] : memref<8x16xf32, #tpu.memory_space<vmem>>, vector<8x16xf32>
      tpu.vector_store %arg9[%swap3A_41, %swap3A_42], %broadcast_in_dim3A_31 {strides = array<i32>} : memref<8x16xf32, #tpu.memory_space<vmem>>, vector<8x16xf32>,
    } else {
    }
    %gt3A = arith.constant 0 : i32
    %gt3A_34 = arith.cmpi sgt, %arg0, %gt3A : i32
    %convert_element_type3A_35 = arith.extui %gt3A_34 : i1 to i32
    %cond3A_36 = arith.constant 0 : i32
    %cond3A_37 = arith.cmpi ne, %convert_element_type3A_35, %cond3A_36 : i32
    scf.if %cond3A_37 {
      %get3A_38 = arith.constant 0 : index
      %get3A_39 = arith.constant 0 : index
      %get3A_40 = vector.load %arg8[%get3A_38, %get3A_39] : memref<8x16xf32, #tpu.memory_space<vmem>>, vector<8x16xf32>
      %max3A = arith.maximumf %get3A_40, %broadcast_in_dim3A_26 : vector<8x16xf32>
      %swap3A_41 = arith.constant 0 : index
      %swap3A_42 = arith.constant 0 : index
      %swap3A_43 = vector.load %arg8[%swap3A_41, %swap3A_42] : memref<8x16xf32, #tpu.memory_space<vmem>>, vector<8x16xf32>
      tpu.vector_store %arg8[%swap3A_41, %swap3A_42], %max3A {strides = array<i32>} : memref<8x16xf32, #tpu.memory_space<vmem>>, vector<8x16xf32>,
      %get3A_44 = arith.constant 0 : index
      %get3A_45 = arith.constant 0 : index
      %get3A_46 = vector.load %arg9[%get3A_44, %get3A_45] : memref<8x16xf32, #tpu.memory_space<vmem>>, vector<8x16xf32>
      %max3A_47 = arith.maximumf %get3A_46, %broadcast_in_dim3A_31 : vector<8x16xf32>
      %swap3A_48 = arith.constant 0 : index
      %swap3A_49 = arith.constant 0 : index
      %swap3A_50 = vector.load %arg9[%swap3A_48, %swap3A_49] : memref<8x16xf32, #tpu.memory_space<vmem>>, vector<8x16xf32>
      tpu.vector_store %arg9[%swap3A_48, %swap3A_49], %max3A_47 {strides = array<i32>} : memref<8x16xf32, #tpu.memory_space<vmem>>, vector<8x16xf32>,
    } else {
    }
    return
  }
  func.func @transform_0(%arg0: i32) -> (i32, i32) {
    %c0_i32 = arith.constant 0 : i32
    %c0_i32_0 = arith.constant 0 : i32
    return %arg0, %c0_i32 : i32, i32
  }
  func.func @transform_1(%arg0: i32) -> (i32, i32) {
    %c0_i32 = arith.constant 0 : i32
    %c0_i32_0 = arith.constant 0 : i32
    %c0_i32_1 = arith.constant 0 : i32
    return %c0_i32, %c0_i32_0 : i32, i32
  }
  func.func @transform_2(%arg0: i32) -> (i32, i32) {
    %c0_i32 = arith.constant 0 : i32
    %c0_i32_0 = arith.constant 0 : i32
    %c0_i32_1 = arith.constant 0 : i32
    return %c0_i32, %c0_i32_0 : i32, i32
  }
  func.func @transform_3(%arg0: i32) -> (i32, i32) {
    %c0_i32 = arith.constant 0 : i32
    %c0_i32_0 = arith.constant 0 : i32
    %c0_i32_1 = arith.constant 0 : i32
    return %c0_i32, %c0_i32_0 : i32, i32
  }
  func.func @transform_4(%arg0: i32) -> (i32, i32) {
    %c0_i32 = arith.constant 0 : i32
    %c0_i32_0 = arith.constant 0 : i32
    return %arg0, %c0_i32 : i32, i32
  }
  func.func @transform_5(%arg0: i32) -> (i32, i32) {
    %c0_i32 = arith.constant 0 : i32
    %c0_i32_0 = arith.constant 0 : i32
    return %arg0, %c0_i32 : i32, i32
  }
  func.func @transform_6(%arg0: i32) -> (i32, i32) {
    %c0_i32 = arith.constant 0 : i32
    %c0_i32_0 = arith.constant 0 : i32
    return %arg0, %c0_i32 : i32, i32
  }
  func.func @transform_7(%arg0: i32) -> (i32, i32) {
    %c0_i32 = arith.constant 0 : i32
    %c0_i32_0 = arith.constant 0 : i32
    %c0_i32_1 = arith.constant 0 : i32
    return %c0_i32, %c0_i32_0 : i32, i32
  }
  func.func @transform_8(%arg0: i32) -> (i32, i32) {
    %c0_i32 = arith.constant 0 : i32
    %c0_i32_0 = arith.constant 0 : i32
    %c0_i32_1 = arith.constant 0 : i32
    return %c0_i32, %c0_i32_0 : i32, i32
  }
}

</mosaic_0001>

<sc_bundles>
// kernel: kernel.5.cloned.1.call-start
scs
__scs_entry_jumppad:
0x0: {  	(pc) =	sbr.rel $0x88, $3  }
0x1: {  	(tag) =	ssettag $0x0;
	lr =	simm.s32 $0x1  }
0x2: {  	[smem:$0x3F9B] =	sst lr;
	_ =	strace $0xD0000000  }
0x3: {  	_ = 	snop  }
0x4: {  	_ = 	snop  }
0x5: {  	_ = 	snop  }
0x6: {  	_ = 	snop  }
0x7: {  	_ = 	snop  }
__scs_overlays_trampoline_lowered:
0x8: {  	[smem:$0x3FAA] =	sst s0  }
0x9: {  	[smem:$0x3FAB] =	sst s1  }
0xa: {  	[smem:$0x3FAC] =	sst s2  }
0xb: {  	[smem:$0x3FAD] =	sst s3  }
0xc: {  	[smem:$0x3FAE] =	sst s4  }
0xd: {  	[smem:$0x3FAF] =	sst s5  }
0xe: {  	[smem:$0x3FB0] =	sst s6  }
0xf: {  	[smem:$0x3FB1] =	sst s7  }
0x10: {  	[smem:$0x3FB2] =	sst s8  }
0x11: {  	[smem:$0x3FB3] =	sst s9;
	s0 =	simm.s32 @!p0 $0x0  }
0x12: {  	s1 =	sld [smem:$0x3F99];
	s0 =	simm.s32 @p0 $0x1  }
0x13: {  	[smem:$0x3FB4] =	sst s0;
	s0 =	simm.s32 @!p1 $0x0  }
0x14: {  	s2 =	sld [smem:$0x3F98];
	s0 =	simm.s32 @p1 $0x1  }
0x15: {  	[smem:$0x3FB5] =	sst s0;
	s0 =	simm.s32 @!p2 $0x0  }
0x16: {  	s3 =	sld [smem:$0x3FDB];
	s0 =	simm.s32 @p2 $0x1  }
0x17: {  	s4 =	simm.s32 $0x1BF5;
	[smem:$0x3FB7] =	sst s0  }
0x18: {  	s0 =	sld [smem:$0x3F9A];
	_ =	swait.ge [sflag:s4], $0x0  }
0x19: {  	s7 =	sld [smem:$0x3F9B]  }
0x1a: {  	s8 =	sadd.s32 $0xFFFFE003, lr  }
0x1b: {  	s9 =	sadd.s32 $0xFFFFFEF7, lr;
	s5 =	simm.s32 $0xFFFFFFFF;
	p2 =	slt.u32 s8, $0xFFFFF086  }
0x1c: {  	p1 =	slt.u32 s9, $0xF7A;
	s5 =	simm.s32 @!p2 $0x0  }
0x1d: {  	s5 =	simm.s32 @p1 $0x1;
	p0 =	seq.s32 s7, s2  }
0x1e: {  	s7 =	smul.u32 @!p0 $0xF7A, s2;
	p2 =	seq.s32 @!p0 s5, $0x0  }
0x1f: {  	s9 =	smul.u32 $0xF7A, s1;
	s8 =	simm.s32 @!p0 $0x1BF5;
	p2 =	por !p2, p0  }
0x20: {  	[sflag:s8] =	ssyncset.s32 @!p0 $0xFFFFF086;
	s6 =	sadd.s32 @!p0 s3, s7;
	s7 =	simm.s32 @!p0 $0x108  }
0x21: {  	s3 =	sadd.s32 s3, s9;
	s6 =	sadd.s32 @!p0 $0x88, s6;
	s7 =	simm.s32 @p2 $0x1082  }
0x22: {  	[simem:s7], [sflag:s8] =	dma.local @!p0 [hbm:s6], $0xF7A  }
0x23: {  	s9 =	sor.u32 $0xD0000000, s2;
	s6 =	simm.s32 $0x108;
	_ =	swait.ge @!p0 [sflag:s8], $0x0  }
0x24: {  	s3 =	sadd.s32 $0x88, s3;
	s6 =	simm.s32 @!p1 $0x1082;
	[sflag:s4] =	ssyncset.s32 $0xFFFFF086  }
0x25: {  	[simem:s6], [sflag:s4] =	dma.local [hbm:s3], $0xF7A  }
0x26: {  	[smem:$0x3F9B] =	sst s1;
	(tag) =	ssettag s2;
	_ =	strace s9  }
0x27: {  	s1 =	sld [smem:$0x3FAB]  }
0x28: {  	s2 =	sld [smem:$0x3FAC]  }
0x29: {  	s4 =	sld [smem:$0x3FAE]  }
0x2a: {  	p0 =	seq.s32 s5, $0x0;
	s5 =	sld [smem:$0x3FAF]  }
0x2b: {  	s6 =	sld [smem:$0x3FB0]  }
0x2c: {  	s7 =	sld [smem:$0x3FB1]  }
0x2d: {  	s3 =	simm.s32 $0x108;
	s8 =	sld [smem:$0x3FB2]  }
0x2e: {  	s3 =	simm.s32 @!p0 $0x1082;
	s9 =	sld [smem:$0x3FB3]  }
0x2f: {  	lr =	sadd.s32 s0, s3;
	s0 =	sld [smem:$0x3FAA]  }
0x30: {  	s3 =	sld [smem:$0x3FAD]  }
0x31: {  	[smem:$0x3FB6] =	sst s10  }
0x32: {  	s10 =	sld [smem:$0x3FB4];
	_ =	sdelay $0x3  }
0x33: {  	p0 =	seq.s32 s10, $0x1;
	s10 =	sld [smem:$0x3FB6];
	_ =	sdelay $0x3  }
0x34: {  	[smem:$0x3FB6] =	sst s10  }
0x35: {  	s10 =	sld [smem:$0x3FB5];
	_ =	sdelay $0x3  }
0x36: {  	p1 =	seq.s32 s10, $0x1;
	s10 =	sld [smem:$0x3FB6];
	_ =	sdelay $0x3  }
0x37: {  	[smem:$0x3FB6] =	sst s10  }
0x38: {  	s10 =	sld [smem:$0x3FB7]  }
0x39: {  	_ = 	snop;
	(pc) =	sbr.ind lr, $3  }
0x3a: {  	_ = 	snop  }
0x3b: {  	_ = 	snop  }
0x3c: {  	p2 =	seq.s32 s10, $0x1;
	s10 =	sld [smem:$0x3FB6]  }
0x3d: {  	_ =	shalt  }
0x3e: {  	_ =	shalt  }
0x3f: {  	_ =	shalt  }
0x40: {  	_ =	shalt  }
0x41: {  	_ =	shalt  }
0x42: {  	_ =	shalt  }
0x43: {  	_ =	shalt  }
0x44: {  	_ =	shalt  }
0x45: {  	_ =	shalt  }
0x46: {  	_ =	shalt  }
0x47: {  	_ =	shalt  }
0x48: {  	_ =	shalt  }
0x49: {  	_ =	shalt  }
0x4a: {  	_ =	shalt  }
0x4b: {  	_ =	shalt  }
0x4c: {  	_ =	shalt  }
0x4d: {  	_ =	shalt  }
0x4e: {  	_ =	shalt  }
0x4f: {  	_ =	shalt  }
0x50: {  	_ =	shalt  }
0x51: {  	_ =	shalt  }
0x52: {  	_ =	shalt  }
0x53: {  	_ =	shalt  }
0x54: {  	_ =	shalt  }
0x55: {  	_ =	shalt  }
0x56: {  	_ =	shalt  }
0x57: {  	_ =	shalt  }
0x58: {  	_ =	shalt  }
0x59: {  	_ =	shalt  }
0x5a: {  	_ =	shalt  }
0x5b: {  	_ =	shalt  }
0x5c: {  	_ =	shalt  }
0x5d: {  	_ =	shalt  }
0x5e: {  	_ =	shalt  }
0x5f: {  	_ =	shalt  }
0x60: {  	_ =	shalt  }
0x61: {  	_ =	shalt  }
0x62: {  	_ =	shalt  }
0x63: {  	_ =	shalt  }
0x64: {  	_ =	shalt  }
0x65: {  	_ =	shalt  }
0x66: {  	_ =	shalt  }
0x67: {  	_ =	shalt  }
0x68: {  	_ =	shalt  }
0x69: {  	_ =	shalt  }
0x6a: {  	_ =	shalt  }
0x6b: {  	_ =	shalt  }
0x6c: {  	_ =	shalt  }
0x6d: {  	_ =	shalt  }
0x6e: {  	_ =	shalt  }
0x6f: {  	_ =	shalt  }
0x70: {  	_ =	shalt  }
0x71: {  	_ =	shalt  }
0x72: {  	_ =	shalt  }
0x73: {  	_ =	shalt  }
0x74: {  	_ =	shalt  }
0x75: {  	_ =	shalt  }
0x76: {  	_ =	shalt  }
0x77: {  	_ =	shalt  }
0x78: {  	_ =	shalt  }
0x79: {  	_ =	shalt  }
0x7a: {  	_ =	shalt  }
0x7b: {  	_ =	shalt  }
0x7c: {  	_ =	shalt  }
0x7d: {  	_ =	shalt  }
0x7e: {  	_ =	shalt  }
0x7f: {  	_ =	shalt  }
0x80: {  	_ =	shalt  }
0x81: {  	_ =	shalt  }
0x82: {  	_ =	shalt  }
0x83: {  	_ =	shalt  }
0x84: {  	_ =	shalt  }
0x85: {  	_ =	shalt  }
0x86: {  	_ =	shalt  }
0x87: {  	_ =	shalt  }
.Lfunc_end0:
.L_simem_size_0:
called_computation_lowered:
.L_overlay_start_0:
0x88: {  	s2 =	sld [smem:$0x3FD9]  }
0x89: {  	s3 =	sld [smem:$0x3FFE];
	_ =	sdelay $0x1  }
0x8a: {  	s1 =	srdreg.scid  }
0x8b: {  	s0 =	sand.u32 $0x1, s1  }
0x8c: {  	s14 =	sshll.u32 s0, $0xA;
	s2 =	sadd.s32 s3, s2  }
0x8d: {  	s2 =	sadd.s32 s2, s14  }
0x8e: {  	[smem:$0x3FC2] =	sst s2  }
0x8f: {  	_ = 	snop  }
0x90: {  	s2 =	sld [smem:$0x3FD0];
	_ =	sdelay $0x2  }
0x91: {  	s15 =	simm.s32 $0xA;
	s4 =	simm.s32 $0x10  }
0x92: {  	[smem:s4], [sflag:s15] =	dma.local [hbm:s2], $0x1  }
0x93: {  	_ =	swait.eq [sflag:s15], $0x1  }
0x94: {  	[sflag:s15] =	ssyncset.done $0x0  }
0x95: {  	s16 =	sld [smem:$0x10];
	[sflag:s15] =	ssyncadd.s32 $0xFFFFFFFF  }
0x96: {  	s17 =	sld [smem:$0x12];
	(tm) =	ssettm $0x1  }
0x97: {  	s18 =	sld [smem:$0x3FFB];
	_ =	sdelay $0x3  }
0x98: {  	_ =	strace s18  }
0x99: {  	s4 =	sld [smem:$0x3FFC];
	_ =	sdelay $0x3  }
0x9a: {  	_ =	strace s4  }
0x9b: {  	s4 =	sld [smem:$0x3FFD];
	_ =	sdelay $0x3  }
0x9c: {  	_ =	strace s4  }
0x9d: {  	_ =	strace $0x8FFFFFFF  }
0x9e: {  	s19 =	sld [smem:$0x3FDB];
	_ =	sdelay $0x1  }
0x9f: {  	s5 =	simm.s32 $_scs_section_size  }
0xa0: {  	s6 =	simm.s32 $_size__tile_overlayer_lowered;
	s7 =	simm.s32 $_tile_overlayer_lowered  }
0xa1: {  	s22 =	simm.s32 $0x1BFF;
	s21 =	sshll.u32 s7, $0x1;
	s4 =	sadd.s32 s5, s19  }
0xa2: {  	s8 =	simm.s32 $0x0;
	s20 =	sshll.u32 s6, $0x1;
	s6 =	sadd.s32 s21, s4  }
0xa3: {  	[timem:s8], [sflag:s22] =	dma.local [hbm:s6], s20  }
0xa4: {  	_ =	swait.ge [sflag:s22], s20  }
0xa5: {  	s5 =	ssub.s32 $0x0, s20;
	[sflag:s22] =	ssyncset.done $0x0  }
0xa6: {  	[sflag:s22] =	ssyncadd.s32 s5;
	_ =	sdelay $0x1  }
0xa7: {  	s23 =	simm.s32 $0x1B8B  }
0xa8: {  	_ =	swait.ge [sflag:s23], $0x1  }
0xa9: {  	[sflag:s23] =	ssyncset.done $0x0  }
0xaa: {  	s25 =	simm.s32 $0x1B8E;
	s24 =	sld [smem:$0x3FFE];
	[sflag:s23] =	ssyncadd.s32 $0xFFFFFFFF  }
0xab: {  	s26 =	simm.s32 $execute0_lowered;
	[smem:$0x3FD2] =	sst s25  }
0xac: {  	s6 =	sshll.u32 s26, $0x1;
	_ =	strace $0x80000046;
	[dreg:$0x1] =	wrdreg $0xFFFFFFFF  }
0xad: {  	s28 =	simm.s32 $_size_execute0_lowered;
	s4 =	sadd.s32 s4, s6;
	[dreg:$0x0] =	wrdreg $0x0  }
0xae: {  	s6 =	sshll.u32 s28, $0x1;
	[dreg:$0x2] =	wrdreg s4  }
0xaf: {  	[dreg:$0x3] =	wrdreg s6  }
0xb0: {  	[dreg:$0x4] =	wrdreg $0xC0  }
0xb1: {  	_ =	task [dreg:s8], $0x5FFFF  }
0xb2: {  	[dreg:$0x1] =	wrdreg $0xFFFFFFFF  }
0xb3: {  	[dreg:$0x0] =	wrdreg $0x60  }
0xb4: {  	[dreg:$0x2] =	wrdreg s16  }
0xb5: {  	[dreg:$0x3] =	wrdreg s24  }
0xb6: {  	[dreg:$0x4] =	wrdreg s17  }
0xb7: {  	[dreg:$0x5] =	wrdreg $0x0  }
0xb8: {  	[dreg:$0x6] =	wrdreg $0x140000  }
0xb9: {  	[dreg:$0x7] =	wrdreg $0x9  }
0xba: {  	_ =	task.clear_ibuf [dreg:s8], $0x8FFFF;
	_ =	strace $0x90000046  }
0xbb: {  	s29 =	simm.s32 $0x9;
	_ =	strace $0x80000048  }
0xbc: {  	_ =	swait.ge [sflag:s29], $0x1  }
0xbd: {  	[sflag:s29] =	ssyncadd.s32 $0xFFFFFFFF  }
0xbe: {  	_ =	strace $0x90000048  }
0xbf: {  	_ =	sfence  }
0xc0: {  	s30 =	sld [smem:$0x0];
	_ =	sdelay $0x2  }
0xc1: {  	s31 =	sshll.u32 s1, $0xD;
	s1 =	sshrl.u32 s1, $0x2  }
0xc2: {  	s3 =	sand.u32 $0x4000, s31;
	s1 =	sadd.s32 s1, s30  }
0xc3: {  	s0 =	sor.u32 s3, s0;
	s1 =	sshll.u32 s1, $0x11  }
0xc4: {  	s0 =	sor.u32 s1, s0  }
0xc5: {  	s0 =	sadd.s32 $0x8F2B, s0  }
0xc6: {  	[sflag:s0] =	ssyncadd.remote.s32 $0x1  }
0xc7: {  	_ =	sfence.sel $0xFFFF  }
0xc8: {  	[dreg:$0x0] =	wrdreg $0xFFFFFFFF;
	(pc) =	sbr.abs _section_cstart, $3  }
0xc9: {  	[dreg:$0x1] =	wrdreg $0xFFFFFFFF  }
0xca: {  	_ =	task.clear_ibuf [dreg:s8], $0x2FFFF;
	_ =	strace $0x9FFFFFFF  }
0xcb: {  	(tm) =	ssettm $0x7FFFFFFF  }
tec
execute0_lowered:
.L_overlay_start_1:
0x0: {  	(tag) =	ssettag $0x1  }
0x1: {  	s31 =	rddreg [dreg:$0x0]  }
0x2: {  	s0 =	rddreg [dreg:$0x1]  }
0x3: {  	s1 =	rddreg [dreg:$0x2]  }
0x4: {  	s16 =	rddreg [dreg:$0x3]  }
0x5: {  	s17 =	rddreg [dreg:$0x4]  }
0x6: {  	s5 =	simm.s32 $0x0;
	s18 =	stileid.u32;
	s3 =	srdreg.scid  }
0x7: {  	s29 =	simm.s32 $0x168E0;
	s30 =	simm.s32 $0x70;
	[smem:$0x7FF] =	sst s5  }
0x8: {  	s6 =	sadd.s32 $0x1A00, s0;
	s7 =	sadd.s32 $0x34000, s0;
	s2 =	smul.u32 $0x14000, s18  }
0x9: {  	s8 =	sadd.s32 $0x39000, s0;
	s4 =	smul.u32 $0x2800, s18;
	s3 =	sand.u32 $0x1, s3  }
0xa: {  	s9 =	sadd.s32 $0xC000, s0;
	s11 =	sadd.s32 $0x3E000, s0;
	s19 =	sshll.u32 s18, $0x6  }
0xb: {  	_ =	strace $0x80000047;
	s12 =	smul.u32 $0x28000, s3;
	[dreg:$0x6] =	wrdreg s11  }
0xc: {  	s11 =	sadd.s32 $0x6B200, s0;
	s14 =	ssub.s32 $0x2, s3;
	s15 =	sshll.u32 s3, $0x4  }
0xd: {  	s3 =	smul.u32 $0x140000, s3;
	s24 =	sor.u32 $0x1C06, s19;
	s19 =	smov.u32 s17  }
0xe: {  	s10 =	sshrl.u32 s2, $0x3;
	s25 =	sshrl.u32 s4, $0x3;
	s26 =	sshrl.u32 s14, $0x1  }
0xf: {  	s15 =	sor.u32 s18, s15;
	s28 =	sadd.s32 s2, s16;
	s18 =	simm.s32 $0x1E7C0  }
0x10: {  	[dreg:$0x9] =	wrdreg s24;
	s10 =	sadd.s32 s10, s0;
	s13 =	sadd.s32 s25, s0  }
0x11: {  	s12 =	sadd.s32 s4, s12;
	[dreg:$0x7] =	wrdreg s28;
	s16 =	smul.u32 $0x2920, s15  }
0x12: {  	s4 =	sadd.s32 s4, s17;
	s2 =	sadd.s32 s2, s3;
	s15 =	simm.s32 $0x16950  }
0x13: {  	s17 =	simm.s32 $0x1EEC0;
	s12 =	sshrl.u32 s12, $0x3;
	s10 =	sadd.s32 $0x43200, s10  }
0x14: {  	[dreg:$0xa] =	wrdreg s4;
	s21 =	sadd.s32 $0x3E200, s13;
	s2 =	sshrl.u32 s2, $0x3  }
0x15: {  	s13 =	simm.s32 $0x16870;
	s0 =	sadd.s32 s12, s0;
	[dreg:$0x8] =	wrdreg s10  }
0x16: {  	s12 =	ssub.s32 s14, s26;
	s20 =	sshrl.u32 s16, $0x3;
	[dreg:$0xb] =	wrdreg s21  }
0x17: {  	s25 =	sadd.s32 $0x70, s16;
	s26 =	sadd.s32 s11, s16;
	s21 =	sadd.s32 $0xE0, s16  }
0x18: {  	s1 =	sadd.s32 s1, s2;
	s10 =	simm.s32 $0x2;
	[dreg:$0xe] =	wrdreg s25  }
0x19: {  	s16 =	simm.s32 $0x1AFC0;
	s22 =	sadd.s32 s31, s20;
	[dreg:$0xf] =	wrdreg s26  }
0x1a: {  	s23 =	sadd.s32 s6, s20;
	s20 =	smov.u32 s11;
	[dreg:$0x10] =	wrdreg s1  }
0x1b: {  	s0 =	sadd.s32 $0xBD600, s0;
	s28 =	smax.u32 s12, $0x1;
	[dreg:$0xc] =	wrdreg s22  }
0x1c: {  	vm0 =	vmmov $0xff;
	v0 =	vimm.s32 $0x0;
	v1 =	vimm.s32 $0x1;
	s25 =	simm.s32 $0x6;
	s26 =	simm.s32 $0x1;
	[dreg:$0xd] =	wrdreg s23  }
0x1d: {  	v2 =	vimm.s32 $0x2;
	v3 =	vimm.s32 $0x3;
	v4 =	vimm.s32 $0x4;
	s12 =	simm.s32 $0x3;
	s1 =	simm.s32 $0x0;
	[dreg:$0x11] =	wrdreg s0  }
0x1e: {  	v5 =	vimm.s32 $0x5;
	v6 =	vimm.s32 $0x6;
	v7 =	vimm.s32 $0x7;
	[dreg:$0x12] =	wrdreg s28;
	s22 =	simm.s32 $0x5;
	s23 =	simm.s32 $0x4  }
.LBB2_1:
0x1f: {  	[dreg:$0x13] =	wrdreg s1  }
0x20: {  	s0 =	rddreg [dreg:$0x7]  }
0x21: {  	s2 =	rddreg [dreg:$0x8];
	s0 =	sshrl.u32 s0, $0x3  }
0x22: {  	[dreg:$0x14] =	wrdreg s0  }
0x23: {  	[spmem:s0], [sflag:s24] =	dma.local [hbm:s2], $0x2800  }
0x24: {  	_ =	swait.ge [sflag:s25], $0x2800  }
0x25: {  	s3 =	rddreg [dreg:$0xa]  }
0x26: {  	[sflag:s25] =	ssyncset.done $0x0;
	s11 =	rddreg [dreg:$0xb];
	s4 =	sshrl.u32 s3, $0x3  }
0x27: {  	[sflag:s25] =	ssyncadd.s32 $0xFFFFD800;
	[dreg:$0x15] =	wrdreg s4  }
0x28: {  	[spmem:s4], [sflag:s24] =	dma.local [hbm:s11], $0x500  }
0x29: {  	_ =	swait.ge [sflag:s25], $0x500  }
0x2a: {  	[sflag:s25] =	ssyncset.done $0x0  }
0x2b: {  	s24 =	simm.s32 $0x1F240;
	s14 =	rddreg [dreg:$0x6];
	[sflag:s25] =	ssyncadd.s32 $0xFFFFFB00  }
0x2c: {  	[tilespmem:s24], [sflag:$0x6] =	stream.linear.gather [hbm4b:s14+s5], $0x10, $0x38;
	[tilespmem:$0x1F250] =	vst v63  }
0x2d: {  	_ =	swait.ge [sflag:s25], $0x10  }
0x2e: {  	[sflag:s25] =	ssyncset.done $0x0  }
0x2f: {  	[sflag:s25] =	ssyncadd.s32 $0xFFFFFFF0  }
0x30: {  	[bflag:$0x0] =	sbarrier.arrive $0xFFFF  }
0x31: {  	s3 =	simm.s32 $0x16800;
	s2 =	rddreg [dreg:$0xc]  }
0x32: {  	v8 =	vld [tilespmem:$0x1F240];
	[tilespmem:s3], [sflag:$0x6] =	stream.linear.gather [hbm4b:s2+s5], $0x70, $0x38  }
0x33: {  	_ =	swait.ge [sflag:s25], $0x70  }
0x34: {  	[sflag:s25] =	ssyncset.done $0x0  }
0x35: {  	s4 =	rddreg [dreg:$0xd];
	[sflag:s25] =	ssyncadd.s32 $0xFFFFFF90  }
0x36: {  	[tilespmem:s29], [sflag:$0x6] =	stream.linear.gather [hbm4b:s4+s5], $0x70, $0x38;
	[tilespmem:$0x1F250] =	vst v63  }
0x37: {  	_ =	swait.ge [sflag:s25], $0x70  }
0x38: {  	[sflag:s25] =	ssyncset.done $0x0  }
0x39: {  	s11 =	simm.s32 $0x169C0;
	[sflag:s25] =	ssyncadd.s32 $0xFFFFFF90  }
0x3a: {  	[tilespmem:s11], [sflag:$0x1] =	stream.indirect.gather [hbm4b:s7+s30], $0x10, s3, s30, $0xb8;
	[tilespmem:$0x1F250] =	vst v63  }
0x3b: {  	s14 =	simm.s32 $0x170C0  }
0x3c: {  	[tilespmem:s14], [sflag:$0x2] =	stream.indirect.gather [hbm4b:s8+s30], $0x10, s29, s30, $0xb8;
	[tilespmem:$0x1F250] =	vst v63  }
0x3d: {  	s28 =	simm.s32 $0x0;
	s24 =	simm.s32 $0x177C0  }
0x3e: {  	[tilespmem:s24], [sflag:$0x3] =	stream.indirect.gather [hbm4b:s9+s30], $0x80, s3, s30, $0xb8;
	[tilespmem:$0x1F250] =	vst v63  }
.LBB2_2:
0x3f: {  	_ =	swait.ge [sflag:s26], $0x700  }
0x40: {  	[sflag:s26] =	ssyncset.done $0x0  }
0x41: {  	[sflag:s26] =	ssyncadd.s32 $0xFFFFF900  }
0x42: {  	_ =	swait.ge [sflag:s10], $0x700  }
0x43: {  	[sflag:s10] =	ssyncset.done $0x0  }
0x44: {  	s0 =	simm.s32 $0x169E0;
	[sflag:s10] =	ssyncadd.s32 $0xFFFFF900  }
0x45: {  	s1 =	simm.s32 $0x170E0;
	v9 =	vld [tilespmem:s0+$0xFFFFFFE0]  }
0x46: {  	v10 =	vld [tilespmem:s1+$0x10]  }
0x47: {  	v11 =	vld [tilespmem:s0+$0x10]  }
0x48: {  	v12 =	vld [tilespmem:s1+$0x0]  }
0x49: {  	v13 =	vld [tilespmem:s0+$0x0]  }
0x4a: {  	v14 =	vld [tilespmem:s1+$0xFFFFFFF0]  }
0x4b: {  	v15 =	vld [tilespmem:s0+$0xFFFFFFF0]  }
0x4c: {  	s4 =	simm.s32 $0x16A20;
	v16 =	vld [tilespmem:s1+$0xFFFFFFE0]  }
0x4d: {  	s11 =	simm.s32 $0x17120;
	v17 =	vld [tilespmem:s4+$0xFFFFFFE0]  }
0x4e: {  	v18 =	vld [tilespmem:s11+$0x10]  }
0x4f: {  	v19 =	vld [tilespmem:s4+$0x0];
	v12 =	vadd.f32 v12, v13  }
0x50: {  	v13 =	vld [tilespmem:s4+$0x10];
	v10 =	vadd.f32 v10, v11;
	v14 =	vadd.f32 v14, v15  }
0x51: {  	v20 =	vld [tilespmem:s11+$0xFFFFFFF0];
	v9 =	vadd.f32 v16, v9;
	v15 =	vmul.f32 $2.000000030e-01, v12  }
0x52: {  	v11 =	vld [tilespmem:s11+$0x0];
	v16 =	vmul.f32 $2.000000030e-01, v10;
	v21 =	vmul.f32 $2.000000030e-01, v14  }
0x53: {  	v22 =	vmul.f32 $2.000000030e-01, v9;
	v12 =	vmax.f32 v12, v15;
	v15 =	vld [tilespmem:s4+$0xFFFFFFF0]  }
0x54: {  	s24 =	simm.s32 $0x17160;
	v10 =	vmax.f32 v10, v16;
	v16 =	vld [tilespmem:s11+$0xFFFFFFE0];
	v14 =	vmax.f32 v14, v21;
	v12 =	vsub.f32 v12, v8  }
0x55: {  	s14 =	simm.s32 $0x16A60;
	v9 =	vmax.f32 v9, v22;
	v21 =	vld [tilespmem:s24+$0x10];
	v13 =	vadd.f32 v18, v13;
	v14 =	vsub.f32 v14, v8  }
0x56: {  	v22 =	vld [tilespmem:s14+$0x10];
	v9 =	vsub.f32 v9, v8;
	v10 =	vsub.f32 v10, v8;
	v12 =	vmul.f32 $1.442695020e+00, v12  }
0x57: {  	v23 =	vld [tilespmem:s24+$0x0];
	v11 =	vadd.f32 v11, v19;
	v19 =	vmul.f32 $2.000000030e-01, v13;
	v14 =	vmul.f32 $1.442695020e+00, v14  }
0x58: {  	v24 =	vld [tilespmem:s24+$0xFFFFFFE0];
	v9 =	vmul.f32 $1.442695020e+00, v9;
	v10 =	vmul.f32 $1.442695020e+00, v10  }
0x59: {  	v18 =	vld [tilespmem:s14+$0xFFFFFFE0];
	(erf) = vpow2.f32 v12;
	v12 =	vadd.f32 v20, v15;
	v15 =	vmul.f32 $2.000000030e-01, v11  }
0x5a: {  	v20 =	vld [tilespmem:s14+$0x0];
	v16 =	vadd.f32 v16, v17;
	v13 =	vmax.f32 v13, v19;
	(erf) = vpow2.f32 v14  }
0x5b: {  	v19 =	vld [tilespmem:s14+$0xFFFFFFF0];
	v21 =	vadd.f32 v21, v22;
	v17 =	vmul.f32 $2.000000030e-01, v12;
	v11 =	vmax.f32 v11, v15  }
0x5c: {  	v14 =	vld [tilespmem:s24+$0xFFFFFFF0];
	v15 =	vmul.f32 $2.000000030e-01, v16;
	(erf) = vpow2.f32 v9;
	v11 =	vsub.f32 v11, v8  }
0x5d: {  	s4 =	simm.s32 $0x16AA0;
	v25 =	vsub.f32 v13, v8;
	(erf) = vpow2.f32 v10;
	v12 =	vmax.f32 v12, v17  }
0x5e: {  	v9 =	vld [tilespmem:s4+$0xFFFFFFE0];
	v10 =	vmax.f32 v16, v15;
	v16 =	vsub.f32 v12, v8;
	v11 =	vmul.f32 $1.442695020e+00, v11  }
0x5f: {  	s1 =	simm.s32 $0x171A0;
	v22 =	vmul.f32 $2.000000030e-01, v21;
	v15 =	vld [tilespmem:s4+$0x10];
	v20 =	vadd.f32 v23, v20;
	v23 =	vsub.f32 v10, v8  }
0x60: {  	v18 =	vadd.f32 v24, v18;
	v12 =	vld [tilespmem:s1+$0x10];
	v16 =	vmul.f32 $1.442695020e+00, v16;
	(erf) = vpow2.f32 v11  }
0x61: {  	v10 =	vld [tilespmem:s1+$0x0];
	v17 =	vadd.f32 v14, v19;
	v26 =	vmul.f32 $2.000000030e-01, v20;
	v23 =	vmul.f32 $1.442695020e+00, v23  }
0x62: {  	s24 =	simm.s32 $0x1E7E0;
	v14 =	vld [tilespmem:s4+$0x0];
	v11 =	vmax.f32 v21, v22;
	v21 =	vmul.f32 $1.442695020e+00, v25;
	v13 =	vpop (erf);
	(erf) = vpow2.f32 v16  }
0x63: {  	v19 =	vmul.f32 $2.000000030e-01, v17;
	v20 =	vmax.f32 v20, v26;
	v16 =	vld [tilespmem:s4+$0xFFFFFFF0];
	[tilespmem:s24+$0x0] =	vst v13;
	v63 =	vpop (erf);
	(erf) = vpow2.f32 v23  }
0x64: {  	s2 =	simm.s32 $0xC;
	s0 =	simm.s32 $0x1E7E0;
	s14 =	simm.s32 $0x0;
	v22 =	vmul.f32 $2.000000030e-01, v18;
	v13 =	vld [tilespmem:s1+$0xFFFFFFF0];
	v20 =	vsub.f32 v20, v8;
	[tilespmem:s24+$0xFFFFFFF0] =	vst v63  }
.LBB2_3:
0x65: {  	s2 =	sadd.s32 $0x4, s2;
	v23 =	vld [tilespmem:s1+$0xFFFFFFE0];
	v24 =	vadd.f32 v12, v15;
	s4 =	sadd.s32 $0x40, s4;
	v12 =	vmax.f32 v17, v19;
	(erf) = vpow2.f32 v21;
	s24 =	sadd.s32 $0x40, s24;
	v15 =	vpop (erf)  }
0x66: {  	s1 =	sadd.s32 $0x40, s1;
	v25 =	vld [tilespmem:s4+$0xFFFFFFE0];
	p0 =	slt.u32 s2, $0x6C;
	v17 =	vmax.f32 v18, v22;
	v18 =	vsub.f32 v12, v8;
	v19 =	vmul.f32 $1.442695020e+00, v20;
	[tilespmem:s0+$0xFFFFFFE0] =	vst v15;
	v15 =	vpop (erf)  }
0x67: {  	v12 =	vld [tilespmem:s1+$0x10];
	v20 =	vadd.f32 v10, v14;
	v21 =	vmul.f32 $2.000000030e-01, v24;
	v14 =	vsub.f32 v17, v8;
	[tilespmem:s0+$0x10] =	vst v15;
	s0 =	smov.u32 s24  }
.Ltmp0:
0x68: {  	v26 =	vsub.f32 v11, v8;
	v15 =	vld [tilespmem:s4+$0x10];
	v22 =	vmul.f32 $1.442695020e+00, v18;
	(erf) = vpow2.f32 v19;
	(pc) =	sbr.rel @p0 .LBB2_3-.Ltmp0, $4  }
0x69: {  	v10 =	vld [tilespmem:s1+$0x0];
	v17 =	vadd.f32 v13, v16;
	v16 =	vmul.f32 $2.000000030e-01, v20;
	v27 =	vmul.f32 $1.442695020e+00, v14;
	v13 =	vpop (erf)  }
0x6a: {  	v11 =	vmax.f32 v24, v21;
	v14 =	vld [tilespmem:s4+$0x0];
	v18 =	vadd.f32 v23, v9;
	(erf) = vpow2.f32 v22;
	[tilespmem:s24+$0x0] =	vst v13  }
0x6b: {  	v21 =	vmul.f32 $1.442695020e+00, v26;
	v13 =	vld [tilespmem:s1+$0xFFFFFFF0];
	v19 =	vmul.f32 $2.000000030e-01, v17;
	v24 =	vmax.f32 v20, v16;
	v23 =	vpop (erf)  }
0x6c: {  	v9 =	vmovc v25;
	v16 =	vld [tilespmem:s4+$0xFFFFFFF0];
	v22 =	vmul.f32 $2.000000030e-01, v18;
	v20 =	vsub.f32 v24, v8;
	(erf) = vpow2.f32 v27;
	[tilespmem:s24+$0xFFFFFFF0] =	vst v23  }
0x6d: {  	v23 =	vld [tilespmem:s1+$0xFFFFFFE0]  }
0x6e: {  	v12 =	vadd.f32 v12, v15;
	v15 =	vmax.f32 v17, v19  }
0x6f: {  	(erf) = vpow2.f32 v21;
	v11 =	vsub.f32 v11, v8;
	v60 =	vmax.f32 v18, v22  }
0x70: {  	v15 =	vsub.f32 v15, v8;
	v61 =	vmul.f32 $1.442695020e+00, v20;
	v10 =	vadd.f32 v10, v14  }
0x71: {  	v14 =	vmul.f32 $2.000000030e-01, v12;
	v11 =	vmul.f32 $1.442695020e+00, v11;
	v13 =	vadd.f32 v13, v16  }
0x72: {  	v15 =	vmul.f32 $1.442695020e+00, v15;
	v62 =	vmul.f32 $2.000000030e-01, v10;
	v9 =	vadd.f32 v23, v9  }
0x73: {  	v17 =	vsub.f32 v60, v8;
	(erf) = vpow2.f32 v61;
	v63 =	vmul.f32 $2.000000030e-01, v13  }
0x74: {  	v12 =	vmax.f32 v12, v14;
	v10 =	vmax.f32 v10, v62;
	v14 =	vmul.f32 $2.000000030e-01, v9  }
0x75: {  	v17 =	vmul.f32 $1.442695020e+00, v17;
	v10 =	vsub.f32 v10, v8;
	v13 =	vmax.f32 v13, v63  }
0x76: {  	(erf) = vpow2.f32 v15;
	v9 =	vmax.f32 v9, v14;
	v13 =	vsub.f32 v13, v8  }
0x77: {  	(erf) = vpow2.f32 v17;
	v10 =	vmul.f32 $1.442695020e+00, v10;
	v9 =	vsub.f32 v9, v8  }
0x78: {  	v14 =	vpop (erf);
	(erf) = vpow2.f32 v11  }
0x79: {  	v12 =	vsub.f32 v12, v8;
	v11 =	vmul.f32 $1.442695020e+00, v13;
	v9 =	vmul.f32 $1.442695020e+00, v9  }
0x7a: {  	[tilespmem:s0+$0xFFFFFFE0] =	vst v14;
	v13 =	vpop (erf);
	(erf) = vpow2.f32 v10  }
0x7b: {  	s4 =	sadd.s32 $0x40, s24;
	[tilespmem:s0+$0x10] =	vst v13;
	v10 =	vpop (erf);
	(erf) = vpow2.f32 v11;
	v11 =	vmul.f32 $1.442695020e+00, v12  }
0x7c: {  	[tilespmem:s4+$0x0] =	vst v10;
	v10 =	vpop (erf);
	(erf) = vpow2.f32 v9  }
0x7d: {  	[tilespmem:s4+$0xFFFFFFF0] =	vst v10;
	v9 =	vpop (erf);
	(erf) = vpow2.f32 v11  }
0x7e: {  	v10 =	vpop (erf);
	[tilespmem:s4+$0xFFFFFFE0] =	vst v9  }
0x7f: {  	s11 =	sadd.s32 $0x40, s4;
	v9 =	vpop (erf);
	[tilespmem:s4+$0x10] =	vst v10  }
0x80: {  	v10 =	vpop (erf);
	[tilespmem:s11+$0x0] =	vst v9  }
0x81: {  	[tilespmem:s11+$0xFFFFFFF0] =	vst v10;
	v9 =	vpop (erf)  }
0x82: {  	[tilespmem:s11+$0xFFFFFFE0] =	vst v9;
	v9 =	vpop (erf)  }
0x83: {  	s24 =	sadd.s32 $0x40, s11;
	[tilespmem:s11+$0x10] =	vst v9;
	v9 =	vpop (erf)  }
0x84: {  	[tilespmem:s24+$0x0] =	vst v9;
	v9 =	vpop (erf)  }
0x85: {  	[tilespmem:s24+$0xFFFFFFF0] =	vst v9;
	v9 =	vpop (erf)  }
0x86: {  	[tilespmem:s24+$0xFFFFFFE0] =	vst v9;
	v9 =	vpop (erf)  }
0x87: {  	s2 =	simm.s32 $0x1E800;
	[tilespmem:s24+$0x10] =	vst v9  }
0x88: {  	v14 =	vld [tilespmem:s2+$0x20]  }
0x89: {  	v15 =	vld [tilespmem:s2+$0x30]  }
0x8a: {  	v11 =	vld [tilespmem:s2+$0xFFFFFFD0]  }
0x8b: {  	v9 =	vld [tilespmem:s2+$0xFFFFFFE0]  }
0x8c: {  	v12 =	vld [tilespmem:s2+$0xFFFFFFF0]  }
0x8d: {  	v10 =	vld [tilespmem:s2+$0x0]  }
0x8e: {  	s0 =	simm.s32 $0x1EEE0;
	v13 =	vld [tilespmem:s2+$0x10];
	v15 =	vsel vm0, v14, v15  }
0x8f: {  	s1 =	simm.s32 $0x1E880;
	v14 =	vld [tilespmem:s2+$0xFFFFFFC0];
	[tilespmem:s0+$0x10] =	vst v15  }
.LBB2_5:
0x90: {  	v15 =	vld [tilespmem:s1+$0x20]  }
0x91: {  	s14 =	sadd.s32 $0x4, s14;
	v16 =	vld [tilespmem:s1+$0x30];
	v9 =	vsel vm0, v9, v12  }
0x92: {  	p0 =	slt.u32 s14, $0x34;
	v17 =	vld [tilespmem:s1+$0xFFFFFFD0];
	[tilespmem:s0+$0xFFFFFFF0] =	vst v9  }
.Ltmp1:
0x93: {  	v9 =	vld [tilespmem:s1+$0xFFFFFFE0];
	v10 =	vsel vm0, v10, v13;
	(pc) =	sbr.rel @p0 .LBB2_5-.Ltmp1, $4  }
0x94: {  	v12 =	vld [tilespmem:s1+$0xFFFFFFF0];
	v11 =	vsel vm0, v14, v11;
	[tilespmem:s0+$0x0] =	vst v10  }
0x95: {  	v10 =	vld [tilespmem:s1+$0x0];
	[tilespmem:s0+$0xFFFFFFE0] =	vst v11  }
0x96: {  	s0 =	sadd.s32 $0x40, s0;
	v13 =	vld [tilespmem:s1+$0x10];
	v15 =	vsel vm0, v15, v16  }
0x97: {  	v14 =	vld [tilespmem:s1+$0xFFFFFFC0];
	[tilespmem:s0+$0x10] =	vst v15;
	s1 =	sadd.s32 $0x80, s1;
	v11 =	vmov v17  }
0x98: {  	_ =	sdelay $0x1  }
0x99: {  	v9 =	vsel vm0, v9, v12  }
0x9a: {  	[tilespmem:s0+$0xFFFFFFF0] =	vst v9;
	v9 =	vsel vm0, v10, v13  }
0x9b: {  	v10 =	vsel vm0, v14, v11;
	[tilespmem:s0+$0x0] =	vst v9  }
0x9c: {  	[tilespmem:s0+$0xFFFFFFE0] =	vst v10  }
0x9d: {  	s24 =	smul.u32 $0xE0, s28;
	_ =	swait.ge [sflag:s12], $0x3800  }
0x9e: {  	s1 =	rddreg [dreg:$0xe]  }
0x9f: {  	s14 =	sadd.s32 s24, s1  }
0xa0: {  	[sflag:s12] =	ssyncset.done $0x0;
	s0 =	sshrl.u32 s14, $0x3  }
0xa1: {  	[sflag:s12] =	ssyncadd.s32 $0xFFFFC800;
	s1 =	sadd.s32 s31, s0  }
0xa2: {  	[tilespmem:s13], [sflag:$0x6] =	stream.linear.gather [hbm4b:s1+s5], $0x70, $0x38;
	[tilespmem:$0x1F250] =	vst v63  }
0xa3: {  	_ =	swait.ge [sflag:s25], $0x70  }
0xa4: {  	[sflag:s25] =	ssyncset.done $0x0  }
0xa5: {  	s0 =	sadd.s32 s6, s0;
	[sflag:s25] =	ssyncadd.s32 $0xFFFFFF90  }
0xa6: {  	[tilespmem:s15], [sflag:$0x6] =	stream.linear.gather [hbm4b:s0+s5], $0x70, $0x38;
	[tilespmem:$0x1F250] =	vst v63  }
0xa7: {  	_ =	swait.ge [sflag:s25], $0x70  }
0xa8: {  	[sflag:s25] =	ssyncset.done $0x0  }
0xa9: {  	s2 =	simm.s32 $0x169C0;
	[sflag:s25] =	ssyncadd.s32 $0xFFFFFF90  }
0xaa: {  	[tilespmem:s2], [sflag:$0x1] =	stream.indirect.gather [hbm4b:s7+s30], $0x10, s13, s30, $0xb8;
	[tilespmem:$0x1F250] =	vst v63  }
0xab: {  	s3 =	simm.s32 $0x170C0  }
0xac: {  	[tilespmem:s3], [sflag:$0x2] =	stream.indirect.gather [hbm4b:s8+s30], $0x10, s15, s30, $0xb8;
	[tilespmem:$0x1F250] =	vst v63  }
0xad: {  	s4 =	simm.s32 $0x1E7D0  }
0xae: {  	[tilespmem:s16], [sflag:$0x4] =	stream.indirect.gather [hbm4b:s9+s30], $0x80, s13, s30, $0xb8;
	[tilespmem:$0x1F250] =	vst v63  }
0xaf: {  	v10 =	vld [tilespmem:s4+$0x0]  }
0xb0: {  	s11 =	smov.u32 s31;
	s31 =	simm.s32 $0x17840;
	v9 =	vld [tilespmem:s4+$0xFFFFFFF0]  }
0xb1: {  	v11 =	vld [tilespmem:s31+$0x70]  }
0xb2: {  	v16 =	vld [tilespmem:s31+$0xFFFFFF80]  }
0xb3: {  	v17 =	vld [tilespmem:s31+$0xFFFFFF90]  }
0xb4: {  	v18 =	vld [tilespmem:s31+$0xFFFFFFA0];
	v20 =	vperm.xlane v10, v0;
	v12 =	vperm.xlane v10, v7  }
0xb5: {  	v22 =	vld [tilespmem:s31+$0xFFFFFFB0];
	v19 =	vperm.xlane v9, v0;
	v21 =	vperm.xlane v9, v1  }
0xb6: {  	v24 =	vld [tilespmem:s31+$0xFFFFFFC0];
	v23 =	vperm.xlane v9, v2;
	v25 =	vperm.xlane v9, v3  }
0xb7: {  	v28 =	vld [tilespmem:s31+$0xFFFFFFD0];
	v27 =	vperm.xlane v9, v4;
	v29 =	vperm.xlane v9, v5  }
0xb8: {  	v31 =	vld [tilespmem:s31+$0xFFFFFFE0];
	v30 =	vperm.xlane v9, v6;
	v32 =	vperm.xlane v9, v7  }
0xb9: {  	v33 =	vld [tilespmem:s31+$0xFFFFFFF0];
	v13 =	vperm.xlane v10, v1;
	v14 =	vperm.xlane v10, v2  }
0xba: {  	v34 =	vld [tilespmem:s31+$0x0];
	v9 =	vperm.xlane v10, v5;
	v11 =	vmul.f32 v11, v12  }
0xbb: {  	v15 =	vld [tilespmem:s31+$0x10];
	v12 =	vperm.xlane v10, v3;
	v19 =	vmul.f32 v16, v19  }
0xbc: {  	v16 =	vld [tilespmem:s31+$0x20];
	v21 =	vmul.f32 v17, v21;
	v35 =	vmul.f32 v18, v23  }
0xbd: {  	v17 =	vld [tilespmem:s31+$0x30];
	v26 =	vmul.f32 v22, v25;
	v23 =	vmul.f32 v24, v27;
	[tilespmem:s31+$0x70] =	vst v11  }
0xbe: {  	v18 =	vld [tilespmem:s31+$0x40];
	v25 =	vmul.f32 v28, v29;
	v22 =	vmul.f32 v31, v30;
	[tilespmem:s31+$0xFFFFFF80] =	vst v19  }
0xbf: {  	v24 =	vmul.f32 v33, v32;
	v11 =	vperm.xlane v10, v4;
	[tilespmem:s31+$0xFFFFFF90] =	vst v21;
	v19 =	vld [tilespmem:s31+$0x50]  }
0xc0: {  	s1 =	simm.s32 $0x0;
	s0 =	simm.s32 $0x17840;
	s2 =	simm.s32 $0x1E7F0;
	v10 =	vperm.xlane v10, v6;
	[tilespmem:s31+$0xFFFFFFA0] =	vst v35;
	v21 =	vmul.f32 v34, v20;
	v20 =	vld [tilespmem:s31+$0x60]  }
.LBB2_7:
0xc1: {  	v27 =	vld [tilespmem:s2+$0x0];
	s1 =	sadd.s32 $0x2, s1;
	[tilespmem:s31+$0xFFFFFFB0] =	vst v26;
	v13 =	vmul.f32 v15, v13;
	v14 =	vmul.f32 v16, v14  }
0xc2: {  	s31 =	sadd.s32 $0x100, s31;
	v15 =	vld [tilespmem:s2+$0xFFFFFFF0];
	p0 =	slt.u32 s1, $0x6E;
	[tilespmem:s0+$0xFFFFFFC0] =	vst v23;
	v12 =	vmul.f32 v17, v12  }
0xc3: {  	v16 =	vld [tilespmem:s31+$0x70];
	[tilespmem:s0+$0xFFFFFFD0] =	vst v25;
	v11 =	vmul.f32 v18, v11  }
0xc4: {  	v17 =	vld [tilespmem:s31+$0xFFFFFF80];
	[tilespmem:s0+$0xFFFFFFE0] =	vst v22;
	v9 =	vmul.f32 v19, v9  }
0xc5: {  	v18 =	vld [tilespmem:s31+$0xFFFFFF90];
	[tilespmem:s0+$0xFFFFFFF0] =	vst v24;
	v10 =	vmul.f32 v20, v10  }
0xc6: {  	v19 =	vld [tilespmem:s31+$0xFFFFFFA0];
	v20 =	vperm.xlane v27, v0;
	v22 =	vperm.xlane v27, v7;
	[tilespmem:s0+$0x0] =	vst v21  }
0xc7: {  	v21 =	vperm.xlane v15, v0;
	v23 =	vperm.xlane v15, v1;
	v24 =	vld [tilespmem:s31+$0xFFFFFFB0];
	[tilespmem:s0+$0x10] =	vst v13  }
0xc8: {  	v25 =	vperm.xlane v15, v2;
	v28 =	vld [tilespmem:s31+$0xFFFFFFC0];
	v13 =	vmul.f32 v16, v22;
	[tilespmem:s0+$0x20] =	vst v14  }
0xc9: {  	v29 =	vperm.xlane v15, v4;
	v22 =	vperm.xlane v15, v3;
	v30 =	vld [tilespmem:s31+$0xFFFFFFD0];
	[tilespmem:s0+$0x30] =	vst v12  }
0xca: {  	v31 =	vperm.xlane v15, v5;
	v32 =	vperm.xlane v15, v6;
	v33 =	vld [tilespmem:s31+$0xFFFFFFE0];
	[tilespmem:s31+$0x70] =	vst v13  }
0xcb: {  	v34 =	vperm.xlane v15, v7;
	v13 =	vperm.xlane v27, v1;
	v35 =	vld [tilespmem:s31+$0xFFFFFFF0];
	[tilespmem:s0+$0x40] =	vst v11  }
0xcc: {  	v14 =	vperm.xlane v27, v2;
	v12 =	vperm.xlane v27, v3;
	v36 =	vld [tilespmem:s31+$0x0];
	[tilespmem:s0+$0x50] =	vst v9  }
0xcd: {  	v11 =	vperm.xlane v27, v4;
	v9 =	vperm.xlane v27, v5;
	v15 =	vld [tilespmem:s31+$0x10];
	[tilespmem:s0+$0x60] =	vst v10;
	s0 =	smov.u32 s31  }
.Ltmp2:
0xce: {  	v21 =	vmul.f32 v17, v21;
	v10 =	vperm.xlane v27, v6;
	v16 =	vld [tilespmem:s31+$0x20];
	(pc) =	sbr.rel @p0 .LBB2_7-.Ltmp2, $4  }
0xcf: {  	v37 =	vmul.f32 v19, v25;
	v27 =	vmul.f32 v18, v23;
	v17 =	vld [tilespmem:s31+$0x30]  }
0xd0: {  	v26 =	vmul.f32 v24, v22;
	v23 =	vmul.f32 v28, v29;
	[tilespmem:s31+$0xFFFFFF80] =	vst v21;
	v18 =	vld [tilespmem:s31+$0x40]  }
0xd1: {  	v25 =	vmul.f32 v30, v31;
	v22 =	vmul.f32 v33, v32;
	[tilespmem:s31+$0xFFFFFF90] =	vst v27;
	v19 =	vld [tilespmem:s31+$0x50]  }
0xd2: {  	s2 =	sadd.s32 $0x20, s2;
	v24 =	vmul.f32 v35, v34;
	v21 =	vmul.f32 v36, v20;
	[tilespmem:s31+$0xFFFFFFA0] =	vst v37;
	v20 =	vld [tilespmem:s31+$0x60]  }
0xd3: {  	[tilespmem:s31+$0xFFFFFFB0] =	vst v26  }
0xd4: {  	[tilespmem:s0+$0xFFFFFFC0] =	vst v23  }
0xd5: {  	[tilespmem:s0+$0xFFFFFFD0] =	vst v25  }
0xd6: {  	[tilespmem:s0+$0xFFFFFFE0] =	vst v22  }
0xd7: {  	v13 =	vmul.f32 v15, v13;
	[tilespmem:s0+$0xFFFFFFF0] =	vst v24  }
0xd8: {  	v14 =	vmul.f32 v16, v14;
	[tilespmem:s0+$0x0] =	vst v21  }
0xd9: {  	v12 =	vmul.f32 v17, v12;
	[tilespmem:s0+$0x10] =	vst v13  }
0xda: {  	v11 =	vmul.f32 v18, v11;
	[tilespmem:s0+$0x20] =	vst v14  }
0xdb: {  	v9 =	vmul.f32 v19, v9;
	[tilespmem:s0+$0x30] =	vst v12  }
0xdc: {  	v10 =	vmul.f32 v20, v10;
	[tilespmem:s0+$0x40] =	vst v11  }
0xdd: {  	[tilespmem:s0+$0x50] =	vst v9  }
0xde: {  	[tilespmem:s0+$0x60] =	vst v10  }
0xdf: {  	s0 =	rddreg [dreg:$0xf]  }
0xe0: {  	s0 =	sadd.s32 s24, s0  }
0xe1: {  	[hbm4b:s0+s5] =	stream.linear.scatter [tilespmem:s17], [sflag:$0x5], $0x380, $0x38;
	[tilespmem:$0x1F250] =	vst v63  }
0xe2: {  	_ = 	snop  }
0xe3: {  	[spmem:s19] =	stream.indirect.scatter.add.f32 [tilespmem:s18], [sflag:$0x6], $0x10, s29, s30, $0xb8;
	[tilespmem:$0x1F250] =	vst v63  }
0xe4: {  	_ =	swait.ge [sflag:s25], $0x700  }
0xe5: {  	[sflag:s25] =	ssyncset.done $0x0  }
0xe6: {  	[sflag:s25] =	ssyncadd.s32 $0xFFFFF900  }
0xe7: {  	s1 =	simm.s32 $0x177C0;
	s2 =	rddreg [dreg:$0x3]  }
0xe8: {  	[spmem:s2] =	stream.indirect.scatter.add.f32 [tilespmem:s1], [sflag:$0x6], $0x80, s29, s30, $0xb8;
	[tilespmem:$0x1F250] =	vst v63  }
0xe9: {  	_ =	swait.ge [sflag:s25], $0x3800  }
0xea: {  	[sflag:s25] =	ssyncset.done $0x0  }
0xeb: {  	[sflag:s25] =	ssyncadd.s32 $0xFFFFC800  }
0xec: {  	_ =	swait.ge [sflag:s22], $0x380  }
0xed: {  	[sflag:s22] =	ssyncset.done $0x0  }
0xee: {  	[sflag:s22] =	ssyncadd.s32 $0xFFFFFC80  }
0xef: {  	_ =	swait.ge [sflag:s26], $0x700  }
0xf0: {  	[sflag:s26] =	ssyncset.done $0x0  }
0xf1: {  	[sflag:s26] =	ssyncadd.s32 $0xFFFFF900  }
0xf2: {  	_ =	swait.ge [sflag:s10], $0x700  }
0xf3: {  	[sflag:s10] =	ssyncset.done $0x0  }
0xf4: {  	s3 =	simm.s32 $0x169E0;
	[sflag:s10] =	ssyncadd.s32 $0xFFFFF900  }
0xf5: {  	s4 =	simm.s32 $0x170E0;
	v9 =	vld [tilespmem:s3+$0xFFFFFFE0]  }
0xf6: {  	v10 =	vld [tilespmem:s4+$0x10]  }
0xf7: {  	v11 =	vld [tilespmem:s3+$0x10]  }
0xf8: {  	v12 =	vld [tilespmem:s4+$0x0]  }
0xf9: {  	v13 =	vld [tilespmem:s3+$0x0]  }
0xfa: {  	v14 =	vld [tilespmem:s4+$0xFFFFFFF0]  }
0xfb: {  	v15 =	vld [tilespmem:s3+$0xFFFFFFF0]  }
0xfc: {  	s1 =	simm.s32 $0x16A20;
	v16 =	vld [tilespmem:s4+$0xFFFFFFE0]  }
0xfd: {  	s2 =	simm.s32 $0x17120;
	v17 =	vld [tilespmem:s1+$0xFFFFFFE0]  }
0xfe: {  	v18 =	vld [tilespmem:s2+$0x10]  }
0xff: {  	v19 =	vld [tilespmem:s1+$0x0];
	v12 =	vadd.f32 v12, v13  }
0x100: {  	v13 =	vld [tilespmem:s1+$0x10];
	v10 =	vadd.f32 v10, v11;
	v14 =	vadd.f32 v14, v15  }
0x101: {  	v20 =	vld [tilespmem:s2+$0xFFFFFFF0];
	v9 =	vadd.f32 v16, v9;
	v15 =	vmul.f32 $2.000000030e-01, v12  }
0x102: {  	v11 =	vld [tilespmem:s2+$0x0];
	v16 =	vmul.f32 $2.000000030e-01, v10;
	v21 =	vmul.f32 $2.000000030e-01, v14  }
0x103: {  	v22 =	vmul.f32 $2.000000030e-01, v9;
	v12 =	vmax.f32 v12, v15;
	v15 =	vld [tilespmem:s1+$0xFFFFFFF0]  }
0x104: {  	s4 =	simm.s32 $0x17160;
	v10 =	vmax.f32 v10, v16;
	v16 =	vld [tilespmem:s2+$0xFFFFFFE0];
	v14 =	vmax.f32 v14, v21;
	v12 =	vsub.f32 v12, v8  }
0x105: {  	s3 =	simm.s32 $0x16A60;
	v9 =	vmax.f32 v9, v22;
	v21 =	vld [tilespmem:s4+$0x10];
	v13 =	vadd.f32 v18, v13;
	v14 =	vsub.f32 v14, v8  }
0x106: {  	v22 =	vld [tilespmem:s3+$0x10];
	v9 =	vsub.f32 v9, v8;
	v10 =	vsub.f32 v10, v8;
	v12 =	vmul.f32 $1.442695020e+00, v12  }
0x107: {  	v23 =	vld [tilespmem:s4+$0x0];
	v11 =	vadd.f32 v11, v19;
	v19 =	vmul.f32 $2.000000030e-01, v13;
	v14 =	vmul.f32 $1.442695020e+00, v14  }
0x108: {  	v60 =	vld [tilespmem:s4+$0xFFFFFFE0];
	v9 =	vmul.f32 $1.442695020e+00, v9;
	v10 =	vmul.f32 $1.442695020e+00, v10  }
0x109: {  	v18 =	vld [tilespmem:s3+$0xFFFFFFE0];
	(erf) = vpow2.f32 v12;
	v12 =	vadd.f32 v20, v15;
	v15 =	vmul.f32 $2.000000030e-01, v11  }
0x10a: {  	v20 =	vld [tilespmem:s3+$0x0];
	v16 =	vadd.f32 v16, v17;
	v13 =	vmax.f32 v13, v19;
	(erf) = vpow2.f32 v14  }
0x10b: {  	v19 =	vld [tilespmem:s3+$0xFFFFFFF0];
	v21 =	vadd.f32 v21, v22;
	v17 =	vmul.f32 $2.000000030e-01, v12;
	v11 =	vmax.f32 v11, v15  }
0x10c: {  	v14 =	vld [tilespmem:s4+$0xFFFFFFF0];
	v15 =	vmul.f32 $2.000000030e-01, v16;
	(erf) = vpow2.f32 v9;
	v11 =	vsub.f32 v11, v8  }
0x10d: {  	s1 =	simm.s32 $0x16AA0;
	v61 =	vsub.f32 v13, v8;
	(erf) = vpow2.f32 v10;
	v12 =	vmax.f32 v12, v17  }
0x10e: {  	v9 =	vld [tilespmem:s1+$0xFFFFFFE0];
	v10 =	vmax.f32 v16, v15;
	v16 =	vsub.f32 v12, v8;
	v11 =	vmul.f32 $1.442695020e+00, v11  }
0x10f: {  	s2 =	simm.s32 $0x171A0;
	v22 =	vmul.f32 $2.000000030e-01, v21;
	v15 =	vld [tilespmem:s1+$0x10];
	v20 =	vadd.f32 v23, v20;
	v23 =	vsub.f32 v10, v8  }
0x110: {  	v18 =	vadd.f32 v60, v18;
	v12 =	vld [tilespmem:s2+$0x10];
	v16 =	vmul.f32 $1.442695020e+00, v16;
	(erf) = vpow2.f32 v11  }
0x111: {  	v10 =	vld [tilespmem:s2+$0x0];
	v17 =	vadd.f32 v14, v19;
	v62 =	vmul.f32 $2.000000030e-01, v20;
	v23 =	vmul.f32 $1.442695020e+00, v23  }
0x112: {  	s0 =	simm.s32 $0x1E7E0;
	v14 =	vld [tilespmem:s1+$0x0];
	v11 =	vmax.f32 v21, v22;
	v21 =	vmul.f32 $1.442695020e+00, v61;
	v13 =	vpop (erf);
	(erf) = vpow2.f32 v16  }
0x113: {  	v19 =	vmul.f32 $2.000000030e-01, v17;
	v20 =	vmax.f32 v20, v62;
	v16 =	vld [tilespmem:s1+$0xFFFFFFF0];
	[tilespmem:s0+$0x0] =	vst v13;
	v63 =	vpop (erf);
	(erf) = vpow2.f32 v23  }
0x114: {  	s31 =	simm.s32 $0x0;
	s3 =	simm.s32 $0xC;
	s4 =	simm.s32 $0x1E7E0;
	v22 =	vmul.f32 $2.000000030e-01, v18;
	v13 =	vld [tilespmem:s2+$0xFFFFFFF0];
	v20 =	vsub.f32 v20, v8;
	[tilespmem:s0+$0xFFFFFFF0] =	vst v63  }
.LBB2_9:
0x115: {  	s3 =	sadd.s32 $0x4, s3;
	v23 =	vld [tilespmem:s2+$0xFFFFFFE0];
	v24 =	vadd.f32 v12, v15;
	s1 =	sadd.s32 $0x40, s1;
	v12 =	vmax.f32 v17, v19;
	(erf) = vpow2.f32 v21;
	s0 =	sadd.s32 $0x40, s0;
	v15 =	vpop (erf)  }
0x116: {  	s2 =	sadd.s32 $0x40, s2;
	v25 =	vld [tilespmem:s1+$0xFFFFFFE0];
	p0 =	slt.u32 s3, $0x6C;
	v17 =	vmax.f32 v18, v22;
	v18 =	vsub.f32 v12, v8;
	v19 =	vmul.f32 $1.442695020e+00, v20;
	[tilespmem:s4+$0xFFFFFFE0] =	vst v15;
	v15 =	vpop (erf)  }
0x117: {  	v12 =	vld [tilespmem:s2+$0x10];
	v20 =	vadd.f32 v10, v14;
	v21 =	vmul.f32 $2.000000030e-01, v24;
	v14 =	vsub.f32 v17, v8;
	[tilespmem:s4+$0x10] =	vst v15;
	s4 =	smov.u32 s0  }
.Ltmp3:
0x118: {  	v26 =	vsub.f32 v11, v8;
	v15 =	vld [tilespmem:s1+$0x10];
	v22 =	vmul.f32 $1.442695020e+00, v18;
	(erf) = vpow2.f32 v19;
	(pc) =	sbr.rel @p0 .LBB2_9-.Ltmp3, $4  }
0x119: {  	v10 =	vld [tilespmem:s2+$0x0];
	v17 =	vadd.f32 v13, v16;
	v16 =	vmul.f32 $2.000000030e-01, v20;
	v27 =	vmul.f32 $1.442695020e+00, v14;
	v13 =	vpop (erf)  }
0x11a: {  	v11 =	vmax.f32 v24, v21;
	v14 =	vld [tilespmem:s1+$0x0];
	v18 =	vadd.f32 v23, v9;
	(erf) = vpow2.f32 v22;
	[tilespmem:s0+$0x0] =	vst v13  }
0x11b: {  	v21 =	vmul.f32 $1.442695020e+00, v26;
	v13 =	vld [tilespmem:s2+$0xFFFFFFF0];
	v19 =	vmul.f32 $2.000000030e-01, v17;
	v24 =	vmax.f32 v20, v16;
	v23 =	vpop (erf)  }
0x11c: {  	v9 =	vmovc v25;
	v16 =	vld [tilespmem:s1+$0xFFFFFFF0];
	v22 =	vmul.f32 $2.000000030e-01, v18;
	v20 =	vsub.f32 v24, v8;
	(erf) = vpow2.f32 v27;
	[tilespmem:s0+$0xFFFFFFF0] =	vst v23  }
0x11d: {  	v23 =	vld [tilespmem:s2+$0xFFFFFFE0]  }
0x11e: {  	v12 =	vadd.f32 v12, v15;
	v15 =	vmax.f32 v17, v19  }
0x11f: {  	(erf) = vpow2.f32 v21;
	v11 =	vsub.f32 v11, v8;
	v60 =	vmax.f32 v18, v22  }
0x120: {  	v15 =	vsub.f32 v15, v8;
	v61 =	vmul.f32 $1.442695020e+00, v20;
	v10 =	vadd.f32 v10, v14  }
0x121: {  	v14 =	vmul.f32 $2.000000030e-01, v12;
	v11 =	vmul.f32 $1.442695020e+00, v11;
	v13 =	vadd.f32 v13, v16  }
0x122: {  	v15 =	vmul.f32 $1.442695020e+00, v15;
	v62 =	vmul.f32 $2.000000030e-01, v10;
	v9 =	vadd.f32 v23, v9  }
0x123: {  	v17 =	vsub.f32 v60, v8;
	(erf) = vpow2.f32 v61;
	v63 =	vmul.f32 $2.000000030e-01, v13  }
0x124: {  	v12 =	vmax.f32 v12, v14;
	v10 =	vmax.f32 v10, v62;
	v14 =	vmul.f32 $2.000000030e-01, v9  }
0x125: {  	v17 =	vmul.f32 $1.442695020e+00, v17;
	v10 =	vsub.f32 v10, v8;
	v13 =	vmax.f32 v13, v63  }
0x126: {  	(erf) = vpow2.f32 v15;
	v9 =	vmax.f32 v9, v14;
	v13 =	vsub.f32 v13, v8  }
0x127: {  	(erf) = vpow2.f32 v17;
	v10 =	vmul.f32 $1.442695020e+00, v10;
	v9 =	vsub.f32 v9, v8  }
0x128: {  	v14 =	vpop (erf);
	(erf) = vpow2.f32 v11  }
0x129: {  	v12 =	vsub.f32 v12, v8;
	v11 =	vmul.f32 $1.442695020e+00, v13;
	v9 =	vmul.f32 $1.442695020e+00, v9  }
0x12a: {  	[tilespmem:s4+$0xFFFFFFE0] =	vst v14;
	v13 =	vpop (erf);
	(erf) = vpow2.f32 v10  }
0x12b: {  	s0 =	sadd.s32 $0x40, s0;
	[tilespmem:s4+$0x10] =	vst v13;
	v10 =	vpop (erf);
	(erf) = vpow2.f32 v11;
	v11 =	vmul.f32 $1.442695020e+00, v12  }
0x12c: {  	[tilespmem:s0+$0x0] =	vst v10;
	v10 =	vpop (erf);
	(erf) = vpow2.f32 v9  }
0x12d: {  	[tilespmem:s0+$0xFFFFFFF0] =	vst v10;
	v9 =	vpop (erf);
	(erf) = vpow2.f32 v11  }
0x12e: {  	v10 =	vpop (erf);
	[tilespmem:s0+$0xFFFFFFE0] =	vst v9  }
0x12f: {  	s1 =	sadd.s32 $0x40, s0;
	v9 =	vpop (erf);
	[tilespmem:s0+$0x10] =	vst v10  }
0x130: {  	v10 =	vpop (erf);
	[tilespmem:s1+$0x0] =	vst v9  }
0x131: {  	[tilespmem:s1+$0xFFFFFFF0] =	vst v10;
	v9 =	vpop (erf)  }
0x132: {  	[tilespmem:s1+$0xFFFFFFE0] =	vst v9;
	v9 =	vpop (erf)  }
0x133: {  	s3 =	sadd.s32 $0x40, s1;
	[tilespmem:s1+$0x10] =	vst v9;
	v9 =	vpop (erf)  }
0x134: {  	[tilespmem:s3+$0x0] =	vst v9;
	v9 =	vpop (erf)  }
0x135: {  	[tilespmem:s3+$0xFFFFFFF0] =	vst v9;
	v9 =	vpop (erf)  }
0x136: {  	[tilespmem:s3+$0xFFFFFFE0] =	vst v9;
	v9 =	vpop (erf)  }
0x137: {  	s4 =	simm.s32 $0x1E800;
	[tilespmem:s3+$0x10] =	vst v9  }
0x138: {  	v14 =	vld [tilespmem:s4+$0x20]  }
0x139: {  	v15 =	vld [tilespmem:s4+$0x30]  }
0x13a: {  	v11 =	vld [tilespmem:s4+$0xFFFFFFD0]  }
0x13b: {  	v9 =	vld [tilespmem:s4+$0xFFFFFFE0]  }
0x13c: {  	v12 =	vld [tilespmem:s4+$0xFFFFFFF0]  }
0x13d: {  	v10 =	vld [tilespmem:s4+$0x0]  }
0x13e: {  	s0 =	simm.s32 $0x1EEE0;
	v13 =	vld [tilespmem:s4+$0x10];
	v15 =	vsel vm0, v14, v15  }
0x13f: {  	s1 =	simm.s32 $0x1E880;
	v14 =	vld [tilespmem:s4+$0xFFFFFFC0];
	[tilespmem:s0+$0x10] =	vst v15  }
.LBB2_11:
0x140: {  	v15 =	vld [tilespmem:s1+$0x20]  }
0x141: {  	s31 =	sadd.s32 $0x4, s31;
	v16 =	vld [tilespmem:s1+$0x30];
	v9 =	vsel vm0, v9, v12  }
0x142: {  	p0 =	slt.u32 s31, $0x34;
	v17 =	vld [tilespmem:s1+$0xFFFFFFD0];
	[tilespmem:s0+$0xFFFFFFF0] =	vst v9  }
.Ltmp4:
0x143: {  	v9 =	vld [tilespmem:s1+$0xFFFFFFE0];
	v10 =	vsel vm0, v10, v13;
	(pc) =	sbr.rel @p0 .LBB2_11-.Ltmp4, $4  }
0x144: {  	v12 =	vld [tilespmem:s1+$0xFFFFFFF0];
	v11 =	vsel vm0, v14, v11;
	[tilespmem:s0+$0x0] =	vst v10  }
0x145: {  	v10 =	vld [tilespmem:s1+$0x0];
	[tilespmem:s0+$0xFFFFFFE0] =	vst v11  }
0x146: {  	s0 =	sadd.s32 $0x40, s0;
	v13 =	vld [tilespmem:s1+$0x10];
	v15 =	vsel vm0, v15, v16  }
0x147: {  	v14 =	vld [tilespmem:s1+$0xFFFFFFC0];
	[tilespmem:s0+$0x10] =	vst v15;
	s1 =	sadd.s32 $0x80, s1;
	v11 =	vmov v17  }
0x148: {  	_ =	sdelay $0x1  }
0x149: {  	v9 =	vsel vm0, v9, v12  }
0x14a: {  	[tilespmem:s0+$0xFFFFFFF0] =	vst v9;
	v9 =	vsel vm0, v10, v13  }
0x14b: {  	v10 =	vsel vm0, v14, v11;
	[tilespmem:s0+$0x0] =	vst v9  }
0x14c: {  	p0 =	seq.s32 s28, $0x2E;
	[tilespmem:s0+$0xFFFFFFE0] =	vst v10  }
0x14d: {  	s0 =	sadd.s32 @!p0 s24, s21;
	_ =	swait.ge [sflag:s23], $0x3800  }
0x14e: {  	s2 =	simm.s32 @!p0 $0x0;
	s0 =	sshrl.u32 @!p0 s0, $0x3;
	[sflag:s23] =	ssyncset.done $0x0  }
0x14f: {  	s3 =	simm.s32 @!p0 $0x16800;
	s1 =	sadd.s32 @!p0 s11, s0;
	[sflag:s23] =	ssyncadd.s32 $0xFFFFC800  }
0x150: {  	[tilespmem:s3], [sflag:$0x6] =	stream.linear.gather @!p0 [hbm4b:s1+s2], $0x70, $0x38;
	[tilespmem:$0x1F250] =	vst v63  }
0x151: {  	s1 =	simm.s32 @!p0 $0x6  }
0x152: {  	_ =	swait.ge @!p0 [sflag:s1], $0x70  }
0x153: {  	[sflag:s1] =	ssyncset.done @!p0 $0x0  }
0x154: {  	s4 =	simm.s32 @!p0 $0x168E0;
	s0 =	sadd.s32 @!p0 s6, s0;
	[sflag:s1] =	ssyncadd.s32 @!p0 $0xFFFFFF90  }
0x155: {  	[tilespmem:s4], [sflag:$0x6] =	stream.linear.gather @!p0 [hbm4b:s0+s2], $0x70, $0x38;
	[tilespmem:$0x1F250] =	vst v63  }
0x156: {  	_ =	swait.ge @!p0 [sflag:s1], $0x70  }
0x157: {  	[sflag:s1] =	ssyncset.done @!p0 $0x0  }
0x158: {  	s0 =	simm.s32 @!p0 $0x70;
	[sflag:s1] =	ssyncadd.s32 @!p0 $0xFFFFFF90;
	s1 =	simm.s32 @!p0 $0x169C0  }
0x159: {  	[tilespmem:s1], [sflag:$0x1] =	stream.indirect.gather @!p0 [hbm4b:s7+s0], $0x10, s3, s0, $0xb8;
	[tilespmem:$0x1F250] =	vst v63  }
0x15a: {  	s1 =	simm.s32 @!p0 $0x170C0  }
0x15b: {  	[tilespmem:s1], [sflag:$0x2] =	stream.indirect.gather @!p0 [hbm4b:s8+s0], $0x10, s4, s0, $0xb8;
	[tilespmem:$0x1F250] =	vst v63  }
0x15c: {  	s31 =	smov.u32 s11;
	s11 =	simm.s32 $0x1E7D0;
	s1 =	simm.s32 @!p0 $0x177C0  }
0x15d: {  	[tilespmem:s1], [sflag:$0x3] =	stream.indirect.gather @!p0 [hbm4b:s9+s0], $0x80, s3, s0, $0xb8;
	[tilespmem:$0x1F250] =	vst v63  }
0x15e: {  	v10 =	vld [tilespmem:s11+$0x0]  }
0x15f: {  	s24 =	simm.s32 $0x1B040;
	v9 =	vld [tilespmem:s11+$0xFFFFFFF0]  }
0x160: {  	v11 =	vld [tilespmem:s24+$0x70]  }
0x161: {  	v16 =	vld [tilespmem:s24+$0xFFFFFF80]  }
0x162: {  	v17 =	vld [tilespmem:s24+$0xFFFFFF90]  }
0x163: {  	v18 =	vld [tilespmem:s24+$0xFFFFFFA0];
	v20 =	vperm.xlane v10, v0;
	v12 =	vperm.xlane v10, v7  }
0x164: {  	v22 =	vld [tilespmem:s24+$0xFFFFFFB0];
	v19 =	vperm.xlane v9, v0;
	v21 =	vperm.xlane v9, v1  }
0x165: {  	v24 =	vld [tilespmem:s24+$0xFFFFFFC0];
	v23 =	vperm.xlane v9, v2;
	v25 =	vperm.xlane v9, v3  }
0x166: {  	v28 =	vld [tilespmem:s24+$0xFFFFFFD0];
	v27 =	vperm.xlane v9, v4;
	v29 =	vperm.xlane v9, v5  }
0x167: {  	v31 =	vld [tilespmem:s24+$0xFFFFFFE0];
	v30 =	vperm.xlane v9, v6;
	v32 =	vperm.xlane v9, v7  }
0x168: {  	v33 =	vld [tilespmem:s24+$0xFFFFFFF0];
	v13 =	vperm.xlane v10, v1;
	v14 =	vperm.xlane v10, v2  }
0x169: {  	v34 =	vld [tilespmem:s24+$0x0];
	v9 =	vperm.xlane v10, v5;
	v11 =	vmul.f32 v11, v12  }
0x16a: {  	v15 =	vld [tilespmem:s24+$0x10];
	v12 =	vperm.xlane v10, v3;
	v19 =	vmul.f32 v16, v19  }
0x16b: {  	v16 =	vld [tilespmem:s24+$0x20];
	v21 =	vmul.f32 v17, v21;
	v35 =	vmul.f32 v18, v23  }
0x16c: {  	v17 =	vld [tilespmem:s24+$0x30];
	v26 =	vmul.f32 v22, v25;
	v23 =	vmul.f32 v24, v27;
	[tilespmem:s24+$0x70] =	vst v11  }
0x16d: {  	v18 =	vld [tilespmem:s24+$0x40];
	v25 =	vmul.f32 v28, v29;
	v22 =	vmul.f32 v31, v30;
	[tilespmem:s24+$0xFFFFFF80] =	vst v19  }
0x16e: {  	v24 =	vmul.f32 v33, v32;
	v11 =	vperm.xlane v10, v4;
	[tilespmem:s24+$0xFFFFFF90] =	vst v21;
	v19 =	vld [tilespmem:s24+$0x50]  }
0x16f: {  	s2 =	simm.s32 $0x1E7F0;
	s1 =	simm.s32 $0x0;
	s0 =	simm.s32 $0x1B040;
	v10 =	vperm.xlane v10, v6;
	[tilespmem:s24+$0xFFFFFFA0] =	vst v35;
	v21 =	vmul.f32 v34, v20;
	v20 =	vld [tilespmem:s24+$0x60]  }
.LBB2_13:
0x170: {  	v27 =	vld [tilespmem:s2+$0x0];
	s1 =	sadd.s32 $0x2, s1;
	[tilespmem:s24+$0xFFFFFFB0] =	vst v26;
	v13 =	vmul.f32 v15, v13;
	v14 =	vmul.f32 v16, v14  }
0x171: {  	s24 =	sadd.s32 $0x100, s24;
	v15 =	vld [tilespmem:s2+$0xFFFFFFF0];
	p0 =	slt.u32 s1, $0x6E;
	[tilespmem:s0+$0xFFFFFFC0] =	vst v23;
	v12 =	vmul.f32 v17, v12  }
0x172: {  	v16 =	vld [tilespmem:s24+$0x70];
	[tilespmem:s0+$0xFFFFFFD0] =	vst v25;
	v11 =	vmul.f32 v18, v11  }
0x173: {  	v17 =	vld [tilespmem:s24+$0xFFFFFF80];
	[tilespmem:s0+$0xFFFFFFE0] =	vst v22;
	v9 =	vmul.f32 v19, v9  }
0x174: {  	v18 =	vld [tilespmem:s24+$0xFFFFFF90];
	[tilespmem:s0+$0xFFFFFFF0] =	vst v24;
	v10 =	vmul.f32 v20, v10  }
0x175: {  	v19 =	vld [tilespmem:s24+$0xFFFFFFA0];
	v20 =	vperm.xlane v27, v0;
	v22 =	vperm.xlane v27, v7;
	[tilespmem:s0+$0x0] =	vst v21  }
0x176: {  	v21 =	vperm.xlane v15, v0;
	v23 =	vperm.xlane v15, v1;
	v24 =	vld [tilespmem:s24+$0xFFFFFFB0];
	[tilespmem:s0+$0x10] =	vst v13  }
0x177: {  	v25 =	vperm.xlane v15, v2;
	v28 =	vld [tilespmem:s24+$0xFFFFFFC0];
	v13 =	vmul.f32 v16, v22;
	[tilespmem:s0+$0x20] =	vst v14  }
0x178: {  	v29 =	vperm.xlane v15, v4;
	v22 =	vperm.xlane v15, v3;
	v30 =	vld [tilespmem:s24+$0xFFFFFFD0];
	[tilespmem:s0+$0x30] =	vst v12  }
0x179: {  	v31 =	vperm.xlane v15, v5;
	v32 =	vperm.xlane v15, v6;
	v33 =	vld [tilespmem:s24+$0xFFFFFFE0];
	[tilespmem:s24+$0x70] =	vst v13  }
0x17a: {  	v34 =	vperm.xlane v15, v7;
	v13 =	vperm.xlane v27, v1;
	v35 =	vld [tilespmem:s24+$0xFFFFFFF0];
	[tilespmem:s0+$0x40] =	vst v11  }
0x17b: {  	v14 =	vperm.xlane v27, v2;
	v12 =	vperm.xlane v27, v3;
	v36 =	vld [tilespmem:s24+$0x0];
	[tilespmem:s0+$0x50] =	vst v9  }
0x17c: {  	v11 =	vperm.xlane v27, v4;
	v9 =	vperm.xlane v27, v5;
	v15 =	vld [tilespmem:s24+$0x10];
	[tilespmem:s0+$0x60] =	vst v10;
	s0 =	smov.u32 s24  }
.Ltmp5:
0x17d: {  	v21 =	vmul.f32 v17, v21;
	v10 =	vperm.xlane v27, v6;
	v16 =	vld [tilespmem:s24+$0x20];
	(pc) =	sbr.rel @p0 .LBB2_13-.Ltmp5, $4  }
0x17e: {  	v37 =	vmul.f32 v19, v25;
	v27 =	vmul.f32 v18, v23;
	v17 =	vld [tilespmem:s24+$0x30]  }
0x17f: {  	v26 =	vmul.f32 v24, v22;
	v23 =	vmul.f32 v28, v29;
	[tilespmem:s24+$0xFFFFFF80] =	vst v21;
	v18 =	vld [tilespmem:s24+$0x40]  }
0x180: {  	v25 =	vmul.f32 v30, v31;
	v22 =	vmul.f32 v33, v32;
	[tilespmem:s24+$0xFFFFFF90] =	vst v27;
	v19 =	vld [tilespmem:s24+$0x50]  }
0x181: {  	s2 =	sadd.s32 $0x20, s2;
	v24 =	vmul.f32 v35, v34;
	v21 =	vmul.f32 v36, v20;
	[tilespmem:s24+$0xFFFFFFA0] =	vst v37;
	v20 =	vld [tilespmem:s24+$0x60]  }
0x182: {  	[tilespmem:s24+$0xFFFFFFB0] =	vst v26  }
0x183: {  	[tilespmem:s0+$0xFFFFFFC0] =	vst v23  }
0x184: {  	[tilespmem:s0+$0xFFFFFFD0] =	vst v25  }
0x185: {  	[tilespmem:s0+$0xFFFFFFE0] =	vst v22  }
0x186: {  	v13 =	vmul.f32 v15, v13;
	[tilespmem:s0+$0xFFFFFFF0] =	vst v24  }
0x187: {  	v14 =	vmul.f32 v16, v14;
	[tilespmem:s0+$0x0] =	vst v21  }
0x188: {  	v12 =	vmul.f32 v17, v12;
	[tilespmem:s0+$0x10] =	vst v13  }
0x189: {  	v11 =	vmul.f32 v18, v11;
	[tilespmem:s0+$0x20] =	vst v14  }
0x18a: {  	v9 =	vmul.f32 v19, v9;
	[tilespmem:s0+$0x30] =	vst v12  }
0x18b: {  	v10 =	vmul.f32 v20, v10;
	[tilespmem:s0+$0x40] =	vst v11  }
0x18c: {  	[tilespmem:s0+$0x50] =	vst v9  }
0x18d: {  	s14 =	sadd.s32 s20, s14;
	[tilespmem:s0+$0x60] =	vst v10  }
0x18e: {  	[hbm4b:s14+s5] =	stream.linear.scatter [tilespmem:s17], [sflag:$0x5], $0x380, $0x38;
	[tilespmem:$0x1F250] =	vst v63  }
0x18f: {  	_ = 	snop  }
0x190: {  	[spmem:s19] =	stream.indirect.scatter.add.f32 [tilespmem:s18], [sflag:$0x6], $0x10, s15, s30, $0xb8;
	[tilespmem:$0x1F250] =	vst v63  }
0x191: {  	_ =	swait.ge [sflag:s25], $0x700  }
0x192: {  	[sflag:s25] =	ssyncset.done $0x0  }
0x193: {  	[sflag:s25] =	ssyncadd.s32 $0xFFFFF900  }
0x194: {  	s28 =	sadd.s32 $0x1, s28;
	s24 =	rddreg [dreg:$0x3]  }
0x195: {  	[spmem:s24] =	stream.indirect.scatter.add.f32 [tilespmem:s16], [sflag:$0x6], $0x80, s15, s30, $0xb8;
	[tilespmem:$0x1F250] =	vst v63  }
0x196: {  	p0 =	sne.s32 s28, $0x2F;
	_ =	swait.ge [sflag:s25], $0x3800  }
.Ltmp6:
0x197: {  	[sflag:s25] =	ssyncset.done $0x0;
	(pc) =	sbr.rel @p0 .LBB2_2-.Ltmp6, $4  }
0x198: {  	[sflag:s25] =	ssyncadd.s32 $0xFFFFC800  }
0x199: {  	_ =	swait.ge [sflag:s22], $0x380  }
0x19a: {  	[sflag:s22] =	ssyncset.done $0x0  }
0x19b: {  	[sflag:s22] =	ssyncadd.s32 $0xFFFFFC80  }
0x19c: {  	[bflag:$0x0] =	sbarrier.arrive $0xFFFF  }
0x19d: {  	s24 =	rddreg [dreg:$0x9]  }
0x19e: {  	s0 =	rddreg [dreg:$0x10]  }
0x19f: {  	s1 =	rddreg [dreg:$0x14]  }
0x1a0: {  	[hbm:s0], [sflag:s24] =	dma.local [spmem:s1], $0x2800  }
0x1a1: {  	_ =	swait.ge [sflag:s25], $0x2800  }
0x1a2: {  	[sflag:s25] =	ssyncset.done $0x0;
	s4 =	rddreg [dreg:$0x11]  }
0x1a3: {  	s11 =	rddreg [dreg:$0x15];
	[sflag:s25] =	ssyncadd.s32 $0xFFFFD800  }
0x1a4: {  	[hbm:s4], [sflag:s24] =	dma.local [spmem:s11], $0x500  }
0x1a5: {  	_ =	swait.ge [sflag:s25], $0x500  }
0x1a6: {  	s14 =	rddreg [dreg:$0x13]  }
0x1a7: {  	s28 =	rddreg [dreg:$0x12];
	s1 =	sadd.s32 $0x1, s14  }
0x1a8: {  	p0 =	sne.s32 s1, s28  }
.Ltmp7:
0x1a9: {  	_ = 	snop;
	(pc) =	sbr.rel @p0 .LBB2_1-.Ltmp7, $3  }
0x1aa: {  	_ =	sdelay $0x1  }
0x1ab: {  	[sflag:s25] =	ssyncset.done $0x0  }
0x1ac: {  	[sflag:s25] =	ssyncadd.s32 $0xFFFFFB00  }
0x1ad: {  	_ =	sfence.sel $0x180000  }
0x1ae: {  	[bflag:$0x0] =	sbarrier.arrive $0xFFFF  }
0x1af: {  	_ =	strace $0x90000047  }
0x1b0: {  	s0 =	stileid.u32;
	[bflag:$0x2] =	sbarrier.arrive $0xFFFF  }
0x1b1: {  	p0 =	sne.s32 s0, $0x0;
	s0 =	rddreg [dreg:$0x5]  }
0x1b2: {  	s0 =	sadd.s32 @!p0 $0x100000, s0  }
0x1b3: {  	[sflag:s0] =	ssyncadd.tile.s32 @!p0 $0x1;
	_ =	shalt  }
.Lfunc_end2:
_tile_overlayer_lowered:
.L_overlay_start_2:
0x1b4: {  	(tag) =	ssettag $0x2  }
0x1b5: {  	s0 =	rddreg [dreg:$0x0];
	s2 =	stileid.u32  }
0x1b6: {  	s1 =	rddreg [dreg:$0x1];
	p0 =	sne.s32 s2, $0x0  }
0x1b7: {  	s3 =	rddreg [dreg:$0x2];
	[bflag:$0x3] =	sbarrier.arrive $0xFFFF;
	s2 =	simm.s32 @!p0 $0x1C06  }
0x1b8: {  	[timem:s3], [sflag:s2] =	dma.local @!p0 [hbm:s0], s1  }
0x1b9: {  	s0 =	simm.s32 @!p0 $0x6  }
0x1ba: {  	_ =	swait.ge @!p0 [sflag:s0], s1  }
0x1bb: {  	s1 =	ssub.s32 @!p0 $0x0, s1;
	[sflag:s0] =	ssyncset.done @!p0 $0x0  }
0x1bc: {  	[sflag:s0] =	ssyncadd.s32 @!p0 s1  }
0x1bd: {  	[bflag:$0x3] =	sbarrier.arrive $0xFFFF  }
0x1be: {  	_ =	shalt  }

// kernel: kernel.8.cloned.1.call-start
scs
__scs_entry_jumppad:
0x0: {  	(pc) =	sbr.rel $0x88, $3  }
0x1: {  	(tag) =	ssettag $0x0;
	lr =	simm.s32 $0x1  }
0x2: {  	[smem:$0x3F9B] =	sst lr;
	_ =	strace $0xD0000000  }
0x3: {  	_ = 	snop  }
0x4: {  	_ = 	snop  }
0x5: {  	_ = 	snop  }
0x6: {  	_ = 	snop  }
0x7: {  	_ = 	snop  }
__scs_overlays_trampoline_lowered:
0x8: {  	[smem:$0x3FAA] =	sst s0  }
0x9: {  	[smem:$0x3FAB] =	sst s1  }
0xa: {  	[smem:$0x3FAC] =	sst s2  }
0xb: {  	[smem:$0x3FAD] =	sst s3  }
0xc: {  	[smem:$0x3FAE] =	sst s4  }
0xd: {  	[smem:$0x3FAF] =	sst s5  }
0xe: {  	[smem:$0x3FB0] =	sst s6  }
0xf: {  	[smem:$0x3FB1] =	sst s7  }
0x10: {  	[smem:$0x3FB2] =	sst s8  }
0x11: {  	[smem:$0x3FB3] =	sst s9;
	s0 =	simm.s32 @!p0 $0x0  }
0x12: {  	s1 =	sld [smem:$0x3F99];
	s0 =	simm.s32 @p0 $0x1  }
0x13: {  	[smem:$0x3FB4] =	sst s0;
	s0 =	simm.s32 @!p1 $0x0  }
0x14: {  	s2 =	sld [smem:$0x3F98];
	s0 =	simm.s32 @p1 $0x1  }
0x15: {  	[smem:$0x3FB5] =	sst s0;
	s0 =	simm.s32 @!p2 $0x0  }
0x16: {  	s3 =	sld [smem:$0x3FDB];
	s0 =	simm.s32 @p2 $0x1  }
0x17: {  	s4 =	simm.s32 $0x1BF5;
	[smem:$0x3FB7] =	sst s0  }
0x18: {  	s0 =	sld [smem:$0x3F9A];
	_ =	swait.ge [sflag:s4], $0x0  }
0x19: {  	s7 =	sld [smem:$0x3F9B]  }
0x1a: {  	s8 =	sadd.s32 $0xFFFFE003, lr  }
0x1b: {  	s9 =	sadd.s32 $0xFFFFFEF7, lr;
	s5 =	simm.s32 $0xFFFFFFFF;
	p2 =	slt.u32 s8, $0xFFFFF086  }
0x1c: {  	p1 =	slt.u32 s9, $0xF7A;
	s5 =	simm.s32 @!p2 $0x0  }
0x1d: {  	s5 =	simm.s32 @p1 $0x1;
	p0 =	seq.s32 s7, s2  }
0x1e: {  	s7 =	smul.u32 @!p0 $0xF7A, s2;
	p2 =	seq.s32 @!p0 s5, $0x0  }
0x1f: {  	s9 =	smul.u32 $0xF7A, s1;
	s8 =	simm.s32 @!p0 $0x1BF5;
	p2 =	por !p2, p0  }
0x20: {  	[sflag:s8] =	ssyncset.s32 @!p0 $0xFFFFF086;
	s6 =	sadd.s32 @!p0 s3, s7;
	s7 =	simm.s32 @!p0 $0x108  }
0x21: {  	s3 =	sadd.s32 s3, s9;
	s6 =	sadd.s32 @!p0 $0x88, s6;
	s7 =	simm.s32 @p2 $0x1082  }
0x22: {  	[simem:s7], [sflag:s8] =	dma.local @!p0 [hbm:s6], $0xF7A  }
0x23: {  	s9 =	sor.u32 $0xD0000000, s2;
	s6 =	simm.s32 $0x108;
	_ =	swait.ge @!p0 [sflag:s8], $0x0  }
0x24: {  	s3 =	sadd.s32 $0x88, s3;
	s6 =	simm.s32 @!p1 $0x1082;
	[sflag:s4] =	ssyncset.s32 $0xFFFFF086  }
0x25: {  	[simem:s6], [sflag:s4] =	dma.local [hbm:s3], $0xF7A  }
0x26: {  	[smem:$0x3F9B] =	sst s1;
	(tag) =	ssettag s2;
	_ =	strace s9  }
0x27: {  	s1 =	sld [smem:$0x3FAB]  }
0x28: {  	s2 =	sld [smem:$0x3FAC]  }
0x29: {  	s4 =	sld [smem:$0x3FAE]  }
0x2a: {  	p0 =	seq.s32 s5, $0x0;
	s5 =	sld [smem:$0x3FAF]  }
0x2b: {  	s6 =	sld [smem:$0x3FB0]  }
0x2c: {  	s7 =	sld [smem:$0x3FB1]  }
0x2d: {  	s3 =	simm.s32 $0x108;
	s8 =	sld [smem:$0x3FB2]  }
0x2e: {  	s3 =	simm.s32 @!p0 $0x1082;
	s9 =	sld [smem:$0x3FB3]  }
0x2f: {  	lr =	sadd.s32 s0, s3;
	s0 =	sld [smem:$0x3FAA]  }
0x30: {  	s3 =	sld [smem:$0x3FAD]  }
0x31: {  	[smem:$0x3FB6] =	sst s10  }
0x32: {  	s10 =	sld [smem:$0x3FB4];
	_ =	sdelay $0x3  }
0x33: {  	p0 =	seq.s32 s10, $0x1;
	s10 =	sld [smem:$0x3FB6];
	_ =	sdelay $0x3  }
0x34: {  	[smem:$0x3FB6] =	sst s10  }
0x35: {  	s10 =	sld [smem:$0x3FB5];
	_ =	sdelay $0x3  }
0x36: {  	p1 =	seq.s32 s10, $0x1;
	s10 =	sld [smem:$0x3FB6];
	_ =	sdelay $0x3  }
0x37: {  	[smem:$0x3FB6] =	sst s10  }
0x38: {  	s10 =	sld [smem:$0x3FB7]  }
0x39: {  	_ = 	snop;
	(pc) =	sbr.ind lr, $3  }
0x3a: {  	_ = 	snop  }
0x3b: {  	_ = 	snop  }
0x3c: {  	p2 =	seq.s32 s10, $0x1;
	s10 =	sld [smem:$0x3FB6]  }
0x3d: {  	_ =	shalt  }
0x3e: {  	_ =	shalt  }
0x3f: {  	_ =	shalt  }
0x40: {  	_ =	shalt  }
0x41: {  	_ =	shalt  }
0x42: {  	_ =	shalt  }
0x43: {  	_ =	shalt  }
0x44: {  	_ =	shalt  }
0x45: {  	_ =	shalt  }
0x46: {  	_ =	shalt  }
0x47: {  	_ =	shalt  }
0x48: {  	_ =	shalt  }
0x49: {  	_ =	shalt  }
0x4a: {  	_ =	shalt  }
0x4b: {  	_ =	shalt  }
0x4c: {  	_ =	shalt  }
0x4d: {  	_ =	shalt  }
0x4e: {  	_ =	shalt  }
0x4f: {  	_ =	shalt  }
0x50: {  	_ =	shalt  }
0x51: {  	_ =	shalt  }
0x52: {  	_ =	shalt  }
0x53: {  	_ =	shalt  }
0x54: {  	_ =	shalt  }
0x55: {  	_ =	shalt  }
0x56: {  	_ =	shalt  }
0x57: {  	_ =	shalt  }
0x58: {  	_ =	shalt  }
0x59: {  	_ =	shalt  }
0x5a: {  	_ =	shalt  }
0x5b: {  	_ =	shalt  }
0x5c: {  	_ =	shalt  }
0x5d: {  	_ =	shalt  }
0x5e: {  	_ =	shalt  }
0x5f: {  	_ =	shalt  }
0x60: {  	_ =	shalt  }
0x61: {  	_ =	shalt  }
0x62: {  	_ =	shalt  }
0x63: {  	_ =	shalt  }
0x64: {  	_ =	shalt  }
0x65: {  	_ =	shalt  }
0x66: {  	_ =	shalt  }
0x67: {  	_ =	shalt  }
0x68: {  	_ =	shalt  }
0x69: {  	_ =	shalt  }
0x6a: {  	_ =	shalt  }
0x6b: {  	_ =	shalt  }
0x6c: {  	_ =	shalt  }
0x6d: {  	_ =	shalt  }
0x6e: {  	_ =	shalt  }
0x6f: {  	_ =	shalt  }
0x70: {  	_ =	shalt  }
0x71: {  	_ =	shalt  }
0x72: {  	_ =	shalt  }
0x73: {  	_ =	shalt  }
0x74: {  	_ =	shalt  }
0x75: {  	_ =	shalt  }
0x76: {  	_ =	shalt  }
0x77: {  	_ =	shalt  }
0x78: {  	_ =	shalt  }
0x79: {  	_ =	shalt  }
0x7a: {  	_ =	shalt  }
0x7b: {  	_ =	shalt  }
0x7c: {  	_ =	shalt  }
0x7d: {  	_ =	shalt  }
0x7e: {  	_ =	shalt  }
0x7f: {  	_ =	shalt  }
0x80: {  	_ =	shalt  }
0x81: {  	_ =	shalt  }
0x82: {  	_ =	shalt  }
0x83: {  	_ =	shalt  }
0x84: {  	_ =	shalt  }
0x85: {  	_ =	shalt  }
0x86: {  	_ =	shalt  }
0x87: {  	_ =	shalt  }
.Lfunc_end0:
.L_simem_size_0:
called_computation.1_lowered:
.L_overlay_start_0:
0x88: {  	s2 =	sld [smem:$0x3FD9]  }
0x89: {  	s3 =	sld [smem:$0x3FFE];
	_ =	sdelay $0x1  }
0x8a: {  	s1 =	srdreg.scid  }
0x8b: {  	s0 =	sand.u32 $0x1, s1  }
0x8c: {  	s14 =	sshll.u32 s0, $0xA;
	s2 =	sadd.s32 s3, s2  }
0x8d: {  	s2 =	sadd.s32 s2, s14  }
0x8e: {  	[smem:$0x3FC2] =	sst s2  }
0x8f: {  	_ = 	snop  }
0x90: {  	s2 =	sld [smem:$0x3FD0];
	_ =	sdelay $0x2  }
0x91: {  	s4 =	simm.s32 $0xA;
	s5 =	simm.s32 $0x10;
	s15 =	sld [smem:$0x3FC4]  }
0x92: {  	[smem:s5], [sflag:s4] =	dma.local [hbm:s2], $0x1  }
0x93: {  	_ =	swait.eq [sflag:s4], $0x1  }
0x94: {  	[sflag:s4] =	ssyncset.done $0x0  }
0x95: {  	[sflag:s4] =	ssyncadd.s32 $0xFFFFFFFF  }
0x96: {  	s16 =	sld [smem:$0x12];
	(tm) =	ssettm $0x1  }
0x97: {  	s17 =	sld [smem:$0x3FFB];
	_ =	sdelay $0x3  }
0x98: {  	_ =	strace s17  }
0x99: {  	s4 =	sld [smem:$0x3FFC];
	_ =	sdelay $0x3  }
0x9a: {  	_ =	strace s4  }
0x9b: {  	s4 =	sld [smem:$0x3FFD];
	_ =	sdelay $0x3  }
0x9c: {  	_ =	strace s4  }
0x9d: {  	_ =	strace $0x8FFFFFFF  }
0x9e: {  	s18 =	sld [smem:$0x3FDB];
	_ =	sdelay $0x1  }
0x9f: {  	s19 =	simm.s32 $_scs_section_size  }
0xa0: {  	s6 =	simm.s32 $_size__tile_overlayer_lowered;
	s7 =	simm.s32 $_tile_overlayer_lowered  }
0xa1: {  	s22 =	simm.s32 $0x1BFF;
	s21 =	sshll.u32 s7, $0x1;
	s4 =	sadd.s32 s19, s18  }
0xa2: {  	s8 =	simm.s32 $0x0;
	s20 =	sshll.u32 s6, $0x1;
	s6 =	sadd.s32 s21, s4  }
0xa3: {  	[timem:s8], [sflag:s22] =	dma.local [hbm:s6], s20  }
0xa4: {  	_ =	swait.ge [sflag:s22], s20  }
0xa5: {  	s5 =	ssub.s32 $0x0, s20;
	[sflag:s22] =	ssyncset.done $0x0  }
0xa6: {  	[sflag:s22] =	ssyncadd.s32 s5;
	_ =	sdelay $0x1  }
0xa7: {  	s23 =	simm.s32 $0x1B8B  }
0xa8: {  	_ =	swait.ge [sflag:s23], $0x1  }
0xa9: {  	[sflag:s23] =	ssyncset.done $0x0  }
0xaa: {  	s25 =	simm.s32 $0x1B8E;
	s24 =	sld [smem:$0x3FFE];
	[sflag:s23] =	ssyncadd.s32 $0xFFFFFFFF  }
0xab: {  	s26 =	simm.s32 $execute0_lowered;
	[smem:$0x3FD2] =	sst s25  }
0xac: {  	s6 =	sshll.u32 s26, $0x1;
	_ =	strace $0x80000049;
	[dreg:$0x1] =	wrdreg $0xFFFFFFFF  }
0xad: {  	s28 =	simm.s32 $_size_execute0_lowered;
	s4 =	sadd.s32 s4, s6;
	[dreg:$0x0] =	wrdreg $0x0  }
0xae: {  	s6 =	sshll.u32 s28, $0x1;
	[dreg:$0x2] =	wrdreg s4  }
0xaf: {  	[dreg:$0x3] =	wrdreg s6  }
0xb0: {  	[dreg:$0x4] =	wrdreg $0xC0  }
0xb1: {  	_ =	task [dreg:s8], $0x5FFFF  }
0xb2: {  	[dreg:$0x1] =	wrdreg $0xFFFFFFFF  }
0xb3: {  	[dreg:$0x0] =	wrdreg $0x60  }
0xb4: {  	[dreg:$0x2] =	wrdreg s16  }
0xb5: {  	[dreg:$0x3] =	wrdreg s24  }
0xb6: {  	[dreg:$0x4] =	wrdreg s15  }
0xb7: {  	[dreg:$0x5] =	wrdreg $0x0  }
0xb8: {  	[dreg:$0x6] =	wrdreg $0x9  }
0xb9: {  	_ =	task.clear_ibuf [dreg:s8], $0x7FFFF;
	_ =	strace $0x90000049  }
0xba: {  	s29 =	simm.s32 $0x9;
	_ =	strace $0x8000004B  }
0xbb: {  	_ =	swait.ge [sflag:s29], $0x1  }
0xbc: {  	[sflag:s29] =	ssyncadd.s32 $0xFFFFFFFF  }
0xbd: {  	_ =	strace $0x9000004B  }
0xbe: {  	_ =	sfence  }
0xbf: {  	s30 =	sld [smem:$0x0];
	_ =	sdelay $0x2  }
0xc0: {  	s31 =	sshll.u32 s1, $0xD;
	s1 =	sshrl.u32 s1, $0x2  }
0xc1: {  	s3 =	sand.u32 $0x4000, s31;
	s1 =	sadd.s32 s1, s30  }
0xc2: {  	s0 =	sor.u32 s3, s0;
	s1 =	sshll.u32 s1, $0x11  }
0xc3: {  	s0 =	sor.u32 s1, s0  }
0xc4: {  	s0 =	sadd.s32 $0x8F2B, s0  }
0xc5: {  	[sflag:s0] =	ssyncadd.remote.s32 $0x1  }
0xc6: {  	_ =	sfence.sel $0xFFFF  }
0xc7: {  	[dreg:$0x0] =	wrdreg $0xFFFFFFFF;
	(pc) =	sbr.abs _section_cstart, $3  }
0xc8: {  	[dreg:$0x1] =	wrdreg $0xFFFFFFFF  }
0xc9: {  	_ =	task.clear_ibuf [dreg:s8], $0x2FFFF;
	_ =	strace $0x9FFFFFFF  }
0xca: {  	(tm) =	ssettm $0x7FFFFFFF  }
0xcb: {  	_ =	shalt  }
tec
execute0_lowered:
.L_overlay_start_1:
0x0: {  	(tag) =	ssettag $0x1  }
0x1: {  	s0 =	rddreg [dreg:$0x0]  }
0x2: {  	s1 =	rddreg [dreg:$0x1];
	s14 =	stileid.u32  }
0x3: {  	s3 =	rddreg [dreg:$0x3];
	s4 =	simm.s32 $0x0;
	s6 =	srdreg.scid  }
0x4: {  	s29 =	simm.s32 $0x9;
	s31 =	simm.s32 $0xAA00;
	s28 =	simm.s32 $0x70  }
0x5: {  	s2 =	smul.u32 $0x2800, s14;
	[smem:$0x7FF] =	sst s4;
	s9 =	sand.u32 $0x1, s6  }
0x6: {  	s6 =	sadd.s32 $0x6B200, s1;
	s11 =	sadd.s32 $0xC000, s1;
	s13 =	smul.u32 $0x140, s14  }
0x7: {  	s7 =	sadd.s32 $0xC7600, s1;
	s19 =	sadd.s32 $0x28000, s0;
	_ =	strace $0x8000004A  }
0x8: {  	s10 =	smul.u32 $0x1400, s9;
	s12 =	ssub.s32 $0x2, s9;
	s9 =	sshll.u32 s9, $0x4  }
0x9: {  	s5 =	sshrl.u32 s2, $0x3;
	s15 =	sshrl.u32 s12, $0x1;
	s9 =	sor.u32 s14, s9  }
0xa: {  	s2 =	sadd.s32 s2, s3;
	s14 =	simm.s32 $0x7;
	s8 =	sadd.s32 s5, s1  }
0xb: {  	s5 =	sadd.s32 $0x1A00, s1;
	s1 =	ssub.s32 s12, s15;
	s10 =	sadd.s32 s13, s10  }
0xc: {  	[dreg:$0x7] =	wrdreg s2;
	s9 =	smul.u32 $0x2920, s9;
	s16 =	sadd.s32 $0xBD600, s8  }
0xd: {  	s12 =	simm.s32 $0x16060;
	s8 =	sadd.s32 $0xC2600, s8;
	[dreg:$0x5] =	wrdreg s16  }
0xe: {  	s17 =	sshll.u32 s10, $0x4;
	s30 =	smax.u32 s1, $0x1;
	[dreg:$0x6] =	wrdreg s8  }
0xf: {  	s2 =	simm.s32 $0x4;
	s18 =	sadd.s32 s0, s17;
	[dreg:$0x12] =	wrdreg s30  }
0x10: {  	s13 =	simm.s32 $0x6;
	s10 =	sadd.s32 s17, s19;
	[dreg:$0x8] =	wrdreg s18  }
0x11: {  	s15 =	simm.s32 $0x0;
	s21 =	sadd.s32 s17, s3;
	[dreg:$0x9] =	wrdreg s10  }
0x12: {  	s1 =	simm.s32 $0x3;
	s8 =	sadd.s32 s11, s17;
	[dreg:$0xa] =	wrdreg s21  }
0x13: {  	s20 =	sadd.s32 $0xA00, s17;
	s26 =	sadd.s32 s6, s9;
	[dreg:$0xb] =	wrdreg s8  }
0x14: {  	s24 =	sshrl.u32 s9, $0x3;
	s0 =	sadd.s32 s0, s20;
	[dreg:$0x11] =	wrdreg s26  }
0x15: {  	s22 =	sadd.s32 s20, s19;
	s23 =	sadd.s32 s20, s3;
	[dreg:$0xc] =	wrdreg s0  }
0x16: {  	s25 =	sadd.s32 s11, s20;
	s21 =	sadd.s32 $0x70, s9;
	[dreg:$0xd] =	wrdreg s22  }
0x17: {  	s8 =	simm.s32 $0x5;
	s10 =	simm.s32 $0x15260;
	[dreg:$0xe] =	wrdreg s23  }
0x18: {  	v0 =	vimm.s32 $0x0;
	v1 =	vimm.s32 $0x1;
	v2 =	vimm.s32 $0x2;
	s11 =	simm.s32 $0x15CE0;
	s26 =	simm.s32 $0x8;
	[dreg:$0xf] =	wrdreg s25  }
0x19: {  	v3 =	vimm.s32 $0x3;
	v4 =	vimm.s32 $0x4;
	v5 =	vimm.s32 $0x5;
	s0 =	sadd.s32 s5, s24;
	s22 =	sadd.s32 s7, s9;
	s23 =	sadd.s32 $0xE0, s9  }
0x1a: {  	v6 =	vimm.s32 $0x6;
	v7 =	vimm.s32 $0x7;
	vm0 =	vmmov $0xff;
	s9 =	simm.s32 $0x14AF0;
	s25 =	simm.s32 $0x163E0;
	[dreg:$0x10] =	wrdreg s0  }
.LBB2_1:
0x1b: {  	s0 =	rddreg [dreg:$0x5];
	s16 =	simm.s32 $0x2800  }
0x1c: {  	[tilespmem:s16], [sflag:$0x1] =	stream.linear.gather [hbm4b:s0+s4], $0x2800, $0x38;
	[tilespmem:$0x16760] =	vst v63  }
0x1d: {  	s19 =	rddreg [dreg:$0x6];
	s20 =	simm.s32 $0x5000  }
0x1e: {  	[tilespmem:s20], [sflag:$0x2] =	stream.linear.gather [hbm4b:s19+s4], $0x2800, $0x38;
	[tilespmem:$0x16760] =	vst v63  }
0x1f: {  	s24 =	rddreg [dreg:$0x2];
	s30 =	simm.s32 $0x14A00  }
0x20: {  	[tilespmem:s30], [sflag:$0x9] =	stream.linear.gather [hbm4b:s24+s4], $0x80, $0x38;
	[tilespmem:$0x16760] =	vst v63  }
0x21: {  	_ =	swait.ge [sflag:s29], $0x80  }
0x22: {  	[sflag:s29] =	ssyncset.done $0x0  }
0x23: {  	s17 =	simm.s32 $0x1;
	[sflag:s29] =	ssyncadd.s32 $0xFFFFFF80  }
0x24: {  	_ =	swait.ge [sflag:s17], $0x2800  }
0x25: {  	[sflag:s17] =	ssyncset.done $0x0  }
0x26: {  	s18 =	simm.s32 $0x2;
	[sflag:s17] =	ssyncadd.s32 $0xFFFFD800  }
0x27: {  	_ =	swait.ge [sflag:s18], $0x2800  }
0x28: {  	[sflag:s18] =	ssyncset.done $0x0  }
0x29: {  	s19 =	simm.s32 $0x2820;
	[sflag:s18] =	ssyncadd.s32 $0xFFFFD800  }
0x2a: {  	s20 =	simm.s32 $0x5020;
	v8 =	vld [tilespmem:s19+$0x10]  }
0x2b: {  	v9 =	vld [tilespmem:s20+$0x10]  }
0x2c: {  	v10 =	vld [tilespmem:s20+$0xFFFFFFE0]  }
0x2d: {  	v11 =	vld [tilespmem:s19+$0xFFFFFFF0]  }
0x2e: {  	v12 =	vld [tilespmem:s20+$0xFFFFFFF0]  }
0x2f: {  	v13 =	vld [tilespmem:s19+$0x0]  }
0x30: {  	v14 =	vld [tilespmem:s20+$0x0]  }
0x31: {  	s30 =	simm.s32 $0x5060;
	v15 =	vld [tilespmem:s19+$0xFFFFFFE0]  }
0x32: {  	s24 =	simm.s32 $0x2860;
	v16 =	vld [tilespmem:s30+$0x10]  }
0x33: {  	v17 =	vld [tilespmem:s24+$0xFFFFFFF0];
	v8 =	vadd.f32 v9, v8  }
0x34: {  	v18 =	vld [tilespmem:s24+$0x0]  }
0x35: {  	v9 =	vld [tilespmem:s24+$0x10];
	v11 =	vadd.f32 v12, v11;
	v8 =	vadd.f32 $1.000000020e-16, v8  }
0x36: {  	v12 =	vld [tilespmem:s30+$0xFFFFFFE0]  }
0x37: {  	v13 =	vadd.f32 v14, v13;
	v11 =	vadd.f32 $1.000000020e-16, v11;
	(erf) = vrcp.f32 v8;
	v8 =	vld [tilespmem:s30+$0xFFFFFFF0]  }
0x38: {  	v14 =	vld [tilespmem:s24+$0xFFFFFFE0];
	v10 =	vadd.f32 v10, v15  }
0x39: {  	v13 =	vadd.f32 $1.000000020e-16, v13;
	(erf) = vrcp.f32 v11;
	v11 =	vld [tilespmem:s30+$0x0]  }
0x3a: {  	v10 =	vadd.f32 $1.000000020e-16, v10;
	v9 =	vadd.f32 v16, v9  }
0x3b: {  	s18 =	simm.s32 $0x28A0;
	(erf) = vrcp.f32 v13  }
0x3c: {  	s16 =	simm.s32 $0x50A0;
	v15 =	vld [tilespmem:s18+$0x10];
	v13 =	vadd.f32 $1.000000020e-16, v9;
	(erf) = vrcp.f32 v10;
	v17 =	vadd.f32 v8, v17  }
0x3d: {  	v16 =	vld [tilespmem:s16+$0x10];
	v14 =	vadd.f32 v12, v14  }
0x3e: {  	v12 =	vld [tilespmem:s16+$0x0];
	(erf) = vrcp.f32 v13;
	v18 =	vadd.f32 v11, v18;
	v17 =	vadd.f32 $1.000000020e-16, v17  }
0x3f: {  	v9 =	vld [tilespmem:s18+$0xFFFFFFF0]  }
0x40: {  	v11 =	vld [tilespmem:s16+$0xFFFFFFF0];
	v18 =	vadd.f32 $1.000000020e-16, v18  }
0x41: {  	s0 =	simm.s32 $0x7820;
	v10 =	vld [tilespmem:s18+$0x0];
	v13 =	vpop (erf);
	(erf) = vrcp.f32 v17  }
0x42: {  	v14 =	vadd.f32 $1.000000020e-16, v14;
	v8 =	vld [tilespmem:s16+$0xFFFFFFE0];
	v15 =	vadd.f32 v16, v15;
	[tilespmem:s0+$0x10] =	vst v13;
	v17 =	vpop (erf);
	(erf) = vrcp.f32 v18  }
0x43: {  	s17 =	simm.s32 $0x8;
	v13 =	vld [tilespmem:s18+$0xFFFFFFE0];
	s18 =	simm.s32 $0x28E0;
	[tilespmem:s0+$0xFFFFFFF0] =	vst v17  }
.LBB2_2:
0x44: {  	v16 =	vld [tilespmem:s18+$0x10];
	v15 =	vadd.f32 $1.000000020e-16, v15;
	s16 =	sadd.s32 $0x40, s16;
	(erf) = vrcp.f32 v14;
	v14 =	vpop (erf)  }
0x45: {  	s17 =	sadd.s32 $0x4, s17;
	v17 =	vld [tilespmem:s16+$0x10];
	v11 =	vadd.f32 v11, v9;
	[tilespmem:s0+$0x0] =	vst v14;
	v9 =	vpop (erf)  }
0x46: {  	p0 =	slt.u32 s17, $0x27C;
	v18 =	vld [tilespmem:s16+$0xFFFFFFE0];
	(erf) = vrcp.f32 v15;
	[tilespmem:s0+$0xFFFFFFE0] =	vst v9  }
.Ltmp0:
0x47: {  	s0 =	sadd.s32 $0x40, s0;
	v9 =	vld [tilespmem:s18+$0xFFFFFFF0];
	v14 =	vadd.f32 $1.000000020e-16, v11;
	v12 =	vadd.f32 v12, v10;
	v10 =	vpop (erf);
	(pc) =	sbr.rel @p0 .LBB2_2-.Ltmp0, $4  }
0x48: {  	v11 =	vld [tilespmem:s16+$0xFFFFFFF0];
	v13 =	vadd.f32 v8, v13;
	[tilespmem:s0+$0x10] =	vst v10  }
0x49: {  	v10 =	vld [tilespmem:s18+$0x0];
	v19 =	vadd.f32 $1.000000020e-16, v12;
	(erf) = vrcp.f32 v14  }
0x4a: {  	v12 =	vld [tilespmem:s16+$0x0];
	v15 =	vadd.f32 v17, v16;
	v14 =	vadd.f32 $1.000000020e-16, v13;
	v8 =	vpop (erf)  }
0x4b: {  	v13 =	vld [tilespmem:s18+$0xFFFFFFE0];
	s18 =	sadd.s32 $0x40, s18;
	(erf) = vrcp.f32 v19;
	[tilespmem:s0+$0xFFFFFFF0] =	vst v8;
	v8 =	vmov v18  }
0x4c: {  	_ =	sdelay $0x2  }
0x4d: {  	v9 =	vadd.f32 v11, v9;
	v11 =	vadd.f32 $1.000000020e-16, v15  }
0x4e: {  	v10 =	vadd.f32 v12, v10;
	v8 =	vadd.f32 v8, v13  }
0x4f: {  	(erf) = vrcp.f32 v14;
	v9 =	vadd.f32 $1.000000020e-16, v9  }
0x50: {  	(erf) = vrcp.f32 v11;
	v10 =	vadd.f32 $1.000000020e-16, v10;
	v8 =	vadd.f32 $1.000000020e-16, v8  }
0x51: {  	(erf) = vrcp.f32 v9  }
0x52: {  	(erf) = vrcp.f32 v10  }
0x53: {  	v9 =	vpop (erf);
	(erf) = vrcp.f32 v8  }
0x54: {  	[tilespmem:s0+$0x0] =	vst v9;
	v8 =	vpop (erf)  }
0x55: {  	s19 =	sadd.s32 $0x40, s0;
	v9 =	vpop (erf);
	[tilespmem:s0+$0xFFFFFFE0] =	vst v8  }
0x56: {  	v8 =	vpop (erf);
	[tilespmem:s19+$0x10] =	vst v9  }
0x57: {  	[tilespmem:s19+$0xFFFFFFF0] =	vst v8;
	v8 =	vpop (erf)  }
0x58: {  	[tilespmem:s19+$0x0] =	vst v8;
	v8 =	vpop (erf)  }
0x59: {  	s0 =	sadd.s32 $0x40, s19;
	[tilespmem:s19+$0xFFFFFFE0] =	vst v8;
	v8 =	vpop (erf)  }
0x5a: {  	[tilespmem:s0+$0x10] =	vst v8;
	v8 =	vpop (erf)  }
0x5b: {  	[tilespmem:s0+$0xFFFFFFF0] =	vst v8;
	v8 =	vpop (erf)  }
0x5c: {  	[tilespmem:s0+$0x0] =	vst v8;
	v8 =	vpop (erf)  }
0x5d: {  	[tilespmem:s0+$0xFFFFFFE0] =	vst v8  }
0x5e: {  	s16 =	simm.s32 $0x7800;
	s0 =	rddreg [dreg:$0x7]  }
0x5f: {  	[spmem:s0] =	stream.linear.scatter [tilespmem:s16], [sflag:$0x9], $0x2800, $0x38;
	[tilespmem:$0x16760] =	vst v63  }
0x60: {  	_ =	swait.ge [sflag:s29], $0x2800  }
0x61: {  	[sflag:s29] =	ssyncset.done $0x0  }
0x62: {  	[sflag:s29] =	ssyncadd.s32 $0xFFFFD800  }
0x63: {  	[bflag:$0x0] =	sbarrier.arrive $0xFFFF  }
0x64: {  	s20 =	rddreg [dreg:$0x8]  }
0x65: {  	[tilespmem:s31], [sflag:$0x1] =	stream.linear.gather [hbm4b:s20+s4], $0x5000, $0x38;
	[tilespmem:$0x16760] =	vst v63  }
0x66: {  	s24 =	rddreg [dreg:$0x9];
	s31 =	simm.s32 $0xFA00  }
0x67: {  	[tilespmem:s31], [sflag:$0x2] =	stream.linear.gather [hbm4b:s24+s4], $0x5000, $0x38;
	[tilespmem:$0x16760] =	vst v63  }
0x68: {  	s18 =	simm.s32 $0xA000;
	s17 =	rddreg [dreg:$0xa]  }
0x69: {  	[tilespmem:s18], [sflag:$0x9] =	stream.linear.gather [spmem:s17], $0xA00, $0x38;
	[tilespmem:$0x16760] =	vst v63  }
0x6a: {  	_ =	swait.ge [sflag:s29], $0xA00  }
0x6b: {  	[sflag:s29] =	ssyncset.done $0x0  }
0x6c: {  	s19 =	simm.s32 $0x1;
	[sflag:s29] =	ssyncadd.s32 $0xFFFFF600  }
0x6d: {  	_ =	swait.ge [sflag:s19], $0x5000  }
0x6e: {  	[sflag:s19] =	ssyncset.done $0x0  }
0x6f: {  	s20 =	simm.s32 $0x2;
	[sflag:s19] =	ssyncadd.s32 $0xFFFFB000  }
0x70: {  	_ =	swait.ge [sflag:s20], $0x5000  }
0x71: {  	[sflag:s20] =	ssyncset.done $0x0  }
0x72: {  	s24 =	simm.s32 $0xA010;
	[sflag:s20] =	ssyncadd.s32 $0xFFFFB000  }
0x73: {  	s16 =	simm.s32 $0xAA80;
	v14 =	vld [tilespmem:s24+$0x0]  }
0x74: {  	s17 =	simm.s32 $0xFA80;
	v8 =	vld [tilespmem:s16+$0x0]  }
0x75: {  	v9 =	vld [tilespmem:s17+$0x0];
	_ =	sdelay $0x3  }
0x76: {  	v10 =	vld [tilespmem:$0x14A00]  }
0x77: {  	v11 =	vperm.xlane v14, v0;
	v8 =	vadd.f32 v9, v8  }
0x78: {  	v12 =	vld [tilespmem:s17+$0xFFFFFF80]  }
0x79: {  	v13 =	vld [tilespmem:s24+$0xFFFFFFF0];
	v8 =	vmul.f32 v8, v11  }
0x7a: {  	v9 =	vld [tilespmem:s16+$0xFFFFFF80]  }
0x7b: {  	v8 =	vadd.f32 v8, v10;
	_ =	sdelay $0x1  }
0x7c: {  	v11 =	vld [tilespmem:s16+$0x10];
	[tilespmem:s16+$0x0] =	vst v8  }
0x7d: {  	v8 =	vld [tilespmem:s17+$0x10]  }
0x7e: {  	v9 =	vadd.f32 v12, v9;
	v12 =	vperm.xlane v13, v0;
	_ =	sdelay $0x1  }
0x7f: {  	v9 =	vmul.f32 v9, v12  }
0x80: {  	v12 =	vld [tilespmem:$0x14A10]  }
0x81: {  	v9 =	vadd.f32 v9, v10;
	v10 =	vperm.xlane v14, v1;
	v8 =	vadd.f32 v8, v11;
	_ =	sdelay $0x1  }
0x82: {  	v15 =	vld [tilespmem:s16+$0xFFFFFF90];
	[tilespmem:s16+$0xFFFFFF80] =	vst v9;
	v8 =	vmul.f32 v8, v10  }
0x83: {  	v9 =	vld [tilespmem:s17+$0xFFFFFF90]  }
0x84: {  	v8 =	vadd.f32 v8, v12  }
0x85: {  	v11 =	vld [tilespmem:$0x14A10]  }
0x86: {  	v10 =	vld [tilespmem:s16+$0x20];
	[tilespmem:s16+$0x10] =	vst v8  }
0x87: {  	v8 =	vld [tilespmem:s17+$0x20]  }
0x88: {  	v12 =	vperm.xlane v13, v1;
	v9 =	vadd.f32 v9, v15;
	_ =	sdelay $0x1  }
0x89: {  	v9 =	vmul.f32 v9, v12  }
0x8a: {  	v12 =	vld [tilespmem:$0x14A20]  }
0x8b: {  	v19 =	vperm.xlane v14, v2;
	v11 =	vadd.f32 v9, v11;
	v8 =	vadd.f32 v8, v10;
	_ =	sdelay $0x1  }
0x8c: {  	v16 =	vld [tilespmem:s16+$0xFFFFFFA0];
	[tilespmem:s16+$0xFFFFFF90] =	vst v11;
	v8 =	vmul.f32 v8, v19  }
0x8d: {  	v10 =	vld [tilespmem:s17+$0xFFFFFFA0]  }
0x8e: {  	v8 =	vadd.f32 v8, v12  }
0x8f: {  	v11 =	vld [tilespmem:s16+$0x30]  }
0x90: {  	v12 =	vld [tilespmem:$0x14A20];
	[tilespmem:s16+$0x20] =	vst v8  }
0x91: {  	v8 =	vld [tilespmem:s17+$0x30]  }
0x92: {  	v19 =	vperm.xlane v13, v2;
	v10 =	vadd.f32 v10, v16;
	_ =	sdelay $0x1  }
0x93: {  	v17 =	vld [tilespmem:s16+$0xFFFFFFB0];
	v10 =	vmul.f32 v10, v19  }
0x94: {  	v16 =	vld [tilespmem:$0x14A30]  }
0x95: {  	s18 =	simm.s32 $0xFB80;
	v18 =	vld [tilespmem:s16+$0xFFFFFFC0];
	v10 =	vadd.f32 v10, v12;
	v12 =	vperm.xlane v14, v3;
	v11 =	vadd.f32 v8, v11  }
0x96: {  	s19 =	simm.s32 $0xAB80;
	v20 =	vld [tilespmem:s18+$0x0]  }
0x97: {  	v21 =	vld [tilespmem:s19+$0xFFFFFF80];
	[tilespmem:s16+$0xFFFFFFA0] =	vst v10;
	v10 =	vmul.f32 v11, v12  }
0x98: {  	v22 =	vld [tilespmem:s18+$0xFFFFFF80]  }
0x99: {  	v24 =	vld [tilespmem:$0x14A00];
	v12 =	vadd.f32 v10, v16  }
0x9a: {  	v19 =	vld [tilespmem:s19+$0x0]  }
0x9b: {  	v16 =	vld [tilespmem:s16+$0x40];
	[tilespmem:s16+$0x30] =	vst v12  }
0x9c: {  	s31 =	simm.s32 $0xA030;
	v12 =	vld [tilespmem:s17+$0x40]  }
0x9d: {  	v10 =	vld [tilespmem:s31+$0x0]  }
0x9e: {  	v28 =	vld [tilespmem:s31+$0xFFFFFFF0]  }
0x9f: {  	v26 =	vld [tilespmem:s19+$0x10]  }
0xa0: {  	v23 =	vld [tilespmem:$0x14A40]  }
0xa1: {  	v25 =	vperm.xlane v14, v4;
	v11 =	vld [tilespmem:s17+$0xFFFFFFB0];
	v12 =	vadd.f32 v12, v16  }
0xa2: {  	v15 =	vld [tilespmem:s16+$0xFFFFFFD0];
	v19 =	vadd.f32 v20, v19;
	v16 =	vperm.xlane v10, v0  }
0xa3: {  	v9 =	vld [tilespmem:s16+$0xFFFFFFE0];
	v12 =	vmul.f32 v12, v25  }
0xa4: {  	v8 =	vld [tilespmem:s16+$0xFFFFFFF0];
	v16 =	vmul.f32 v19, v16  }
0xa5: {  	v20 =	vld [tilespmem:$0x14A30];
	v12 =	vadd.f32 v12, v23  }
0xa6: {  	v11 =	vadd.f32 v11, v17;
	v17 =	vld [tilespmem:s19+$0xFFFFFFB0];
	v16 =	vadd.f32 v16, v24  }
0xa7: {  	v21 =	vadd.f32 v22, v21;
	v22 =	vperm.xlane v28, v0;
	v23 =	vld [tilespmem:s16+$0x50];
	[tilespmem:s16+$0x40] =	vst v12  }
0xa8: {  	v12 =	vperm.xlane v13, v3;
	[tilespmem:s19+$0x0] =	vst v16;
	v16 =	vld [tilespmem:s17+$0x50]  }
0xa9: {  	v21 =	vmul.f32 v21, v22;
	v22 =	vld [tilespmem:s18+$0x10]  }
0xaa: {  	v25 =	vld [tilespmem:s19+$0xFFFFFF90];
	v12 =	vmul.f32 v11, v12  }
0xab: {  	v21 =	vadd.f32 v21, v24;
	v19 =	vld [tilespmem:s19+$0xFFFFFFA0]  }
0xac: {  	v12 =	vadd.f32 v12, v20;
	v20 =	vld [tilespmem:$0x14A50]  }
0xad: {  	[tilespmem:s19+$0xFFFFFF80] =	vst v21;
	v24 =	vperm.xlane v14, v5;
	v21 =	vld [tilespmem:$0x14A10];
	v16 =	vadd.f32 v16, v23  }
0xae: {  	[tilespmem:s16+$0xFFFFFFB0] =	vst v12;
	v12 =	vld [tilespmem:s18+$0xFFFFFF90];
	v23 =	vperm.xlane v10, v1;
	v22 =	vadd.f32 v22, v26  }
0xaf: {  	v26 =	vld [tilespmem:s17+$0xFFFFFFC0];
	v16 =	vmul.f32 v16, v24  }
0xb0: {  	v24 =	vld [tilespmem:$0x14A10];
	v22 =	vmul.f32 v22, v23  }
0xb1: {  	v23 =	vld [tilespmem:$0x14A40];
	v16 =	vadd.f32 v16, v20  }
0xb2: {  	v20 =	vadd.f32 v22, v21;
	v22 =	vld [tilespmem:s16+$0x60]  }
0xb3: {  	v21 =	vperm.xlane v28, v1;
	v12 =	vadd.f32 v12, v25;
	v25 =	vld [tilespmem:s19+$0x20];
	[tilespmem:s16+$0x50] =	vst v16  }
0xb4: {  	[tilespmem:s19+$0x10] =	vst v20;
	v16 =	vld [tilespmem:s17+$0x60]  }
0xb5: {  	v20 =	vperm.xlane v13, v4;
	v18 =	vadd.f32 v26, v18;
	v26 =	vmul.f32 v12, v21;
	v27 =	vld [tilespmem:s18+$0x20]  }
0xb6: {  	v11 =	vld [tilespmem:s19+$0xFFFFFFC0]  }
0xb7: {  	v12 =	vld [tilespmem:s19+$0xFFFFFFD0];
	v18 =	vmul.f32 v18, v20;
	v20 =	vadd.f32 v26, v24  }
0xb8: {  	v24 =	vld [tilespmem:$0x14A60]  }
0xb9: {  	v18 =	vadd.f32 v18, v23;
	v23 =	vperm.xlane v14, v6;
	[tilespmem:s19+$0xFFFFFF90] =	vst v20;
	v20 =	vld [tilespmem:$0x14A20];
	v16 =	vadd.f32 v16, v22  }
0xba: {  	v26 =	vperm.xlane v10, v2;
	v22 =	vld [tilespmem:s18+$0xFFFFFFA0];
	v25 =	vadd.f32 v27, v25  }
0xbb: {  	[tilespmem:s16+$0xFFFFFFC0] =	vst v18;
	v18 =	vld [tilespmem:$0x14A20];
	v16 =	vmul.f32 v16, v23  }
0xbc: {  	v23 =	vmul.f32 v25, v26;
	v25 =	vld [tilespmem:s17+$0xFFFFFFD0]  }
0xbd: {  	v26 =	vld [tilespmem:$0x14A50];
	v16 =	vadd.f32 v16, v24  }
0xbe: {  	v20 =	vadd.f32 v23, v20;
	v23 =	vld [tilespmem:s16+$0x70]  }
0xbf: {  	v24 =	vperm.xlane v28, v2;
	v19 =	vadd.f32 v22, v19;
	v22 =	vld [tilespmem:s19+$0x30];
	[tilespmem:s16+$0x60] =	vst v16  }
0xc0: {  	[tilespmem:s19+$0x20] =	vst v20;
	v20 =	vld [tilespmem:s17+$0x70]  }
0xc1: {  	v16 =	vperm.xlane v13, v5;
	v19 =	vmul.f32 v19, v24;
	v24 =	vld [tilespmem:s18+$0x30];
	v25 =	vadd.f32 v25, v15  }
0xc2: {  	v21 =	vld [tilespmem:s19+$0xFFFFFFE0]  }
0xc3: {  	v15 =	vld [tilespmem:s19+$0xFFFFFFF0];
	v18 =	vadd.f32 v19, v18;
	v19 =	vmul.f32 v25, v16  }
0xc4: {  	v25 =	vld [tilespmem:$0x14A70]  }
0xc5: {  	v14 =	vperm.xlane v14, v7;
	v30 =	vld [tilespmem:$0x14A30];
	[tilespmem:s19+$0xFFFFFFA0] =	vst v18;
	v18 =	vadd.f32 v19, v26;
	v20 =	vadd.f32 v20, v23  }
0xc6: {  	v16 =	vperm.xlane v13, v6;
	v26 =	vperm.xlane v10, v3;
	v29 =	vld [tilespmem:s18+$0xFFFFFFB0];
	v22 =	vadd.f32 v24, v22  }
0xc7: {  	v13 =	vperm.xlane v13, v7;
	v27 =	vld [tilespmem:$0x14A30];
	[tilespmem:s16+$0xFFFFFFD0] =	vst v18;
	v31 =	vmul.f32 v20, v14  }
0xc8: {  	v19 =	vperm.xlane v28, v4;
	v22 =	vmul.f32 v22, v26;
	v26 =	vld [tilespmem:s17+$0xFFFFFFE0]  }
0xc9: {  	s30 =	simm.s32 $0xFB80;
	v23 =	vperm.xlane v28, v3;
	v18 =	vperm.xlane v28, v5;
	v24 =	vld [tilespmem:$0x14A60];
	v25 =	vadd.f32 v31, v25  }
0xca: {  	s0 =	simm.s32 $0xA050;
	s20 =	simm.s32 $0xAB80;
	s24 =	simm.s32 $0x2;
	v20 =	vperm.xlane v28, v6;
	v14 =	vperm.xlane v28, v7;
	v28 =	vld [tilespmem:s19+$0x40];
	v30 =	vadd.f32 v22, v30  }
.LBB2_4:
0xcb: {  	v22 =	vld [tilespmem:s0+$0x0];
	v17 =	vadd.f32 v29, v17;
	s19 =	sadd.s32 $0x100, s19;
	[tilespmem:s16+$0x70] =	vst v25  }
0xcc: {  	v25 =	vld [tilespmem:s19+$0x0];
	[tilespmem:s20+$0x30] =	vst v30  }
0xcd: {  	s30 =	sadd.s32 $0x100, s30;
	v17 =	vmul.f32 v17, v23;
	v23 =	vld [tilespmem:s18+$0x40];
	v26 =	vadd.f32 v26, v9;
	v9 =	vmov v21  }
0xce: {  	s24 =	sadd.s32 $0x2, s24;
	v21 =	vld [tilespmem:s30+$0x0]  }
0xcf: {  	p0 =	slt.u32 s24, $0x9E;
	v29 =	vld [tilespmem:s19+$0xFFFFFF80];
	v17 =	vadd.f32 v17, v27;
	v26 =	vmul.f32 v26, v16;
	v16 =	vmov v20  }
0xd0: {  	v20 =	vld [tilespmem:s30+$0xFFFFFF80]  }
0xd1: {  	[tilespmem:s20+$0xFFFFFFB0] =	vst v17;
	v27 =	vld [tilespmem:$0x14A40];
	v17 =	vadd.f32 v26, v24  }
0xd2: {  	v26 =	vperm.xlane v10, v4;
	v24 =	vld [tilespmem:$0x14A00];
	v23 =	vadd.f32 v23, v28  }
0xd3: {  	v30 =	vperm.xlane v22, v0;
	v28 =	vld [tilespmem:s0+$0xFFFFFFF0];
	v21 =	vadd.f32 v21, v25;
	[tilespmem:s16+$0xFFFFFFE0] =	vst v17  }
0xd4: {  	v25 =	vld [tilespmem:s19+$0xFFFFFF90];
	v23 =	vmul.f32 v23, v26  }
0xd5: {  	v20 =	vadd.f32 v20, v29;
	v26 =	vld [tilespmem:s19+$0xFFFFFFA0];
	v21 =	vmul.f32 v21, v30  }
0xd6: {  	v17 =	vld [tilespmem:s19+$0xFFFFFFB0];
	v23 =	vadd.f32 v23, v27  }
0xd7: {  	v21 =	vadd.f32 v21, v24;
	v27 =	vld [tilespmem:s20+$0x50]  }
0xd8: {  	v29 =	vperm.xlane v28, v0;
	v30 =	vperm.xlane v28, v1;
	v31 =	vld [tilespmem:s19+$0x10];
	[tilespmem:s20+$0x40] =	vst v23  }
0xd9: {  	v32 =	vperm.xlane v28, v2;
	v23 =	vperm.xlane v28, v3;
	[tilespmem:s19+$0x0] =	vst v21;
	v21 =	vld [tilespmem:s18+$0x50]  }
0xda: {  	v33 =	vperm.xlane v28, v4;
	v29 =	vmul.f32 v20, v29;
	v34 =	vld [tilespmem:s30+$0x10]  }
0xdb: {  	v35 =	vperm.xlane v28, v5;
	v20 =	vperm.xlane v28, v6;
	v36 =	vld [tilespmem:s18+$0xFFFFFFC0]  }
0xdc: {  	v28 =	vperm.xlane v28, v7;
	v24 =	vadd.f32 v29, v24;
	v29 =	vld [tilespmem:s19+$0xFFFFFFC0]  }
0xdd: {  	v37 =	vld [tilespmem:$0x14A50]  }
0xde: {  	v38 =	vperm.xlane v10, v5;
	[tilespmem:s19+$0xFFFFFF80] =	vst v24;
	v24 =	vld [tilespmem:$0x14A10];
	v21 =	vadd.f32 v21, v27  }
0xdf: {  	v39 =	vperm.xlane v22, v1;
	v27 =	vld [tilespmem:s30+$0xFFFFFF90];
	v31 =	vadd.f32 v34, v31  }
0xe0: {  	v34 =	vld [tilespmem:$0x14A10];
	v36 =	vadd.f32 v36, v11;
	v21 =	vmul.f32 v21, v38  }
0xe1: {  	v31 =	vmul.f32 v31, v39;
	v38 =	vld [tilespmem:$0x14A40];
	v11 =	vmov v29  }
0xe2: {  	v29 =	vld [tilespmem:s19+$0xFFFFFFD0];
	v36 =	vmul.f32 v36, v19;
	v21 =	vadd.f32 v21, v37;
	v19 =	vmov v33  }
0xe3: {  	v24 =	vadd.f32 v31, v24;
	v31 =	vld [tilespmem:s20+$0x60]  }
0xe4: {  	v25 =	vadd.f32 v27, v25;
	v27 =	vld [tilespmem:s19+$0x20];
	[tilespmem:s20+$0x50] =	vst v21  }
0xe5: {  	[tilespmem:s19+$0x10] =	vst v24;
	v24 =	vld [tilespmem:s18+$0x60]  }
0xe6: {  	v25 =	vmul.f32 v25, v30;
	v30 =	vld [tilespmem:s30+$0x20];
	v33 =	vadd.f32 v36, v38  }
0xe7: {  	v21 =	vld [tilespmem:s19+$0xFFFFFFE0]  }
0xe8: {  	v25 =	vadd.f32 v25, v34;
	[tilespmem:s20+$0xFFFFFFC0] =	vst v33;
	v33 =	vld [tilespmem:s17+$0xFFFFFFF0];
	s17 =	smov.u32 s18;
	s18 =	smov.u32 s30  }
0xe9: {  	v34 =	vld [tilespmem:$0x14A60]  }
0xea: {  	v36 =	vperm.xlane v10, v6;
	[tilespmem:s19+$0xFFFFFF90] =	vst v25;
	v25 =	vld [tilespmem:$0x14A20];
	v24 =	vadd.f32 v24, v31  }
0xeb: {  	v37 =	vperm.xlane v22, v2;
	v31 =	vld [tilespmem:s30+$0xFFFFFFA0];
	v27 =	vadd.f32 v30, v27  }
0xec: {  	v30 =	vld [tilespmem:$0x14A20];
	v24 =	vmul.f32 v24, v36  }
0xed: {  	v27 =	vmul.f32 v27, v37;
	v36 =	vld [tilespmem:s17+$0xFFFFFFD0];
	v33 =	vadd.f32 v33, v8;
	v8 =	vmov v15  }
0xee: {  	v37 =	vld [tilespmem:$0x14A50];
	v15 =	vadd.f32 v24, v34  }
0xef: {  	v24 =	vadd.f32 v27, v25;
	v25 =	vld [tilespmem:s20+$0x70];
	v33 =	vmul.f32 v33, v13;
	v13 =	vmovc v14;
	v14 =	vmov v28  }
0xf0: {  	v26 =	vadd.f32 v31, v26;
	v27 =	vld [tilespmem:s19+$0x30];
	[tilespmem:s20+$0x60] =	vst v15  }
0xf1: {  	[tilespmem:s19+$0x20] =	vst v24;
	v24 =	vld [tilespmem:s17+$0x70]  }
0xf2: {  	v26 =	vmul.f32 v26, v32;
	v28 =	vld [tilespmem:s30+$0x30];
	v31 =	vadd.f32 v36, v12;
	v12 =	vmov v29  }
0xf3: {  	v15 =	vld [tilespmem:s19+$0xFFFFFFF0]  }
0xf4: {  	v26 =	vadd.f32 v26, v30;
	v29 =	vmul.f32 v31, v18;
	v30 =	vld [tilespmem:$0x14A70];
	v18 =	vmov v35  }
0xf5: {  	v31 =	vld [tilespmem:$0x14A70]  }
0xf6: {  	v34 =	vperm.xlane v10, v7;
	[tilespmem:s19+$0xFFFFFFA0] =	vst v26;
	v32 =	vld [tilespmem:$0x14A30];
	v26 =	vadd.f32 v29, v37;
	v24 =	vadd.f32 v24, v25  }
.Ltmp1:
0xf7: {  	v10 =	vmov v22;
	v25 =	vperm.xlane v22, v3;
	v29 =	vld [tilespmem:s30+$0xFFFFFFB0];
	v28 =	vadd.f32 v28, v27;
	(pc) =	sbr.rel @p0 .LBB2_4-.Ltmp1, $4  }
0xf8: {  	v27 =	vld [tilespmem:$0x14A30];
	[tilespmem:s20+$0xFFFFFFD0] =	vst v26;
	v22 =	vmul.f32 v24, v34  }
0xf9: {  	v28 =	vmul.f32 v28, v25;
	v26 =	vld [tilespmem:s17+$0xFFFFFFE0];
	v33 =	vadd.f32 v33, v30  }
0xfa: {  	v24 =	vld [tilespmem:$0x14A60];
	v25 =	vadd.f32 v22, v31  }
0xfb: {  	s0 =	sadd.s32 $0x20, s0;
	v30 =	vadd.f32 v28, v32;
	v28 =	vld [tilespmem:s19+$0x40];
	[tilespmem:s16+$0xFFFFFFF0] =	vst v33;
	s16 =	smov.u32 s20;
	s20 =	smov.u32 s19  }
0xfc: {  	v17 =	vadd.f32 v29, v17;
	_ =	sdelay $0x1  }
0xfd: {  	v17 =	vmul.f32 v17, v23;
	_ =	sdelay $0x1  }
0xfe: {  	v17 =	vadd.f32 v17, v27  }
0xff: {  	[tilespmem:s20+$0x30] =	vst v30  }
0x100: {  	v22 =	vld [tilespmem:s18+$0x40];
	[tilespmem:s20+$0xFFFFFFB0] =	vst v17  }
0x101: {  	v17 =	vld [tilespmem:s18+$0xFFFFFFC0];
	_ =	sdelay $0x2  }
0x102: {  	v23 =	vld [tilespmem:$0x14A40]  }
0x103: {  	v27 =	vperm.xlane v10, v4;
	v22 =	vadd.f32 v22, v28;
	v28 =	vld [tilespmem:$0x14A40]  }
0x104: {  	v11 =	vadd.f32 v17, v11  }
0x105: {  	v17 =	vmul.f32 v22, v27  }
0x106: {  	v11 =	vmul.f32 v11, v19  }
0x107: {  	v17 =	vadd.f32 v17, v23  }
0x108: {  	v11 =	vadd.f32 v11, v28  }
0x109: {  	v19 =	vld [tilespmem:s20+$0x50];
	[tilespmem:s20+$0x40] =	vst v17  }
0x10a: {  	v17 =	vld [tilespmem:s18+$0x50];
	[tilespmem:s20+$0xFFFFFFC0] =	vst v11  }
0x10b: {  	v11 =	vld [tilespmem:s18+$0xFFFFFFD0];
	_ =	sdelay $0x2  }
0x10c: {  	v22 =	vld [tilespmem:$0x14A50]  }
0x10d: {  	v23 =	vperm.xlane v10, v5;
	v17 =	vadd.f32 v17, v19;
	v19 =	vld [tilespmem:$0x14A50]  }
0x10e: {  	v11 =	vadd.f32 v11, v12  }
0x10f: {  	v12 =	vmul.f32 v17, v23  }
0x110: {  	v11 =	vmul.f32 v11, v18  }
0x111: {  	v12 =	vadd.f32 v12, v22  }
0x112: {  	v11 =	vadd.f32 v11, v19  }
0x113: {  	v17 =	vld [tilespmem:s20+$0x60];
	[tilespmem:s20+$0x50] =	vst v12  }
0x114: {  	v12 =	vld [tilespmem:s18+$0x60];
	[tilespmem:s20+$0xFFFFFFD0] =	vst v11  }
0x115: {  	v11 =	vld [tilespmem:s18+$0xFFFFFFE0];
	_ =	sdelay $0x2  }
0x116: {  	v9 =	vadd.f32 v26, v9;
	v18 =	vld [tilespmem:$0x14A60]  }
0x117: {  	v19 =	vperm.xlane v10, v6;
	v12 =	vadd.f32 v12, v17;
	v17 =	vld [tilespmem:$0x14A60]  }
0x118: {  	v9 =	vmul.f32 v9, v16;
	v11 =	vadd.f32 v11, v21  }
0x119: {  	v12 =	vmul.f32 v12, v19  }
0x11a: {  	v9 =	vadd.f32 v9, v24;
	v11 =	vmul.f32 v11, v20  }
0x11b: {  	v12 =	vadd.f32 v12, v18  }
0x11c: {  	[tilespmem:s16+$0xFFFFFFE0] =	vst v9;
	v9 =	vld [tilespmem:s20+$0x70];
	v11 =	vadd.f32 v11, v17  }
0x11d: {  	v16 =	vld [tilespmem:s17+$0xFFFFFFF0];
	[tilespmem:s20+$0x60] =	vst v12  }
0x11e: {  	v12 =	vld [tilespmem:s18+$0x70];
	[tilespmem:s20+$0xFFFFFFE0] =	vst v11  }
0x11f: {  	v11 =	vld [tilespmem:s18+$0xFFFFFFF0];
	_ =	sdelay $0x1  }
0x120: {  	v17 =	vld [tilespmem:$0x14A70]  }
0x121: {  	v8 =	vadd.f32 v16, v8;
	v16 =	vld [tilespmem:$0x14A70]  }
0x122: {  	v10 =	vperm.xlane v10, v7;
	v9 =	vadd.f32 v12, v9;
	v12 =	vld [tilespmem:$0x14A70]  }
0x123: {  	v8 =	vmul.f32 v8, v13;
	v11 =	vadd.f32 v11, v15  }
0x124: {  	v9 =	vmul.f32 v9, v10  }
0x125: {  	v8 =	vadd.f32 v8, v17;
	v10 =	vmul.f32 v11, v14  }
0x126: {  	[tilespmem:s16+$0x70] =	vst v25;
	v9 =	vadd.f32 v9, v16  }
0x127: {  	[tilespmem:s16+$0xFFFFFFF0] =	vst v8;
	v8 =	vadd.f32 v10, v12  }
0x128: {  	[tilespmem:s20+$0x70] =	vst v9  }
0x129: {  	[tilespmem:s20+$0xFFFFFFF0] =	vst v8  }
0x12a: {  	s18 =	simm.s32 $0xAA00;
	s0 =	rddreg [dreg:$0xb]  }
0x12b: {  	[hbm4b:s0+s4] =	stream.linear.scatter [tilespmem:s18], [sflag:$0x9], $0x5000, $0x38;
	[tilespmem:$0x16760] =	vst v63  }
0x12c: {  	_ =	swait.ge [sflag:s29], $0x5000  }
0x12d: {  	[sflag:s29] =	ssyncset.done $0x0  }
0x12e: {  	s19 =	rddreg [dreg:$0xc];
	[sflag:s29] =	ssyncadd.s32 $0xFFFFB000  }
0x12f: {  	[tilespmem:s18], [sflag:$0x1] =	stream.linear.gather [hbm4b:s19+s4], $0x5000, $0x38;
	[tilespmem:$0x16760] =	vst v63  }
0x130: {  	s24 =	simm.s32 $0xFA00;
	s20 =	rddreg [dreg:$0xd]  }
0x131: {  	[tilespmem:s24], [sflag:$0x2] =	stream.linear.gather [hbm4b:s20+s4], $0x5000, $0x38;
	[tilespmem:$0x16760] =	vst v63  }
0x132: {  	s17 =	simm.s32 $0xA000;
	s16 =	rddreg [dreg:$0xe]  }
0x133: {  	[tilespmem:s17], [sflag:$0x9] =	stream.linear.gather [spmem:s16], $0xA00, $0x38;
	[tilespmem:$0x16760] =	vst v63  }
0x134: {  	_ =	swait.ge [sflag:s29], $0xA00  }
0x135: {  	[sflag:s29] =	ssyncset.done $0x0  }
0x136: {  	s18 =	simm.s32 $0x1;
	[sflag:s29] =	ssyncadd.s32 $0xFFFFF600  }
0x137: {  	_ =	swait.ge [sflag:s18], $0x5000  }
0x138: {  	[sflag:s18] =	ssyncset.done $0x0  }
0x139: {  	s19 =	simm.s32 $0x2;
	[sflag:s18] =	ssyncadd.s32 $0xFFFFB000  }
0x13a: {  	_ =	swait.ge [sflag:s19], $0x5000  }
0x13b: {  	[sflag:s19] =	ssyncset.done $0x0  }
0x13c: {  	s20 =	simm.s32 $0xA010;
	[sflag:s19] =	ssyncadd.s32 $0xFFFFB000  }
0x13d: {  	s16 =	simm.s32 $0xAA80;
	v14 =	vld [tilespmem:s20+$0x0]  }
0x13e: {  	s17 =	simm.s32 $0xFA80;
	v8 =	vld [tilespmem:s16+$0x0]  }
0x13f: {  	v9 =	vld [tilespmem:s17+$0x0];
	_ =	sdelay $0x3  }
0x140: {  	v10 =	vld [tilespmem:$0x14A00]  }
0x141: {  	v11 =	vperm.xlane v14, v0;
	v8 =	vadd.f32 v9, v8  }
0x142: {  	v12 =	vld [tilespmem:s17+$0xFFFFFF80]  }
0x143: {  	v13 =	vld [tilespmem:s20+$0xFFFFFFF0];
	v8 =	vmul.f32 v8, v11  }
0x144: {  	v9 =	vld [tilespmem:s16+$0xFFFFFF80]  }
0x145: {  	v8 =	vadd.f32 v8, v10;
	_ =	sdelay $0x1  }
0x146: {  	v11 =	vld [tilespmem:s16+$0x10];
	[tilespmem:s16+$0x0] =	vst v8  }
0x147: {  	v8 =	vld [tilespmem:s17+$0x10]  }
0x148: {  	v9 =	vadd.f32 v12, v9;
	v12 =	vperm.xlane v13, v0;
	_ =	sdelay $0x1  }
0x149: {  	v9 =	vmul.f32 v9, v12  }
0x14a: {  	v12 =	vld [tilespmem:$0x14A10]  }
0x14b: {  	v9 =	vadd.f32 v9, v10;
	v10 =	vperm.xlane v14, v1;
	v8 =	vadd.f32 v8, v11;
	_ =	sdelay $0x1  }
0x14c: {  	v15 =	vld [tilespmem:s16+$0xFFFFFF90];
	[tilespmem:s16+$0xFFFFFF80] =	vst v9;
	v8 =	vmul.f32 v8, v10  }
0x14d: {  	v9 =	vld [tilespmem:s17+$0xFFFFFF90]  }
0x14e: {  	v8 =	vadd.f32 v8, v12  }
0x14f: {  	v11 =	vld [tilespmem:$0x14A10]  }
0x150: {  	v10 =	vld [tilespmem:s16+$0x20];
	[tilespmem:s16+$0x10] =	vst v8  }
0x151: {  	v8 =	vld [tilespmem:s17+$0x20]  }
0x152: {  	v12 =	vperm.xlane v13, v1;
	v9 =	vadd.f32 v9, v15;
	_ =	sdelay $0x1  }
0x153: {  	v9 =	vmul.f32 v9, v12  }
0x154: {  	v12 =	vld [tilespmem:$0x14A20]  }
0x155: {  	v19 =	vperm.xlane v14, v2;
	v11 =	vadd.f32 v9, v11;
	v8 =	vadd.f32 v8, v10;
	_ =	sdelay $0x1  }
0x156: {  	v16 =	vld [tilespmem:s16+$0xFFFFFFA0];
	[tilespmem:s16+$0xFFFFFF90] =	vst v11;
	v8 =	vmul.f32 v8, v19  }
0x157: {  	v10 =	vld [tilespmem:s17+$0xFFFFFFA0]  }
0x158: {  	v8 =	vadd.f32 v8, v12  }
0x159: {  	v11 =	vld [tilespmem:s16+$0x30]  }
0x15a: {  	v12 =	vld [tilespmem:$0x14A20];
	[tilespmem:s16+$0x20] =	vst v8  }
0x15b: {  	v8 =	vld [tilespmem:s17+$0x30]  }
0x15c: {  	v19 =	vperm.xlane v13, v2;
	v10 =	vadd.f32 v10, v16;
	_ =	sdelay $0x1  }
0x15d: {  	v17 =	vld [tilespmem:s16+$0xFFFFFFB0];
	v10 =	vmul.f32 v10, v19  }
0x15e: {  	v16 =	vld [tilespmem:$0x14A30]  }
0x15f: {  	s18 =	simm.s32 $0xFB80;
	v18 =	vld [tilespmem:s16+$0xFFFFFFC0];
	v10 =	vadd.f32 v10, v12;
	v12 =	vperm.xlane v14, v3;
	v11 =	vadd.f32 v8, v11  }
0x160: {  	s19 =	simm.s32 $0xAB80;
	v20 =	vld [tilespmem:s18+$0x0]  }
0x161: {  	v21 =	vld [tilespmem:s19+$0xFFFFFF80];
	[tilespmem:s16+$0xFFFFFFA0] =	vst v10;
	v10 =	vmul.f32 v11, v12  }
0x162: {  	v22 =	vld [tilespmem:s18+$0xFFFFFF80]  }
0x163: {  	v24 =	vld [tilespmem:$0x14A00];
	v12 =	vadd.f32 v10, v16  }
0x164: {  	v19 =	vld [tilespmem:s19+$0x0]  }
0x165: {  	v16 =	vld [tilespmem:s16+$0x40];
	[tilespmem:s16+$0x30] =	vst v12  }
0x166: {  	s24 =	simm.s32 $0xA030;
	v12 =	vld [tilespmem:s17+$0x40]  }
0x167: {  	v10 =	vld [tilespmem:s24+$0x0]  }
0x168: {  	v28 =	vld [tilespmem:s24+$0xFFFFFFF0]  }
0x169: {  	v26 =	vld [tilespmem:s19+$0x10]  }
0x16a: {  	v23 =	vld [tilespmem:$0x14A40]  }
0x16b: {  	v25 =	vperm.xlane v14, v4;
	v11 =	vld [tilespmem:s17+$0xFFFFFFB0];
	v12 =	vadd.f32 v12, v16  }
0x16c: {  	v15 =	vld [tilespmem:s16+$0xFFFFFFD0];
	v19 =	vadd.f32 v20, v19;
	v16 =	vperm.xlane v10, v0  }
0x16d: {  	v9 =	vld [tilespmem:s16+$0xFFFFFFE0];
	v12 =	vmul.f32 v12, v25  }
0x16e: {  	v8 =	vld [tilespmem:s16+$0xFFFFFFF0];
	v16 =	vmul.f32 v19, v16  }
0x16f: {  	v20 =	vld [tilespmem:$0x14A30];
	v12 =	vadd.f32 v12, v23  }
0x170: {  	v11 =	vadd.f32 v11, v17;
	v17 =	vld [tilespmem:s19+$0xFFFFFFB0];
	v16 =	vadd.f32 v16, v24  }
0x171: {  	v21 =	vadd.f32 v22, v21;
	v22 =	vperm.xlane v28, v0;
	v23 =	vld [tilespmem:s16+$0x50];
	[tilespmem:s16+$0x40] =	vst v12  }
0x172: {  	v12 =	vperm.xlane v13, v3;
	[tilespmem:s19+$0x0] =	vst v16;
	v16 =	vld [tilespmem:s17+$0x50]  }
0x173: {  	v21 =	vmul.f32 v21, v22;
	v22 =	vld [tilespmem:s18+$0x10]  }
0x174: {  	v25 =	vld [tilespmem:s19+$0xFFFFFF90];
	v12 =	vmul.f32 v11, v12  }
0x175: {  	v21 =	vadd.f32 v21, v24;
	v19 =	vld [tilespmem:s19+$0xFFFFFFA0]  }
0x176: {  	v12 =	vadd.f32 v12, v20;
	v20 =	vld [tilespmem:$0x14A50]  }
0x177: {  	[tilespmem:s19+$0xFFFFFF80] =	vst v21;
	v24 =	vperm.xlane v14, v5;
	v21 =	vld [tilespmem:$0x14A10];
	v16 =	vadd.f32 v16, v23  }
0x178: {  	[tilespmem:s16+$0xFFFFFFB0] =	vst v12;
	v12 =	vld [tilespmem:s18+$0xFFFFFF90];
	v23 =	vperm.xlane v10, v1;
	v22 =	vadd.f32 v22, v26  }
0x179: {  	v26 =	vld [tilespmem:s17+$0xFFFFFFC0];
	v16 =	vmul.f32 v16, v24  }
0x17a: {  	v24 =	vld [tilespmem:$0x14A10];
	v22 =	vmul.f32 v22, v23  }
0x17b: {  	v23 =	vld [tilespmem:$0x14A40];
	v16 =	vadd.f32 v16, v20  }
0x17c: {  	v20 =	vadd.f32 v22, v21;
	v22 =	vld [tilespmem:s16+$0x60]  }
0x17d: {  	v21 =	vperm.xlane v28, v1;
	v12 =	vadd.f32 v12, v25;
	v25 =	vld [tilespmem:s19+$0x20];
	[tilespmem:s16+$0x50] =	vst v16  }
0x17e: {  	[tilespmem:s19+$0x10] =	vst v20;
	v16 =	vld [tilespmem:s17+$0x60]  }
0x17f: {  	v20 =	vperm.xlane v13, v4;
	v18 =	vadd.f32 v26, v18;
	v26 =	vmul.f32 v12, v21;
	v27 =	vld [tilespmem:s18+$0x20]  }
0x180: {  	v11 =	vld [tilespmem:s19+$0xFFFFFFC0]  }
0x181: {  	v12 =	vld [tilespmem:s19+$0xFFFFFFD0];
	v18 =	vmul.f32 v18, v20;
	v20 =	vadd.f32 v26, v24  }
0x182: {  	v24 =	vld [tilespmem:$0x14A60]  }
0x183: {  	v18 =	vadd.f32 v18, v23;
	v23 =	vperm.xlane v14, v6;
	[tilespmem:s19+$0xFFFFFF90] =	vst v20;
	v20 =	vld [tilespmem:$0x14A20];
	v16 =	vadd.f32 v16, v22  }
0x184: {  	v26 =	vperm.xlane v10, v2;
	v22 =	vld [tilespmem:s18+$0xFFFFFFA0];
	v25 =	vadd.f32 v27, v25  }
0x185: {  	[tilespmem:s16+$0xFFFFFFC0] =	vst v18;
	v18 =	vld [tilespmem:$0x14A20];
	v16 =	vmul.f32 v16, v23  }
0x186: {  	v23 =	vmul.f32 v25, v26;
	v25 =	vld [tilespmem:s17+$0xFFFFFFD0]  }
0x187: {  	v26 =	vld [tilespmem:$0x14A50];
	v16 =	vadd.f32 v16, v24  }
0x188: {  	v20 =	vadd.f32 v23, v20;
	v23 =	vld [tilespmem:s16+$0x70]  }
0x189: {  	v24 =	vperm.xlane v28, v2;
	v19 =	vadd.f32 v22, v19;
	v22 =	vld [tilespmem:s19+$0x30];
	[tilespmem:s16+$0x60] =	vst v16  }
0x18a: {  	[tilespmem:s19+$0x20] =	vst v20;
	v20 =	vld [tilespmem:s17+$0x70]  }
0x18b: {  	v16 =	vperm.xlane v13, v5;
	v19 =	vmul.f32 v19, v24;
	v24 =	vld [tilespmem:s18+$0x30];
	v25 =	vadd.f32 v25, v15  }
0x18c: {  	v21 =	vld [tilespmem:s19+$0xFFFFFFE0]  }
0x18d: {  	v15 =	vld [tilespmem:s19+$0xFFFFFFF0];
	v18 =	vadd.f32 v19, v18;
	v19 =	vmul.f32 v25, v16  }
0x18e: {  	v25 =	vld [tilespmem:$0x14A70]  }
0x18f: {  	v14 =	vperm.xlane v14, v7;
	v30 =	vld [tilespmem:$0x14A30];
	[tilespmem:s19+$0xFFFFFFA0] =	vst v18;
	v18 =	vadd.f32 v19, v26;
	v20 =	vadd.f32 v20, v23  }
0x190: {  	v16 =	vperm.xlane v13, v6;
	v26 =	vperm.xlane v10, v3;
	v29 =	vld [tilespmem:s18+$0xFFFFFFB0];
	v22 =	vadd.f32 v24, v22  }
0x191: {  	v13 =	vperm.xlane v13, v7;
	v27 =	vld [tilespmem:$0x14A30];
	[tilespmem:s16+$0xFFFFFFD0] =	vst v18;
	v31 =	vmul.f32 v20, v14  }
0x192: {  	v19 =	vperm.xlane v28, v4;
	v22 =	vmul.f32 v22, v26;
	v26 =	vld [tilespmem:s17+$0xFFFFFFE0]  }
0x193: {  	s31 =	simm.s32 $0xAA00;
	s30 =	simm.s32 $0xFB80;
	v23 =	vperm.xlane v28, v3;
	v18 =	vperm.xlane v28, v5;
	v24 =	vld [tilespmem:$0x14A60];
	v25 =	vadd.f32 v31, v25  }
0x194: {  	s0 =	simm.s32 $0xA050;
	s20 =	simm.s32 $0xAB80;
	s24 =	simm.s32 $0x2;
	v20 =	vperm.xlane v28, v6;
	v14 =	vperm.xlane v28, v7;
	v28 =	vld [tilespmem:s19+$0x40];
	v30 =	vadd.f32 v22, v30  }
.LBB2_6:
0x195: {  	v22 =	vld [tilespmem:s0+$0x0];
	v17 =	vadd.f32 v29, v17;
	s19 =	sadd.s32 $0x100, s19;
	[tilespmem:s16+$0x70] =	vst v25  }
0x196: {  	v25 =	vld [tilespmem:s19+$0x0];
	[tilespmem:s20+$0x30] =	vst v30  }
0x197: {  	s30 =	sadd.s32 $0x100, s30;
	v17 =	vmul.f32 v17, v23;
	v23 =	vld [tilespmem:s18+$0x40];
	v26 =	vadd.f32 v26, v9;
	v9 =	vmov v21  }
0x198: {  	s24 =	sadd.s32 $0x2, s24;
	v21 =	vld [tilespmem:s30+$0x0]  }
0x199: {  	p0 =	slt.u32 s24, $0x9E;
	v29 =	vld [tilespmem:s19+$0xFFFFFF80];
	v17 =	vadd.f32 v17, v27;
	v26 =	vmul.f32 v26, v16;
	v16 =	vmov v20  }
0x19a: {  	v20 =	vld [tilespmem:s30+$0xFFFFFF80]  }
0x19b: {  	[tilespmem:s20+$0xFFFFFFB0] =	vst v17;
	v27 =	vld [tilespmem:$0x14A40];
	v17 =	vadd.f32 v26, v24  }
0x19c: {  	v26 =	vperm.xlane v10, v4;
	v24 =	vld [tilespmem:$0x14A00];
	v23 =	vadd.f32 v23, v28  }
0x19d: {  	v30 =	vperm.xlane v22, v0;
	v28 =	vld [tilespmem:s0+$0xFFFFFFF0];
	v21 =	vadd.f32 v21, v25;
	[tilespmem:s16+$0xFFFFFFE0] =	vst v17  }
0x19e: {  	v25 =	vld [tilespmem:s19+$0xFFFFFF90];
	v23 =	vmul.f32 v23, v26  }
0x19f: {  	v20 =	vadd.f32 v20, v29;
	v26 =	vld [tilespmem:s19+$0xFFFFFFA0];
	v21 =	vmul.f32 v21, v30  }
0x1a0: {  	v17 =	vld [tilespmem:s19+$0xFFFFFFB0];
	v23 =	vadd.f32 v23, v27  }
0x1a1: {  	v21 =	vadd.f32 v21, v24;
	v27 =	vld [tilespmem:s20+$0x50]  }
0x1a2: {  	v29 =	vperm.xlane v28, v0;
	v30 =	vperm.xlane v28, v1;
	v31 =	vld [tilespmem:s19+$0x10];
	[tilespmem:s20+$0x40] =	vst v23  }
0x1a3: {  	v32 =	vperm.xlane v28, v2;
	v23 =	vperm.xlane v28, v3;
	[tilespmem:s19+$0x0] =	vst v21;
	v21 =	vld [tilespmem:s18+$0x50]  }
0x1a4: {  	v33 =	vperm.xlane v28, v4;
	v29 =	vmul.f32 v20, v29;
	v34 =	vld [tilespmem:s30+$0x10]  }
0x1a5: {  	v35 =	vperm.xlane v28, v5;
	v20 =	vperm.xlane v28, v6;
	v36 =	vld [tilespmem:s18+$0xFFFFFFC0]  }
0x1a6: {  	v28 =	vperm.xlane v28, v7;
	v24 =	vadd.f32 v29, v24;
	v29 =	vld [tilespmem:s19+$0xFFFFFFC0]  }
0x1a7: {  	v37 =	vld [tilespmem:$0x14A50]  }
0x1a8: {  	v38 =	vperm.xlane v10, v5;
	[tilespmem:s19+$0xFFFFFF80] =	vst v24;
	v24 =	vld [tilespmem:$0x14A10];
	v21 =	vadd.f32 v21, v27  }
0x1a9: {  	v39 =	vperm.xlane v22, v1;
	v27 =	vld [tilespmem:s30+$0xFFFFFF90];
	v31 =	vadd.f32 v34, v31  }
0x1aa: {  	v34 =	vld [tilespmem:$0x14A10];
	v36 =	vadd.f32 v36, v11;
	v21 =	vmul.f32 v21, v38  }
0x1ab: {  	v31 =	vmul.f32 v31, v39;
	v38 =	vld [tilespmem:$0x14A40];
	v11 =	vmov v29  }
0x1ac: {  	v29 =	vld [tilespmem:s19+$0xFFFFFFD0];
	v36 =	vmul.f32 v36, v19;
	v21 =	vadd.f32 v21, v37;
	v19 =	vmov v33  }
0x1ad: {  	v24 =	vadd.f32 v31, v24;
	v31 =	vld [tilespmem:s20+$0x60]  }
0x1ae: {  	v25 =	vadd.f32 v27, v25;
	v27 =	vld [tilespmem:s19+$0x20];
	[tilespmem:s20+$0x50] =	vst v21  }
0x1af: {  	[tilespmem:s19+$0x10] =	vst v24;
	v24 =	vld [tilespmem:s18+$0x60]  }
0x1b0: {  	v25 =	vmul.f32 v25, v30;
	v30 =	vld [tilespmem:s30+$0x20];
	v33 =	vadd.f32 v36, v38  }
0x1b1: {  	v21 =	vld [tilespmem:s19+$0xFFFFFFE0]  }
0x1b2: {  	v25 =	vadd.f32 v25, v34;
	[tilespmem:s20+$0xFFFFFFC0] =	vst v33;
	v33 =	vld [tilespmem:s17+$0xFFFFFFF0];
	s17 =	smov.u32 s18;
	s18 =	smov.u32 s30  }
0x1b3: {  	v34 =	vld [tilespmem:$0x14A60]  }
0x1b4: {  	v36 =	vperm.xlane v10, v6;
	[tilespmem:s19+$0xFFFFFF90] =	vst v25;
	v25 =	vld [tilespmem:$0x14A20];
	v24 =	vadd.f32 v24, v31  }
0x1b5: {  	v37 =	vperm.xlane v22, v2;
	v31 =	vld [tilespmem:s30+$0xFFFFFFA0];
	v27 =	vadd.f32 v30, v27  }
0x1b6: {  	v30 =	vld [tilespmem:$0x14A20];
	v24 =	vmul.f32 v24, v36  }
0x1b7: {  	v27 =	vmul.f32 v27, v37;
	v36 =	vld [tilespmem:s17+$0xFFFFFFD0];
	v33 =	vadd.f32 v33, v8;
	v8 =	vmov v15  }
0x1b8: {  	v37 =	vld [tilespmem:$0x14A50];
	v15 =	vadd.f32 v24, v34  }
0x1b9: {  	v24 =	vadd.f32 v27, v25;
	v25 =	vld [tilespmem:s20+$0x70];
	v33 =	vmul.f32 v33, v13;
	v13 =	vmovc v14;
	v14 =	vmov v28  }
0x1ba: {  	v26 =	vadd.f32 v31, v26;
	v27 =	vld [tilespmem:s19+$0x30];
	[tilespmem:s20+$0x60] =	vst v15  }
0x1bb: {  	[tilespmem:s19+$0x20] =	vst v24;
	v24 =	vld [tilespmem:s17+$0x70]  }
0x1bc: {  	v26 =	vmul.f32 v26, v32;
	v28 =	vld [tilespmem:s30+$0x30];
	v31 =	vadd.f32 v36, v12;
	v12 =	vmov v29  }
0x1bd: {  	v15 =	vld [tilespmem:s19+$0xFFFFFFF0]  }
0x1be: {  	v26 =	vadd.f32 v26, v30;
	v29 =	vmul.f32 v31, v18;
	v30 =	vld [tilespmem:$0x14A70];
	v18 =	vmov v35  }
0x1bf: {  	v31 =	vld [tilespmem:$0x14A70]  }
0x1c0: {  	v34 =	vperm.xlane v10, v7;
	[tilespmem:s19+$0xFFFFFFA0] =	vst v26;
	v32 =	vld [tilespmem:$0x14A30];
	v26 =	vadd.f32 v29, v37;
	v24 =	vadd.f32 v24, v25  }
.Ltmp2:
0x1c1: {  	v10 =	vmov v22;
	v25 =	vperm.xlane v22, v3;
	v29 =	vld [tilespmem:s30+$0xFFFFFFB0];
	v28 =	vadd.f32 v28, v27;
	(pc) =	sbr.rel @p0 .LBB2_6-.Ltmp2, $4  }
0x1c2: {  	v27 =	vld [tilespmem:$0x14A30];
	[tilespmem:s20+$0xFFFFFFD0] =	vst v26;
	v22 =	vmul.f32 v24, v34  }
0x1c3: {  	v28 =	vmul.f32 v28, v25;
	v26 =	vld [tilespmem:s17+$0xFFFFFFE0];
	v33 =	vadd.f32 v33, v30  }
0x1c4: {  	v24 =	vld [tilespmem:$0x14A60];
	v25 =	vadd.f32 v22, v31  }
0x1c5: {  	s0 =	sadd.s32 $0x20, s0;
	v30 =	vadd.f32 v28, v32;
	v28 =	vld [tilespmem:s19+$0x40];
	[tilespmem:s16+$0xFFFFFFF0] =	vst v33;
	s16 =	smov.u32 s20;
	s20 =	smov.u32 s19  }
0x1c6: {  	v17 =	vadd.f32 v29, v17;
	_ =	sdelay $0x1  }
0x1c7: {  	v17 =	vmul.f32 v17, v23;
	_ =	sdelay $0x1  }
0x1c8: {  	v17 =	vadd.f32 v17, v27  }
0x1c9: {  	[tilespmem:s20+$0x30] =	vst v30  }
0x1ca: {  	v22 =	vld [tilespmem:s18+$0x40];
	[tilespmem:s20+$0xFFFFFFB0] =	vst v17  }
0x1cb: {  	v17 =	vld [tilespmem:s18+$0xFFFFFFC0];
	_ =	sdelay $0x2  }
0x1cc: {  	v44 =	vld [tilespmem:$0x14A40]  }
0x1cd: {  	v45 =	vperm.xlane v10, v4;
	v22 =	vadd.f32 v22, v28;
	v46 =	vld [tilespmem:$0x14A40]  }
0x1ce: {  	v11 =	vadd.f32 v17, v11  }
0x1cf: {  	v47 =	vmul.f32 v22, v45  }
0x1d0: {  	v11 =	vmul.f32 v11, v19  }
0x1d1: {  	v17 =	vadd.f32 v47, v44  }
0x1d2: {  	v11 =	vadd.f32 v11, v46  }
0x1d3: {  	v48 =	vld [tilespmem:s20+$0x50];
	[tilespmem:s20+$0x40] =	vst v17  }
0x1d4: {  	v17 =	vld [tilespmem:s18+$0x50];
	[tilespmem:s20+$0xFFFFFFC0] =	vst v11  }
0x1d5: {  	v11 =	vld [tilespmem:s18+$0xFFFFFFD0];
	_ =	sdelay $0x2  }
0x1d6: {  	v49 =	vld [tilespmem:$0x14A50]  }
0x1d7: {  	v50 =	vperm.xlane v10, v5;
	v51 =	vld [tilespmem:$0x14A50];
	v17 =	vadd.f32 v17, v48  }
0x1d8: {  	v11 =	vadd.f32 v11, v12  }
0x1d9: {  	v52 =	vmul.f32 v17, v50  }
0x1da: {  	v11 =	vmul.f32 v11, v18  }
0x1db: {  	v12 =	vadd.f32 v52, v49  }
0x1dc: {  	v11 =	vadd.f32 v11, v51  }
0x1dd: {  	v53 =	vld [tilespmem:s20+$0x60];
	[tilespmem:s20+$0x50] =	vst v12  }
0x1de: {  	v12 =	vld [tilespmem:s18+$0x60];
	[tilespmem:s20+$0xFFFFFFD0] =	vst v11  }
0x1df: {  	v11 =	vld [tilespmem:s18+$0xFFFFFFE0];
	_ =	sdelay $0x2  }
0x1e0: {  	v9 =	vadd.f32 v26, v9;
	v54 =	vld [tilespmem:$0x14A60]  }
0x1e1: {  	v55 =	vperm.xlane v10, v6;
	v56 =	vld [tilespmem:$0x14A60];
	v12 =	vadd.f32 v12, v53  }
0x1e2: {  	v9 =	vmul.f32 v9, v16;
	v11 =	vadd.f32 v11, v21  }
0x1e3: {  	v12 =	vmul.f32 v12, v55  }
0x1e4: {  	v9 =	vadd.f32 v9, v24;
	v11 =	vmul.f32 v11, v20  }
0x1e5: {  	v12 =	vadd.f32 v12, v54  }
0x1e6: {  	v57 =	vld [tilespmem:s20+$0x70];
	[tilespmem:s16+$0xFFFFFFE0] =	vst v9;
	v11 =	vadd.f32 v11, v56  }
0x1e7: {  	v58 =	vld [tilespmem:s17+$0xFFFFFFF0];
	[tilespmem:s20+$0x60] =	vst v12  }
0x1e8: {  	v12 =	vld [tilespmem:s18+$0x70];
	[tilespmem:s20+$0xFFFFFFE0] =	vst v11  }
0x1e9: {  	v11 =	vld [tilespmem:s18+$0xFFFFFFF0];
	_ =	sdelay $0x1  }
0x1ea: {  	v59 =	vld [tilespmem:$0x14A70]  }
0x1eb: {  	v8 =	vadd.f32 v58, v8;
	v60 =	vld [tilespmem:$0x14A70]  }
0x1ec: {  	v61 =	vperm.xlane v10, v7;
	v62 =	vld [tilespmem:$0x14A70];
	v9 =	vadd.f32 v12, v57  }
0x1ed: {  	v8 =	vmul.f32 v8, v13;
	v11 =	vadd.f32 v11, v15  }
0x1ee: {  	v9 =	vmul.f32 v9, v61  }
0x1ef: {  	v8 =	vadd.f32 v8, v59;
	v63 =	vmul.f32 v11, v14  }
0x1f0: {  	[tilespmem:s16+$0x70] =	vst v25;
	v9 =	vadd.f32 v9, v60  }
0x1f1: {  	[tilespmem:s16+$0xFFFFFFF0] =	vst v8;
	v8 =	vadd.f32 v63, v62  }
0x1f2: {  	[tilespmem:s20+$0x70] =	vst v9  }
0x1f3: {  	[tilespmem:s20+$0xFFFFFFF0] =	vst v8  }
0x1f4: {  	s16 =	simm.s32 $0x0;
	s0 =	rddreg [dreg:$0xf]  }
0x1f5: {  	[hbm4b:s0+s16] =	stream.linear.scatter [tilespmem:s31], [sflag:$0x9], $0x5000, $0x38;
	[tilespmem:$0x16760] =	vst v63  }
0x1f6: {  	_ =	swait.ge [sflag:s29], $0x5000  }
0x1f7: {  	[sflag:s29] =	ssyncset.done $0x0  }
0x1f8: {  	s19 =	simm.s32 $0x14A80;
	s18 =	rddreg [dreg:$0x10];
	[sflag:s29] =	ssyncadd.s32 $0xFFFFB000  }
0x1f9: {  	[tilespmem:s19], [sflag:$0x9] =	stream.linear.gather [hbm4b:s18+s16], $0x70, $0x38;
	[tilespmem:$0x16760] =	vst v63  }
0x1fa: {  	_ =	swait.ge [sflag:s29], $0x70  }
0x1fb: {  	[sflag:s29] =	ssyncset.done $0x0  }
0x1fc: {  	s20 =	simm.s32 $0x14B60;
	[sflag:s29] =	ssyncadd.s32 $0xFFFFFF90  }
0x1fd: {  	[tilespmem:s20], [sflag:$0x3] =	stream.indirect.gather [spmem:s3], $0x10, s19, s28, $0xb8;
	[tilespmem:$0x16760] =	vst v63  }
0x1fe: {  	s30 =	simm.s32 $0x15960;
	s24 =	rddreg [dreg:$0x11]  }
0x1ff: {  	[tilespmem:s30], [sflag:$0x5] =	stream.linear.gather [hbm4b:s24+s16], $0x380, $0x38;
	[tilespmem:$0x16760] =	vst v63  }
.LBB2_8:
0x200: {  	_ =	swait.ge [sflag:s1], $0x700  }
0x201: {  	s17 =	smul.u32 $0xE0, s16;
	[sflag:s1] =	ssyncset.done $0x0  }
0x202: {  	[sflag:s1] =	ssyncadd.s32 $0xFFFFF900  }
0x203: {  	s0 =	sadd.s32 s17, s21;
	_ =	swait.ge [sflag:s8], $0x380  }
0x204: {  	s18 =	sshrl.u32 s0, $0x3;
	[sflag:s8] =	ssyncset.done $0x0  }
0x205: {  	s18 =	sadd.s32 s5, s18;
	[sflag:s8] =	ssyncadd.s32 $0xFFFFFC80  }
0x206: {  	[tilespmem:s9], [sflag:$0x9] =	stream.linear.gather [hbm4b:s18+s4], $0x70, $0x38;
	[tilespmem:$0x16760] =	vst v63  }
0x207: {  	_ =	swait.ge [sflag:s29], $0x70  }
0x208: {  	[sflag:s29] =	ssyncset.done $0x0  }
0x209: {  	[sflag:s29] =	ssyncadd.s32 $0xFFFFFF90  }
0x20a: {  	[tilespmem:s10], [sflag:$0x4] =	stream.indirect.gather [spmem:s3], $0x10, s9, s28, $0xb8;
	[tilespmem:$0x16760] =	vst v63  }
0x20b: {  	s19 =	simm.s32 $0x14BA0;
	s30 =	sadd.s32 s6, s0  }
0x20c: {  	[tilespmem:s11], [sflag:$0x6] =	stream.linear.gather [hbm4b:s30+s4], $0x380, $0x38;
	[tilespmem:$0x16760] =	vst v63  }
0x20d: {  	v11 =	vld [tilespmem:s19+$0x20]  }
0x20e: {  	s18 =	simm.s32 $0x15980;
	v12 =	vld [tilespmem:s19+$0x30]  }
0x20f: {  	v13 =	vld [tilespmem:s18+$0x10]  }
0x210: {  	v8 =	vld [tilespmem:s19+$0xFFFFFFD0]  }
0x211: {  	v14 =	vld [tilespmem:s19+$0xFFFFFFE0]  }
0x212: {  	v15 =	vld [tilespmem:s19+$0xFFFFFFF0]  }
0x213: {  	v9 =	vld [tilespmem:s19+$0x0]  }
0x214: {  	v10 =	vld [tilespmem:s19+$0x10]  }
0x215: {  	v11 =	vsel vm0, v11, v12;
	v12 =	vld [tilespmem:s19+$0xFFFFFFC0]  }
0x216: {  	v16 =	vmul.f32 v11, v13;
	v11 =	vld [tilespmem:s18+$0xFFFFFFE0]  }
0x217: {  	s19 =	simm.s32 $0x16080;
	v13 =	vld [tilespmem:s18+$0xFFFFFFF0]  }
0x218: {  	s20 =	simm.s32 $0x0;
	s24 =	simm.s32 $0x14C20;
	v15 =	vsel vm0, v14, v15;
	v14 =	vld [tilespmem:s18+$0x0];
	[tilespmem:s19+$0x10] =	vst v16  }
.LBB2_9:
0x219: {  	v16 =	vld [tilespmem:s24+$0x20];
	v9 =	vsel vm0, v9, v10  }
0x21a: {  	s20 =	sadd.s32 $0x4, s20;
	s18 =	sadd.s32 $0x40, s18;
	v10 =	vld [tilespmem:s24+$0x30];
	v8 =	vsel vm0, v12, v8  }
0x21b: {  	p0 =	slt.u32 s20, $0x34;
	v12 =	vld [tilespmem:s18+$0x10];
	v11 =	vmul.f32 v8, v11  }
0x21c: {  	v8 =	vld [tilespmem:s24+$0xFFFFFFD0];
	v13 =	vmul.f32 v15, v13  }
0x21d: {  	v15 =	vld [tilespmem:s24+$0xFFFFFFE0];
	[tilespmem:s19+$0xFFFFFFE0] =	vst v11;
	v11 =	vmul.f32 v9, v14  }
0x21e: {  	v14 =	vld [tilespmem:s24+$0xFFFFFFF0];
	[tilespmem:s19+$0xFFFFFFF0] =	vst v13  }
0x21f: {  	v9 =	vld [tilespmem:s24+$0x0];
	v13 =	vsel vm0, v16, v10;
	[tilespmem:s19+$0x0] =	vst v11  }
.Ltmp3:
0x220: {  	v10 =	vld [tilespmem:s24+$0x10];
	v13 =	vmul.f32 v13, v12;
	(pc) =	sbr.rel @p0 .LBB2_9-.Ltmp3, $4  }
0x221: {  	s19 =	sadd.s32 $0x40, s19;
	v12 =	vld [tilespmem:s24+$0xFFFFFFC0]  }
0x222: {  	v11 =	vld [tilespmem:s18+$0xFFFFFFE0];
	[tilespmem:s19+$0x10] =	vst v13  }
0x223: {  	v15 =	vsel vm0, v15, v14;
	v13 =	vld [tilespmem:s18+$0xFFFFFFF0]  }
0x224: {  	s24 =	sadd.s32 $0x80, s24;
	v14 =	vld [tilespmem:s18+$0x0]  }
0x225: {  	_ = 	snop  }
0x226: {  	v8 =	vsel vm0, v12, v8  }
0x227: {  	v8 =	vmul.f32 v8, v11  }
0x228: {  	v9 =	vsel vm0, v9, v10;
	v10 =	vmul.f32 v15, v13  }
0x229: {  	[tilespmem:s19+$0xFFFFFFE0] =	vst v8;
	v8 =	vmul.f32 v9, v14  }
0x22a: {  	[tilespmem:s19+$0xFFFFFFF0] =	vst v10  }
0x22b: {  	s18 =	sadd.s32 s17, s22;
	[tilespmem:s19+$0x0] =	vst v8  }
0x22c: {  	[hbm4b:s18+s4] =	stream.linear.scatter [tilespmem:s12], [sflag:$0x7], $0x380, $0x38;
	[tilespmem:$0x16760] =	vst v63  }
0x22d: {  	_ =	swait.ge [sflag:s2], $0x700  }
0x22e: {  	[sflag:s2] =	ssyncset.done $0x0  }
0x22f: {  	p0 =	seq.s32 s16, $0x2E;
	[sflag:s2] =	ssyncadd.s32 $0xFFFFF900  }
0x230: {  	s17 =	sadd.s32 @!p0 s17, s23;
	_ =	swait.ge [sflag:s13], $0x380  }
0x231: {  	s20 =	simm.s32 @!p0 $0x14A80;
	s18 =	sshrl.u32 @!p0 s17, $0x3;
	[sflag:s13] =	ssyncset.done $0x0  }
0x232: {  	s19 =	simm.s32 @!p0 $0x0;
	s18 =	sadd.s32 @!p0 s5, s18;
	[sflag:s13] =	ssyncadd.s32 $0xFFFFFC80  }
0x233: {  	[tilespmem:s20], [sflag:$0x9] =	stream.linear.gather @!p0 [hbm4b:s18+s19], $0x70, $0x38;
	[tilespmem:$0x16760] =	vst v63  }
0x234: {  	s18 =	simm.s32 @!p0 $0x9  }
0x235: {  	_ =	swait.ge @!p0 [sflag:s18], $0x70  }
0x236: {  	[sflag:s18] =	ssyncset.done @!p0 $0x0  }
0x237: {  	s24 =	simm.s32 @!p0 $0x14B60;
	[sflag:s18] =	ssyncadd.s32 @!p0 $0xFFFFFF90;
	s18 =	simm.s32 @!p0 $0x70  }
0x238: {  	[tilespmem:s24], [sflag:$0x3] =	stream.indirect.gather @!p0 [spmem:s3], $0x10, s20, s18, $0xb8;
	[tilespmem:$0x16760] =	vst v63  }
0x239: {  	s30 =	simm.s32 $0x152A0;
	s17 =	sadd.s32 @!p0 s6, s17;
	s18 =	simm.s32 @!p0 $0x15960  }
0x23a: {  	[tilespmem:s18], [sflag:$0x5] =	stream.linear.gather @!p0 [hbm4b:s17+s19], $0x380, $0x38;
	[tilespmem:$0x16760] =	vst v63  }
0x23b: {  	v11 =	vld [tilespmem:s30+$0x20]  }
0x23c: {  	s17 =	simm.s32 $0x15D00;
	v12 =	vld [tilespmem:s30+$0x30]  }
0x23d: {  	v13 =	vld [tilespmem:s17+$0x10]  }
0x23e: {  	v8 =	vld [tilespmem:s30+$0xFFFFFFD0]  }
0x23f: {  	v14 =	vld [tilespmem:s30+$0xFFFFFFE0]  }
0x240: {  	v15 =	vld [tilespmem:s30+$0xFFFFFFF0]  }
0x241: {  	v9 =	vld [tilespmem:s30+$0x0]  }
0x242: {  	v10 =	vld [tilespmem:s30+$0x10]  }
0x243: {  	v11 =	vsel vm0, v11, v12;
	v12 =	vld [tilespmem:s30+$0xFFFFFFC0]  }
0x244: {  	v16 =	vmul.f32 v11, v13;
	v11 =	vld [tilespmem:s17+$0xFFFFFFE0]  }
0x245: {  	s18 =	simm.s32 $0x16400;
	v13 =	vld [tilespmem:s17+$0xFFFFFFF0]  }
0x246: {  	s20 =	simm.s32 $0x15320;
	s19 =	simm.s32 $0x0;
	v15 =	vsel vm0, v14, v15;
	v14 =	vld [tilespmem:s17+$0x0];
	[tilespmem:s18+$0x10] =	vst v16  }
.LBB2_11:
0x247: {  	v16 =	vld [tilespmem:s20+$0x20];
	v9 =	vsel vm0, v9, v10  }
0x248: {  	s19 =	sadd.s32 $0x4, s19;
	s17 =	sadd.s32 $0x40, s17;
	v10 =	vld [tilespmem:s20+$0x30];
	v8 =	vsel vm0, v12, v8  }
0x249: {  	p0 =	slt.u32 s19, $0x34;
	v12 =	vld [tilespmem:s17+$0x10];
	v11 =	vmul.f32 v8, v11  }
0x24a: {  	v8 =	vld [tilespmem:s20+$0xFFFFFFD0];
	v13 =	vmul.f32 v15, v13  }
0x24b: {  	v15 =	vld [tilespmem:s20+$0xFFFFFFE0];
	[tilespmem:s18+$0xFFFFFFE0] =	vst v11;
	v11 =	vmul.f32 v9, v14  }
0x24c: {  	v14 =	vld [tilespmem:s20+$0xFFFFFFF0];
	[tilespmem:s18+$0xFFFFFFF0] =	vst v13  }
0x24d: {  	v9 =	vld [tilespmem:s20+$0x0];
	v13 =	vsel vm0, v16, v10;
	[tilespmem:s18+$0x0] =	vst v11  }
.Ltmp4:
0x24e: {  	v10 =	vld [tilespmem:s20+$0x10];
	v13 =	vmul.f32 v13, v12;
	(pc) =	sbr.rel @p0 .LBB2_11-.Ltmp4, $4  }
0x24f: {  	s18 =	sadd.s32 $0x40, s18;
	v12 =	vld [tilespmem:s20+$0xFFFFFFC0]  }
0x250: {  	v11 =	vld [tilespmem:s17+$0xFFFFFFE0];
	[tilespmem:s18+$0x10] =	vst v13  }
0x251: {  	v15 =	vsel vm0, v15, v14;
	v13 =	vld [tilespmem:s17+$0xFFFFFFF0]  }
0x252: {  	s20 =	sadd.s32 $0x80, s20;
	v14 =	vld [tilespmem:s17+$0x0]  }
0x253: {  	_ = 	snop  }
0x254: {  	v8 =	vsel vm0, v12, v8  }
0x255: {  	v8 =	vmul.f32 v8, v11  }
0x256: {  	v9 =	vsel vm0, v9, v10;
	v63 =	vmul.f32 v15, v13  }
0x257: {  	[tilespmem:s18+$0xFFFFFFE0] =	vst v8;
	v8 =	vmul.f32 v9, v14  }
0x258: {  	[tilespmem:s18+$0xFFFFFFF0] =	vst v63  }
0x259: {  	s0 =	sadd.s32 s7, s0;
	s16 =	sadd.s32 $0x1, s16;
	[tilespmem:s18+$0x0] =	vst v8  }
0x25a: {  	[hbm4b:s0+s4] =	stream.linear.scatter [tilespmem:s25], [sflag:$0x8], $0x380, $0x38;
	[tilespmem:$0x16760] =	vst v63  }
0x25b: {  	p0 =	sne.s32 s16, $0x2F;
	_ =	swait.ge [sflag:s14], $0x380  }
.Ltmp5:
0x25c: {  	[sflag:s14] =	ssyncset.done $0x0;
	(pc) =	sbr.rel @p0 .LBB2_8-.Ltmp5, $4  }
0x25d: {  	[sflag:s14] =	ssyncadd.s32 $0xFFFFFC80  }
0x25e: {  	_ =	swait.ge [sflag:s26], $0x380  }
0x25f: {  	[sflag:s26] =	ssyncset.done $0x0  }
0x260: {  	[sflag:s26] =	ssyncadd.s32 $0xFFFFFC80  }
0x261: {  	s15 =	sadd.s32 $0x1, s15;
	s0 =	rddreg [dreg:$0x12]  }
0x262: {  	p0 =	sne.s32 s15, s0  }
.Ltmp6:
0x263: {  	_ = 	snop;
	(pc) =	sbr.rel @p0 .LBB2_1-.Ltmp6, $1  }
0x264: {  	_ =	sdelay $0x3  }
0x265: {  	_ =	sfence.sel $0x180000  }
0x266: {  	[bflag:$0x0] =	sbarrier.arrive $0xFFFF  }
0x267: {  	_ =	strace $0x9000004A  }
0x268: {  	s0 =	stileid.u32;
	[bflag:$0x2] =	sbarrier.arrive $0xFFFF  }
0x269: {  	p0 =	sne.s32 s0, $0x0;
	s0 =	rddreg [dreg:$0x4]  }
0x26a: {  	s0 =	sadd.s32 @!p0 $0x100000, s0  }
0x26b: {  	[sflag:s0] =	ssyncadd.tile.s32 @!p0 $0x1;
	_ =	shalt  }
.Lfunc_end2:
_tile_overlayer_lowered:
.L_overlay_start_2:
0x26c: {  	(tag) =	ssettag $0x2  }
0x26d: {  	s0 =	rddreg [dreg:$0x0];
	s2 =	stileid.u32  }
0x26e: {  	s1 =	rddreg [dreg:$0x1];
	p0 =	sne.s32 s2, $0x0  }
0x26f: {  	s3 =	rddreg [dreg:$0x2];
	[bflag:$0x3] =	sbarrier.arrive $0xFFFF;
	s2 =	simm.s32 @!p0 $0x1C09  }
0x270: {  	[timem:s3], [sflag:s2] =	dma.local @!p0 [hbm:s0], s1  }
0x271: {  	s0 =	simm.s32 @!p0 $0x9  }
0x272: {  	_ =	swait.ge @!p0 [sflag:s0], s1  }
0x273: {  	s1 =	ssub.s32 @!p0 $0x0, s1;
	[sflag:s0] =	ssyncset.done @!p0 $0x0  }
0x274: {  	[sflag:s0] =	ssyncadd.s32 @!p0 s1  }
0x275: {  	[bflag:$0x3] =	sbarrier.arrive $0xFFFF  }
0x276: {  	_ =	shalt  }

</sc_bundles>
